<compile_context>
chip_gen: v7x
topology: tpu7x:2x2x1
jax: 0.10.2.dev20260603
libtpu: 0.0.44.dev20260713+nightly
codegen_flags: <defaults>
</compile_context>

<pallas_src>
import jax
import jax.numpy as jnp
from jax import lax
from jax.experimental import pallas as pl
from jax.experimental.pallas import tpu as pltpu
from jax.experimental.pallas import tpu_sc as plsc

N = 10000
E = 320000
DN = 128
DE = 16

NC = 2
NS = 16
NW = NC * NS
CH = 128
NCHUNK = E // CH
N_PAD = 10240
ROWS_PER_S = N_PAD // NS
DH = DN // 2

MC1 = NCHUNK // NS - (NCHUNK // NS) % 3
MC3 = NCHUNK // NW - (NCHUNK // NW) % 3

_ZERO16 = lambda: jnp.zeros((16,), jnp.float32)


def _zero_vmem_2d(ref, nrows, ncols):
    ngroups = ncols // 16

    def body(i, _):
        r = i // ngroups
        c = (i % ngroups) * 16
        ref[r, pl.ds(c, 16)] = _ZERO16()
        return 0

    lax.fori_loop(0, nrows * ngroups, body, 0)


def _agg_a_body(nf_lo, nf_hi, src, dst, sn_out, cnt_out,
                is0, is1, is2, is3, is4, is5,
                id0, id1, id2, id3, id4, id5,
                g0, g1, g2, g3, g4, g5,
                msg_c, zb_n, zb_16, acc_n, acc_c,
                ld0, ld1, ld2, ld3, ld4, ld5,
                sg0, sg1, sg2, sg3, sg4, sg5,
                sc0, sc1, sc2, sc3, sc4, sc5):
    cid = lax.axis_index("c")
    sid = lax.axis_index("s")

    slots = ((is0, id0, g0, ld0, sg0, sc0),
             (is1, id1, g1, ld1, sg1, sc1),
             (is2, id2, g2, ld2, sg2, sc2),
             (is3, id3, g3, ld3, sg3, sc3),
             (is4, id4, g4, ld4, sg4, sc4),
             (is5, id5, g5, ld5, sg5, sc5))
    NSL = 6

    _zero_vmem_2d(zb_n, 128, DH)
    _zero_vmem_2d(zb_16, ROWS_PER_S, 16)
    one_hot = jnp.where(lax.iota(jnp.int32, 16) == 0,
                        jnp.float32(1.0), jnp.float32(0.0))

    def init_c(j, _):
        msg_c[j, :] = one_hot
        return 0
    lax.fori_loop(0, CH, init_c, 0)

    row0 = sid * ROWS_PER_S
    for q in range(5):
        pltpu.sync_copy(zb_n, acc_n.at[pl.ds(row0 + q * 128, 128)])
    pltpu.sync_copy(zb_16, acc_c.at[pl.ds(row0, ROWS_PER_S)])
    plsc.subcore_barrier()

    cb = sid * MC1

    def run_half(nf_half, with_cnt):
        def fire_loads(sl, i):
            eb = pl.multiple_of((cb + i) * CH, 8)
            pltpu.async_copy(src.at[pl.ds(eb, CH)], sl[0], sl[3])
            pltpu.async_copy(dst.at[pl.ds(eb, CH)], sl[1], sl[3])

        def wait_loads(sl):
            pltpu.make_async_copy(src.at[pl.ds(0, CH)], sl[0], sl[3]).wait()
            pltpu.make_async_copy(dst.at[pl.ds(0, CH)], sl[1], sl[3]).wait()

        def fire_gather(sl):
            pltpu.async_copy(nf_half.at[sl[0]], sl[2], sl[4])

        def wait_gather(sl):
            pltpu.make_async_copy(nf_half.at[sl[0]], sl[2], sl[4]).wait()

        def fire_scatters(sl):
            pltpu.async_copy(sl[2], acc_n.at[sl[1]], sl[5], add=True)
            if with_cnt:
                pltpu.async_copy(msg_c, acc_c.at[sl[1]], sl[5], add=True)

        def wait_scatters(sl):
            pltpu.make_async_copy(sl[2], acc_n.at[sl[1]], sl[5]).wait()
            if with_cnt:
                pltpu.make_async_copy(msg_c, acc_c.at[sl[1]], sl[5]).wait()

        for i in range(4):
            fire_loads(slots[i], i)
        for i in range(2):
            wait_loads(slots[i])
            fire_gather(slots[i])

        NG = MC1 // NSL

        def outer(g, _):
            for b in range(NSL):
                i = g * NSL + b
                sl = slots[b]
                sl_b2 = slots[(b + 2) % NSL]
                sl_b4 = slots[(b + 4) % NSL]

                wait_gather(sl)
                fire_scatters(sl)

                if b < 4:
                    wait_loads(sl_b2)
                    fire_gather(sl_b2)
                else:
                    @pl.when(g < NG - 1)
                    def _():
                        wait_loads(sl_b2)
                        fire_gather(sl_b2)

                if b < 2:
                    @pl.when(g > 0)
                    def _():
                        wait_scatters(sl_b4)
                    fire_loads(sl_b4, i + 4)
                else:
                    @pl.when(g < NG - 1)
                    def _():
                        wait_scatters(sl_b4)
                        fire_loads(sl_b4, i + 4)
            return 0

        lax.fori_loop(0, NG, outer, 0)
        for b in range(NSL):
            wait_scatters(slots[b])

        @pl.when(sid < NCHUNK - NS * MC1)
        def _():
            eb = pl.multiple_of((NS * MC1 + sid) * CH, 8)
            sl = slots[0]
            pltpu.sync_copy(src.at[pl.ds(eb, CH)], sl[0])
            pltpu.sync_copy(dst.at[pl.ds(eb, CH)], sl[1])
            pltpu.async_copy(nf_half.at[sl[0]], sl[2], sl[4]).wait()
            pltpu.sync_copy(sl[2], acc_n.at[sl[1]], add=True)
            if with_cnt:
                pltpu.sync_copy(msg_c, acc_c.at[sl[1]], add=True)

    @pl.when(cid == 0)
    def _():
        run_half(nf_lo, False)

    @pl.when(cid == 1)
    def _():
        run_half(nf_hi, True)

    plsc.subcore_barrier()

    pltpu.sync_copy(acc_n.at[pl.ds(row0, ROWS_PER_S)],
                    sn_out.at[cid, pl.ds(row0, ROWS_PER_S)])

    @pl.when(cid == 1)
    def _():
        pltpu.sync_copy(acc_c.at[pl.ds(row0, ROWS_PER_S)],
                        cnt_out.at[pl.ds(row0, ROWS_PER_S)])


_agg_a = pl.kernel(
    _agg_a_body,
    out_type=(
        jax.ShapeDtypeStruct((NC, N_PAD, DH), jnp.float32),
        jax.ShapeDtypeStruct((N_PAD, 16), jnp.float32),
    ),
    mesh=plsc.VectorSubcoreMesh(core_axis_name="c", subcore_axis_name="s"),
    compiler_params=pltpu.CompilerParams(
        use_tc_tiling_on_sc=False, needs_layout_passes=False),
    scratch_types=(
        [pltpu.VMEM((CH,), jnp.int32)] * 12
        + [pltpu.VMEM((CH, DH), jnp.float32)] * 6
        + [pltpu.VMEM((CH, 16), jnp.float32),
           pltpu.VMEM((128, DH), jnp.float32),
           pltpu.VMEM((ROWS_PER_S, 16), jnp.float32),
           pltpu.VMEM_SHARED((N_PAD, DH), jnp.float32),
           pltpu.VMEM_SHARED((N_PAD, 16), jnp.float32)]
        + [pltpu.SemaphoreType.DMA] * 18
    ),
)


def _agg_b_body(efeats, dst, se_out,
                id0, id1, id2, e0, e1, e2, zb_16, acc_e,
                ld0, ld1, ld2, sc0, sc1, sc2):
    cid = lax.axis_index("c")
    sid = lax.axis_index("s")
    w = cid * NS + sid

    _zero_vmem_2d(zb_16, ROWS_PER_S, 16)
    row0 = sid * ROWS_PER_S
    pltpu.sync_copy(zb_16, acc_e.at[pl.ds(row0, ROWS_PER_S)])
    plsc.subcore_barrier()

    cb = w * MC3
    slots = ((id0, e0, ld0, sc0), (id1, e1, ld1, sc1), (id2, e2, ld2, sc2))

    def fire_loads(sl, i):
        eb = pl.multiple_of((cb + i) * CH, 8)
        pltpu.async_copy(dst.at[pl.ds(eb, CH)], sl[0], sl[2])
        pltpu.async_copy(efeats.at[pl.ds(eb, CH)], sl[1], sl[2])

    def wait_loads(sl):
        pltpu.make_async_copy(dst.at[pl.ds(0, CH)], sl[0], sl[2]).wait()
        pltpu.make_async_copy(efeats.at[pl.ds(0, CH)], sl[1], sl[2]).wait()

    def fire_scatter(sl):
        pltpu.async_copy(sl[1], acc_e.at[sl[0]], sl[3], add=True)

    def wait_scatter(sl):
        pltpu.make_async_copy(sl[1], acc_e.at[sl[0]], sl[3]).wait()

    fire_loads(slots[0], 0)
    fire_loads(slots[1], 1)

    NG = MC3 // 3

    def outer(g, _):
        for b in range(3):
            i = g * 3 + b
            sl = slots[b]
            sl_nn = slots[(b + 2) % 3]

            wait_loads(sl)
            fire_scatter(sl)

            if b == 0:
                @pl.when(g > 0)
                def _():
                    wait_scatter(sl_nn)
                fire_loads(sl_nn, i + 2)
            else:
                @pl.when(g < NG - 1)
                def _():
                    wait_scatter(sl_nn)
                    fire_loads(sl_nn, i + 2)
        return 0

    lax.fori_loop(0, NG, outer, 0)
    for b in range(3):
        wait_scatter(slots[b])

    @pl.when(w < NCHUNK - NW * MC3)
    def _():
        eb = pl.multiple_of((NW * MC3 + w) * CH, 8)
        sl = slots[0]
        pltpu.sync_copy(dst.at[pl.ds(eb, CH)], sl[0])
        pltpu.sync_copy(efeats.at[pl.ds(eb, CH)], sl[1])
        pltpu.sync_copy(sl[1], acc_e.at[sl[0]], add=True)

    plsc.subcore_barrier()
    pltpu.sync_copy(acc_e.at[pl.ds(row0, ROWS_PER_S)],
                    se_out.at[cid, pl.ds(row0, ROWS_PER_S)])


_agg_b = pl.kernel(
    _agg_b_body,
    out_type=jax.ShapeDtypeStruct((NC, N_PAD, 16), jnp.float32),
    mesh=plsc.VectorSubcoreMesh(core_axis_name="c", subcore_axis_name="s"),
    compiler_params=pltpu.CompilerParams(
        use_tc_tiling_on_sc=False, needs_layout_passes=False),
    scratch_types=(
        [pltpu.VMEM((CH,), jnp.int32)] * 3
        + [pltpu.VMEM((CH, DE), jnp.float32)] * 3
        + [pltpu.VMEM((ROWS_PER_S, 16), jnp.float32),
           pltpu.VMEM_SHARED((N_PAD, 16), jnp.float32)]
        + [pltpu.SemaphoreType.DMA] * 6
    ),
)


def _node_mlp_body(snp, sep, cntp, nf, w1t, w2t, w3t, b, wst, wdt, be,
                   h_ref, ps_ref, pd_ref):
    sn = jnp.concatenate([snp[0], snp[1]], axis=1)
    se = sep[0] + sep[1]
    cnt = cntp[:, 0:1]
    inv = 1.0 / jnp.maximum(cnt, 1.0)
    t = (jnp.dot(sn, w2t[...], preferred_element_type=jnp.float32)
         + jnp.dot(se, w3t[...], preferred_element_type=jnp.float32))
    h = jnp.maximum(
        jnp.dot(nf[...], w1t[...], preferred_element_type=jnp.float32)
        + t * inv + b[...], 0.0)
    h_ref[...] = h
    ps_ref[...] = jnp.dot(h, wst[...], preferred_element_type=jnp.float32) + be[...]
    pd_ref[...] = jnp.dot(h, wdt[...], preferred_element_type=jnp.float32)


_BLK = 400
_node_mlp = pl.pallas_call(
    _node_mlp_body,
    grid=(N // _BLK,),
    in_specs=[
        pl.BlockSpec((NC, _BLK, DH), lambda i: (0, i, 0)),
        pl.BlockSpec((NC, _BLK, 16), lambda i: (0, i, 0)),
        pl.BlockSpec((_BLK, 16), lambda i: (i, 0)),
        pl.BlockSpec((_BLK, DN), lambda i: (i, 0)),
        pl.BlockSpec((DN, DN), lambda i: (0, 0)),
        pl.BlockSpec((DN, DN), lambda i: (0, 0)),
        pl.BlockSpec((DE, DN), lambda i: (0, 0)),
        pl.BlockSpec((1, DN), lambda i: (0, 0)),
        pl.BlockSpec((DN, DE), lambda i: (0, 0)),
        pl.BlockSpec((DN, DE), lambda i: (0, 0)),
        pl.BlockSpec((1, DE), lambda i: (0, 0)),
    ],
    out_specs=[
        pl.BlockSpec((_BLK, DN), lambda i: (i, 0)),
        pl.BlockSpec((_BLK, DE), lambda i: (i, 0)),
        pl.BlockSpec((_BLK, DE), lambda i: (i, 0)),
    ],
    out_shape=[
        jax.ShapeDtypeStruct((N, DN), jnp.float32),
        jax.ShapeDtypeStruct((N, DE), jnp.float32),
        jax.ShapeDtypeStruct((N, DE), jnp.float32),
    ],
)


def _edge_body(psrc, pdst, src, dst, out,
               is0, is1, is2, is3, is4, is5,
               id0, id1, id2, id3, id4, id5,
               a0, a1, a2, a3, a4, a5,
               b0, b1, b2, b3, b4, b5,
               o0, o1, o2, o3, o4, o5,
               ld0, ld1, ld2, ld3, ld4, ld5,
               sg0, sg1, sg2, sg3, sg4, sg5,
               st0, st1, st2, st3, st4, st5):
    cid = lax.axis_index("c")
    sid = lax.axis_index("s")
    w = cid * NS + sid
    cb = w * MC3

    slots = ((is0, id0, a0, b0, o0, ld0, sg0, st0),
             (is1, id1, a1, b1, o1, ld1, sg1, st1),
             (is2, id2, a2, b2, o2, ld2, sg2, st2),
             (is3, id3, a3, b3, o3, ld3, sg3, st3),
             (is4, id4, a4, b4, o4, ld4, sg4, st4),
             (is5, id5, a5, b5, o5, ld5, sg5, st5))
    NSL = 6

    def fire_loads(sl, i):
        eb = pl.multiple_of((cb + i) * CH, 8)
        pltpu.async_copy(src.at[pl.ds(eb, CH)], sl[0], sl[5])
        pltpu.async_copy(dst.at[pl.ds(eb, CH)], sl[1], sl[5])

    def wait_loads(sl):
        pltpu.make_async_copy(src.at[pl.ds(0, CH)], sl[0], sl[5]).wait()
        pltpu.make_async_copy(dst.at[pl.ds(0, CH)], sl[1], sl[5]).wait()

    def fire_gathers(sl):
        pltpu.async_copy(psrc.at[sl[0]], sl[2], sl[6])
        pltpu.async_copy(pdst.at[sl[1]], sl[3], sl[6])

    def wait_gathers(sl):
        pltpu.make_async_copy(psrc.at[sl[0]], sl[2], sl[6]).wait()
        pltpu.make_async_copy(pdst.at[sl[1]], sl[3], sl[6]).wait()

    def compute(sl):
        zeros16 = jnp.zeros((16,), jnp.int32)

        def body(j, iv):
            for r in range(4):
                jj = j * 4 + r
                v = jnp.maximum(sl[2][jj, :] + sl[3][jj, :], 0.0)
                plsc.store_scatter(sl[4], [zeros16, iv], v)
                iv = iv + 1
            return iv
        lax.fori_loop(0, CH // 4, body, lax.iota(jnp.int32, 16) * CH)

    def fire_store(sl, i):
        eb = pl.multiple_of((cb + i) * CH, 8)
        pltpu.async_copy(sl[4], out.at[:, pl.ds(eb, CH)], sl[7])

    def wait_store(sl):
        pltpu.make_async_copy(sl[4], out.at[:, pl.ds(0, CH)], sl[7]).wait()

    for i in range(4):
        fire_loads(slots[i], i)
    for i in range(2):
        wait_loads(slots[i])
        fire_gathers(slots[i])

    NG = MC3 // NSL

    def outer(g, _):
        for b in range(NSL):
            i = g * NSL + b
            sl = slots[b]
            sl_b2 = slots[(b + 2) % NSL]
            sl_b4 = slots[(b + 4) % NSL]

            wait_gathers(sl)

            @pl.when(g > 0)
            def _():
                wait_store(sl)
            compute(sl)
            fire_store(sl, i)

            if b < 4:
                wait_loads(sl_b2)
                fire_gathers(sl_b2)
            else:
                @pl.when(g < NG - 1)
                def _():
                    wait_loads(sl_b2)
                    fire_gathers(sl_b2)

            if b < 2:
                fire_loads(sl_b4, i + 4)
            else:
                @pl.when(g < NG - 1)
                def _():
                    fire_loads(sl_b4, i + 4)
        return 0

    lax.fori_loop(0, NG, outer, 0)
    for b in range(NSL):
        wait_store(slots[b])

    @pl.when(w < NCHUNK - NW * MC3)
    def _():
        eb = pl.multiple_of((NW * MC3 + w) * CH, 8)
        sl = slots[0]
        pltpu.sync_copy(src.at[pl.ds(eb, CH)], sl[0])
        pltpu.sync_copy(dst.at[pl.ds(eb, CH)], sl[1])
        ca = pltpu.async_copy(psrc.at[sl[0]], sl[2], sl[6])
        cbd = pltpu.async_copy(pdst.at[sl[1]], sl[3], sl[6])
        ca.wait()
        cbd.wait()
        compute(sl)
        pltpu.sync_copy(sl[4], out.at[:, pl.ds(eb, CH)])


_edge_mlp = pl.kernel(
    _edge_body,
    out_type=jax.ShapeDtypeStruct((DE, E), jnp.float32),
    mesh=plsc.VectorSubcoreMesh(core_axis_name="c", subcore_axis_name="s"),
    compiler_params=pltpu.CompilerParams(
        use_tc_tiling_on_sc=False, needs_layout_passes=False),
    scratch_types=(
        [pltpu.VMEM((CH,), jnp.int32)] * 12
        + [pltpu.VMEM((CH, DE), jnp.float32)] * 12
        + [pltpu.VMEM((DE, CH), jnp.float32)] * 6
        + [pltpu.SemaphoreType.DMA] * 18
    ),
)


def kernel(nfeats, efeats, edge_index, W_apply_w, W_apply_b, W_edge_w, W_edge_b):
    src = edge_index[0].astype(jnp.int32)
    dst = edge_index[1].astype(jnp.int32)

    sn_p, cnt_p = _agg_a(nfeats[:, :DH], nfeats[:, DH:], src, dst)
    se_p = _agg_b(efeats, dst)

    w1t = W_apply_w[:, :DN].T
    w2t = W_apply_w[:, DN:2 * DN].T
    w3t = W_apply_w[:, 2 * DN:].T
    wst = W_edge_w[:, :DN].T
    wdt = W_edge_w[:, DN:].T
    h_nodes, psrc, pdst = _node_mlp(
        sn_p, se_p, cnt_p, nfeats, w1t, w2t, w3t, W_apply_b[None, :],
        wst, wdt, W_edge_b[None, :])

    h_edges_t = _edge_mlp(psrc, pdst, src, dst)
    return (h_nodes, h_edges_t.T)

# --- scband reference (transcript-rebuilt; emitter-appended) ---
"""Pipeline reference for scband-egraph-sagelayer-8297876816046 (READ-ONLY COPY).

The authoritative reference and input builder live on the scoring server;
editing this copy changes nothing except your own understanding.
"""

import jax, jax.numpy as jnp
import numpy as np

N_NODES = 10000
N_EDGES = 320000
NDIM_IN = 128
EDIM_IN = 16
NDIM_OUT = 128
EDIM_OUT = 16

def setup_inputs(seed: int = 0) -> dict:
    key = jax.random.key(seed)
    k1, k2, k3, k4, k5, k6, k7 = jax.random.split(key, 7)
    nfeats = jax.random.normal(k1, (N_NODES, NDIM_IN), dtype=jnp.float32)
    efeats = jax.random.normal(k2, (N_EDGES, EDIM_IN), dtype=jnp.float32)
    edge_index = jax.random.randint(k3, (2, N_EDGES), 0, N_NODES, dtype=jnp.int64)
    W_apply_w = jax.random.normal(k4, (NDIM_OUT, NDIM_IN + NDIM_IN + EDIM_IN), dtype=jnp.float32) * 0.05
    W_apply_b = jax.random.normal(k5, (NDIM_OUT,), dtype=jnp.float32) * 0.05
    W_edge_w = jax.random.normal(k6, (EDIM_OUT, NDIM_OUT * 2), dtype=jnp.float32) * 0.05
    W_edge_b = jax.random.normal(k7, (EDIM_OUT,), dtype=jnp.float32) * 0.05
    return {"nfeats": nfeats, "efeats": efeats, "edge_index": edge_index,
            "W_apply_w": W_apply_w, "W_apply_b": W_apply_b,
            "W_edge_w": W_edge_w, "W_edge_b": W_edge_b}

def reference(nfeats, efeats, edge_index, W_apply_w, W_apply_b, W_edge_w, W_edge_b):
    src = edge_index[0]
    dst = edge_index[1]
    n = nfeats.shape[0]
    # message: concat(src node feat, edge feat) per edge
    m = jnp.concatenate([nfeats[src], efeats], axis=1)  # [E, ndim_in+edim_in]
    summed = jax.ops.segment_sum(m, dst, num_segments=n)
    counts = jax.ops.segment_sum(jnp.ones((m.shape[0],), dtype=m.dtype), dst, num_segments=n)
    h_neigh = summed / jnp.maximum(counts, 1.0)[:, None]  # mean; zero-degree -> 0 like DGL
    x_apply = jnp.concatenate([nfeats, h_neigh], axis=1)
    h_nodes_new = jax.nn.relu(x_apply @ W_apply_w.T + W_apply_b)
    edge_input = jnp.concatenate([h_nodes_new[src], h_nodes_new[dst]], axis=1)
    h_edges_new = jax.nn.relu(edge_input @ W_edge_w.T + W_edge_b)
    return (h_nodes_new, h_edges_new)

if __name__ == "__main__":
    import jax
    _d = setup_inputs()
    print(jax.jit(kernel)(*tuple(_d.values())))

</pallas_src>

<mosaic_0001>
#map = affine_map<(d0, d1) -> (0, 0)>
#map1 = affine_map<(d0, d1) -> (0)>
#map2 = affine_map<(d0, d1) -> (0, 0, 0)>
module attributes {stable_mosaic.version = 14 : i64} {
  func.func @_agg_b_body(%arg0: i32, %arg1: i32, %arg2: memref<320000x16xf32, #tpu.memory_space<hbm>>, %arg3: memref<320000xi32, #tpu.memory_space<hbm>>, %arg4: memref<2x10240x16xf32, #tpu.memory_space<hbm>>, %arg5: memref<128xi32, #tpu.memory_space<vmem>>, %arg6: memref<128xi32, #tpu.memory_space<vmem>>, %arg7: memref<128xi32, #tpu.memory_space<vmem>>, %arg8: memref<128x16xf32, #tpu.memory_space<vmem>>, %arg9: memref<128x16xf32, #tpu.memory_space<vmem>>, %arg10: memref<128x16xf32, #tpu.memory_space<vmem>>, %arg11: memref<640x16xf32, #tpu.memory_space<vmem>>, %arg12: memref<10240x16xf32, #tpu.memory_space<vmem_shared>>, %arg13: memref<!tpu.dma_semaphore, #tpu.memory_space<semaphore_mem>>, %arg14: memref<!tpu.dma_semaphore, #tpu.memory_space<semaphore_mem>>, %arg15: memref<!tpu.dma_semaphore, #tpu.memory_space<semaphore_mem>>, %arg16: memref<!tpu.dma_semaphore, #tpu.memory_space<semaphore_mem>>, %arg17: memref<!tpu.dma_semaphore, #tpu.memory_space<semaphore_mem>>, %arg18: memref<!tpu.dma_semaphore, #tpu.memory_space<semaphore_mem>>) attributes {dimension_semantics = [#tpu.dimension_semantics<core_parallel>, #tpu.dimension_semantics<subcore_parallel>], iteration_bounds = array<i64: 2, 16>, scalar_prefetch = 0 : i64, scratch_operands = 14 : i64, tpu.core_type = #tpu.core_type<sc_vector_subcore>, window_params = [{transform_indices = #map}, {transform_indices = #map1}, {transform_indices = #map2}]} {
    %mul3A = arith.constant 16 : i32
    %mul3A_0 = arith.muli %arg0, %mul3A : i32
    %add3A = arith.addi %mul3A_0, %arg1 : i32
    %scan3A = arith.constant 0 : i32
    %scan3A_1 = arith.constant 0 : i32
    %scan3A_2 = arith.constant 640 : i32
    %scan3A_3 = arith.addi %scan3A_1, %scan3A_2 : i32
    %scan3A_4 = arith.constant 1 : i32
    %scan3A_5 = scf.for %scan3A_49 = %scan3A_1 to %scan3A_3 step %scan3A_4 iter_args(%scan3A_50 = %scan3A) -> (i32)  : i32 {
      %jit3A = arith.constant 1 : i32
      %div3A = arith.divsi %scan3A_49, %jit3A : i32
      %sign3A = arith.constant 0 : i32
      %sign3A_51 = arith.cmpi sgt, %scan3A_49, %sign3A : i32
      %sign3A_52 = arith.extui %sign3A_51 : i1 to i32
      %sign3A_53 = arith.constant 0 : i32
      %sign3A_54 = arith.cmpi slt, %scan3A_49, %sign3A_53 : i32
      %sign3A_55 = arith.extui %sign3A_54 : i1 to i32
      %sign3A_56 = arith.subi %sign3A_52, %sign3A_55 : i32
      %sign3A_57 = arith.constant 0 : i32
      %sign3A_58 = arith.cmpi sgt, %jit3A, %sign3A_57 : i32
      %sign3A_59 = arith.extui %sign3A_58 : i1 to i32
      %sign3A_60 = arith.constant 0 : i32
      %sign3A_61 = arith.cmpi slt, %jit3A, %sign3A_60 : i32
      %sign3A_62 = arith.extui %sign3A_61 : i1 to i32
      %sign3A_63 = arith.subi %sign3A_59, %sign3A_62 : i32
      %ne3A = arith.cmpi ne, %sign3A_56, %sign3A_63 : i32
      %rem3A = arith.remsi %scan3A_49, %jit3A : i32
      %ne3A_64 = arith.constant 0 : i32
      %ne3A_65 = arith.cmpi ne, %rem3A, %ne3A_64 : i32
      %and3A = arith.andi %ne3A, %ne3A_65 : i1
      %sub3A = arith.constant 1 : i32
      %sub3A_66 = arith.subi %div3A, %sub3A : i32
      %select_n3A = arith.select %and3A, %sub3A_66, %div3A : i32
      %jit3A_67 = arith.constant 1 : i32
      %eq3A = arith.constant 0 : i32
      %eq3A_68 = arith.cmpi eq, %jit3A_67, %eq3A : i32
      %jit3A_69 = arith.constant 1 : i32
      %select_n3A_70 = arith.select %eq3A_68, %jit3A_69, %jit3A_67 : i32
      %rem3A_71 = arith.remsi %scan3A_49, %select_n3A_70 : i32
      %ne3A_72 = arith.constant 0 : i32
      %ne3A_73 = arith.cmpi ne, %rem3A_71, %ne3A_72 : i32
      %lt3A_74 = arith.constant 0 : i32
      %lt3A_75 = arith.cmpi slt, %rem3A_71, %lt3A_74 : i32
      %lt3A_76 = arith.constant 0 : i32
      %lt3A_77 = arith.cmpi slt, %select_n3A_70, %lt3A_76 : i32
      %ne3A_78 = arith.xori %lt3A_75, %lt3A_77 : i1
      %and3A_79 = arith.andi %ne3A_78, %ne3A_73 : i1
      %add3A_80 = arith.addi %rem3A_71, %select_n3A_70 : i32
      %select_n3A_81 = arith.select %and3A_79, %add3A_80, %rem3A_71 : i32
      %mul3A_82 = arith.constant 16 : i32
      %mul3A_83 = arith.muli %select_n3A_81, %mul3A_82 : i32
      %broadcast_in_dim3A = arith.constant 0.000000e+00 : f32
      %broadcast_in_dim3A_84 = vector.broadcast %broadcast_in_dim3A : f32 to vector<16xf32>
      %swap3A = arith.index_cast %select_n3A : i32 to index
      %swap3A_85 = arith.index_cast %mul3A_83 : i32 to index
      %swap3A_86 = tpu.vector_load %arg11[%swap3A, %swap3A_85] {strides = array<i32>} : memref<640x16xf32, #tpu.memory_space<vmem>>, vector<16xf32>,
      tpu.vector_store %arg11[%swap3A, %swap3A_85], %broadcast_in_dim3A_84 {strides = array<i32>} : memref<640x16xf32, #tpu.memory_space<vmem>>, vector<16xf32>,
      %scan3A_87 = arith.constant 0 : i32
      scf.yield %scan3A_87 : i32
    }
    %scan3A_6 = arith.constant 640 : i32
    %mul3A_7 = arith.constant 640 : i32
    %mul3A_8 = arith.muli %arg1, %mul3A_7 : i32
    "tpu.region"() ({
      %run_scoped3A = tpu.sem_alloc : memref<!tpu.dma_semaphore, #tpu.memory_space<semaphore_mem>>
      %dma_start3A_49 = arith.constant 0 : i32
      %dma_start3A_50 = tpu.memref_slice %arg12[%mul3A_8, %dma_start3A_49] : memref<10240x16xf32, #tpu.memory_space<vmem_shared>> -> memref<640x16xf32, #tpu.memory_space<vmem_shared>>
      %dma_start3A_51 = arith.constant 0 : i32
      %dma_start3A_52 = tpu.memref_slice %arg12[%mul3A_8, %dma_start3A_51] : memref<10240x16xf32, #tpu.memory_space<vmem_shared>> -> memref<640x16xf32, #tpu.memory_space<vmem_shared>>
      tpu.enqueue_dma source(%arg11 : memref<640x16xf32, #tpu.memory_space<vmem>>) target(%dma_start3A_52 : memref<640x16xf32, #tpu.memory_space<vmem_shared>>) target_semaphore(%run_scoped3A : memref<!tpu.dma_semaphore, #tpu.memory_space<semaphore_mem>>)
      %dma_wait3A_53 = arith.constant 0 : i32
      %dma_wait3A_54 = tpu.memref_slice %arg12[%mul3A_8, %dma_wait3A_53] : memref<10240x16xf32, #tpu.memory_space<vmem_shared>> -> memref<640x16xf32, #tpu.memory_space<vmem_shared>>
      %dma_wait3A_55 = arith.constant 0 : i32
      %dma_wait3A_56 = tpu.memref_slice %arg12[%mul3A_8, %dma_wait3A_55] : memref<10240x16xf32, #tpu.memory_space<vmem_shared>> -> memref<640x16xf32, #tpu.memory_space<vmem_shared>>
      tpu.wait_dma2 semaphore(%run_scoped3A : memref<!tpu.dma_semaphore, #tpu.memory_space<semaphore_mem>>) src(%arg11 : memref<640x16xf32, #tpu.memory_space<vmem>>) dst(%dma_wait3A_56 : memref<640x16xf32, #tpu.memory_space<vmem_shared>>)
      tpu.yield
    }) : () -> ()
    %barrier3A = arith.constant 0 : index
    tpu.barrier barrier_id(%barrier3A)
    %mul3A_9 = arith.constant 78 : i32
    %mul3A_10 = arith.muli %add3A, %mul3A_9 : i32
    %add3A_11 = arith.constant 0 : i32
    %add3A_12 = arith.addi %mul3A_10, %add3A_11 : i32
    %mul3A_13 = arith.constant 128 : i32
    %mul3A_14 = arith.muli %add3A_12, %mul3A_13 : i32
    %multiple_of3A = tpu.assume_multiple %mul3A_14, 8 : i32
    %dma_start3A = tpu.memref_slice %arg3[%multiple_of3A] : memref<320000xi32, #tpu.memory_space<hbm>> -> memref<128xi32, #tpu.memory_space<hbm>>
    %dma_start3A_15 = tpu.memref_slice %arg3[%multiple_of3A] : memref<320000xi32, #tpu.memory_space<hbm>> -> memref<128xi32, #tpu.memory_space<hbm>>
    tpu.enqueue_dma source(%dma_start3A_15 : memref<128xi32, #tpu.memory_space<hbm>>) target(%arg5 : memref<128xi32, #tpu.memory_space<vmem>>) target_semaphore(%arg13 : memref<!tpu.dma_semaphore, #tpu.memory_space<semaphore_mem>>)
    %dma_start3A_16 = arith.constant 0 : i32
    %dma_start3A_17 = tpu.memref_slice %arg2[%multiple_of3A, %dma_start3A_16] : memref<320000x16xf32, #tpu.memory_space<hbm>> -> memref<128x16xf32, #tpu.memory_space<hbm>>
    %dma_start3A_18 = arith.constant 0 : i32
    %dma_start3A_19 = tpu.memref_slice %arg2[%multiple_of3A, %dma_start3A_18] : memref<320000x16xf32, #tpu.memory_space<hbm>> -> memref<128x16xf32, #tpu.memory_space<hbm>>
    tpu.enqueue_dma source(%dma_start3A_19 : memref<128x16xf32, #tpu.memory_space<hbm>>) target(%arg8 : memref<128x16xf32, #tpu.memory_space<vmem>>) target_semaphore(%arg13 : memref<!tpu.dma_semaphore, #tpu.memory_space<semaphore_mem>>)
    %add3A_20 = arith.constant 1 : i32
    %add3A_21 = arith.addi %mul3A_10, %add3A_20 : i32
    %mul3A_22 = arith.constant 128 : i32
    %mul3A_23 = arith.muli %add3A_21, %mul3A_22 : i32
    %multiple_of3A_24 = tpu.assume_multiple %mul3A_23, 8 : i32
    %dma_start3A_25 = tpu.memref_slice %arg3[%multiple_of3A_24] : memref<320000xi32, #tpu.memory_space<hbm>> -> memref<128xi32, #tpu.memory_space<hbm>>
    %dma_start3A_26 = tpu.memref_slice %arg3[%multiple_of3A_24] : memref<320000xi32, #tpu.memory_space<hbm>> -> memref<128xi32, #tpu.memory_space<hbm>>
    tpu.enqueue_dma source(%dma_start3A_26 : memref<128xi32, #tpu.memory_space<hbm>>) target(%arg6 : memref<128xi32, #tpu.memory_space<vmem>>) target_semaphore(%arg14 : memref<!tpu.dma_semaphore, #tpu.memory_space<semaphore_mem>>)
    %dma_start3A_27 = arith.constant 0 : i32
    %dma_start3A_28 = tpu.memref_slice %arg2[%multiple_of3A_24, %dma_start3A_27] : memref<320000x16xf32, #tpu.memory_space<hbm>> -> memref<128x16xf32, #tpu.memory_space<hbm>>
    %dma_start3A_29 = arith.constant 0 : i32
    %dma_start3A_30 = tpu.memref_slice %arg2[%multiple_of3A_24, %dma_start3A_29] : memref<320000x16xf32, #tpu.memory_space<hbm>> -> memref<128x16xf32, #tpu.memory_space<hbm>>
    tpu.enqueue_dma source(%dma_start3A_30 : memref<128x16xf32, #tpu.memory_space<hbm>>) target(%arg9 : memref<128x16xf32, #tpu.memory_space<vmem>>) target_semaphore(%arg14 : memref<!tpu.dma_semaphore, #tpu.memory_space<semaphore_mem>>)
    %scan3A_31 = arith.constant 0 : i32
    %scan3A_32 = arith.constant 0 : i32
    %scan3A_33 = arith.constant 26 : i32
    %scan3A_34 = arith.addi %scan3A_32, %scan3A_33 : i32
    %scan3A_35 = arith.constant 1 : i32
    %scan3A_36 = scf.for %scan3A_49 = %scan3A_32 to %scan3A_34 step %scan3A_35 iter_args(%scan3A_50 = %scan3A_31) -> (i32)  : i32 {
      %mul3A_51 = arith.constant 3 : i32
      %mul3A_52 = arith.muli %scan3A_49, %mul3A_51 : i32
      %add3A_53 = arith.constant 0 : i32
      %add3A_54 = arith.addi %mul3A_52, %add3A_53 : i32
      %dma_wait3A_55 = arith.constant 0 : i32
      %dma_wait3A_56 = tpu.memref_slice %arg3[%dma_wait3A_55] : memref<320000xi32, #tpu.memory_space<hbm>> -> memref<128xi32, #tpu.memory_space<hbm>>
      %dma_wait3A_57 = arith.constant 0 : i32
      %dma_wait3A_58 = tpu.memref_slice %arg3[%dma_wait3A_57] : memref<320000xi32, #tpu.memory_space<hbm>> -> memref<128xi32, #tpu.memory_space<hbm>>
      tpu.wait_dma2 semaphore(%arg13 : memref<!tpu.dma_semaphore, #tpu.memory_space<semaphore_mem>>) src(%dma_wait3A_58 : memref<128xi32, #tpu.memory_space<hbm>>) dst(%arg5 : memref<128xi32, #tpu.memory_space<vmem>>)
      %dma_wait3A_59 = arith.constant 0 : i32
      %dma_wait3A_60 = arith.constant 0 : i32
      %dma_wait3A_61 = tpu.memref_slice %arg2[%dma_wait3A_59, %dma_wait3A_60] : memref<320000x16xf32, #tpu.memory_space<hbm>> -> memref<128x16xf32, #tpu.memory_space<hbm>>
      %dma_wait3A_62 = arith.constant 0 : i32
      %dma_wait3A_63 = arith.constant 0 : i32
      %dma_wait3A_64 = tpu.memref_slice %arg2[%dma_wait3A_62, %dma_wait3A_63] : memref<320000x16xf32, #tpu.memory_space<hbm>> -> memref<128x16xf32, #tpu.memory_space<hbm>>
      tpu.wait_dma2 semaphore(%arg13 : memref<!tpu.dma_semaphore, #tpu.memory_space<semaphore_mem>>) src(%dma_wait3A_64 : memref<128x16xf32, #tpu.memory_space<hbm>>) dst(%arg8 : memref<128x16xf32, #tpu.memory_space<vmem>>)
      %dma_start3A_65 = arith.constant 0 : i32
      %dma_start3A_66 = arith.constant 0 : i32
      %dma_start3A_67 = tpu.memref_slice %arg12[%dma_start3A_65, %dma_start3A_66] : memref<10240x16xf32, #tpu.memory_space<vmem_shared>> -> memref<10240x16xf32, #tpu.memory_space<vmem_shared>>
      tpu.enqueue_indirect_dma source(%arg8 : memref<128x16xf32, #tpu.memory_space<vmem>>) target(%dma_start3A_67 : memref<10240x16xf32, #tpu.memory_space<vmem_shared>>) offsets(%arg5 : memref<128xi32, #tpu.memory_space<vmem>>) semaphore(%arg16 : memref<!tpu.dma_semaphore, #tpu.memory_space<semaphore_mem>>) {add = true}
      %gt3A = arith.constant 0 : i32
      %gt3A_68 = arith.cmpi sgt, %scan3A_49, %gt3A : i32
      %convert_element_type3A_69 = arith.extui %gt3A_68 : i1 to i32
      %cond3A_70 = arith.constant 0 : i32
      %cond3A_71 = arith.cmpi ne, %convert_element_type3A_69, %cond3A_70 : i32
      scf.if %cond3A_71 {
        %dma_wait3A_129 = arith.constant 0 : i32
        %dma_wait3A_130 = arith.constant 0 : i32
        %dma_wait3A_131 = tpu.memref_slice %arg12[%dma_wait3A_129, %dma_wait3A_130] : memref<10240x16xf32, #tpu.memory_space<vmem_shared>> -> memref<10240x16xf32, #tpu.memory_space<vmem_shared>>
        tpu.wait_indirect_dma semaphore(%arg18 : memref<!tpu.dma_semaphore, #tpu.memory_space<semaphore_mem>>) src(%arg10 : memref<128x16xf32, #tpu.memory_space<vmem>>) dst(%dma_wait3A_131 : memref<10240x16xf32, #tpu.memory_space<vmem_shared>>)
      } else {
      }
      %add3A_72 = arith.constant 2 : i32
      %add3A_73 = arith.addi %add3A_54, %add3A_72 : i32
      %add3A_74 = arith.addi %mul3A_10, %add3A_73 : i32
      %mul3A_75 = arith.constant 128 : i32
      %mul3A_76 = arith.muli %add3A_74, %mul3A_75 : i32
      %multiple_of3A_77 = tpu.assume_multiple %mul3A_76, 8 : i32
      %dma_start3A_78 = tpu.memref_slice %arg3[%multiple_of3A_77] : memref<320000xi32, #tpu.memory_space<hbm>> -> memref<128xi32, #tpu.memory_space<hbm>>
      %dma_start3A_79 = tpu.memref_slice %arg3[%multiple_of3A_77] : memref<320000xi32, #tpu.memory_space<hbm>> -> memref<128xi32, #tpu.memory_space<hbm>>
      tpu.enqueue_dma source(%dma_start3A_79 : memref<128xi32, #tpu.memory_space<hbm>>) target(%arg7 : memref<128xi32, #tpu.memory_space<vmem>>) target_semaphore(%arg15 : memref<!tpu.dma_semaphore, #tpu.memory_space<semaphore_mem>>)
      %dma_start3A_80 = arith.constant 0 : i32
      %dma_start3A_81 = tpu.memref_slice %arg2[%multiple_of3A_77, %dma_start3A_80] : memref<320000x16xf32, #tpu.memory_space<hbm>> -> memref<128x16xf32, #tpu.memory_space<hbm>>
      %dma_start3A_82 = arith.constant 0 : i32
      %dma_start3A_83 = tpu.memref_slice %arg2[%multiple_of3A_77, %dma_start3A_82] : memref<320000x16xf32, #tpu.memory_space<hbm>> -> memref<128x16xf32, #tpu.memory_space<hbm>>
      tpu.enqueue_dma source(%dma_start3A_83 : memref<128x16xf32, #tpu.memory_space<hbm>>) target(%arg10 : memref<128x16xf32, #tpu.memory_space<vmem>>) target_semaphore(%arg15 : memref<!tpu.dma_semaphore, #tpu.memory_space<semaphore_mem>>)
      %mul3A_84 = arith.constant 3 : i32
      %mul3A_85 = arith.muli %scan3A_49, %mul3A_84 : i32
      %add3A_86 = arith.constant 1 : i32
      %add3A_87 = arith.addi %mul3A_85, %add3A_86 : i32
      %dma_wait3A_88 = arith.constant 0 : i32
      %dma_wait3A_89 = tpu.memref_slice %arg3[%dma_wait3A_88] : memref<320000xi32, #tpu.memory_space<hbm>> -> memref<128xi32, #tpu.memory_space<hbm>>
      %dma_wait3A_90 = arith.constant 0 : i32
      %dma_wait3A_91 = tpu.memref_slice %arg3[%dma_wait3A_90] : memref<320000xi32, #tpu.memory_space<hbm>> -> memref<128xi32, #tpu.memory_space<hbm>>
      tpu.wait_dma2 semaphore(%arg14 : memref<!tpu.dma_semaphore, #tpu.memory_space<semaphore_mem>>) src(%dma_wait3A_91 : memref<128xi32, #tpu.memory_space<hbm>>) dst(%arg6 : memref<128xi32, #tpu.memory_space<vmem>>)
      %dma_wait3A_92 = arith.constant 0 : i32
      %dma_wait3A_93 = arith.constant 0 : i32
      %dma_wait3A_94 = tpu.memref_slice %arg2[%dma_wait3A_92, %dma_wait3A_93] : memref<320000x16xf32, #tpu.memory_space<hbm>> -> memref<128x16xf32, #tpu.memory_space<hbm>>
      %dma_wait3A_95 = arith.constant 0 : i32
      %dma_wait3A_96 = arith.constant 0 : i32
      %dma_wait3A_97 = tpu.memref_slice %arg2[%dma_wait3A_95, %dma_wait3A_96] : memref<320000x16xf32, #tpu.memory_space<hbm>> -> memref<128x16xf32, #tpu.memory_space<hbm>>
      tpu.wait_dma2 semaphore(%arg14 : memref<!tpu.dma_semaphore, #tpu.memory_space<semaphore_mem>>) src(%dma_wait3A_97 : memref<128x16xf32, #tpu.memory_space<hbm>>) dst(%arg9 : memref<128x16xf32, #tpu.memory_space<vmem>>)
      %dma_start3A_98 = arith.constant 0 : i32
      %dma_start3A_99 = arith.constant 0 : i32
      %dma_start3A_100 = tpu.memref_slice %arg12[%dma_start3A_98, %dma_start3A_99] : memref<10240x16xf32, #tpu.memory_space<vmem_shared>> -> memref<10240x16xf32, #tpu.memory_space<vmem_shared>>
      tpu.enqueue_indirect_dma source(%arg9 : memref<128x16xf32, #tpu.memory_space<vmem>>) target(%dma_start3A_100 : memref<10240x16xf32, #tpu.memory_space<vmem_shared>>) offsets(%arg6 : memref<128xi32, #tpu.memory_space<vmem>>) semaphore(%arg17 : memref<!tpu.dma_semaphore, #tpu.memory_space<semaphore_mem>>) {add = true}
      %lt3A_101 = arith.constant 25 : i32
      %lt3A_102 = arith.cmpi slt, %scan3A_49, %lt3A_101 : i32
      %convert_element_type3A_103 = arith.extui %lt3A_102 : i1 to i32
      %cond3A_104 = arith.constant 0 : i32
      %cond3A_105 = arith.cmpi ne, %convert_element_type3A_103, %cond3A_104 : i32
      scf.if %cond3A_105 {
        %dma_wait3A_129 = arith.constant 0 : i32
        %dma_wait3A_130 = arith.constant 0 : i32
        %dma_wait3A_131 = tpu.memref_slice %arg12[%dma_wait3A_129, %dma_wait3A_130] : memref<10240x16xf32, #tpu.memory_space<vmem_shared>> -> memref<10240x16xf32, #tpu.memory_space<vmem_shared>>
        tpu.wait_indirect_dma semaphore(%arg16 : memref<!tpu.dma_semaphore, #tpu.memory_space<semaphore_mem>>) src(%arg8 : memref<128x16xf32, #tpu.memory_space<vmem>>) dst(%dma_wait3A_131 : memref<10240x16xf32, #tpu.memory_space<vmem_shared>>)
        %add3A_132 = arith.constant 2 : i32
        %add3A_133 = arith.addi %add3A_87, %add3A_132 : i32
        %add3A_134 = arith.addi %mul3A_10, %add3A_133 : i32
        %mul3A_135 = arith.constant 128 : i32
        %mul3A_136 = arith.muli %add3A_134, %mul3A_135 : i32
        %multiple_of3A_137 = tpu.assume_multiple %mul3A_136, 8 : i32
        %dma_start3A_138 = tpu.memref_slice %arg3[%multiple_of3A_137] : memref<320000xi32, #tpu.memory_space<hbm>> -> memref<128xi32, #tpu.memory_space<hbm>>
        %dma_start3A_139 = tpu.memref_slice %arg3[%multiple_of3A_137] : memref<320000xi32, #tpu.memory_space<hbm>> -> memref<128xi32, #tpu.memory_space<hbm>>
        tpu.enqueue_dma source(%dma_start3A_139 : memref<128xi32, #tpu.memory_space<hbm>>) target(%arg5 : memref<128xi32, #tpu.memory_space<vmem>>) target_semaphore(%arg13 : memref<!tpu.dma_semaphore, #tpu.memory_space<semaphore_mem>>)
        %dma_start3A_140 = arith.constant 0 : i32
        %dma_start3A_141 = tpu.memref_slice %arg2[%multiple_of3A_137, %dma_start3A_140] : memref<320000x16xf32, #tpu.memory_space<hbm>> -> memref<128x16xf32, #tpu.memory_space<hbm>>
        %dma_start3A_142 = arith.constant 0 : i32
        %dma_start3A_143 = tpu.memref_slice %arg2[%multiple_of3A_137, %dma_start3A_142] : memref<320000x16xf32, #tpu.memory_space<hbm>> -> memref<128x16xf32, #tpu.memory_space<hbm>>
        tpu.enqueue_dma source(%dma_start3A_143 : memref<128x16xf32, #tpu.memory_space<hbm>>) target(%arg8 : memref<128x16xf32, #tpu.memory_space<vmem>>) target_semaphore(%arg13 : memref<!tpu.dma_semaphore, #tpu.memory_space<semaphore_mem>>)
      } else {
      }
      %mul3A_106 = arith.constant 3 : i32
      %mul3A_107 = arith.muli %scan3A_49, %mul3A_106 : i32
      %add3A_108 = arith.constant 2 : i32
      %add3A_109 = arith.addi %mul3A_107, %add3A_108 : i32
      %dma_wait3A_110 = arith.constant 0 : i32
      %dma_wait3A_111 = tpu.memref_slice %arg3[%dma_wait3A_110] : memref<320000xi32, #tpu.memory_space<hbm>> -> memref<128xi32, #tpu.memory_space<hbm>>
      %dma_wait3A_112 = arith.constant 0 : i32
      %dma_wait3A_113 = tpu.memref_slice %arg3[%dma_wait3A_112] : memref<320000xi32, #tpu.memory_space<hbm>> -> memref<128xi32, #tpu.memory_space<hbm>>
      tpu.wait_dma2 semaphore(%arg15 : memref<!tpu.dma_semaphore, #tpu.memory_space<semaphore_mem>>) src(%dma_wait3A_113 : memref<128xi32, #tpu.memory_space<hbm>>) dst(%arg7 : memref<128xi32, #tpu.memory_space<vmem>>)
      %dma_wait3A_114 = arith.constant 0 : i32
      %dma_wait3A_115 = arith.constant 0 : i32
      %dma_wait3A_116 = tpu.memref_slice %arg2[%dma_wait3A_114, %dma_wait3A_115] : memref<320000x16xf32, #tpu.memory_space<hbm>> -> memref<128x16xf32, #tpu.memory_space<hbm>>
      %dma_wait3A_117 = arith.constant 0 : i32
      %dma_wait3A_118 = arith.constant 0 : i32
      %dma_wait3A_119 = tpu.memref_slice %arg2[%dma_wait3A_117, %dma_wait3A_118] : memref<320000x16xf32, #tpu.memory_space<hbm>> -> memref<128x16xf32, #tpu.memory_space<hbm>>
      tpu.wait_dma2 semaphore(%arg15 : memref<!tpu.dma_semaphore, #tpu.memory_space<semaphore_mem>>) src(%dma_wait3A_119 : memref<128x16xf32, #tpu.memory_space<hbm>>) dst(%arg10 : memref<128x16xf32, #tpu.memory_space<vmem>>)
      %dma_start3A_120 = arith.constant 0 : i32
      %dma_start3A_121 = arith.constant 0 : i32
      %dma_start3A_122 = tpu.memref_slice %arg12[%dma_start3A_120, %dma_start3A_121] : memref<10240x16xf32, #tpu.memory_space<vmem_shared>> -> memref<10240x16xf32, #tpu.memory_space<vmem_shared>>
      tpu.enqueue_indirect_dma source(%arg10 : memref<128x16xf32, #tpu.memory_space<vmem>>) target(%dma_start3A_122 : memref<10240x16xf32, #tpu.memory_space<vmem_shared>>) offsets(%arg7 : memref<128xi32, #tpu.memory_space<vmem>>) semaphore(%arg18 : memref<!tpu.dma_semaphore, #tpu.memory_space<semaphore_mem>>) {add = true}
      %lt3A_123 = arith.constant 25 : i32
      %lt3A_124 = arith.cmpi slt, %scan3A_49, %lt3A_123 : i32
      %convert_element_type3A_125 = arith.extui %lt3A_124 : i1 to i32
      %cond3A_126 = arith.constant 0 : i32
      %cond3A_127 = arith.cmpi ne, %convert_element_type3A_125, %cond3A_126 : i32
      scf.if %cond3A_127 {
        %dma_wait3A_129 = arith.constant 0 : i32
        %dma_wait3A_130 = arith.constant 0 : i32
        %dma_wait3A_131 = tpu.memref_slice %arg12[%dma_wait3A_129, %dma_wait3A_130] : memref<10240x16xf32, #tpu.memory_space<vmem_shared>> -> memref<10240x16xf32, #tpu.memory_space<vmem_shared>>
        tpu.wait_indirect_dma semaphore(%arg17 : memref<!tpu.dma_semaphore, #tpu.memory_space<semaphore_mem>>) src(%arg9 : memref<128x16xf32, #tpu.memory_space<vmem>>) dst(%dma_wait3A_131 : memref<10240x16xf32, #tpu.memory_space<vmem_shared>>)
        %add3A_132 = arith.constant 2 : i32
        %add3A_133 = arith.addi %add3A_109, %add3A_132 : i32
        %add3A_134 = arith.addi %mul3A_10, %add3A_133 : i32
        %mul3A_135 = arith.constant 128 : i32
        %mul3A_136 = arith.muli %add3A_134, %mul3A_135 : i32
        %multiple_of3A_137 = tpu.assume_multiple %mul3A_136, 8 : i32
        %dma_start3A_138 = tpu.memref_slice %arg3[%multiple_of3A_137] : memref<320000xi32, #tpu.memory_space<hbm>> -> memref<128xi32, #tpu.memory_space<hbm>>
        %dma_start3A_139 = tpu.memref_slice %arg3[%multiple_of3A_137] : memref<320000xi32, #tpu.memory_space<hbm>> -> memref<128xi32, #tpu.memory_space<hbm>>
        tpu.enqueue_dma source(%dma_start3A_139 : memref<128xi32, #tpu.memory_space<hbm>>) target(%arg6 : memref<128xi32, #tpu.memory_space<vmem>>) target_semaphore(%arg14 : memref<!tpu.dma_semaphore, #tpu.memory_space<semaphore_mem>>)
        %dma_start3A_140 = arith.constant 0 : i32
        %dma_start3A_141 = tpu.memref_slice %arg2[%multiple_of3A_137, %dma_start3A_140] : memref<320000x16xf32, #tpu.memory_space<hbm>> -> memref<128x16xf32, #tpu.memory_space<hbm>>
        %dma_start3A_142 = arith.constant 0 : i32
        %dma_start3A_143 = tpu.memref_slice %arg2[%multiple_of3A_137, %dma_start3A_142] : memref<320000x16xf32, #tpu.memory_space<hbm>> -> memref<128x16xf32, #tpu.memory_space<hbm>>
        tpu.enqueue_dma source(%dma_start3A_143 : memref<128x16xf32, #tpu.memory_space<hbm>>) target(%arg9 : memref<128x16xf32, #tpu.memory_space<vmem>>) target_semaphore(%arg14 : memref<!tpu.dma_semaphore, #tpu.memory_space<semaphore_mem>>)
      } else {
      }
      %scan3A_128 = arith.constant 0 : i32
      scf.yield %scan3A_128 : i32
    }
    %scan3A_37 = arith.constant 26 : i32
    %dma_wait3A = arith.constant 0 : i32
    %dma_wait3A_38 = arith.constant 0 : i32
    %dma_wait3A_39 = tpu.memref_slice %arg12[%dma_wait3A, %dma_wait3A_38] : memref<10240x16xf32, #tpu.memory_space<vmem_shared>> -> memref<10240x16xf32, #tpu.memory_space<vmem_shared>>
    tpu.wait_indirect_dma semaphore(%arg16 : memref<!tpu.dma_semaphore, #tpu.memory_space<semaphore_mem>>) src(%arg8 : memref<128x16xf32, #tpu.memory_space<vmem>>) dst(%dma_wait3A_39 : memref<10240x16xf32, #tpu.memory_space<vmem_shared>>)
    %dma_wait3A_40 = arith.constant 0 : i32
    %dma_wait3A_41 = arith.constant 0 : i32
    %dma_wait3A_42 = tpu.memref_slice %arg12[%dma_wait3A_40, %dma_wait3A_41] : memref<10240x16xf32, #tpu.memory_space<vmem_shared>> -> memref<10240x16xf32, #tpu.memory_space<vmem_shared>>
    tpu.wait_indirect_dma semaphore(%arg17 : memref<!tpu.dma_semaphore, #tpu.memory_space<semaphore_mem>>) src(%arg9 : memref<128x16xf32, #tpu.memory_space<vmem>>) dst(%dma_wait3A_42 : memref<10240x16xf32, #tpu.memory_space<vmem_shared>>)
    %dma_wait3A_43 = arith.constant 0 : i32
    %dma_wait3A_44 = arith.constant 0 : i32
    %dma_wait3A_45 = tpu.memref_slice %arg12[%dma_wait3A_43, %dma_wait3A_44] : memref<10240x16xf32, #tpu.memory_space<vmem_shared>> -> memref<10240x16xf32, #tpu.memory_space<vmem_shared>>
    tpu.wait_indirect_dma semaphore(%arg18 : memref<!tpu.dma_semaphore, #tpu.memory_space<semaphore_mem>>) src(%arg10 : memref<128x16xf32, #tpu.memory_space<vmem>>) dst(%dma_wait3A_45 : memref<10240x16xf32, #tpu.memory_space<vmem_shared>>)
    %lt3A = arith.constant 4 : i32
    %lt3A_46 = arith.cmpi slt, %add3A, %lt3A : i32
    %convert_element_type3A = arith.extui %lt3A_46 : i1 to i32
    %cond3A = arith.constant 0 : i32
    %cond3A_47 = arith.cmpi ne, %convert_element_type3A, %cond3A : i32
    scf.if %cond3A_47 {
      %add3A_49 = arith.constant 2496 : i32
      %add3A_50 = arith.addi %add3A_49, %add3A : i32
      %mul3A_51 = arith.constant 128 : i32
      %mul3A_52 = arith.muli %add3A_50, %mul3A_51 : i32
      %multiple_of3A_53 = tpu.assume_multiple %mul3A_52, 8 : i32
      "tpu.region"() ({
        %run_scoped3A = tpu.sem_alloc : memref<!tpu.dma_semaphore, #tpu.memory_space<semaphore_mem>>
        %dma_start3A_54 = tpu.memref_slice %arg3[%multiple_of3A_53] : memref<320000xi32, #tpu.memory_space<hbm>> -> memref<128xi32, #tpu.memory_space<hbm>>
        %dma_start3A_55 = tpu.memref_slice %arg3[%multiple_of3A_53] : memref<320000xi32, #tpu.memory_space<hbm>> -> memref<128xi32, #tpu.memory_space<hbm>>
        tpu.enqueue_dma source(%dma_start3A_55 : memref<128xi32, #tpu.memory_space<hbm>>) target(%arg5 : memref<128xi32, #tpu.memory_space<vmem>>) target_semaphore(%run_scoped3A : memref<!tpu.dma_semaphore, #tpu.memory_space<semaphore_mem>>)
        %dma_wait3A_56 = tpu.memref_slice %arg3[%multiple_of3A_53] : memref<320000xi32, #tpu.memory_space<hbm>> -> memref<128xi32, #tpu.memory_space<hbm>>
        %dma_wait3A_57 = tpu.memref_slice %arg3[%multiple_of3A_53] : memref<320000xi32, #tpu.memory_space<hbm>> -> memref<128xi32, #tpu.memory_space<hbm>>
        tpu.wait_dma2 semaphore(%run_scoped3A : memref<!tpu.dma_semaphore, #tpu.memory_space<semaphore_mem>>) src(%dma_wait3A_57 : memref<128xi32, #tpu.memory_space<hbm>>) dst(%arg5 : memref<128xi32, #tpu.memory_space<vmem>>)
        tpu.yield
      }) : () -> ()
      "tpu.region"() ({
        %run_scoped3A = tpu.sem_alloc : memref<!tpu.dma_semaphore, #tpu.memory_space<semaphore_mem>>
        %dma_start3A_54 = arith.constant 0 : i32
        %dma_start3A_55 = tpu.memref_slice %arg2[%multiple_of3A_53, %dma_start3A_54] : memref<320000x16xf32, #tpu.memory_space<hbm>> -> memref<128x16xf32, #tpu.memory_space<hbm>>
        %dma_start3A_56 = arith.constant 0 : i32
        %dma_start3A_57 = tpu.memref_slice %arg2[%multiple_of3A_53, %dma_start3A_56] : memref<320000x16xf32, #tpu.memory_space<hbm>> -> memref<128x16xf32, #tpu.memory_space<hbm>>
        tpu.enqueue_dma source(%dma_start3A_57 : memref<128x16xf32, #tpu.memory_space<hbm>>) target(%arg8 : memref<128x16xf32, #tpu.memory_space<vmem>>) target_semaphore(%run_scoped3A : memref<!tpu.dma_semaphore, #tpu.memory_space<semaphore_mem>>)
        %dma_wait3A_58 = arith.constant 0 : i32
        %dma_wait3A_59 = tpu.memref_slice %arg2[%multiple_of3A_53, %dma_wait3A_58] : memref<320000x16xf32, #tpu.memory_space<hbm>> -> memref<128x16xf32, #tpu.memory_space<hbm>>
        %dma_wait3A_60 = arith.constant 0 : i32
        %dma_wait3A_61 = tpu.memref_slice %arg2[%multiple_of3A_53, %dma_wait3A_60] : memref<320000x16xf32, #tpu.memory_space<hbm>> -> memref<128x16xf32, #tpu.memory_space<hbm>>
        tpu.wait_dma2 semaphore(%run_scoped3A : memref<!tpu.dma_semaphore, #tpu.memory_space<semaphore_mem>>) src(%dma_wait3A_61 : memref<128x16xf32, #tpu.memory_space<hbm>>) dst(%arg8 : memref<128x16xf32, #tpu.memory_space<vmem>>)
        tpu.yield
      }) : () -> ()
      "tpu.region"() ({
        %run_scoped3A = tpu.sem_alloc : memref<!tpu.dma_semaphore, #tpu.memory_space<semaphore_mem>>
        %dma_start3A_54 = arith.constant 0 : i32
        %dma_start3A_55 = arith.constant 0 : i32
        %dma_start3A_56 = tpu.memref_slice %arg12[%dma_start3A_54, %dma_start3A_55] : memref<10240x16xf32, #tpu.memory_space<vmem_shared>> -> memref<10240x16xf32, #tpu.memory_space<vmem_shared>>
        tpu.enqueue_indirect_dma source(%arg8 : memref<128x16xf32, #tpu.memory_space<vmem>>) target(%dma_start3A_56 : memref<10240x16xf32, #tpu.memory_space<vmem_shared>>) offsets(%arg5 : memref<128xi32, #tpu.memory_space<vmem>>) semaphore(%run_scoped3A : memref<!tpu.dma_semaphore, #tpu.memory_space<semaphore_mem>>) {add = true}
        %dma_wait3A_57 = arith.constant 0 : i32
        %dma_wait3A_58 = arith.constant 0 : i32
        %dma_wait3A_59 = tpu.memref_slice %arg12[%dma_wait3A_57, %dma_wait3A_58] : memref<10240x16xf32, #tpu.memory_space<vmem_shared>> -> memref<10240x16xf32, #tpu.memory_space<vmem_shared>>
        tpu.wait_indirect_dma semaphore(%run_scoped3A : memref<!tpu.dma_semaphore, #tpu.memory_space<semaphore_mem>>) src(%arg8 : memref<128x16xf32, #tpu.memory_space<vmem>>) dst(%dma_wait3A_59 : memref<10240x16xf32, #tpu.memory_space<vmem_shared>>)
        tpu.yield
      }) : () -> ()
    } else {
    }
    %barrier3A_48 = arith.constant 0 : index
    tpu.barrier barrier_id(%barrier3A_48)
    "tpu.region"() ({
      %run_scoped3A = tpu.sem_alloc : memref<!tpu.dma_semaphore, #tpu.memory_space<semaphore_mem>>
      %dma_start3A_49 = arith.constant 0 : i32
      %dma_start3A_50 = tpu.memref_slice %arg4[%arg0, %mul3A_8, %dma_start3A_49] : memref<2x10240x16xf32, #tpu.memory_space<hbm>> -> memref<1x640x16xf32, #tpu.memory_space<hbm>>
      %dma_start3A_51 = tpu.memref_squeeze %dma_start3A_50 : memref<1x640x16xf32, #tpu.memory_space<hbm>> -> memref<640x16xf32, #tpu.memory_space<hbm>>
      %dma_start3A_52 = arith.constant 0 : i32
      %dma_start3A_53 = tpu.memref_slice %arg12[%mul3A_8, %dma_start3A_52] : memref<10240x16xf32, #tpu.memory_space<vmem_shared>> -> memref<640x16xf32, #tpu.memory_space<vmem_shared>>
      tpu.enqueue_dma source(%dma_start3A_53 : memref<640x16xf32, #tpu.memory_space<vmem_shared>>) target(%dma_start3A_51 : memref<640x16xf32, #tpu.memory_space<hbm>>) target_semaphore(%run_scoped3A : memref<!tpu.dma_semaphore, #tpu.memory_space<semaphore_mem>>)
      %dma_wait3A_54 = arith.constant 0 : i32
      %dma_wait3A_55 = tpu.memref_slice %arg4[%arg0, %mul3A_8, %dma_wait3A_54] : memref<2x10240x16xf32, #tpu.memory_space<hbm>> -> memref<1x640x16xf32, #tpu.memory_space<hbm>>
      %dma_wait3A_56 = tpu.memref_squeeze %dma_wait3A_55 : memref<1x640x16xf32, #tpu.memory_space<hbm>> -> memref<640x16xf32, #tpu.memory_space<hbm>>
      %dma_wait3A_57 = arith.constant 0 : i32
      %dma_wait3A_58 = tpu.memref_slice %arg12[%mul3A_8, %dma_wait3A_57] : memref<10240x16xf32, #tpu.memory_space<vmem_shared>> -> memref<640x16xf32, #tpu.memory_space<vmem_shared>>
      tpu.wait_dma2 semaphore(%run_scoped3A : memref<!tpu.dma_semaphore, #tpu.memory_space<semaphore_mem>>) src(%dma_wait3A_58 : memref<640x16xf32, #tpu.memory_space<vmem_shared>>) dst(%dma_wait3A_56 : memref<640x16xf32, #tpu.memory_space<hbm>>)
      tpu.yield
    }) : () -> ()
    return
  }
}

#map = affine_map<(d0, d1) -> (0, 0)>
#map1 = affine_map<(d0, d1) -> (0)>
module attributes {stable_mosaic.version = 14 : i64} {
  func.func @_edge_body(%arg0: i32, %arg1: i32, %arg2: memref<10000x16xf32, #tpu.memory_space<hbm>>, %arg3: memref<10000x16xf32, #tpu.memory_space<hbm>>, %arg4: memref<320000xi32, #tpu.memory_space<hbm>>, %arg5: memref<320000xi32, #tpu.memory_space<hbm>>, %arg6: memref<16x320000xf32, #tpu.memory_space<hbm>>, %arg7: memref<128xi32, #tpu.memory_space<vmem>>, %arg8: memref<128xi32, #tpu.memory_space<vmem>>, %arg9: memref<128xi32, #tpu.memory_space<vmem>>, %arg10: memref<128xi32, #tpu.memory_space<vmem>>, %arg11: memref<128xi32, #tpu.memory_space<vmem>>, %arg12: memref<128xi32, #tpu.memory_space<vmem>>, %arg13: memref<128xi32, #tpu.memory_space<vmem>>, %arg14: memref<128xi32, #tpu.memory_space<vmem>>, %arg15: memref<128xi32, #tpu.memory_space<vmem>>, %arg16: memref<128xi32, #tpu.memory_space<vmem>>, %arg17: memref<128xi32, #tpu.memory_space<vmem>>, %arg18: memref<128xi32, #tpu.memory_space<vmem>>, %arg19: memref<128x16xf32, #tpu.memory_space<vmem>>, %arg20: memref<128x16xf32, #tpu.memory_space<vmem>>, %arg21: memref<128x16xf32, #tpu.memory_space<vmem>>, %arg22: memref<128x16xf32, #tpu.memory_space<vmem>>, %arg23: memref<128x16xf32, #tpu.memory_space<vmem>>, %arg24: memref<128x16xf32, #tpu.memory_space<vmem>>, %arg25: memref<128x16xf32, #tpu.memory_space<vmem>>, %arg26: memref<128x16xf32, #tpu.memory_space<vmem>>, %arg27: memref<128x16xf32, #tpu.memory_space<vmem>>, %arg28: memref<128x16xf32, #tpu.memory_space<vmem>>, %arg29: memref<128x16xf32, #tpu.memory_space<vmem>>, %arg30: memref<128x16xf32, #tpu.memory_space<vmem>>, %arg31: memref<16x128xf32, #tpu.memory_space<vmem>>, %arg32: memref<16x128xf32, #tpu.memory_space<vmem>>, %arg33: memref<16x128xf32, #tpu.memory_space<vmem>>, %arg34: memref<16x128xf32, #tpu.memory_space<vmem>>, %arg35: memref<16x128xf32, #tpu.memory_space<vmem>>, %arg36: memref<16x128xf32, #tpu.memory_space<vmem>>, %arg37: memref<!tpu.dma_semaphore, #tpu.memory_space<semaphore_mem>>, %arg38: memref<!tpu.dma_semaphore, #tpu.memory_space<semaphore_mem>>, %arg39: memref<!tpu.dma_semaphore, #tpu.memory_space<semaphore_mem>>, %arg40: memref<!tpu.dma_semaphore, #tpu.memory_space<semaphore_mem>>, %arg41: memref<!tpu.dma_semaphore, #tpu.memory_space<semaphore_mem>>, %arg42: memref<!tpu.dma_semaphore, #tpu.memory_space<semaphore_mem>>, %arg43: memref<!tpu.dma_semaphore, #tpu.memory_space<semaphore_mem>>, %arg44: memref<!tpu.dma_semaphore, #tpu.memory_space<semaphore_mem>>, %arg45: memref<!tpu.dma_semaphore, #tpu.memory_space<semaphore_mem>>, %arg46: memref<!tpu.dma_semaphore, #tpu.memory_space<semaphore_mem>>, %arg47: memref<!tpu.dma_semaphore, #tpu.memory_space<semaphore_mem>>, %arg48: memref<!tpu.dma_semaphore, #tpu.memory_space<semaphore_mem>>, %arg49: memref<!tpu.dma_semaphore, #tpu.memory_space<semaphore_mem>>, %arg50: memref<!tpu.dma_semaphore, #tpu.memory_space<semaphore_mem>>, %arg51: memref<!tpu.dma_semaphore, #tpu.memory_space<semaphore_mem>>, %arg52: memref<!tpu.dma_semaphore, #tpu.memory_space<semaphore_mem>>, %arg53: memref<!tpu.dma_semaphore, #tpu.memory_space<semaphore_mem>>, %arg54: memref<!tpu.dma_semaphore, #tpu.memory_space<semaphore_mem>>) attributes {dimension_semantics = [#tpu.dimension_semantics<core_parallel>, #tpu.dimension_semantics<subcore_parallel>], iteration_bounds = array<i64: 2, 16>, scalar_prefetch = 0 : i64, scratch_operands = 48 : i64, tpu.core_type = #tpu.core_type<sc_vector_subcore>, window_params = [{transform_indices = #map}, {transform_indices = #map}, {transform_indices = #map1}, {transform_indices = #map1}, {transform_indices = #map}]} {
    %mul3A = arith.constant 16 : i32
    %mul3A_0 = arith.muli %arg0, %mul3A : i32
    %add3A = arith.addi %mul3A_0, %arg1 : i32
    %mul3A_1 = arith.constant 78 : i32
    %mul3A_2 = arith.muli %add3A, %mul3A_1 : i32
    %add3A_3 = arith.constant 0 : i32
    %add3A_4 = arith.addi %mul3A_2, %add3A_3 : i32
    %mul3A_5 = arith.constant 128 : i32
    %mul3A_6 = arith.muli %add3A_4, %mul3A_5 : i32
    %multiple_of3A = tpu.assume_multiple %mul3A_6, 8 : i32
    %dma_start3A = tpu.memref_slice %arg4[%multiple_of3A] : memref<320000xi32, #tpu.memory_space<hbm>> -> memref<128xi32, #tpu.memory_space<hbm>>
    %dma_start3A_7 = tpu.memref_slice %arg4[%multiple_of3A] : memref<320000xi32, #tpu.memory_space<hbm>> -> memref<128xi32, #tpu.memory_space<hbm>>
    tpu.enqueue_dma source(%dma_start3A_7 : memref<128xi32, #tpu.memory_space<hbm>>) target(%arg7 : memref<128xi32, #tpu.memory_space<vmem>>) target_semaphore(%arg37 : memref<!tpu.dma_semaphore, #tpu.memory_space<semaphore_mem>>)
    %dma_start3A_8 = tpu.memref_slice %arg5[%multiple_of3A] : memref<320000xi32, #tpu.memory_space<hbm>> -> memref<128xi32, #tpu.memory_space<hbm>>
    %dma_start3A_9 = tpu.memref_slice %arg5[%multiple_of3A] : memref<320000xi32, #tpu.memory_space<hbm>> -> memref<128xi32, #tpu.memory_space<hbm>>
    tpu.enqueue_dma source(%dma_start3A_9 : memref<128xi32, #tpu.memory_space<hbm>>) target(%arg13 : memref<128xi32, #tpu.memory_space<vmem>>) target_semaphore(%arg37 : memref<!tpu.dma_semaphore, #tpu.memory_space<semaphore_mem>>)
    %add3A_10 = arith.constant 1 : i32
    %add3A_11 = arith.addi %mul3A_2, %add3A_10 : i32
    %mul3A_12 = arith.constant 128 : i32
    %mul3A_13 = arith.muli %add3A_11, %mul3A_12 : i32
    %multiple_of3A_14 = tpu.assume_multiple %mul3A_13, 8 : i32
    %dma_start3A_15 = tpu.memref_slice %arg4[%multiple_of3A_14] : memref<320000xi32, #tpu.memory_space<hbm>> -> memref<128xi32, #tpu.memory_space<hbm>>
    %dma_start3A_16 = tpu.memref_slice %arg4[%multiple_of3A_14] : memref<320000xi32, #tpu.memory_space<hbm>> -> memref<128xi32, #tpu.memory_space<hbm>>
    tpu.enqueue_dma source(%dma_start3A_16 : memref<128xi32, #tpu.memory_space<hbm>>) target(%arg8 : memref<128xi32, #tpu.memory_space<vmem>>) target_semaphore(%arg38 : memref<!tpu.dma_semaphore, #tpu.memory_space<semaphore_mem>>)
    %dma_start3A_17 = tpu.memref_slice %arg5[%multiple_of3A_14] : memref<320000xi32, #tpu.memory_space<hbm>> -> memref<128xi32, #tpu.memory_space<hbm>>
    %dma_start3A_18 = tpu.memref_slice %arg5[%multiple_of3A_14] : memref<320000xi32, #tpu.memory_space<hbm>> -> memref<128xi32, #tpu.memory_space<hbm>>
    tpu.enqueue_dma source(%dma_start3A_18 : memref<128xi32, #tpu.memory_space<hbm>>) target(%arg14 : memref<128xi32, #tpu.memory_space<vmem>>) target_semaphore(%arg38 : memref<!tpu.dma_semaphore, #tpu.memory_space<semaphore_mem>>)
    %add3A_19 = arith.constant 2 : i32
    %add3A_20 = arith.addi %mul3A_2, %add3A_19 : i32
    %mul3A_21 = arith.constant 128 : i32
    %mul3A_22 = arith.muli %add3A_20, %mul3A_21 : i32
    %multiple_of3A_23 = tpu.assume_multiple %mul3A_22, 8 : i32
    %dma_start3A_24 = tpu.memref_slice %arg4[%multiple_of3A_23] : memref<320000xi32, #tpu.memory_space<hbm>> -> memref<128xi32, #tpu.memory_space<hbm>>
    %dma_start3A_25 = tpu.memref_slice %arg4[%multiple_of3A_23] : memref<320000xi32, #tpu.memory_space<hbm>> -> memref<128xi32, #tpu.memory_space<hbm>>
    tpu.enqueue_dma source(%dma_start3A_25 : memref<128xi32, #tpu.memory_space<hbm>>) target(%arg9 : memref<128xi32, #tpu.memory_space<vmem>>) target_semaphore(%arg39 : memref<!tpu.dma_semaphore, #tpu.memory_space<semaphore_mem>>)
    %dma_start3A_26 = tpu.memref_slice %arg5[%multiple_of3A_23] : memref<320000xi32, #tpu.memory_space<hbm>> -> memref<128xi32, #tpu.memory_space<hbm>>
    %dma_start3A_27 = tpu.memref_slice %arg5[%multiple_of3A_23] : memref<320000xi32, #tpu.memory_space<hbm>> -> memref<128xi32, #tpu.memory_space<hbm>>
    tpu.enqueue_dma source(%dma_start3A_27 : memref<128xi32, #tpu.memory_space<hbm>>) target(%arg15 : memref<128xi32, #tpu.memory_space<vmem>>) target_semaphore(%arg39 : memref<!tpu.dma_semaphore, #tpu.memory_space<semaphore_mem>>)
    %add3A_28 = arith.constant 3 : i32
    %add3A_29 = arith.addi %mul3A_2, %add3A_28 : i32
    %mul3A_30 = arith.constant 128 : i32
    %mul3A_31 = arith.muli %add3A_29, %mul3A_30 : i32
    %multiple_of3A_32 = tpu.assume_multiple %mul3A_31, 8 : i32
    %dma_start3A_33 = tpu.memref_slice %arg4[%multiple_of3A_32] : memref<320000xi32, #tpu.memory_space<hbm>> -> memref<128xi32, #tpu.memory_space<hbm>>
    %dma_start3A_34 = tpu.memref_slice %arg4[%multiple_of3A_32] : memref<320000xi32, #tpu.memory_space<hbm>> -> memref<128xi32, #tpu.memory_space<hbm>>
    tpu.enqueue_dma source(%dma_start3A_34 : memref<128xi32, #tpu.memory_space<hbm>>) target(%arg10 : memref<128xi32, #tpu.memory_space<vmem>>) target_semaphore(%arg40 : memref<!tpu.dma_semaphore, #tpu.memory_space<semaphore_mem>>)
    %dma_start3A_35 = tpu.memref_slice %arg5[%multiple_of3A_32] : memref<320000xi32, #tpu.memory_space<hbm>> -> memref<128xi32, #tpu.memory_space<hbm>>
    %dma_start3A_36 = tpu.memref_slice %arg5[%multiple_of3A_32] : memref<320000xi32, #tpu.memory_space<hbm>> -> memref<128xi32, #tpu.memory_space<hbm>>
    tpu.enqueue_dma source(%dma_start3A_36 : memref<128xi32, #tpu.memory_space<hbm>>) target(%arg16 : memref<128xi32, #tpu.memory_space<vmem>>) target_semaphore(%arg40 : memref<!tpu.dma_semaphore, #tpu.memory_space<semaphore_mem>>)
    %dma_wait3A = arith.constant 0 : i32
    %dma_wait3A_37 = tpu.memref_slice %arg4[%dma_wait3A] : memref<320000xi32, #tpu.memory_space<hbm>> -> memref<128xi32, #tpu.memory_space<hbm>>
    %dma_wait3A_38 = arith.constant 0 : i32
    %dma_wait3A_39 = tpu.memref_slice %arg4[%dma_wait3A_38] : memref<320000xi32, #tpu.memory_space<hbm>> -> memref<128xi32, #tpu.memory_space<hbm>>
    tpu.wait_dma2 semaphore(%arg37 : memref<!tpu.dma_semaphore, #tpu.memory_space<semaphore_mem>>) src(%dma_wait3A_39 : memref<128xi32, #tpu.memory_space<hbm>>) dst(%arg7 : memref<128xi32, #tpu.memory_space<vmem>>)
    %dma_wait3A_40 = arith.constant 0 : i32
    %dma_wait3A_41 = tpu.memref_slice %arg5[%dma_wait3A_40] : memref<320000xi32, #tpu.memory_space<hbm>> -> memref<128xi32, #tpu.memory_space<hbm>>
    %dma_wait3A_42 = arith.constant 0 : i32
    %dma_wait3A_43 = tpu.memref_slice %arg5[%dma_wait3A_42] : memref<320000xi32, #tpu.memory_space<hbm>> -> memref<128xi32, #tpu.memory_space<hbm>>
    tpu.wait_dma2 semaphore(%arg37 : memref<!tpu.dma_semaphore, #tpu.memory_space<semaphore_mem>>) src(%dma_wait3A_43 : memref<128xi32, #tpu.memory_space<hbm>>) dst(%arg13 : memref<128xi32, #tpu.memory_space<vmem>>)
    %dma_start3A_44 = arith.constant 0 : i32
    %dma_start3A_45 = arith.constant 0 : i32
    %dma_start3A_46 = tpu.memref_slice %arg2[%dma_start3A_44, %dma_start3A_45] : memref<10000x16xf32, #tpu.memory_space<hbm>> -> memref<10000x16xf32, #tpu.memory_space<hbm>>
    tpu.enqueue_indirect_dma source(%dma_start3A_46 : memref<10000x16xf32, #tpu.memory_space<hbm>>) target(%arg19 : memref<128x16xf32, #tpu.memory_space<vmem>>) offsets(%arg7 : memref<128xi32, #tpu.memory_space<vmem>>) semaphore(%arg43 : memref<!tpu.dma_semaphore, #tpu.memory_space<semaphore_mem>>)
    %dma_start3A_47 = arith.constant 0 : i32
    %dma_start3A_48 = arith.constant 0 : i32
    %dma_start3A_49 = tpu.memref_slice %arg3[%dma_start3A_47, %dma_start3A_48] : memref<10000x16xf32, #tpu.memory_space<hbm>> -> memref<10000x16xf32, #tpu.memory_space<hbm>>
    tpu.enqueue_indirect_dma source(%dma_start3A_49 : memref<10000x16xf32, #tpu.memory_space<hbm>>) target(%arg25 : memref<128x16xf32, #tpu.memory_space<vmem>>) offsets(%arg13 : memref<128xi32, #tpu.memory_space<vmem>>) semaphore(%arg43 : memref<!tpu.dma_semaphore, #tpu.memory_space<semaphore_mem>>)
    %dma_wait3A_50 = arith.constant 0 : i32
    %dma_wait3A_51 = tpu.memref_slice %arg4[%dma_wait3A_50] : memref<320000xi32, #tpu.memory_space<hbm>> -> memref<128xi32, #tpu.memory_space<hbm>>
    %dma_wait3A_52 = arith.constant 0 : i32
    %dma_wait3A_53 = tpu.memref_slice %arg4[%dma_wait3A_52] : memref<320000xi32, #tpu.memory_space<hbm>> -> memref<128xi32, #tpu.memory_space<hbm>>
    tpu.wait_dma2 semaphore(%arg38 : memref<!tpu.dma_semaphore, #tpu.memory_space<semaphore_mem>>) src(%dma_wait3A_53 : memref<128xi32, #tpu.memory_space<hbm>>) dst(%arg8 : memref<128xi32, #tpu.memory_space<vmem>>)
    %dma_wait3A_54 = arith.constant 0 : i32
    %dma_wait3A_55 = tpu.memref_slice %arg5[%dma_wait3A_54] : memref<320000xi32, #tpu.memory_space<hbm>> -> memref<128xi32, #tpu.memory_space<hbm>>
    %dma_wait3A_56 = arith.constant 0 : i32
    %dma_wait3A_57 = tpu.memref_slice %arg5[%dma_wait3A_56] : memref<320000xi32, #tpu.memory_space<hbm>> -> memref<128xi32, #tpu.memory_space<hbm>>
    tpu.wait_dma2 semaphore(%arg38 : memref<!tpu.dma_semaphore, #tpu.memory_space<semaphore_mem>>) src(%dma_wait3A_57 : memref<128xi32, #tpu.memory_space<hbm>>) dst(%arg14 : memref<128xi32, #tpu.memory_space<vmem>>)
    %dma_start3A_58 = arith.constant 0 : i32
    %dma_start3A_59 = arith.constant 0 : i32
    %dma_start3A_60 = tpu.memref_slice %arg2[%dma_start3A_58, %dma_start3A_59] : memref<10000x16xf32, #tpu.memory_space<hbm>> -> memref<10000x16xf32, #tpu.memory_space<hbm>>
    tpu.enqueue_indirect_dma source(%dma_start3A_60 : memref<10000x16xf32, #tpu.memory_space<hbm>>) target(%arg20 : memref<128x16xf32, #tpu.memory_space<vmem>>) offsets(%arg8 : memref<128xi32, #tpu.memory_space<vmem>>) semaphore(%arg44 : memref<!tpu.dma_semaphore, #tpu.memory_space<semaphore_mem>>)
    %dma_start3A_61 = arith.constant 0 : i32
    %dma_start3A_62 = arith.constant 0 : i32
    %dma_start3A_63 = tpu.memref_slice %arg3[%dma_start3A_61, %dma_start3A_62] : memref<10000x16xf32, #tpu.memory_space<hbm>> -> memref<10000x16xf32, #tpu.memory_space<hbm>>
    tpu.enqueue_indirect_dma source(%dma_start3A_63 : memref<10000x16xf32, #tpu.memory_space<hbm>>) target(%arg26 : memref<128x16xf32, #tpu.memory_space<vmem>>) offsets(%arg14 : memref<128xi32, #tpu.memory_space<vmem>>) semaphore(%arg44 : memref<!tpu.dma_semaphore, #tpu.memory_space<semaphore_mem>>)
    %scan3A = arith.constant 0 : i32
    %scan3A_64 = arith.constant 0 : i32
    %scan3A_65 = arith.constant 13 : i32
    %scan3A_66 = arith.addi %scan3A_64, %scan3A_65 : i32
    %scan3A_67 = arith.constant 1 : i32
    %scan3A_68 = scf.for %scan3A_108 = %scan3A_64 to %scan3A_66 step %scan3A_67 iter_args(%scan3A_109 = %scan3A) -> (i32)  : i32 {
      %mul3A_110 = arith.constant 6 : i32
      %mul3A_111 = arith.muli %scan3A_108, %mul3A_110 : i32
      %add3A_112 = arith.constant 0 : i32
      %add3A_113 = arith.addi %mul3A_111, %add3A_112 : i32
      %dma_wait3A_114 = arith.constant 0 : i32
      %dma_wait3A_115 = arith.constant 0 : i32
      %dma_wait3A_116 = tpu.memref_slice %arg2[%dma_wait3A_114, %dma_wait3A_115] : memref<10000x16xf32, #tpu.memory_space<hbm>> -> memref<10000x16xf32, #tpu.memory_space<hbm>>
      tpu.wait_indirect_dma semaphore(%arg43 : memref<!tpu.dma_semaphore, #tpu.memory_space<semaphore_mem>>) src(%dma_wait3A_116 : memref<10000x16xf32, #tpu.memory_space<hbm>>) dst(%arg19 : memref<128x16xf32, #tpu.memory_space<vmem>>)
      %dma_wait3A_117 = arith.constant 0 : i32
      %dma_wait3A_118 = arith.constant 0 : i32
      %dma_wait3A_119 = tpu.memref_slice %arg3[%dma_wait3A_117, %dma_wait3A_118] : memref<10000x16xf32, #tpu.memory_space<hbm>> -> memref<10000x16xf32, #tpu.memory_space<hbm>>
      tpu.wait_indirect_dma semaphore(%arg43 : memref<!tpu.dma_semaphore, #tpu.memory_space<semaphore_mem>>) src(%dma_wait3A_119 : memref<10000x16xf32, #tpu.memory_space<hbm>>) dst(%arg25 : memref<128x16xf32, #tpu.memory_space<vmem>>)
      %gt3A = arith.constant 0 : i32
      %gt3A_120 = arith.cmpi sgt, %scan3A_108, %gt3A : i32
      %convert_element_type3A_121 = arith.extui %gt3A_120 : i1 to i32
      %cond3A_122 = arith.constant 0 : i32
      %cond3A_123 = arith.cmpi ne, %convert_element_type3A_121, %cond3A_122 : i32
      scf.if %cond3A_123 {
        %dma_wait3A_424 = arith.constant 0 : i32
        %dma_wait3A_425 = arith.constant 0 : i32
        %dma_wait3A_426 = tpu.memref_slice %arg6[%dma_wait3A_424, %dma_wait3A_425] : memref<16x320000xf32, #tpu.memory_space<hbm>> -> memref<16x128xf32, #tpu.memory_space<hbm>>
        %dma_wait3A_427 = arith.constant 0 : i32
        %dma_wait3A_428 = arith.constant 0 : i32
        %dma_wait3A_429 = tpu.memref_slice %arg6[%dma_wait3A_427, %dma_wait3A_428] : memref<16x320000xf32, #tpu.memory_space<hbm>> -> memref<16x128xf32, #tpu.memory_space<hbm>>
        tpu.wait_dma2 semaphore(%arg49 : memref<!tpu.dma_semaphore, #tpu.memory_space<semaphore_mem>>) src(%arg31 : memref<16x128xf32, #tpu.memory_space<vmem>>) dst(%dma_wait3A_429 : memref<16x128xf32, #tpu.memory_space<hbm>>)
      } else {
      }
      %broadcast_in_dim3A = arith.constant 0 : i32
      %broadcast_in_dim3A_124 = vector.broadcast %broadcast_in_dim3A : i32 to vector<16xi32>
      %iota3A = tpu.iota {dimensions = array<i32: 0>} : vector<16xi32>
      %mul3A_125 = arith.constant 128 : i32
      %mul3A_126 = vector.broadcast %mul3A_125 : i32 to vector<16xi32>
      %mul3A_127 = arith.muli %iota3A, %mul3A_126 : vector<16xi32>
      %scan3A_128 = arith.constant 0 : i32
      %scan3A_129 = arith.constant 32 : i32
      %scan3A_130 = arith.addi %scan3A_128, %scan3A_129 : i32
      %scan3A_131 = arith.constant 1 : i32
      %scan3A_132 = scf.for %scan3A_424 = %scan3A_128 to %scan3A_130 step %scan3A_131 iter_args(%scan3A_425 = %mul3A_127) -> (vector<16xi32>)  : i32 {
        %mul3A_426 = arith.constant 4 : i32
        %mul3A_427 = arith.muli %scan3A_424, %mul3A_426 : i32
        %add3A_428 = arith.constant 0 : i32
        %add3A_429 = arith.addi %mul3A_427, %add3A_428 : i32
        %get3A = arith.index_cast %add3A_429 : i32 to index
        %get3A_430 = arith.constant 0 : index
        %get3A_431 = tpu.vector_load %arg19[%get3A, %get3A_430] {strides = array<i32>} : memref<128x16xf32, #tpu.memory_space<vmem>>, vector<16xf32>,
        %get3A_432 = arith.index_cast %add3A_429 : i32 to index
        %get3A_433 = arith.constant 0 : index
        %get3A_434 = tpu.vector_load %arg25[%get3A_432, %get3A_433] {strides = array<i32>} : memref<128x16xf32, #tpu.memory_space<vmem>>, vector<16xf32>,
        %add3A_435 = arith.addf %get3A_431, %get3A_434 : vector<16xf32>
        %max3A = arith.constant 0.000000e+00 : f32
        %max3A_436 = vector.broadcast %max3A : f32 to vector<16xf32>
        %max3A_437 = arith.maximumf %add3A_435, %max3A_436 : vector<16xf32>
        tpu.vector_store_idx %arg31[%broadcast_in_dim3A_124, %scan3A_425], %max3A_437 : memref<16x128xf32, #tpu.memory_space<vmem>>[vector<16xi32>, vector<16xi32>], vector<16xf32>,
        %add3A_438 = arith.constant 1 : i32
        %add3A_439 = vector.broadcast %add3A_438 : i32 to vector<16xi32>
        %add3A_440 = arith.addi %scan3A_425, %add3A_439 : vector<16xi32>
        %mul3A_441 = arith.constant 4 : i32
        %mul3A_442 = arith.muli %scan3A_424, %mul3A_441 : i32
        %add3A_443 = arith.constant 1 : i32
        %add3A_444 = arith.addi %mul3A_442, %add3A_443 : i32
        %get3A_445 = arith.index_cast %add3A_444 : i32 to index
        %get3A_446 = arith.constant 0 : index
        %get3A_447 = tpu.vector_load %arg19[%get3A_445, %get3A_446] {strides = array<i32>} : memref<128x16xf32, #tpu.memory_space<vmem>>, vector<16xf32>,
        %get3A_448 = arith.index_cast %add3A_444 : i32 to index
        %get3A_449 = arith.constant 0 : index
        %get3A_450 = tpu.vector_load %arg25[%get3A_448, %get3A_449] {strides = array<i32>} : memref<128x16xf32, #tpu.memory_space<vmem>>, vector<16xf32>,
        %add3A_451 = arith.addf %get3A_447, %get3A_450 : vector<16xf32>
        %max3A_452 = arith.constant 0.000000e+00 : f32
        %max3A_453 = vector.broadcast %max3A_452 : f32 to vector<16xf32>
        %max3A_454 = arith.maximumf %add3A_451, %max3A_453 : vector<16xf32>
        tpu.vector_store_idx %arg31[%broadcast_in_dim3A_124, %add3A_440], %max3A_454 : memref<16x128xf32, #tpu.memory_space<vmem>>[vector<16xi32>, vector<16xi32>], vector<16xf32>,
        %add3A_455 = arith.constant 1 : i32
        %add3A_456 = vector.broadcast %add3A_455 : i32 to vector<16xi32>
        %add3A_457 = arith.addi %add3A_440, %add3A_456 : vector<16xi32>
        %mul3A_458 = arith.constant 4 : i32
        %mul3A_459 = arith.muli %scan3A_424, %mul3A_458 : i32
        %add3A_460 = arith.constant 2 : i32
        %add3A_461 = arith.addi %mul3A_459, %add3A_460 : i32
        %get3A_462 = arith.index_cast %add3A_461 : i32 to index
        %get3A_463 = arith.constant 0 : index
        %get3A_464 = tpu.vector_load %arg19[%get3A_462, %get3A_463] {strides = array<i32>} : memref<128x16xf32, #tpu.memory_space<vmem>>, vector<16xf32>,
        %get3A_465 = arith.index_cast %add3A_461 : i32 to index
        %get3A_466 = arith.constant 0 : index
        %get3A_467 = tpu.vector_load %arg25[%get3A_465, %get3A_466] {strides = array<i32>} : memref<128x16xf32, #tpu.memory_space<vmem>>, vector<16xf32>,
        %add3A_468 = arith.addf %get3A_464, %get3A_467 : vector<16xf32>
        %max3A_469 = arith.constant 0.000000e+00 : f32
        %max3A_470 = vector.broadcast %max3A_469 : f32 to vector<16xf32>
        %max3A_471 = arith.maximumf %add3A_468, %max3A_470 : vector<16xf32>
        tpu.vector_store_idx %arg31[%broadcast_in_dim3A_124, %add3A_457], %max3A_471 : memref<16x128xf32, #tpu.memory_space<vmem>>[vector<16xi32>, vector<16xi32>], vector<16xf32>,
        %add3A_472 = arith.constant 1 : i32
        %add3A_473 = vector.broadcast %add3A_472 : i32 to vector<16xi32>
        %add3A_474 = arith.addi %add3A_457, %add3A_473 : vector<16xi32>
        %mul3A_475 = arith.constant 4 : i32
        %mul3A_476 = arith.muli %scan3A_424, %mul3A_475 : i32
        %add3A_477 = arith.constant 3 : i32
        %add3A_478 = arith.addi %mul3A_476, %add3A_477 : i32
        %get3A_479 = arith.index_cast %add3A_478 : i32 to index
        %get3A_480 = arith.constant 0 : index
        %get3A_481 = tpu.vector_load %arg19[%get3A_479, %get3A_480] {strides = array<i32>} : memref<128x16xf32, #tpu.memory_space<vmem>>, vector<16xf32>,
        %get3A_482 = arith.index_cast %add3A_478 : i32 to index
        %get3A_483 = arith.constant 0 : index
        %get3A_484 = tpu.vector_load %arg25[%get3A_482, %get3A_483] {strides = array<i32>} : memref<128x16xf32, #tpu.memory_space<vmem>>, vector<16xf32>,
        %add3A_485 = arith.addf %get3A_481, %get3A_484 : vector<16xf32>
        %max3A_486 = arith.constant 0.000000e+00 : f32
        %max3A_487 = vector.broadcast %max3A_486 : f32 to vector<16xf32>
        %max3A_488 = arith.maximumf %add3A_485, %max3A_487 : vector<16xf32>
        tpu.vector_store_idx %arg31[%broadcast_in_dim3A_124, %add3A_474], %max3A_488 : memref<16x128xf32, #tpu.memory_space<vmem>>[vector<16xi32>, vector<16xi32>], vector<16xf32>,
        %add3A_489 = arith.constant 1 : i32
        %add3A_490 = vector.broadcast %add3A_489 : i32 to vector<16xi32>
        %add3A_491 = arith.addi %add3A_474, %add3A_490 : vector<16xi32>
        scf.yield %add3A_491 : vector<16xi32>
      }
      %scan3A_133 = arith.constant 32 : i32
      %add3A_134 = arith.addi %mul3A_2, %add3A_113 : i32
      %mul3A_135 = arith.constant 128 : i32
      %mul3A_136 = arith.muli %add3A_134, %mul3A_135 : i32
      %multiple_of3A_137 = tpu.assume_multiple %mul3A_136, 8 : i32
      %dma_start3A_138 = arith.constant 0 : i32
      %dma_start3A_139 = tpu.memref_slice %arg6[%dma_start3A_138, %multiple_of3A_137] : memref<16x320000xf32, #tpu.memory_space<hbm>> -> memref<16x128xf32, #tpu.memory_space<hbm>>
      %dma_start3A_140 = arith.constant 0 : i32
      %dma_start3A_141 = tpu.memref_slice %arg6[%dma_start3A_140, %multiple_of3A_137] : memref<16x320000xf32, #tpu.memory_space<hbm>> -> memref<16x128xf32, #tpu.memory_space<hbm>>
      tpu.enqueue_dma source(%arg31 : memref<16x128xf32, #tpu.memory_space<vmem>>) target(%dma_start3A_141 : memref<16x128xf32, #tpu.memory_space<hbm>>) target_semaphore(%arg49 : memref<!tpu.dma_semaphore, #tpu.memory_space<semaphore_mem>>)
      %dma_wait3A_142 = arith.constant 0 : i32
      %dma_wait3A_143 = tpu.memref_slice %arg4[%dma_wait3A_142] : memref<320000xi32, #tpu.memory_space<hbm>> -> memref<128xi32, #tpu.memory_space<hbm>>
      %dma_wait3A_144 = arith.constant 0 : i32
      %dma_wait3A_145 = tpu.memref_slice %arg4[%dma_wait3A_144] : memref<320000xi32, #tpu.memory_space<hbm>> -> memref<128xi32, #tpu.memory_space<hbm>>
      tpu.wait_dma2 semaphore(%arg39 : memref<!tpu.dma_semaphore, #tpu.memory_space<semaphore_mem>>) src(%dma_wait3A_145 : memref<128xi32, #tpu.memory_space<hbm>>) dst(%arg9 : memref<128xi32, #tpu.memory_space<vmem>>)
      %dma_wait3A_146 = arith.constant 0 : i32
      %dma_wait3A_147 = tpu.memref_slice %arg5[%dma_wait3A_146] : memref<320000xi32, #tpu.memory_space<hbm>> -> memref<128xi32, #tpu.memory_space<hbm>>
      %dma_wait3A_148 = arith.constant 0 : i32
      %dma_wait3A_149 = tpu.memref_slice %arg5[%dma_wait3A_148] : memref<320000xi32, #tpu.memory_space<hbm>> -> memref<128xi32, #tpu.memory_space<hbm>>
      tpu.wait_dma2 semaphore(%arg39 : memref<!tpu.dma_semaphore, #tpu.memory_space<semaphore_mem>>) src(%dma_wait3A_149 : memref<128xi32, #tpu.memory_space<hbm>>) dst(%arg15 : memref<128xi32, #tpu.memory_space<vmem>>)
      %dma_start3A_150 = arith.constant 0 : i32
      %dma_start3A_151 = arith.constant 0 : i32
      %dma_start3A_152 = tpu.memref_slice %arg2[%dma_start3A_150, %dma_start3A_151] : memref<10000x16xf32, #tpu.memory_space<hbm>> -> memref<10000x16xf32, #tpu.memory_space<hbm>>
      tpu.enqueue_indirect_dma source(%dma_start3A_152 : memref<10000x16xf32, #tpu.memory_space<hbm>>) target(%arg21 : memref<128x16xf32, #tpu.memory_space<vmem>>) offsets(%arg9 : memref<128xi32, #tpu.memory_space<vmem>>) semaphore(%arg45 : memref<!tpu.dma_semaphore, #tpu.memory_space<semaphore_mem>>)
      %dma_start3A_153 = arith.constant 0 : i32
      %dma_start3A_154 = arith.constant 0 : i32
      %dma_start3A_155 = tpu.memref_slice %arg3[%dma_start3A_153, %dma_start3A_154] : memref<10000x16xf32, #tpu.memory_space<hbm>> -> memref<10000x16xf32, #tpu.memory_space<hbm>>
      tpu.enqueue_indirect_dma source(%dma_start3A_155 : memref<10000x16xf32, #tpu.memory_space<hbm>>) target(%arg27 : memref<128x16xf32, #tpu.memory_space<vmem>>) offsets(%arg15 : memref<128xi32, #tpu.memory_space<vmem>>) semaphore(%arg45 : memref<!tpu.dma_semaphore, #tpu.memory_space<semaphore_mem>>)
      %add3A_156 = arith.constant 4 : i32
      %add3A_157 = arith.addi %add3A_113, %add3A_156 : i32
      %add3A_158 = arith.addi %mul3A_2, %add3A_157 : i32
      %mul3A_159 = arith.constant 128 : i32
      %mul3A_160 = arith.muli %add3A_158, %mul3A_159 : i32
      %multiple_of3A_161 = tpu.assume_multiple %mul3A_160, 8 : i32
      %dma_start3A_162 = tpu.memref_slice %arg4[%multiple_of3A_161] : memref<320000xi32, #tpu.memory_space<hbm>> -> memref<128xi32, #tpu.memory_space<hbm>>
      %dma_start3A_163 = tpu.memref_slice %arg4[%multiple_of3A_161] : memref<320000xi32, #tpu.memory_space<hbm>> -> memref<128xi32, #tpu.memory_space<hbm>>
      tpu.enqueue_dma source(%dma_start3A_163 : memref<128xi32, #tpu.memory_space<hbm>>) target(%arg11 : memref<128xi32, #tpu.memory_space<vmem>>) target_semaphore(%arg41 : memref<!tpu.dma_semaphore, #tpu.memory_space<semaphore_mem>>)
      %dma_start3A_164 = tpu.memref_slice %arg5[%multiple_of3A_161] : memref<320000xi32, #tpu.memory_space<hbm>> -> memref<128xi32, #tpu.memory_space<hbm>>
      %dma_start3A_165 = tpu.memref_slice %arg5[%multiple_of3A_161] : memref<320000xi32, #tpu.memory_space<hbm>> -> memref<128xi32, #tpu.memory_space<hbm>>
      tpu.enqueue_dma source(%dma_start3A_165 : memref<128xi32, #tpu.memory_space<hbm>>) target(%arg17 : memref<128xi32, #tpu.memory_space<vmem>>) target_semaphore(%arg41 : memref<!tpu.dma_semaphore, #tpu.memory_space<semaphore_mem>>)
      %mul3A_166 = arith.constant 6 : i32
      %mul3A_167 = arith.muli %scan3A_108, %mul3A_166 : i32
      %add3A_168 = arith.constant 1 : i32
      %add3A_169 = arith.addi %mul3A_167, %add3A_168 : i32
      %dma_wait3A_170 = arith.constant 0 : i32
      %dma_wait3A_171 = arith.constant 0 : i32
      %dma_wait3A_172 = tpu.memref_slice %arg2[%dma_wait3A_170, %dma_wait3A_171] : memref<10000x16xf32, #tpu.memory_space<hbm>> -> memref<10000x16xf32, #tpu.memory_space<hbm>>
      tpu.wait_indirect_dma semaphore(%arg44 : memref<!tpu.dma_semaphore, #tpu.memory_space<semaphore_mem>>) src(%dma_wait3A_172 : memref<10000x16xf32, #tpu.memory_space<hbm>>) dst(%arg20 : memref<128x16xf32, #tpu.memory_space<vmem>>)
      %dma_wait3A_173 = arith.constant 0 : i32
      %dma_wait3A_174 = arith.constant 0 : i32
      %dma_wait3A_175 = tpu.memref_slice %arg3[%dma_wait3A_173, %dma_wait3A_174] : memref<10000x16xf32, #tpu.memory_space<hbm>> -> memref<10000x16xf32, #tpu.memory_space<hbm>>
      tpu.wait_indirect_dma semaphore(%arg44 : memref<!tpu.dma_semaphore, #tpu.memory_space<semaphore_mem>>) src(%dma_wait3A_175 : memref<10000x16xf32, #tpu.memory_space<hbm>>) dst(%arg26 : memref<128x16xf32, #tpu.memory_space<vmem>>)
      %gt3A_176 = arith.constant 0 : i32
      %gt3A_177 = arith.cmpi sgt, %scan3A_108, %gt3A_176 : i32
      %convert_element_type3A_178 = arith.extui %gt3A_177 : i1 to i32
      %cond3A_179 = arith.constant 0 : i32
      %cond3A_180 = arith.cmpi ne, %convert_element_type3A_178, %cond3A_179 : i32
      scf.if %cond3A_180 {
        %dma_wait3A_424 = arith.constant 0 : i32
        %dma_wait3A_425 = arith.constant 0 : i32
        %dma_wait3A_426 = tpu.memref_slice %arg6[%dma_wait3A_424, %dma_wait3A_425] : memref<16x320000xf32, #tpu.memory_space<hbm>> -> memref<16x128xf32, #tpu.memory_space<hbm>>
        %dma_wait3A_427 = arith.constant 0 : i32
        %dma_wait3A_428 = arith.constant 0 : i32
        %dma_wait3A_429 = tpu.memref_slice %arg6[%dma_wait3A_427, %dma_wait3A_428] : memref<16x320000xf32, #tpu.memory_space<hbm>> -> memref<16x128xf32, #tpu.memory_space<hbm>>
        tpu.wait_dma2 semaphore(%arg50 : memref<!tpu.dma_semaphore, #tpu.memory_space<semaphore_mem>>) src(%arg32 : memref<16x128xf32, #tpu.memory_space<vmem>>) dst(%dma_wait3A_429 : memref<16x128xf32, #tpu.memory_space<hbm>>)
      } else {
      }
      %broadcast_in_dim3A_181 = arith.constant 0 : i32
      %broadcast_in_dim3A_182 = vector.broadcast %broadcast_in_dim3A_181 : i32 to vector<16xi32>
      %iota3A_183 = tpu.iota {dimensions = array<i32: 0>} : vector<16xi32>
      %mul3A_184 = arith.constant 128 : i32
      %mul3A_185 = vector.broadcast %mul3A_184 : i32 to vector<16xi32>
      %mul3A_186 = arith.muli %iota3A_183, %mul3A_185 : vector<16xi32>
      %scan3A_187 = arith.constant 0 : i32
      %scan3A_188 = arith.constant 32 : i32
      %scan3A_189 = arith.addi %scan3A_187, %scan3A_188 : i32
      %scan3A_190 = arith.constant 1 : i32
      %scan3A_191 = scf.for %scan3A_424 = %scan3A_187 to %scan3A_189 step %scan3A_190 iter_args(%scan3A_425 = %mul3A_186) -> (vector<16xi32>)  : i32 {
        %mul3A_426 = arith.constant 4 : i32
        %mul3A_427 = arith.muli %scan3A_424, %mul3A_426 : i32
        %add3A_428 = arith.constant 0 : i32
        %add3A_429 = arith.addi %mul3A_427, %add3A_428 : i32
        %get3A = arith.index_cast %add3A_429 : i32 to index
        %get3A_430 = arith.constant 0 : index
        %get3A_431 = tpu.vector_load %arg20[%get3A, %get3A_430] {strides = array<i32>} : memref<128x16xf32, #tpu.memory_space<vmem>>, vector<16xf32>,
        %get3A_432 = arith.index_cast %add3A_429 : i32 to index
        %get3A_433 = arith.constant 0 : index
        %get3A_434 = tpu.vector_load %arg26[%get3A_432, %get3A_433] {strides = array<i32>} : memref<128x16xf32, #tpu.memory_space<vmem>>, vector<16xf32>,
        %add3A_435 = arith.addf %get3A_431, %get3A_434 : vector<16xf32>
        %max3A = arith.constant 0.000000e+00 : f32
        %max3A_436 = vector.broadcast %max3A : f32 to vector<16xf32>
        %max3A_437 = arith.maximumf %add3A_435, %max3A_436 : vector<16xf32>
        tpu.vector_store_idx %arg32[%broadcast_in_dim3A_182, %scan3A_425], %max3A_437 : memref<16x128xf32, #tpu.memory_space<vmem>>[vector<16xi32>, vector<16xi32>], vector<16xf32>,
        %add3A_438 = arith.constant 1 : i32
        %add3A_439 = vector.broadcast %add3A_438 : i32 to vector<16xi32>
        %add3A_440 = arith.addi %scan3A_425, %add3A_439 : vector<16xi32>
        %mul3A_441 = arith.constant 4 : i32
        %mul3A_442 = arith.muli %scan3A_424, %mul3A_441 : i32
        %add3A_443 = arith.constant 1 : i32
        %add3A_444 = arith.addi %mul3A_442, %add3A_443 : i32
        %get3A_445 = arith.index_cast %add3A_444 : i32 to index
        %get3A_446 = arith.constant 0 : index
        %get3A_447 = tpu.vector_load %arg20[%get3A_445, %get3A_446] {strides = array<i32>} : memref<128x16xf32, #tpu.memory_space<vmem>>, vector<16xf32>,
        %get3A_448 = arith.index_cast %add3A_444 : i32 to index
        %get3A_449 = arith.constant 0 : index
        %get3A_450 = tpu.vector_load %arg26[%get3A_448, %get3A_449] {strides = array<i32>} : memref<128x16xf32, #tpu.memory_space<vmem>>, vector<16xf32>,
        %add3A_451 = arith.addf %get3A_447, %get3A_450 : vector<16xf32>
        %max3A_452 = arith.constant 0.000000e+00 : f32
        %max3A_453 = vector.broadcast %max3A_452 : f32 to vector<16xf32>
        %max3A_454 = arith.maximumf %add3A_451, %max3A_453 : vector<16xf32>
        tpu.vector_store_idx %arg32[%broadcast_in_dim3A_182, %add3A_440], %max3A_454 : memref<16x128xf32, #tpu.memory_space<vmem>>[vector<16xi32>, vector<16xi32>], vector<16xf32>,
        %add3A_455 = arith.constant 1 : i32
        %add3A_456 = vector.broadcast %add3A_455 : i32 to vector<16xi32>
        %add3A_457 = arith.addi %add3A_440, %add3A_456 : vector<16xi32>
        %mul3A_458 = arith.constant 4 : i32
        %mul3A_459 = arith.muli %scan3A_424, %mul3A_458 : i32
        %add3A_460 = arith.constant 2 : i32
        %add3A_461 = arith.addi %mul3A_459, %add3A_460 : i32
        %get3A_462 = arith.index_cast %add3A_461 : i32 to index
        %get3A_463 = arith.constant 0 : index
        %get3A_464 = tpu.vector_load %arg20[%get3A_462, %get3A_463] {strides = array<i32>} : memref<128x16xf32, #tpu.memory_space<vmem>>, vector<16xf32>,
        %get3A_465 = arith.index_cast %add3A_461 : i32 to index
        %get3A_466 = arith.constant 0 : index
        %get3A_467 = tpu.vector_load %arg26[%get3A_465, %get3A_466] {strides = array<i32>} : memref<128x16xf32, #tpu.memory_space<vmem>>, vector<16xf32>,
        %add3A_468 = arith.addf %get3A_464, %get3A_467 : vector<16xf32>
        %max3A_469 = arith.constant 0.000000e+00 : f32
        %max3A_470 = vector.broadcast %max3A_469 : f32 to vector<16xf32>
        %max3A_471 = arith.maximumf %add3A_468, %max3A_470 : vector<16xf32>
        tpu.vector_store_idx %arg32[%broadcast_in_dim3A_182, %add3A_457], %max3A_471 : memref<16x128xf32, #tpu.memory_space<vmem>>[vector<16xi32>, vector<16xi32>], vector<16xf32>,
        %add3A_472 = arith.constant 1 : i32
        %add3A_473 = vector.broadcast %add3A_472 : i32 to vector<16xi32>
        %add3A_474 = arith.addi %add3A_457, %add3A_473 : vector<16xi32>
        %mul3A_475 = arith.constant 4 : i32
        %mul3A_476 = arith.muli %scan3A_424, %mul3A_475 : i32
        %add3A_477 = arith.constant 3 : i32
        %add3A_478 = arith.addi %mul3A_476, %add3A_477 : i32
        %get3A_479 = arith.index_cast %add3A_478 : i32 to index
        %get3A_480 = arith.constant 0 : index
        %get3A_481 = tpu.vector_load %arg20[%get3A_479, %get3A_480] {strides = array<i32>} : memref<128x16xf32, #tpu.memory_space<vmem>>, vector<16xf32>,
        %get3A_482 = arith.index_cast %add3A_478 : i32 to index
        %get3A_483 = arith.constant 0 : index
        %get3A_484 = tpu.vector_load %arg26[%get3A_482, %get3A_483] {strides = array<i32>} : memref<128x16xf32, #tpu.memory_space<vmem>>, vector<16xf32>,
        %add3A_485 = arith.addf %get3A_481, %get3A_484 : vector<16xf32>
        %max3A_486 = arith.constant 0.000000e+00 : f32
        %max3A_487 = vector.broadcast %max3A_486 : f32 to vector<16xf32>
        %max3A_488 = arith.maximumf %add3A_485, %max3A_487 : vector<16xf32>
        tpu.vector_store_idx %arg32[%broadcast_in_dim3A_182, %add3A_474], %max3A_488 : memref<16x128xf32, #tpu.memory_space<vmem>>[vector<16xi32>, vector<16xi32>], vector<16xf32>,
        %add3A_489 = arith.constant 1 : i32
        %add3A_490 = vector.broadcast %add3A_489 : i32 to vector<16xi32>
        %add3A_491 = arith.addi %add3A_474, %add3A_490 : vector<16xi32>
        scf.yield %add3A_491 : vector<16xi32>
      }
      %scan3A_192 = arith.constant 32 : i32
      %add3A_193 = arith.addi %mul3A_2, %add3A_169 : i32
      %mul3A_194 = arith.constant 128 : i32
      %mul3A_195 = arith.muli %add3A_193, %mul3A_194 : i32
      %multiple_of3A_196 = tpu.assume_multiple %mul3A_195, 8 : i32
      %dma_start3A_197 = arith.constant 0 : i32
      %dma_start3A_198 = tpu.memref_slice %arg6[%dma_start3A_197, %multiple_of3A_196] : memref<16x320000xf32, #tpu.memory_space<hbm>> -> memref<16x128xf32, #tpu.memory_space<hbm>>
      %dma_start3A_199 = arith.constant 0 : i32
      %dma_start3A_200 = tpu.memref_slice %arg6[%dma_start3A_199, %multiple_of3A_196] : memref<16x320000xf32, #tpu.memory_space<hbm>> -> memref<16x128xf32, #tpu.memory_space<hbm>>
      tpu.enqueue_dma source(%arg32 : memref<16x128xf32, #tpu.memory_space<vmem>>) target(%dma_start3A_200 : memref<16x128xf32, #tpu.memory_space<hbm>>) target_semaphore(%arg50 : memref<!tpu.dma_semaphore, #tpu.memory_space<semaphore_mem>>)
      %dma_wait3A_201 = arith.constant 0 : i32
      %dma_wait3A_202 = tpu.memref_slice %arg4[%dma_wait3A_201] : memref<320000xi32, #tpu.memory_space<hbm>> -> memref<128xi32, #tpu.memory_space<hbm>>
      %dma_wait3A_203 = arith.constant 0 : i32
      %dma_wait3A_204 = tpu.memref_slice %arg4[%dma_wait3A_203] : memref<320000xi32, #tpu.memory_space<hbm>> -> memref<128xi32, #tpu.memory_space<hbm>>
      tpu.wait_dma2 semaphore(%arg40 : memref<!tpu.dma_semaphore, #tpu.memory_space<semaphore_mem>>) src(%dma_wait3A_204 : memref<128xi32, #tpu.memory_space<hbm>>) dst(%arg10 : memref<128xi32, #tpu.memory_space<vmem>>)
      %dma_wait3A_205 = arith.constant 0 : i32
      %dma_wait3A_206 = tpu.memref_slice %arg5[%dma_wait3A_205] : memref<320000xi32, #tpu.memory_space<hbm>> -> memref<128xi32, #tpu.memory_space<hbm>>
      %dma_wait3A_207 = arith.constant 0 : i32
      %dma_wait3A_208 = tpu.memref_slice %arg5[%dma_wait3A_207] : memref<320000xi32, #tpu.memory_space<hbm>> -> memref<128xi32, #tpu.memory_space<hbm>>
      tpu.wait_dma2 semaphore(%arg40 : memref<!tpu.dma_semaphore, #tpu.memory_space<semaphore_mem>>) src(%dma_wait3A_208 : memref<128xi32, #tpu.memory_space<hbm>>) dst(%arg16 : memref<128xi32, #tpu.memory_space<vmem>>)
      %dma_start3A_209 = arith.constant 0 : i32
      %dma_start3A_210 = arith.constant 0 : i32
      %dma_start3A_211 = tpu.memref_slice %arg2[%dma_start3A_209, %dma_start3A_210] : memref<10000x16xf32, #tpu.memory_space<hbm>> -> memref<10000x16xf32, #tpu.memory_space<hbm>>
      tpu.enqueue_indirect_dma source(%dma_start3A_211 : memref<10000x16xf32, #tpu.memory_space<hbm>>) target(%arg22 : memref<128x16xf32, #tpu.memory_space<vmem>>) offsets(%arg10 : memref<128xi32, #tpu.memory_space<vmem>>) semaphore(%arg46 : memref<!tpu.dma_semaphore, #tpu.memory_space<semaphore_mem>>)
      %dma_start3A_212 = arith.constant 0 : i32
      %dma_start3A_213 = arith.constant 0 : i32
      %dma_start3A_214 = tpu.memref_slice %arg3[%dma_start3A_212, %dma_start3A_213] : memref<10000x16xf32, #tpu.memory_space<hbm>> -> memref<10000x16xf32, #tpu.memory_space<hbm>>
      tpu.enqueue_indirect_dma source(%dma_start3A_214 : memref<10000x16xf32, #tpu.memory_space<hbm>>) target(%arg28 : memref<128x16xf32, #tpu.memory_space<vmem>>) offsets(%arg16 : memref<128xi32, #tpu.memory_space<vmem>>) semaphore(%arg46 : memref<!tpu.dma_semaphore, #tpu.memory_space<semaphore_mem>>)
      %add3A_215 = arith.constant 4 : i32
      %add3A_216 = arith.addi %add3A_169, %add3A_215 : i32
      %add3A_217 = arith.addi %mul3A_2, %add3A_216 : i32
      %mul3A_218 = arith.constant 128 : i32
      %mul3A_219 = arith.muli %add3A_217, %mul3A_218 : i32
      %multiple_of3A_220 = tpu.assume_multiple %mul3A_219, 8 : i32
      %dma_start3A_221 = tpu.memref_slice %arg4[%multiple_of3A_220] : memref<320000xi32, #tpu.memory_space<hbm>> -> memref<128xi32, #tpu.memory_space<hbm>>
      %dma_start3A_222 = tpu.memref_slice %arg4[%multiple_of3A_220] : memref<320000xi32, #tpu.memory_space<hbm>> -> memref<128xi32, #tpu.memory_space<hbm>>
      tpu.enqueue_dma source(%dma_start3A_222 : memref<128xi32, #tpu.memory_space<hbm>>) target(%arg12 : memref<128xi32, #tpu.memory_space<vmem>>) target_semaphore(%arg42 : memref<!tpu.dma_semaphore, #tpu.memory_space<semaphore_mem>>)
      %dma_start3A_223 = tpu.memref_slice %arg5[%multiple_of3A_220] : memref<320000xi32, #tpu.memory_space<hbm>> -> memref<128xi32, #tpu.memory_space<hbm>>
      %dma_start3A_224 = tpu.memref_slice %arg5[%multiple_of3A_220] : memref<320000xi32, #tpu.memory_space<hbm>> -> memref<128xi32, #tpu.memory_space<hbm>>
      tpu.enqueue_dma source(%dma_start3A_224 : memref<128xi32, #tpu.memory_space<hbm>>) target(%arg18 : memref<128xi32, #tpu.memory_space<vmem>>) target_semaphore(%arg42 : memref<!tpu.dma_semaphore, #tpu.memory_space<semaphore_mem>>)
      %mul3A_225 = arith.constant 6 : i32
      %mul3A_226 = arith.muli %scan3A_108, %mul3A_225 : i32
      %add3A_227 = arith.constant 2 : i32
      %add3A_228 = arith.addi %mul3A_226, %add3A_227 : i32
      %dma_wait3A_229 = arith.constant 0 : i32
      %dma_wait3A_230 = arith.constant 0 : i32
      %dma_wait3A_231 = tpu.memref_slice %arg2[%dma_wait3A_229, %dma_wait3A_230] : memref<10000x16xf32, #tpu.memory_space<hbm>> -> memref<10000x16xf32, #tpu.memory_space<hbm>>
      tpu.wait_indirect_dma semaphore(%arg45 : memref<!tpu.dma_semaphore, #tpu.memory_space<semaphore_mem>>) src(%dma_wait3A_231 : memref<10000x16xf32, #tpu.memory_space<hbm>>) dst(%arg21 : memref<128x16xf32, #tpu.memory_space<vmem>>)
      %dma_wait3A_232 = arith.constant 0 : i32
      %dma_wait3A_233 = arith.constant 0 : i32
      %dma_wait3A_234 = tpu.memref_slice %arg3[%dma_wait3A_232, %dma_wait3A_233] : memref<10000x16xf32, #tpu.memory_space<hbm>> -> memref<10000x16xf32, #tpu.memory_space<hbm>>
      tpu.wait_indirect_dma semaphore(%arg45 : memref<!tpu.dma_semaphore, #tpu.memory_space<semaphore_mem>>) src(%dma_wait3A_234 : memref<10000x16xf32, #tpu.memory_space<hbm>>) dst(%arg27 : memref<128x16xf32, #tpu.memory_space<vmem>>)
      %gt3A_235 = arith.constant 0 : i32
      %gt3A_236 = arith.cmpi sgt, %scan3A_108, %gt3A_235 : i32
      %convert_element_type3A_237 = arith.extui %gt3A_236 : i1 to i32
      %cond3A_238 = arith.constant 0 : i32
      %cond3A_239 = arith.cmpi ne, %convert_element_type3A_237, %cond3A_238 : i32
      scf.if %cond3A_239 {
        %dma_wait3A_424 = arith.constant 0 : i32
        %dma_wait3A_425 = arith.constant 0 : i32
        %dma_wait3A_426 = tpu.memref_slice %arg6[%dma_wait3A_424, %dma_wait3A_425] : memref<16x320000xf32, #tpu.memory_space<hbm>> -> memref<16x128xf32, #tpu.memory_space<hbm>>
        %dma_wait3A_427 = arith.constant 0 : i32
        %dma_wait3A_428 = arith.constant 0 : i32
        %dma_wait3A_429 = tpu.memref_slice %arg6[%dma_wait3A_427, %dma_wait3A_428] : memref<16x320000xf32, #tpu.memory_space<hbm>> -> memref<16x128xf32, #tpu.memory_space<hbm>>
        tpu.wait_dma2 semaphore(%arg51 : memref<!tpu.dma_semaphore, #tpu.memory_space<semaphore_mem>>) src(%arg33 : memref<16x128xf32, #tpu.memory_space<vmem>>) dst(%dma_wait3A_429 : memref<16x128xf32, #tpu.memory_space<hbm>>)
      } else {
      }
      %broadcast_in_dim3A_240 = arith.constant 0 : i32
      %broadcast_in_dim3A_241 = vector.broadcast %broadcast_in_dim3A_240 : i32 to vector<16xi32>
      %iota3A_242 = tpu.iota {dimensions = array<i32: 0>} : vector<16xi32>
      %mul3A_243 = arith.constant 128 : i32
      %mul3A_244 = vector.broadcast %mul3A_243 : i32 to vector<16xi32>
      %mul3A_245 = arith.muli %iota3A_242, %mul3A_244 : vector<16xi32>
      %scan3A_246 = arith.constant 0 : i32
      %scan3A_247 = arith.constant 32 : i32
      %scan3A_248 = arith.addi %scan3A_246, %scan3A_247 : i32
      %scan3A_249 = arith.constant 1 : i32
      %scan3A_250 = scf.for %scan3A_424 = %scan3A_246 to %scan3A_248 step %scan3A_249 iter_args(%scan3A_425 = %mul3A_245) -> (vector<16xi32>)  : i32 {
        %mul3A_426 = arith.constant 4 : i32
        %mul3A_427 = arith.muli %scan3A_424, %mul3A_426 : i32
        %add3A_428 = arith.constant 0 : i32
        %add3A_429 = arith.addi %mul3A_427, %add3A_428 : i32
        %get3A = arith.index_cast %add3A_429 : i32 to index
        %get3A_430 = arith.constant 0 : index
        %get3A_431 = tpu.vector_load %arg21[%get3A, %get3A_430] {strides = array<i32>} : memref<128x16xf32, #tpu.memory_space<vmem>>, vector<16xf32>,
        %get3A_432 = arith.index_cast %add3A_429 : i32 to index
        %get3A_433 = arith.constant 0 : index
        %get3A_434 = tpu.vector_load %arg27[%get3A_432, %get3A_433] {strides = array<i32>} : memref<128x16xf32, #tpu.memory_space<vmem>>, vector<16xf32>,
        %add3A_435 = arith.addf %get3A_431, %get3A_434 : vector<16xf32>
        %max3A = arith.constant 0.000000e+00 : f32
        %max3A_436 = vector.broadcast %max3A : f32 to vector<16xf32>
        %max3A_437 = arith.maximumf %add3A_435, %max3A_436 : vector<16xf32>
        tpu.vector_store_idx %arg33[%broadcast_in_dim3A_241, %scan3A_425], %max3A_437 : memref<16x128xf32, #tpu.memory_space<vmem>>[vector<16xi32>, vector<16xi32>], vector<16xf32>,
        %add3A_438 = arith.constant 1 : i32
        %add3A_439 = vector.broadcast %add3A_438 : i32 to vector<16xi32>
        %add3A_440 = arith.addi %scan3A_425, %add3A_439 : vector<16xi32>
        %mul3A_441 = arith.constant 4 : i32
        %mul3A_442 = arith.muli %scan3A_424, %mul3A_441 : i32
        %add3A_443 = arith.constant 1 : i32
        %add3A_444 = arith.addi %mul3A_442, %add3A_443 : i32
        %get3A_445 = arith.index_cast %add3A_444 : i32 to index
        %get3A_446 = arith.constant 0 : index
        %get3A_447 = tpu.vector_load %arg21[%get3A_445, %get3A_446] {strides = array<i32>} : memref<128x16xf32, #tpu.memory_space<vmem>>, vector<16xf32>,
        %get3A_448 = arith.index_cast %add3A_444 : i32 to index
        %get3A_449 = arith.constant 0 : index
        %get3A_450 = tpu.vector_load %arg27[%get3A_448, %get3A_449] {strides = array<i32>} : memref<128x16xf32, #tpu.memory_space<vmem>>, vector<16xf32>,
        %add3A_451 = arith.addf %get3A_447, %get3A_450 : vector<16xf32>
        %max3A_452 = arith.constant 0.000000e+00 : f32
        %max3A_453 = vector.broadcast %max3A_452 : f32 to vector<16xf32>
        %max3A_454 = arith.maximumf %add3A_451, %max3A_453 : vector<16xf32>
        tpu.vector_store_idx %arg33[%broadcast_in_dim3A_241, %add3A_440], %max3A_454 : memref<16x128xf32, #tpu.memory_space<vmem>>[vector<16xi32>, vector<16xi32>], vector<16xf32>,
        %add3A_455 = arith.constant 1 : i32
        %add3A_456 = vector.broadcast %add3A_455 : i32 to vector<16xi32>
        %add3A_457 = arith.addi %add3A_440, %add3A_456 : vector<16xi32>
        %mul3A_458 = arith.constant 4 : i32
        %mul3A_459 = arith.muli %scan3A_424, %mul3A_458 : i32
        %add3A_460 = arith.constant 2 : i32
        %add3A_461 = arith.addi %mul3A_459, %add3A_460 : i32
        %get3A_462 = arith.index_cast %add3A_461 : i32 to index
        %get3A_463 = arith.constant 0 : index
        %get3A_464 = tpu.vector_load %arg21[%get3A_462, %get3A_463] {strides = array<i32>} : memref<128x16xf32, #tpu.memory_space<vmem>>, vector<16xf32>,
        %get3A_465 = arith.index_cast %add3A_461 : i32 to index
        %get3A_466 = arith.constant 0 : index
        %get3A_467 = tpu.vector_load %arg27[%get3A_465, %get3A_466] {strides = array<i32>} : memref<128x16xf32, #tpu.memory_space<vmem>>, vector<16xf32>,
        %add3A_468 = arith.addf %get3A_464, %get3A_467 : vector<16xf32>
        %max3A_469 = arith.constant 0.000000e+00 : f32
        %max3A_470 = vector.broadcast %max3A_469 : f32 to vector<16xf32>
        %max3A_471 = arith.maximumf %add3A_468, %max3A_470 : vector<16xf32>
        tpu.vector_store_idx %arg33[%broadcast_in_dim3A_241, %add3A_457], %max3A_471 : memref<16x128xf32, #tpu.memory_space<vmem>>[vector<16xi32>, vector<16xi32>], vector<16xf32>,
        %add3A_472 = arith.constant 1 : i32
        %add3A_473 = vector.broadcast %add3A_472 : i32 to vector<16xi32>
        %add3A_474 = arith.addi %add3A_457, %add3A_473 : vector<16xi32>
        %mul3A_475 = arith.constant 4 : i32
        %mul3A_476 = arith.muli %scan3A_424, %mul3A_475 : i32
        %add3A_477 = arith.constant 3 : i32
        %add3A_478 = arith.addi %mul3A_476, %add3A_477 : i32
        %get3A_479 = arith.index_cast %add3A_478 : i32 to index
        %get3A_480 = arith.constant 0 : index
        %get3A_481 = tpu.vector_load %arg21[%get3A_479, %get3A_480] {strides = array<i32>} : memref<128x16xf32, #tpu.memory_space<vmem>>, vector<16xf32>,
        %get3A_482 = arith.index_cast %add3A_478 : i32 to index
        %get3A_483 = arith.constant 0 : index
        %get3A_484 = tpu.vector_load %arg27[%get3A_482, %get3A_483] {strides = array<i32>} : memref<128x16xf32, #tpu.memory_space<vmem>>, vector<16xf32>,
        %add3A_485 = arith.addf %get3A_481, %get3A_484 : vector<16xf32>
        %max3A_486 = arith.constant 0.000000e+00 : f32
        %max3A_487 = vector.broadcast %max3A_486 : f32 to vector<16xf32>
        %max3A_488 = arith.maximumf %add3A_485, %max3A_487 : vector<16xf32>
        tpu.vector_store_idx %arg33[%broadcast_in_dim3A_241, %add3A_474], %max3A_488 : memref<16x128xf32, #tpu.memory_space<vmem>>[vector<16xi32>, vector<16xi32>], vector<16xf32>,
        %add3A_489 = arith.constant 1 : i32
        %add3A_490 = vector.broadcast %add3A_489 : i32 to vector<16xi32>
        %add3A_491 = arith.addi %add3A_474, %add3A_490 : vector<16xi32>
        scf.yield %add3A_491 : vector<16xi32>
      }
      %scan3A_251 = arith.constant 32 : i32
      %add3A_252 = arith.addi %mul3A_2, %add3A_228 : i32
      %mul3A_253 = arith.constant 128 : i32
      %mul3A_254 = arith.muli %add3A_252, %mul3A_253 : i32
      %multiple_of3A_255 = tpu.assume_multiple %mul3A_254, 8 : i32
      %dma_start3A_256 = arith.constant 0 : i32
      %dma_start3A_257 = tpu.memref_slice %arg6[%dma_start3A_256, %multiple_of3A_255] : memref<16x320000xf32, #tpu.memory_space<hbm>> -> memref<16x128xf32, #tpu.memory_space<hbm>>
      %dma_start3A_258 = arith.constant 0 : i32
      %dma_start3A_259 = tpu.memref_slice %arg6[%dma_start3A_258, %multiple_of3A_255] : memref<16x320000xf32, #tpu.memory_space<hbm>> -> memref<16x128xf32, #tpu.memory_space<hbm>>
      tpu.enqueue_dma source(%arg33 : memref<16x128xf32, #tpu.memory_space<vmem>>) target(%dma_start3A_259 : memref<16x128xf32, #tpu.memory_space<hbm>>) target_semaphore(%arg51 : memref<!tpu.dma_semaphore, #tpu.memory_space<semaphore_mem>>)
      %dma_wait3A_260 = arith.constant 0 : i32
      %dma_wait3A_261 = tpu.memref_slice %arg4[%dma_wait3A_260] : memref<320000xi32, #tpu.memory_space<hbm>> -> memref<128xi32, #tpu.memory_space<hbm>>
      %dma_wait3A_262 = arith.constant 0 : i32
      %dma_wait3A_263 = tpu.memref_slice %arg4[%dma_wait3A_262] : memref<320000xi32, #tpu.memory_space<hbm>> -> memref<128xi32, #tpu.memory_space<hbm>>
      tpu.wait_dma2 semaphore(%arg41 : memref<!tpu.dma_semaphore, #tpu.memory_space<semaphore_mem>>) src(%dma_wait3A_263 : memref<128xi32, #tpu.memory_space<hbm>>) dst(%arg11 : memref<128xi32, #tpu.memory_space<vmem>>)
      %dma_wait3A_264 = arith.constant 0 : i32
      %dma_wait3A_265 = tpu.memref_slice %arg5[%dma_wait3A_264] : memref<320000xi32, #tpu.memory_space<hbm>> -> memref<128xi32, #tpu.memory_space<hbm>>
      %dma_wait3A_266 = arith.constant 0 : i32
      %dma_wait3A_267 = tpu.memref_slice %arg5[%dma_wait3A_266] : memref<320000xi32, #tpu.memory_space<hbm>> -> memref<128xi32, #tpu.memory_space<hbm>>
      tpu.wait_dma2 semaphore(%arg41 : memref<!tpu.dma_semaphore, #tpu.memory_space<semaphore_mem>>) src(%dma_wait3A_267 : memref<128xi32, #tpu.memory_space<hbm>>) dst(%arg17 : memref<128xi32, #tpu.memory_space<vmem>>)
      %dma_start3A_268 = arith.constant 0 : i32
      %dma_start3A_269 = arith.constant 0 : i32
      %dma_start3A_270 = tpu.memref_slice %arg2[%dma_start3A_268, %dma_start3A_269] : memref<10000x16xf32, #tpu.memory_space<hbm>> -> memref<10000x16xf32, #tpu.memory_space<hbm>>
      tpu.enqueue_indirect_dma source(%dma_start3A_270 : memref<10000x16xf32, #tpu.memory_space<hbm>>) target(%arg23 : memref<128x16xf32, #tpu.memory_space<vmem>>) offsets(%arg11 : memref<128xi32, #tpu.memory_space<vmem>>) semaphore(%arg47 : memref<!tpu.dma_semaphore, #tpu.memory_space<semaphore_mem>>)
      %dma_start3A_271 = arith.constant 0 : i32
      %dma_start3A_272 = arith.constant 0 : i32
      %dma_start3A_273 = tpu.memref_slice %arg3[%dma_start3A_271, %dma_start3A_272] : memref<10000x16xf32, #tpu.memory_space<hbm>> -> memref<10000x16xf32, #tpu.memory_space<hbm>>
      tpu.enqueue_indirect_dma source(%dma_start3A_273 : memref<10000x16xf32, #tpu.memory_space<hbm>>) target(%arg29 : memref<128x16xf32, #tpu.memory_space<vmem>>) offsets(%arg17 : memref<128xi32, #tpu.memory_space<vmem>>) semaphore(%arg47 : memref<!tpu.dma_semaphore, #tpu.memory_space<semaphore_mem>>)
      %lt3A_274 = arith.constant 12 : i32
      %lt3A_275 = arith.cmpi slt, %scan3A_108, %lt3A_274 : i32
      %convert_element_type3A_276 = arith.extui %lt3A_275 : i1 to i32
      %cond3A_277 = arith.constant 0 : i32
      %cond3A_278 = arith.cmpi ne, %convert_element_type3A_276, %cond3A_277 : i32
      scf.if %cond3A_278 {
        %add3A_424 = arith.constant 4 : i32
        %add3A_425 = arith.addi %add3A_228, %add3A_424 : i32
        %add3A_426 = arith.addi %mul3A_2, %add3A_425 : i32
        %mul3A_427 = arith.constant 128 : i32
        %mul3A_428 = arith.muli %add3A_426, %mul3A_427 : i32
        %multiple_of3A_429 = tpu.assume_multiple %mul3A_428, 8 : i32
        %dma_start3A_430 = tpu.memref_slice %arg4[%multiple_of3A_429] : memref<320000xi32, #tpu.memory_space<hbm>> -> memref<128xi32, #tpu.memory_space<hbm>>
        %dma_start3A_431 = tpu.memref_slice %arg4[%multiple_of3A_429] : memref<320000xi32, #tpu.memory_space<hbm>> -> memref<128xi32, #tpu.memory_space<hbm>>
        tpu.enqueue_dma source(%dma_start3A_431 : memref<128xi32, #tpu.memory_space<hbm>>) target(%arg7 : memref<128xi32, #tpu.memory_space<vmem>>) target_semaphore(%arg37 : memref<!tpu.dma_semaphore, #tpu.memory_space<semaphore_mem>>)
        %dma_start3A_432 = tpu.memref_slice %arg5[%multiple_of3A_429] : memref<320000xi32, #tpu.memory_space<hbm>> -> memref<128xi32, #tpu.memory_space<hbm>>
        %dma_start3A_433 = tpu.memref_slice %arg5[%multiple_of3A_429] : memref<320000xi32, #tpu.memory_space<hbm>> -> memref<128xi32, #tpu.memory_space<hbm>>
        tpu.enqueue_dma source(%dma_start3A_433 : memref<128xi32, #tpu.memory_space<hbm>>) target(%arg13 : memref<128xi32, #tpu.memory_space<vmem>>) target_semaphore(%arg37 : memref<!tpu.dma_semaphore, #tpu.memory_space<semaphore_mem>>)
      } else {
      }
      %mul3A_279 = arith.constant 6 : i32
      %mul3A_280 = arith.muli %scan3A_108, %mul3A_279 : i32
      %add3A_281 = arith.constant 3 : i32
      %add3A_282 = arith.addi %mul3A_280, %add3A_281 : i32
      %dma_wait3A_283 = arith.constant 0 : i32
      %dma_wait3A_284 = arith.constant 0 : i32
      %dma_wait3A_285 = tpu.memref_slice %arg2[%dma_wait3A_283, %dma_wait3A_284] : memref<10000x16xf32, #tpu.memory_space<hbm>> -> memref<10000x16xf32, #tpu.memory_space<hbm>>
      tpu.wait_indirect_dma semaphore(%arg46 : memref<!tpu.dma_semaphore, #tpu.memory_space<semaphore_mem>>) src(%dma_wait3A_285 : memref<10000x16xf32, #tpu.memory_space<hbm>>) dst(%arg22 : memref<128x16xf32, #tpu.memory_space<vmem>>)
      %dma_wait3A_286 = arith.constant 0 : i32
      %dma_wait3A_287 = arith.constant 0 : i32
      %dma_wait3A_288 = tpu.memref_slice %arg3[%dma_wait3A_286, %dma_wait3A_287] : memref<10000x16xf32, #tpu.memory_space<hbm>> -> memref<10000x16xf32, #tpu.memory_space<hbm>>
      tpu.wait_indirect_dma semaphore(%arg46 : memref<!tpu.dma_semaphore, #tpu.memory_space<semaphore_mem>>) src(%dma_wait3A_288 : memref<10000x16xf32, #tpu.memory_space<hbm>>) dst(%arg28 : memref<128x16xf32, #tpu.memory_space<vmem>>)
      %gt3A_289 = arith.constant 0 : i32
      %gt3A_290 = arith.cmpi sgt, %scan3A_108, %gt3A_289 : i32
      %convert_element_type3A_291 = arith.extui %gt3A_290 : i1 to i32
      %cond3A_292 = arith.constant 0 : i32
      %cond3A_293 = arith.cmpi ne, %convert_element_type3A_291, %cond3A_292 : i32
      scf.if %cond3A_293 {
        %dma_wait3A_424 = arith.constant 0 : i32
        %dma_wait3A_425 = arith.constant 0 : i32
        %dma_wait3A_426 = tpu.memref_slice %arg6[%dma_wait3A_424, %dma_wait3A_425] : memref<16x320000xf32, #tpu.memory_space<hbm>> -> memref<16x128xf32, #tpu.memory_space<hbm>>
        %dma_wait3A_427 = arith.constant 0 : i32
        %dma_wait3A_428 = arith.constant 0 : i32
        %dma_wait3A_429 = tpu.memref_slice %arg6[%dma_wait3A_427, %dma_wait3A_428] : memref<16x320000xf32, #tpu.memory_space<hbm>> -> memref<16x128xf32, #tpu.memory_space<hbm>>
        tpu.wait_dma2 semaphore(%arg52 : memref<!tpu.dma_semaphore, #tpu.memory_space<semaphore_mem>>) src(%arg34 : memref<16x128xf32, #tpu.memory_space<vmem>>) dst(%dma_wait3A_429 : memref<16x128xf32, #tpu.memory_space<hbm>>)
      } else {
      }
      %broadcast_in_dim3A_294 = arith.constant 0 : i32
      %broadcast_in_dim3A_295 = vector.broadcast %broadcast_in_dim3A_294 : i32 to vector<16xi32>
      %iota3A_296 = tpu.iota {dimensions = array<i32: 0>} : vector<16xi32>
      %mul3A_297 = arith.constant 128 : i32
      %mul3A_298 = vector.broadcast %mul3A_297 : i32 to vector<16xi32>
      %mul3A_299 = arith.muli %iota3A_296, %mul3A_298 : vector<16xi32>
      %scan3A_300 = arith.constant 0 : i32
      %scan3A_301 = arith.constant 32 : i32
      %scan3A_302 = arith.addi %scan3A_300, %scan3A_301 : i32
      %scan3A_303 = arith.constant 1 : i32
      %scan3A_304 = scf.for %scan3A_424 = %scan3A_300 to %scan3A_302 step %scan3A_303 iter_args(%scan3A_425 = %mul3A_299) -> (vector<16xi32>)  : i32 {
        %mul3A_426 = arith.constant 4 : i32
        %mul3A_427 = arith.muli %scan3A_424, %mul3A_426 : i32
        %add3A_428 = arith.constant 0 : i32
        %add3A_429 = arith.addi %mul3A_427, %add3A_428 : i32
        %get3A = arith.index_cast %add3A_429 : i32 to index
        %get3A_430 = arith.constant 0 : index
        %get3A_431 = tpu.vector_load %arg22[%get3A, %get3A_430] {strides = array<i32>} : memref<128x16xf32, #tpu.memory_space<vmem>>, vector<16xf32>,
        %get3A_432 = arith.index_cast %add3A_429 : i32 to index
        %get3A_433 = arith.constant 0 : index
        %get3A_434 = tpu.vector_load %arg28[%get3A_432, %get3A_433] {strides = array<i32>} : memref<128x16xf32, #tpu.memory_space<vmem>>, vector<16xf32>,
        %add3A_435 = arith.addf %get3A_431, %get3A_434 : vector<16xf32>
        %max3A = arith.constant 0.000000e+00 : f32
        %max3A_436 = vector.broadcast %max3A : f32 to vector<16xf32>
        %max3A_437 = arith.maximumf %add3A_435, %max3A_436 : vector<16xf32>
        tpu.vector_store_idx %arg34[%broadcast_in_dim3A_295, %scan3A_425], %max3A_437 : memref<16x128xf32, #tpu.memory_space<vmem>>[vector<16xi32>, vector<16xi32>], vector<16xf32>,
        %add3A_438 = arith.constant 1 : i32
        %add3A_439 = vector.broadcast %add3A_438 : i32 to vector<16xi32>
        %add3A_440 = arith.addi %scan3A_425, %add3A_439 : vector<16xi32>
        %mul3A_441 = arith.constant 4 : i32
        %mul3A_442 = arith.muli %scan3A_424, %mul3A_441 : i32
        %add3A_443 = arith.constant 1 : i32
        %add3A_444 = arith.addi %mul3A_442, %add3A_443 : i32
        %get3A_445 = arith.index_cast %add3A_444 : i32 to index
        %get3A_446 = arith.constant 0 : index
        %get3A_447 = tpu.vector_load %arg22[%get3A_445, %get3A_446] {strides = array<i32>} : memref<128x16xf32, #tpu.memory_space<vmem>>, vector<16xf32>,
        %get3A_448 = arith.index_cast %add3A_444 : i32 to index
        %get3A_449 = arith.constant 0 : index
        %get3A_450 = tpu.vector_load %arg28[%get3A_448, %get3A_449] {strides = array<i32>} : memref<128x16xf32, #tpu.memory_space<vmem>>, vector<16xf32>,
        %add3A_451 = arith.addf %get3A_447, %get3A_450 : vector<16xf32>
        %max3A_452 = arith.constant 0.000000e+00 : f32
        %max3A_453 = vector.broadcast %max3A_452 : f32 to vector<16xf32>
        %max3A_454 = arith.maximumf %add3A_451, %max3A_453 : vector<16xf32>
        tpu.vector_store_idx %arg34[%broadcast_in_dim3A_295, %add3A_440], %max3A_454 : memref<16x128xf32, #tpu.memory_space<vmem>>[vector<16xi32>, vector<16xi32>], vector<16xf32>,
        %add3A_455 = arith.constant 1 : i32
        %add3A_456 = vector.broadcast %add3A_455 : i32 to vector<16xi32>
        %add3A_457 = arith.addi %add3A_440, %add3A_456 : vector<16xi32>
        %mul3A_458 = arith.constant 4 : i32
        %mul3A_459 = arith.muli %scan3A_424, %mul3A_458 : i32
        %add3A_460 = arith.constant 2 : i32
        %add3A_461 = arith.addi %mul3A_459, %add3A_460 : i32
        %get3A_462 = arith.index_cast %add3A_461 : i32 to index
        %get3A_463 = arith.constant 0 : index
        %get3A_464 = tpu.vector_load %arg22[%get3A_462, %get3A_463] {strides = array<i32>} : memref<128x16xf32, #tpu.memory_space<vmem>>, vector<16xf32>,
        %get3A_465 = arith.index_cast %add3A_461 : i32 to index
        %get3A_466 = arith.constant 0 : index
        %get3A_467 = tpu.vector_load %arg28[%get3A_465, %get3A_466] {strides = array<i32>} : memref<128x16xf32, #tpu.memory_space<vmem>>, vector<16xf32>,
        %add3A_468 = arith.addf %get3A_464, %get3A_467 : vector<16xf32>
        %max3A_469 = arith.constant 0.000000e+00 : f32
        %max3A_470 = vector.broadcast %max3A_469 : f32 to vector<16xf32>
        %max3A_471 = arith.maximumf %add3A_468, %max3A_470 : vector<16xf32>
        tpu.vector_store_idx %arg34[%broadcast_in_dim3A_295, %add3A_457], %max3A_471 : memref<16x128xf32, #tpu.memory_space<vmem>>[vector<16xi32>, vector<16xi32>], vector<16xf32>,
        %add3A_472 = arith.constant 1 : i32
        %add3A_473 = vector.broadcast %add3A_472 : i32 to vector<16xi32>
        %add3A_474 = arith.addi %add3A_457, %add3A_473 : vector<16xi32>
        %mul3A_475 = arith.constant 4 : i32
        %mul3A_476 = arith.muli %scan3A_424, %mul3A_475 : i32
        %add3A_477 = arith.constant 3 : i32
        %add3A_478 = arith.addi %mul3A_476, %add3A_477 : i32
        %get3A_479 = arith.index_cast %add3A_478 : i32 to index
        %get3A_480 = arith.constant 0 : index
        %get3A_481 = tpu.vector_load %arg22[%get3A_479, %get3A_480] {strides = array<i32>} : memref<128x16xf32, #tpu.memory_space<vmem>>, vector<16xf32>,
        %get3A_482 = arith.index_cast %add3A_478 : i32 to index
        %get3A_483 = arith.constant 0 : index
        %get3A_484 = tpu.vector_load %arg28[%get3A_482, %get3A_483] {strides = array<i32>} : memref<128x16xf32, #tpu.memory_space<vmem>>, vector<16xf32>,
        %add3A_485 = arith.addf %get3A_481, %get3A_484 : vector<16xf32>
        %max3A_486 = arith.constant 0.000000e+00 : f32
        %max3A_487 = vector.broadcast %max3A_486 : f32 to vector<16xf32>
        %max3A_488 = arith.maximumf %add3A_485, %max3A_487 : vector<16xf32>
        tpu.vector_store_idx %arg34[%broadcast_in_dim3A_295, %add3A_474], %max3A_488 : memref<16x128xf32, #tpu.memory_space<vmem>>[vector<16xi32>, vector<16xi32>], vector<16xf32>,
        %add3A_489 = arith.constant 1 : i32
        %add3A_490 = vector.broadcast %add3A_489 : i32 to vector<16xi32>
        %add3A_491 = arith.addi %add3A_474, %add3A_490 : vector<16xi32>
        scf.yield %add3A_491 : vector<16xi32>
      }
      %scan3A_305 = arith.constant 32 : i32
      %add3A_306 = arith.addi %mul3A_2, %add3A_282 : i32
      %mul3A_307 = arith.constant 128 : i32
      %mul3A_308 = arith.muli %add3A_306, %mul3A_307 : i32
      %multiple_of3A_309 = tpu.assume_multiple %mul3A_308, 8 : i32
      %dma_start3A_310 = arith.constant 0 : i32
      %dma_start3A_311 = tpu.memref_slice %arg6[%dma_start3A_310, %multiple_of3A_309] : memref<16x320000xf32, #tpu.memory_space<hbm>> -> memref<16x128xf32, #tpu.memory_space<hbm>>
      %dma_start3A_312 = arith.constant 0 : i32
      %dma_start3A_313 = tpu.memref_slice %arg6[%dma_start3A_312, %multiple_of3A_309] : memref<16x320000xf32, #tpu.memory_space<hbm>> -> memref<16x128xf32, #tpu.memory_space<hbm>>
      tpu.enqueue_dma source(%arg34 : memref<16x128xf32, #tpu.memory_space<vmem>>) target(%dma_start3A_313 : memref<16x128xf32, #tpu.memory_space<hbm>>) target_semaphore(%arg52 : memref<!tpu.dma_semaphore, #tpu.memory_space<semaphore_mem>>)
      %dma_wait3A_314 = arith.constant 0 : i32
      %dma_wait3A_315 = tpu.memref_slice %arg4[%dma_wait3A_314] : memref<320000xi32, #tpu.memory_space<hbm>> -> memref<128xi32, #tpu.memory_space<hbm>>
      %dma_wait3A_316 = arith.constant 0 : i32
      %dma_wait3A_317 = tpu.memref_slice %arg4[%dma_wait3A_316] : memref<320000xi32, #tpu.memory_space<hbm>> -> memref<128xi32, #tpu.memory_space<hbm>>
      tpu.wait_dma2 semaphore(%arg42 : memref<!tpu.dma_semaphore, #tpu.memory_space<semaphore_mem>>) src(%dma_wait3A_317 : memref<128xi32, #tpu.memory_space<hbm>>) dst(%arg12 : memref<128xi32, #tpu.memory_space<vmem>>)
      %dma_wait3A_318 = arith.constant 0 : i32
      %dma_wait3A_319 = tpu.memref_slice %arg5[%dma_wait3A_318] : memref<320000xi32, #tpu.memory_space<hbm>> -> memref<128xi32, #tpu.memory_space<hbm>>
      %dma_wait3A_320 = arith.constant 0 : i32
      %dma_wait3A_321 = tpu.memref_slice %arg5[%dma_wait3A_320] : memref<320000xi32, #tpu.memory_space<hbm>> -> memref<128xi32, #tpu.memory_space<hbm>>
      tpu.wait_dma2 semaphore(%arg42 : memref<!tpu.dma_semaphore, #tpu.memory_space<semaphore_mem>>) src(%dma_wait3A_321 : memref<128xi32, #tpu.memory_space<hbm>>) dst(%arg18 : memref<128xi32, #tpu.memory_space<vmem>>)
      %dma_start3A_322 = arith.constant 0 : i32
      %dma_start3A_323 = arith.constant 0 : i32
      %dma_start3A_324 = tpu.memref_slice %arg2[%dma_start3A_322, %dma_start3A_323] : memref<10000x16xf32, #tpu.memory_space<hbm>> -> memref<10000x16xf32, #tpu.memory_space<hbm>>
      tpu.enqueue_indirect_dma source(%dma_start3A_324 : memref<10000x16xf32, #tpu.memory_space<hbm>>) target(%arg24 : memref<128x16xf32, #tpu.memory_space<vmem>>) offsets(%arg12 : memref<128xi32, #tpu.memory_space<vmem>>) semaphore(%arg48 : memref<!tpu.dma_semaphore, #tpu.memory_space<semaphore_mem>>)
      %dma_start3A_325 = arith.constant 0 : i32
      %dma_start3A_326 = arith.constant 0 : i32
      %dma_start3A_327 = tpu.memref_slice %arg3[%dma_start3A_325, %dma_start3A_326] : memref<10000x16xf32, #tpu.memory_space<hbm>> -> memref<10000x16xf32, #tpu.memory_space<hbm>>
      tpu.enqueue_indirect_dma source(%dma_start3A_327 : memref<10000x16xf32, #tpu.memory_space<hbm>>) target(%arg30 : memref<128x16xf32, #tpu.memory_space<vmem>>) offsets(%arg18 : memref<128xi32, #tpu.memory_space<vmem>>) semaphore(%arg48 : memref<!tpu.dma_semaphore, #tpu.memory_space<semaphore_mem>>)
      %lt3A_328 = arith.constant 12 : i32
      %lt3A_329 = arith.cmpi slt, %scan3A_108, %lt3A_328 : i32
      %convert_element_type3A_330 = arith.extui %lt3A_329 : i1 to i32
      %cond3A_331 = arith.constant 0 : i32
      %cond3A_332 = arith.cmpi ne, %convert_element_type3A_330, %cond3A_331 : i32
      scf.if %cond3A_332 {
        %add3A_424 = arith.constant 4 : i32
        %add3A_425 = arith.addi %add3A_282, %add3A_424 : i32
        %add3A_426 = arith.addi %mul3A_2, %add3A_425 : i32
        %mul3A_427 = arith.constant 128 : i32
        %mul3A_428 = arith.muli %add3A_426, %mul3A_427 : i32
        %multiple_of3A_429 = tpu.assume_multiple %mul3A_428, 8 : i32
        %dma_start3A_430 = tpu.memref_slice %arg4[%multiple_of3A_429] : memref<320000xi32, #tpu.memory_space<hbm>> -> memref<128xi32, #tpu.memory_space<hbm>>
        %dma_start3A_431 = tpu.memref_slice %arg4[%multiple_of3A_429] : memref<320000xi32, #tpu.memory_space<hbm>> -> memref<128xi32, #tpu.memory_space<hbm>>
        tpu.enqueue_dma source(%dma_start3A_431 : memref<128xi32, #tpu.memory_space<hbm>>) target(%arg8 : memref<128xi32, #tpu.memory_space<vmem>>) target_semaphore(%arg38 : memref<!tpu.dma_semaphore, #tpu.memory_space<semaphore_mem>>)
        %dma_start3A_432 = tpu.memref_slice %arg5[%multiple_of3A_429] : memref<320000xi32, #tpu.memory_space<hbm>> -> memref<128xi32, #tpu.memory_space<hbm>>
        %dma_start3A_433 = tpu.memref_slice %arg5[%multiple_of3A_429] : memref<320000xi32, #tpu.memory_space<hbm>> -> memref<128xi32, #tpu.memory_space<hbm>>
        tpu.enqueue_dma source(%dma_start3A_433 : memref<128xi32, #tpu.memory_space<hbm>>) target(%arg14 : memref<128xi32, #tpu.memory_space<vmem>>) target_semaphore(%arg38 : memref<!tpu.dma_semaphore, #tpu.memory_space<semaphore_mem>>)
      } else {
      }
      %mul3A_333 = arith.constant 6 : i32
      %mul3A_334 = arith.muli %scan3A_108, %mul3A_333 : i32
      %add3A_335 = arith.constant 4 : i32
      %add3A_336 = arith.addi %mul3A_334, %add3A_335 : i32
      %dma_wait3A_337 = arith.constant 0 : i32
      %dma_wait3A_338 = arith.constant 0 : i32
      %dma_wait3A_339 = tpu.memref_slice %arg2[%dma_wait3A_337, %dma_wait3A_338] : memref<10000x16xf32, #tpu.memory_space<hbm>> -> memref<10000x16xf32, #tpu.memory_space<hbm>>
      tpu.wait_indirect_dma semaphore(%arg47 : memref<!tpu.dma_semaphore, #tpu.memory_space<semaphore_mem>>) src(%dma_wait3A_339 : memref<10000x16xf32, #tpu.memory_space<hbm>>) dst(%arg23 : memref<128x16xf32, #tpu.memory_space<vmem>>)
      %dma_wait3A_340 = arith.constant 0 : i32
      %dma_wait3A_341 = arith.constant 0 : i32
      %dma_wait3A_342 = tpu.memref_slice %arg3[%dma_wait3A_340, %dma_wait3A_341] : memref<10000x16xf32, #tpu.memory_space<hbm>> -> memref<10000x16xf32, #tpu.memory_space<hbm>>
      tpu.wait_indirect_dma semaphore(%arg47 : memref<!tpu.dma_semaphore, #tpu.memory_space<semaphore_mem>>) src(%dma_wait3A_342 : memref<10000x16xf32, #tpu.memory_space<hbm>>) dst(%arg29 : memref<128x16xf32, #tpu.memory_space<vmem>>)
      %gt3A_343 = arith.constant 0 : i32
      %gt3A_344 = arith.cmpi sgt, %scan3A_108, %gt3A_343 : i32
      %convert_element_type3A_345 = arith.extui %gt3A_344 : i1 to i32
      %cond3A_346 = arith.constant 0 : i32
      %cond3A_347 = arith.cmpi ne, %convert_element_type3A_345, %cond3A_346 : i32
      scf.if %cond3A_347 {
        %dma_wait3A_424 = arith.constant 0 : i32
        %dma_wait3A_425 = arith.constant 0 : i32
        %dma_wait3A_426 = tpu.memref_slice %arg6[%dma_wait3A_424, %dma_wait3A_425] : memref<16x320000xf32, #tpu.memory_space<hbm>> -> memref<16x128xf32, #tpu.memory_space<hbm>>
        %dma_wait3A_427 = arith.constant 0 : i32
        %dma_wait3A_428 = arith.constant 0 : i32
        %dma_wait3A_429 = tpu.memref_slice %arg6[%dma_wait3A_427, %dma_wait3A_428] : memref<16x320000xf32, #tpu.memory_space<hbm>> -> memref<16x128xf32, #tpu.memory_space<hbm>>
        tpu.wait_dma2 semaphore(%arg53 : memref<!tpu.dma_semaphore, #tpu.memory_space<semaphore_mem>>) src(%arg35 : memref<16x128xf32, #tpu.memory_space<vmem>>) dst(%dma_wait3A_429 : memref<16x128xf32, #tpu.memory_space<hbm>>)
      } else {
      }
      %broadcast_in_dim3A_348 = arith.constant 0 : i32
      %broadcast_in_dim3A_349 = vector.broadcast %broadcast_in_dim3A_348 : i32 to vector<16xi32>
      %iota3A_350 = tpu.iota {dimensions = array<i32: 0>} : vector<16xi32>
      %mul3A_351 = arith.constant 128 : i32
      %mul3A_352 = vector.broadcast %mul3A_351 : i32 to vector<16xi32>
      %mul3A_353 = arith.muli %iota3A_350, %mul3A_352 : vector<16xi32>
      %scan3A_354 = arith.constant 0 : i32
      %scan3A_355 = arith.constant 32 : i32
      %scan3A_356 = arith.addi %scan3A_354, %scan3A_355 : i32
      %scan3A_357 = arith.constant 1 : i32
      %scan3A_358 = scf.for %scan3A_424 = %scan3A_354 to %scan3A_356 step %scan3A_357 iter_args(%scan3A_425 = %mul3A_353) -> (vector<16xi32>)  : i32 {
        %mul3A_426 = arith.constant 4 : i32
        %mul3A_427 = arith.muli %scan3A_424, %mul3A_426 : i32
        %add3A_428 = arith.constant 0 : i32
        %add3A_429 = arith.addi %mul3A_427, %add3A_428 : i32
        %get3A = arith.index_cast %add3A_429 : i32 to index
        %get3A_430 = arith.constant 0 : index
        %get3A_431 = tpu.vector_load %arg23[%get3A, %get3A_430] {strides = array<i32>} : memref<128x16xf32, #tpu.memory_space<vmem>>, vector<16xf32>,
        %get3A_432 = arith.index_cast %add3A_429 : i32 to index
        %get3A_433 = arith.constant 0 : index
        %get3A_434 = tpu.vector_load %arg29[%get3A_432, %get3A_433] {strides = array<i32>} : memref<128x16xf32, #tpu.memory_space<vmem>>, vector<16xf32>,
        %add3A_435 = arith.addf %get3A_431, %get3A_434 : vector<16xf32>
        %max3A = arith.constant 0.000000e+00 : f32
        %max3A_436 = vector.broadcast %max3A : f32 to vector<16xf32>
        %max3A_437 = arith.maximumf %add3A_435, %max3A_436 : vector<16xf32>
        tpu.vector_store_idx %arg35[%broadcast_in_dim3A_349, %scan3A_425], %max3A_437 : memref<16x128xf32, #tpu.memory_space<vmem>>[vector<16xi32>, vector<16xi32>], vector<16xf32>,
        %add3A_438 = arith.constant 1 : i32
        %add3A_439 = vector.broadcast %add3A_438 : i32 to vector<16xi32>
        %add3A_440 = arith.addi %scan3A_425, %add3A_439 : vector<16xi32>
        %mul3A_441 = arith.constant 4 : i32
        %mul3A_442 = arith.muli %scan3A_424, %mul3A_441 : i32
        %add3A_443 = arith.constant 1 : i32
        %add3A_444 = arith.addi %mul3A_442, %add3A_443 : i32
        %get3A_445 = arith.index_cast %add3A_444 : i32 to index
        %get3A_446 = arith.constant 0 : index
        %get3A_447 = tpu.vector_load %arg23[%get3A_445, %get3A_446] {strides = array<i32>} : memref<128x16xf32, #tpu.memory_space<vmem>>, vector<16xf32>,
        %get3A_448 = arith.index_cast %add3A_444 : i32 to index
        %get3A_449 = arith.constant 0 : index
        %get3A_450 = tpu.vector_load %arg29[%get3A_448, %get3A_449] {strides = array<i32>} : memref<128x16xf32, #tpu.memory_space<vmem>>, vector<16xf32>,
        %add3A_451 = arith.addf %get3A_447, %get3A_450 : vector<16xf32>
        %max3A_452 = arith.constant 0.000000e+00 : f32
        %max3A_453 = vector.broadcast %max3A_452 : f32 to vector<16xf32>
        %max3A_454 = arith.maximumf %add3A_451, %max3A_453 : vector<16xf32>
        tpu.vector_store_idx %arg35[%broadcast_in_dim3A_349, %add3A_440], %max3A_454 : memref<16x128xf32, #tpu.memory_space<vmem>>[vector<16xi32>, vector<16xi32>], vector<16xf32>,
        %add3A_455 = arith.constant 1 : i32
        %add3A_456 = vector.broadcast %add3A_455 : i32 to vector<16xi32>
        %add3A_457 = arith.addi %add3A_440, %add3A_456 : vector<16xi32>
        %mul3A_458 = arith.constant 4 : i32
        %mul3A_459 = arith.muli %scan3A_424, %mul3A_458 : i32
        %add3A_460 = arith.constant 2 : i32
        %add3A_461 = arith.addi %mul3A_459, %add3A_460 : i32
        %get3A_462 = arith.index_cast %add3A_461 : i32 to index
        %get3A_463 = arith.constant 0 : index
        %get3A_464 = tpu.vector_load %arg23[%get3A_462, %get3A_463] {strides = array<i32>} : memref<128x16xf32, #tpu.memory_space<vmem>>, vector<16xf32>,
        %get3A_465 = arith.index_cast %add3A_461 : i32 to index
        %get3A_466 = arith.constant 0 : index
        %get3A_467 = tpu.vector_load %arg29[%get3A_465, %get3A_466] {strides = array<i32>} : memref<128x16xf32, #tpu.memory_space<vmem>>, vector<16xf32>,
        %add3A_468 = arith.addf %get3A_464, %get3A_467 : vector<16xf32>
        %max3A_469 = arith.constant 0.000000e+00 : f32
        %max3A_470 = vector.broadcast %max3A_469 : f32 to vector<16xf32>
        %max3A_471 = arith.maximumf %add3A_468, %max3A_470 : vector<16xf32>
        tpu.vector_store_idx %arg35[%broadcast_in_dim3A_349, %add3A_457], %max3A_471 : memref<16x128xf32, #tpu.memory_space<vmem>>[vector<16xi32>, vector<16xi32>], vector<16xf32>,
        %add3A_472 = arith.constant 1 : i32
        %add3A_473 = vector.broadcast %add3A_472 : i32 to vector<16xi32>
        %add3A_474 = arith.addi %add3A_457, %add3A_473 : vector<16xi32>
        %mul3A_475 = arith.constant 4 : i32
        %mul3A_476 = arith.muli %scan3A_424, %mul3A_475 : i32
        %add3A_477 = arith.constant 3 : i32
        %add3A_478 = arith.addi %mul3A_476, %add3A_477 : i32
        %get3A_479 = arith.index_cast %add3A_478 : i32 to index
        %get3A_480 = arith.constant 0 : index
        %get3A_481 = tpu.vector_load %arg23[%get3A_479, %get3A_480] {strides = array<i32>} : memref<128x16xf32, #tpu.memory_space<vmem>>, vector<16xf32>,
        %get3A_482 = arith.index_cast %add3A_478 : i32 to index
        %get3A_483 = arith.constant 0 : index
        %get3A_484 = tpu.vector_load %arg29[%get3A_482, %get3A_483] {strides = array<i32>} : memref<128x16xf32, #tpu.memory_space<vmem>>, vector<16xf32>,
        %add3A_485 = arith.addf %get3A_481, %get3A_484 : vector<16xf32>
        %max3A_486 = arith.constant 0.000000e+00 : f32
        %max3A_487 = vector.broadcast %max3A_486 : f32 to vector<16xf32>
        %max3A_488 = arith.maximumf %add3A_485, %max3A_487 : vector<16xf32>
        tpu.vector_store_idx %arg35[%broadcast_in_dim3A_349, %add3A_474], %max3A_488 : memref<16x128xf32, #tpu.memory_space<vmem>>[vector<16xi32>, vector<16xi32>], vector<16xf32>,
        %add3A_489 = arith.constant 1 : i32
        %add3A_490 = vector.broadcast %add3A_489 : i32 to vector<16xi32>
        %add3A_491 = arith.addi %add3A_474, %add3A_490 : vector<16xi32>
        scf.yield %add3A_491 : vector<16xi32>
      }
      %scan3A_359 = arith.constant 32 : i32
      %add3A_360 = arith.addi %mul3A_2, %add3A_336 : i32
      %mul3A_361 = arith.constant 128 : i32
      %mul3A_362 = arith.muli %add3A_360, %mul3A_361 : i32
      %multiple_of3A_363 = tpu.assume_multiple %mul3A_362, 8 : i32
      %dma_start3A_364 = arith.constant 0 : i32
      %dma_start3A_365 = tpu.memref_slice %arg6[%dma_start3A_364, %multiple_of3A_363] : memref<16x320000xf32, #tpu.memory_space<hbm>> -> memref<16x128xf32, #tpu.memory_space<hbm>>
      %dma_start3A_366 = arith.constant 0 : i32
      %dma_start3A_367 = tpu.memref_slice %arg6[%dma_start3A_366, %multiple_of3A_363] : memref<16x320000xf32, #tpu.memory_space<hbm>> -> memref<16x128xf32, #tpu.memory_space<hbm>>
      tpu.enqueue_dma source(%arg35 : memref<16x128xf32, #tpu.memory_space<vmem>>) target(%dma_start3A_367 : memref<16x128xf32, #tpu.memory_space<hbm>>) target_semaphore(%arg53 : memref<!tpu.dma_semaphore, #tpu.memory_space<semaphore_mem>>)
      %lt3A_368 = arith.constant 12 : i32
      %lt3A_369 = arith.cmpi slt, %scan3A_108, %lt3A_368 : i32
      %convert_element_type3A_370 = arith.extui %lt3A_369 : i1 to i32
      %cond3A_371 = arith.constant 0 : i32
      %cond3A_372 = arith.cmpi ne, %convert_element_type3A_370, %cond3A_371 : i32
      scf.if %cond3A_372 {
        %dma_wait3A_424 = arith.constant 0 : i32
        %dma_wait3A_425 = tpu.memref_slice %arg4[%dma_wait3A_424] : memref<320000xi32, #tpu.memory_space<hbm>> -> memref<128xi32, #tpu.memory_space<hbm>>
        %dma_wait3A_426 = arith.constant 0 : i32
        %dma_wait3A_427 = tpu.memref_slice %arg4[%dma_wait3A_426] : memref<320000xi32, #tpu.memory_space<hbm>> -> memref<128xi32, #tpu.memory_space<hbm>>
        tpu.wait_dma2 semaphore(%arg37 : memref<!tpu.dma_semaphore, #tpu.memory_space<semaphore_mem>>) src(%dma_wait3A_427 : memref<128xi32, #tpu.memory_space<hbm>>) dst(%arg7 : memref<128xi32, #tpu.memory_space<vmem>>)
        %dma_wait3A_428 = arith.constant 0 : i32
        %dma_wait3A_429 = tpu.memref_slice %arg5[%dma_wait3A_428] : memref<320000xi32, #tpu.memory_space<hbm>> -> memref<128xi32, #tpu.memory_space<hbm>>
        %dma_wait3A_430 = arith.constant 0 : i32
        %dma_wait3A_431 = tpu.memref_slice %arg5[%dma_wait3A_430] : memref<320000xi32, #tpu.memory_space<hbm>> -> memref<128xi32, #tpu.memory_space<hbm>>
        tpu.wait_dma2 semaphore(%arg37 : memref<!tpu.dma_semaphore, #tpu.memory_space<semaphore_mem>>) src(%dma_wait3A_431 : memref<128xi32, #tpu.memory_space<hbm>>) dst(%arg13 : memref<128xi32, #tpu.memory_space<vmem>>)
        %dma_start3A_432 = arith.constant 0 : i32
        %dma_start3A_433 = arith.constant 0 : i32
        %dma_start3A_434 = tpu.memref_slice %arg2[%dma_start3A_432, %dma_start3A_433] : memref<10000x16xf32, #tpu.memory_space<hbm>> -> memref<10000x16xf32, #tpu.memory_space<hbm>>
        tpu.enqueue_indirect_dma source(%dma_start3A_434 : memref<10000x16xf32, #tpu.memory_space<hbm>>) target(%arg19 : memref<128x16xf32, #tpu.memory_space<vmem>>) offsets(%arg7 : memref<128xi32, #tpu.memory_space<vmem>>) semaphore(%arg43 : memref<!tpu.dma_semaphore, #tpu.memory_space<semaphore_mem>>)
        %dma_start3A_435 = arith.constant 0 : i32
        %dma_start3A_436 = arith.constant 0 : i32
        %dma_start3A_437 = tpu.memref_slice %arg3[%dma_start3A_435, %dma_start3A_436] : memref<10000x16xf32, #tpu.memory_space<hbm>> -> memref<10000x16xf32, #tpu.memory_space<hbm>>
        tpu.enqueue_indirect_dma source(%dma_start3A_437 : memref<10000x16xf32, #tpu.memory_space<hbm>>) target(%arg25 : memref<128x16xf32, #tpu.memory_space<vmem>>) offsets(%arg13 : memref<128xi32, #tpu.memory_space<vmem>>) semaphore(%arg43 : memref<!tpu.dma_semaphore, #tpu.memory_space<semaphore_mem>>)
      } else {
      }
      %lt3A_373 = arith.constant 12 : i32
      %lt3A_374 = arith.cmpi slt, %scan3A_108, %lt3A_373 : i32
      %convert_element_type3A_375 = arith.extui %lt3A_374 : i1 to i32
      %cond3A_376 = arith.constant 0 : i32
      %cond3A_377 = arith.cmpi ne, %convert_element_type3A_375, %cond3A_376 : i32
      scf.if %cond3A_377 {
        %add3A_424 = arith.constant 4 : i32
        %add3A_425 = arith.addi %add3A_336, %add3A_424 : i32
        %add3A_426 = arith.addi %mul3A_2, %add3A_425 : i32
        %mul3A_427 = arith.constant 128 : i32
        %mul3A_428 = arith.muli %add3A_426, %mul3A_427 : i32
        %multiple_of3A_429 = tpu.assume_multiple %mul3A_428, 8 : i32
        %dma_start3A_430 = tpu.memref_slice %arg4[%multiple_of3A_429] : memref<320000xi32, #tpu.memory_space<hbm>> -> memref<128xi32, #tpu.memory_space<hbm>>
        %dma_start3A_431 = tpu.memref_slice %arg4[%multiple_of3A_429] : memref<320000xi32, #tpu.memory_space<hbm>> -> memref<128xi32, #tpu.memory_space<hbm>>
        tpu.enqueue_dma source(%dma_start3A_431 : memref<128xi32, #tpu.memory_space<hbm>>) target(%arg9 : memref<128xi32, #tpu.memory_space<vmem>>) target_semaphore(%arg39 : memref<!tpu.dma_semaphore, #tpu.memory_space<semaphore_mem>>)
        %dma_start3A_432 = tpu.memref_slice %arg5[%multiple_of3A_429] : memref<320000xi32, #tpu.memory_space<hbm>> -> memref<128xi32, #tpu.memory_space<hbm>>
        %dma_start3A_433 = tpu.memref_slice %arg5[%multiple_of3A_429] : memref<320000xi32, #tpu.memory_space<hbm>> -> memref<128xi32, #tpu.memory_space<hbm>>
        tpu.enqueue_dma source(%dma_start3A_433 : memref<128xi32, #tpu.memory_space<hbm>>) target(%arg15 : memref<128xi32, #tpu.memory_space<vmem>>) target_semaphore(%arg39 : memref<!tpu.dma_semaphore, #tpu.memory_space<semaphore_mem>>)
      } else {
      }
      %mul3A_378 = arith.constant 6 : i32
      %mul3A_379 = arith.muli %scan3A_108, %mul3A_378 : i32
      %add3A_380 = arith.constant 5 : i32
      %add3A_381 = arith.addi %mul3A_379, %add3A_380 : i32
      %dma_wait3A_382 = arith.constant 0 : i32
      %dma_wait3A_383 = arith.constant 0 : i32
      %dma_wait3A_384 = tpu.memref_slice %arg2[%dma_wait3A_382, %dma_wait3A_383] : memref<10000x16xf32, #tpu.memory_space<hbm>> -> memref<10000x16xf32, #tpu.memory_space<hbm>>
      tpu.wait_indirect_dma semaphore(%arg48 : memref<!tpu.dma_semaphore, #tpu.memory_space<semaphore_mem>>) src(%dma_wait3A_384 : memref<10000x16xf32, #tpu.memory_space<hbm>>) dst(%arg24 : memref<128x16xf32, #tpu.memory_space<vmem>>)
      %dma_wait3A_385 = arith.constant 0 : i32
      %dma_wait3A_386 = arith.constant 0 : i32
      %dma_wait3A_387 = tpu.memref_slice %arg3[%dma_wait3A_385, %dma_wait3A_386] : memref<10000x16xf32, #tpu.memory_space<hbm>> -> memref<10000x16xf32, #tpu.memory_space<hbm>>
      tpu.wait_indirect_dma semaphore(%arg48 : memref<!tpu.dma_semaphore, #tpu.memory_space<semaphore_mem>>) src(%dma_wait3A_387 : memref<10000x16xf32, #tpu.memory_space<hbm>>) dst(%arg30 : memref<128x16xf32, #tpu.memory_space<vmem>>)
      %gt3A_388 = arith.constant 0 : i32
      %gt3A_389 = arith.cmpi sgt, %scan3A_108, %gt3A_388 : i32
      %convert_element_type3A_390 = arith.extui %gt3A_389 : i1 to i32
      %cond3A_391 = arith.constant 0 : i32
      %cond3A_392 = arith.cmpi ne, %convert_element_type3A_390, %cond3A_391 : i32
      scf.if %cond3A_392 {
        %dma_wait3A_424 = arith.constant 0 : i32
        %dma_wait3A_425 = arith.constant 0 : i32
        %dma_wait3A_426 = tpu.memref_slice %arg6[%dma_wait3A_424, %dma_wait3A_425] : memref<16x320000xf32, #tpu.memory_space<hbm>> -> memref<16x128xf32, #tpu.memory_space<hbm>>
        %dma_wait3A_427 = arith.constant 0 : i32
        %dma_wait3A_428 = arith.constant 0 : i32
        %dma_wait3A_429 = tpu.memref_slice %arg6[%dma_wait3A_427, %dma_wait3A_428] : memref<16x320000xf32, #tpu.memory_space<hbm>> -> memref<16x128xf32, #tpu.memory_space<hbm>>
        tpu.wait_dma2 semaphore(%arg54 : memref<!tpu.dma_semaphore, #tpu.memory_space<semaphore_mem>>) src(%arg36 : memref<16x128xf32, #tpu.memory_space<vmem>>) dst(%dma_wait3A_429 : memref<16x128xf32, #tpu.memory_space<hbm>>)
      } else {
      }
      %broadcast_in_dim3A_393 = arith.constant 0 : i32
      %broadcast_in_dim3A_394 = vector.broadcast %broadcast_in_dim3A_393 : i32 to vector<16xi32>
      %iota3A_395 = tpu.iota {dimensions = array<i32: 0>} : vector<16xi32>
      %mul3A_396 = arith.constant 128 : i32
      %mul3A_397 = vector.broadcast %mul3A_396 : i32 to vector<16xi32>
      %mul3A_398 = arith.muli %iota3A_395, %mul3A_397 : vector<16xi32>
      %scan3A_399 = arith.constant 0 : i32
      %scan3A_400 = arith.constant 32 : i32
      %scan3A_401 = arith.addi %scan3A_399, %scan3A_400 : i32
      %scan3A_402 = arith.constant 1 : i32
      %scan3A_403 = scf.for %scan3A_424 = %scan3A_399 to %scan3A_401 step %scan3A_402 iter_args(%scan3A_425 = %mul3A_398) -> (vector<16xi32>)  : i32 {
        %mul3A_426 = arith.constant 4 : i32
        %mul3A_427 = arith.muli %scan3A_424, %mul3A_426 : i32
        %add3A_428 = arith.constant 0 : i32
        %add3A_429 = arith.addi %mul3A_427, %add3A_428 : i32
        %get3A = arith.index_cast %add3A_429 : i32 to index
        %get3A_430 = arith.constant 0 : index
        %get3A_431 = tpu.vector_load %arg24[%get3A, %get3A_430] {strides = array<i32>} : memref<128x16xf32, #tpu.memory_space<vmem>>, vector<16xf32>,
        %get3A_432 = arith.index_cast %add3A_429 : i32 to index
        %get3A_433 = arith.constant 0 : index
        %get3A_434 = tpu.vector_load %arg30[%get3A_432, %get3A_433] {strides = array<i32>} : memref<128x16xf32, #tpu.memory_space<vmem>>, vector<16xf32>,
        %add3A_435 = arith.addf %get3A_431, %get3A_434 : vector<16xf32>
        %max3A = arith.constant 0.000000e+00 : f32
        %max3A_436 = vector.broadcast %max3A : f32 to vector<16xf32>
        %max3A_437 = arith.maximumf %add3A_435, %max3A_436 : vector<16xf32>
        tpu.vector_store_idx %arg36[%broadcast_in_dim3A_394, %scan3A_425], %max3A_437 : memref<16x128xf32, #tpu.memory_space<vmem>>[vector<16xi32>, vector<16xi32>], vector<16xf32>,
        %add3A_438 = arith.constant 1 : i32
        %add3A_439 = vector.broadcast %add3A_438 : i32 to vector<16xi32>
        %add3A_440 = arith.addi %scan3A_425, %add3A_439 : vector<16xi32>
        %mul3A_441 = arith.constant 4 : i32
        %mul3A_442 = arith.muli %scan3A_424, %mul3A_441 : i32
        %add3A_443 = arith.constant 1 : i32
        %add3A_444 = arith.addi %mul3A_442, %add3A_443 : i32
        %get3A_445 = arith.index_cast %add3A_444 : i32 to index
        %get3A_446 = arith.constant 0 : index
        %get3A_447 = tpu.vector_load %arg24[%get3A_445, %get3A_446] {strides = array<i32>} : memref<128x16xf32, #tpu.memory_space<vmem>>, vector<16xf32>,
        %get3A_448 = arith.index_cast %add3A_444 : i32 to index
        %get3A_449 = arith.constant 0 : index
        %get3A_450 = tpu.vector_load %arg30[%get3A_448, %get3A_449] {strides = array<i32>} : memref<128x16xf32, #tpu.memory_space<vmem>>, vector<16xf32>,
        %add3A_451 = arith.addf %get3A_447, %get3A_450 : vector<16xf32>
        %max3A_452 = arith.constant 0.000000e+00 : f32
        %max3A_453 = vector.broadcast %max3A_452 : f32 to vector<16xf32>
        %max3A_454 = arith.maximumf %add3A_451, %max3A_453 : vector<16xf32>
        tpu.vector_store_idx %arg36[%broadcast_in_dim3A_394, %add3A_440], %max3A_454 : memref<16x128xf32, #tpu.memory_space<vmem>>[vector<16xi32>, vector<16xi32>], vector<16xf32>,
        %add3A_455 = arith.constant 1 : i32
        %add3A_456 = vector.broadcast %add3A_455 : i32 to vector<16xi32>
        %add3A_457 = arith.addi %add3A_440, %add3A_456 : vector<16xi32>
        %mul3A_458 = arith.constant 4 : i32
        %mul3A_459 = arith.muli %scan3A_424, %mul3A_458 : i32
        %add3A_460 = arith.constant 2 : i32
        %add3A_461 = arith.addi %mul3A_459, %add3A_460 : i32
        %get3A_462 = arith.index_cast %add3A_461 : i32 to index
        %get3A_463 = arith.constant 0 : index
        %get3A_464 = tpu.vector_load %arg24[%get3A_462, %get3A_463] {strides = array<i32>} : memref<128x16xf32, #tpu.memory_space<vmem>>, vector<16xf32>,
        %get3A_465 = arith.index_cast %add3A_461 : i32 to index
        %get3A_466 = arith.constant 0 : index
        %get3A_467 = tpu.vector_load %arg30[%get3A_465, %get3A_466] {strides = array<i32>} : memref<128x16xf32, #tpu.memory_space<vmem>>, vector<16xf32>,
        %add3A_468 = arith.addf %get3A_464, %get3A_467 : vector<16xf32>
        %max3A_469 = arith.constant 0.000000e+00 : f32
        %max3A_470 = vector.broadcast %max3A_469 : f32 to vector<16xf32>
        %max3A_471 = arith.maximumf %add3A_468, %max3A_470 : vector<16xf32>
        tpu.vector_store_idx %arg36[%broadcast_in_dim3A_394, %add3A_457], %max3A_471 : memref<16x128xf32, #tpu.memory_space<vmem>>[vector<16xi32>, vector<16xi32>], vector<16xf32>,
        %add3A_472 = arith.constant 1 : i32
        %add3A_473 = vector.broadcast %add3A_472 : i32 to vector<16xi32>
        %add3A_474 = arith.addi %add3A_457, %add3A_473 : vector<16xi32>
        %mul3A_475 = arith.constant 4 : i32
        %mul3A_476 = arith.muli %scan3A_424, %mul3A_475 : i32
        %add3A_477 = arith.constant 3 : i32
        %add3A_478 = arith.addi %mul3A_476, %add3A_477 : i32
        %get3A_479 = arith.index_cast %add3A_478 : i32 to index
        %get3A_480 = arith.constant 0 : index
        %get3A_481 = tpu.vector_load %arg24[%get3A_479, %get3A_480] {strides = array<i32>} : memref<128x16xf32, #tpu.memory_space<vmem>>, vector<16xf32>,
        %get3A_482 = arith.index_cast %add3A_478 : i32 to index
        %get3A_483 = arith.constant 0 : index
        %get3A_484 = tpu.vector_load %arg30[%get3A_482, %get3A_483] {strides = array<i32>} : memref<128x16xf32, #tpu.memory_space<vmem>>, vector<16xf32>,
        %add3A_485 = arith.addf %get3A_481, %get3A_484 : vector<16xf32>
        %max3A_486 = arith.constant 0.000000e+00 : f32
        %max3A_487 = vector.broadcast %max3A_486 : f32 to vector<16xf32>
        %max3A_488 = arith.maximumf %add3A_485, %max3A_487 : vector<16xf32>
        tpu.vector_store_idx %arg36[%broadcast_in_dim3A_394, %add3A_474], %max3A_488 : memref<16x128xf32, #tpu.memory_space<vmem>>[vector<16xi32>, vector<16xi32>], vector<16xf32>,
        %add3A_489 = arith.constant 1 : i32
        %add3A_490 = vector.broadcast %add3A_489 : i32 to vector<16xi32>
        %add3A_491 = arith.addi %add3A_474, %add3A_490 : vector<16xi32>
        scf.yield %add3A_491 : vector<16xi32>
      }
      %scan3A_404 = arith.constant 32 : i32
      %add3A_405 = arith.addi %mul3A_2, %add3A_381 : i32
      %mul3A_406 = arith.constant 128 : i32
      %mul3A_407 = arith.muli %add3A_405, %mul3A_406 : i32
      %multiple_of3A_408 = tpu.assume_multiple %mul3A_407, 8 : i32
      %dma_start3A_409 = arith.constant 0 : i32
      %dma_start3A_410 = tpu.memref_slice %arg6[%dma_start3A_409, %multiple_of3A_408] : memref<16x320000xf32, #tpu.memory_space<hbm>> -> memref<16x128xf32, #tpu.memory_space<hbm>>
      %dma_start3A_411 = arith.constant 0 : i32
      %dma_start3A_412 = tpu.memref_slice %arg6[%dma_start3A_411, %multiple_of3A_408] : memref<16x320000xf32, #tpu.memory_space<hbm>> -> memref<16x128xf32, #tpu.memory_space<hbm>>
      tpu.enqueue_dma source(%arg36 : memref<16x128xf32, #tpu.memory_space<vmem>>) target(%dma_start3A_412 : memref<16x128xf32, #tpu.memory_space<hbm>>) target_semaphore(%arg54 : memref<!tpu.dma_semaphore, #tpu.memory_space<semaphore_mem>>)
      %lt3A_413 = arith.constant 12 : i32
      %lt3A_414 = arith.cmpi slt, %scan3A_108, %lt3A_413 : i32
      %convert_element_type3A_415 = arith.extui %lt3A_414 : i1 to i32
      %cond3A_416 = arith.constant 0 : i32
      %cond3A_417 = arith.cmpi ne, %convert_element_type3A_415, %cond3A_416 : i32
      scf.if %cond3A_417 {
        %dma_wait3A_424 = arith.constant 0 : i32
        %dma_wait3A_425 = tpu.memref_slice %arg4[%dma_wait3A_424] : memref<320000xi32, #tpu.memory_space<hbm>> -> memref<128xi32, #tpu.memory_space<hbm>>
        %dma_wait3A_426 = arith.constant 0 : i32
        %dma_wait3A_427 = tpu.memref_slice %arg4[%dma_wait3A_426] : memref<320000xi32, #tpu.memory_space<hbm>> -> memref<128xi32, #tpu.memory_space<hbm>>
        tpu.wait_dma2 semaphore(%arg38 : memref<!tpu.dma_semaphore, #tpu.memory_space<semaphore_mem>>) src(%dma_wait3A_427 : memref<128xi32, #tpu.memory_space<hbm>>) dst(%arg8 : memref<128xi32, #tpu.memory_space<vmem>>)
        %dma_wait3A_428 = arith.constant 0 : i32
        %dma_wait3A_429 = tpu.memref_slice %arg5[%dma_wait3A_428] : memref<320000xi32, #tpu.memory_space<hbm>> -> memref<128xi32, #tpu.memory_space<hbm>>
        %dma_wait3A_430 = arith.constant 0 : i32
        %dma_wait3A_431 = tpu.memref_slice %arg5[%dma_wait3A_430] : memref<320000xi32, #tpu.memory_space<hbm>> -> memref<128xi32, #tpu.memory_space<hbm>>
        tpu.wait_dma2 semaphore(%arg38 : memref<!tpu.dma_semaphore, #tpu.memory_space<semaphore_mem>>) src(%dma_wait3A_431 : memref<128xi32, #tpu.memory_space<hbm>>) dst(%arg14 : memref<128xi32, #tpu.memory_space<vmem>>)
        %dma_start3A_432 = arith.constant 0 : i32
        %dma_start3A_433 = arith.constant 0 : i32
        %dma_start3A_434 = tpu.memref_slice %arg2[%dma_start3A_432, %dma_start3A_433] : memref<10000x16xf32, #tpu.memory_space<hbm>> -> memref<10000x16xf32, #tpu.memory_space<hbm>>
        tpu.enqueue_indirect_dma source(%dma_start3A_434 : memref<10000x16xf32, #tpu.memory_space<hbm>>) target(%arg20 : memref<128x16xf32, #tpu.memory_space<vmem>>) offsets(%arg8 : memref<128xi32, #tpu.memory_space<vmem>>) semaphore(%arg44 : memref<!tpu.dma_semaphore, #tpu.memory_space<semaphore_mem>>)
        %dma_start3A_435 = arith.constant 0 : i32
        %dma_start3A_436 = arith.constant 0 : i32
        %dma_start3A_437 = tpu.memref_slice %arg3[%dma_start3A_435, %dma_start3A_436] : memref<10000x16xf32, #tpu.memory_space<hbm>> -> memref<10000x16xf32, #tpu.memory_space<hbm>>
        tpu.enqueue_indirect_dma source(%dma_start3A_437 : memref<10000x16xf32, #tpu.memory_space<hbm>>) target(%arg26 : memref<128x16xf32, #tpu.memory_space<vmem>>) offsets(%arg14 : memref<128xi32, #tpu.memory_space<vmem>>) semaphore(%arg44 : memref<!tpu.dma_semaphore, #tpu.memory_space<semaphore_mem>>)
      } else {
      }
      %lt3A_418 = arith.constant 12 : i32
      %lt3A_419 = arith.cmpi slt, %scan3A_108, %lt3A_418 : i32
      %convert_element_type3A_420 = arith.extui %lt3A_419 : i1 to i32
      %cond3A_421 = arith.constant 0 : i32
      %cond3A_422 = arith.cmpi ne, %convert_element_type3A_420, %cond3A_421 : i32
      scf.if %cond3A_422 {
        %add3A_424 = arith.constant 4 : i32
        %add3A_425 = arith.addi %add3A_381, %add3A_424 : i32
        %add3A_426 = arith.addi %mul3A_2, %add3A_425 : i32
        %mul3A_427 = arith.constant 128 : i32
        %mul3A_428 = arith.muli %add3A_426, %mul3A_427 : i32
        %multiple_of3A_429 = tpu.assume_multiple %mul3A_428, 8 : i32
        %dma_start3A_430 = tpu.memref_slice %arg4[%multiple_of3A_429] : memref<320000xi32, #tpu.memory_space<hbm>> -> memref<128xi32, #tpu.memory_space<hbm>>
        %dma_start3A_431 = tpu.memref_slice %arg4[%multiple_of3A_429] : memref<320000xi32, #tpu.memory_space<hbm>> -> memref<128xi32, #tpu.memory_space<hbm>>
        tpu.enqueue_dma source(%dma_start3A_431 : memref<128xi32, #tpu.memory_space<hbm>>) target(%arg10 : memref<128xi32, #tpu.memory_space<vmem>>) target_semaphore(%arg40 : memref<!tpu.dma_semaphore, #tpu.memory_space<semaphore_mem>>)
        %dma_start3A_432 = tpu.memref_slice %arg5[%multiple_of3A_429] : memref<320000xi32, #tpu.memory_space<hbm>> -> memref<128xi32, #tpu.memory_space<hbm>>
        %dma_start3A_433 = tpu.memref_slice %arg5[%multiple_of3A_429] : memref<320000xi32, #tpu.memory_space<hbm>> -> memref<128xi32, #tpu.memory_space<hbm>>
        tpu.enqueue_dma source(%dma_start3A_433 : memref<128xi32, #tpu.memory_space<hbm>>) target(%arg16 : memref<128xi32, #tpu.memory_space<vmem>>) target_semaphore(%arg40 : memref<!tpu.dma_semaphore, #tpu.memory_space<semaphore_mem>>)
      } else {
      }
      %scan3A_423 = arith.constant 0 : i32
      scf.yield %scan3A_423 : i32
    }
    %scan3A_69 = arith.constant 13 : i32
    %dma_wait3A_70 = arith.constant 0 : i32
    %dma_wait3A_71 = arith.constant 0 : i32
    %dma_wait3A_72 = tpu.memref_slice %arg6[%dma_wait3A_70, %dma_wait3A_71] : memref<16x320000xf32, #tpu.memory_space<hbm>> -> memref<16x128xf32, #tpu.memory_space<hbm>>
    %dma_wait3A_73 = arith.constant 0 : i32
    %dma_wait3A_74 = arith.constant 0 : i32
    %dma_wait3A_75 = tpu.memref_slice %arg6[%dma_wait3A_73, %dma_wait3A_74] : memref<16x320000xf32, #tpu.memory_space<hbm>> -> memref<16x128xf32, #tpu.memory_space<hbm>>
    tpu.wait_dma2 semaphore(%arg49 : memref<!tpu.dma_semaphore, #tpu.memory_space<semaphore_mem>>) src(%arg31 : memref<16x128xf32, #tpu.memory_space<vmem>>) dst(%dma_wait3A_75 : memref<16x128xf32, #tpu.memory_space<hbm>>)
    %dma_wait3A_76 = arith.constant 0 : i32
    %dma_wait3A_77 = arith.constant 0 : i32
    %dma_wait3A_78 = tpu.memref_slice %arg6[%dma_wait3A_76, %dma_wait3A_77] : memref<16x320000xf32, #tpu.memory_space<hbm>> -> memref<16x128xf32, #tpu.memory_space<hbm>>
    %dma_wait3A_79 = arith.constant 0 : i32
    %dma_wait3A_80 = arith.constant 0 : i32
    %dma_wait3A_81 = tpu.memref_slice %arg6[%dma_wait3A_79, %dma_wait3A_80] : memref<16x320000xf32, #tpu.memory_space<hbm>> -> memref<16x128xf32, #tpu.memory_space<hbm>>
    tpu.wait_dma2 semaphore(%arg50 : memref<!tpu.dma_semaphore, #tpu.memory_space<semaphore_mem>>) src(%arg32 : memref<16x128xf32, #tpu.memory_space<vmem>>) dst(%dma_wait3A_81 : memref<16x128xf32, #tpu.memory_space<hbm>>)
    %dma_wait3A_82 = arith.constant 0 : i32
    %dma_wait3A_83 = arith.constant 0 : i32
    %dma_wait3A_84 = tpu.memref_slice %arg6[%dma_wait3A_82, %dma_wait3A_83] : memref<16x320000xf32, #tpu.memory_space<hbm>> -> memref<16x128xf32, #tpu.memory_space<hbm>>
    %dma_wait3A_85 = arith.constant 0 : i32
    %dma_wait3A_86 = arith.constant 0 : i32
    %dma_wait3A_87 = tpu.memref_slice %arg6[%dma_wait3A_85, %dma_wait3A_86] : memref<16x320000xf32, #tpu.memory_space<hbm>> -> memref<16x128xf32, #tpu.memory_space<hbm>>
    tpu.wait_dma2 semaphore(%arg51 : memref<!tpu.dma_semaphore, #tpu.memory_space<semaphore_mem>>) src(%arg33 : memref<16x128xf32, #tpu.memory_space<vmem>>) dst(%dma_wait3A_87 : memref<16x128xf32, #tpu.memory_space<hbm>>)
    %dma_wait3A_88 = arith.constant 0 : i32
    %dma_wait3A_89 = arith.constant 0 : i32
    %dma_wait3A_90 = tpu.memref_slice %arg6[%dma_wait3A_88, %dma_wait3A_89] : memref<16x320000xf32, #tpu.memory_space<hbm>> -> memref<16x128xf32, #tpu.memory_space<hbm>>
    %dma_wait3A_91 = arith.constant 0 : i32
    %dma_wait3A_92 = arith.constant 0 : i32
    %dma_wait3A_93 = tpu.memref_slice %arg6[%dma_wait3A_91, %dma_wait3A_92] : memref<16x320000xf32, #tpu.memory_space<hbm>> -> memref<16x128xf32, #tpu.memory_space<hbm>>
    tpu.wait_dma2 semaphore(%arg52 : memref<!tpu.dma_semaphore, #tpu.memory_space<semaphore_mem>>) src(%arg34 : memref<16x128xf32, #tpu.memory_space<vmem>>) dst(%dma_wait3A_93 : memref<16x128xf32, #tpu.memory_space<hbm>>)
    %dma_wait3A_94 = arith.constant 0 : i32
    %dma_wait3A_95 = arith.constant 0 : i32
    %dma_wait3A_96 = tpu.memref_slice %arg6[%dma_wait3A_94, %dma_wait3A_95] : memref<16x320000xf32, #tpu.memory_space<hbm>> -> memref<16x128xf32, #tpu.memory_space<hbm>>
    %dma_wait3A_97 = arith.constant 0 : i32
    %dma_wait3A_98 = arith.constant 0 : i32
    %dma_wait3A_99 = tpu.memref_slice %arg6[%dma_wait3A_97, %dma_wait3A_98] : memref<16x320000xf32, #tpu.memory_space<hbm>> -> memref<16x128xf32, #tpu.memory_space<hbm>>
    tpu.wait_dma2 semaphore(%arg53 : memref<!tpu.dma_semaphore, #tpu.memory_space<semaphore_mem>>) src(%arg35 : memref<16x128xf32, #tpu.memory_space<vmem>>) dst(%dma_wait3A_99 : memref<16x128xf32, #tpu.memory_space<hbm>>)
    %dma_wait3A_100 = arith.constant 0 : i32
    %dma_wait3A_101 = arith.constant 0 : i32
    %dma_wait3A_102 = tpu.memref_slice %arg6[%dma_wait3A_100, %dma_wait3A_101] : memref<16x320000xf32, #tpu.memory_space<hbm>> -> memref<16x128xf32, #tpu.memory_space<hbm>>
    %dma_wait3A_103 = arith.constant 0 : i32
    %dma_wait3A_104 = arith.constant 0 : i32
    %dma_wait3A_105 = tpu.memref_slice %arg6[%dma_wait3A_103, %dma_wait3A_104] : memref<16x320000xf32, #tpu.memory_space<hbm>> -> memref<16x128xf32, #tpu.memory_space<hbm>>
    tpu.wait_dma2 semaphore(%arg54 : memref<!tpu.dma_semaphore, #tpu.memory_space<semaphore_mem>>) src(%arg36 : memref<16x128xf32, #tpu.memory_space<vmem>>) dst(%dma_wait3A_105 : memref<16x128xf32, #tpu.memory_space<hbm>>)
    %lt3A = arith.constant 4 : i32
    %lt3A_106 = arith.cmpi slt, %add3A, %lt3A : i32
    %convert_element_type3A = arith.extui %lt3A_106 : i1 to i32
    %cond3A = arith.constant 0 : i32
    %cond3A_107 = arith.cmpi ne, %convert_element_type3A, %cond3A : i32
    scf.if %cond3A_107 {
      %add3A_108 = arith.constant 2496 : i32
      %add3A_109 = arith.addi %add3A_108, %add3A : i32
      %mul3A_110 = arith.constant 128 : i32
      %mul3A_111 = arith.muli %add3A_109, %mul3A_110 : i32
      %multiple_of3A_112 = tpu.assume_multiple %mul3A_111, 8 : i32
      "tpu.region"() ({
        %run_scoped3A = tpu.sem_alloc : memref<!tpu.dma_semaphore, #tpu.memory_space<semaphore_mem>>
        %dma_start3A_135 = tpu.memref_slice %arg4[%multiple_of3A_112] : memref<320000xi32, #tpu.memory_space<hbm>> -> memref<128xi32, #tpu.memory_space<hbm>>
        %dma_start3A_136 = tpu.memref_slice %arg4[%multiple_of3A_112] : memref<320000xi32, #tpu.memory_space<hbm>> -> memref<128xi32, #tpu.memory_space<hbm>>
        tpu.enqueue_dma source(%dma_start3A_136 : memref<128xi32, #tpu.memory_space<hbm>>) target(%arg7 : memref<128xi32, #tpu.memory_space<vmem>>) target_semaphore(%run_scoped3A : memref<!tpu.dma_semaphore, #tpu.memory_space<semaphore_mem>>)
        %dma_wait3A_137 = tpu.memref_slice %arg4[%multiple_of3A_112] : memref<320000xi32, #tpu.memory_space<hbm>> -> memref<128xi32, #tpu.memory_space<hbm>>
        %dma_wait3A_138 = tpu.memref_slice %arg4[%multiple_of3A_112] : memref<320000xi32, #tpu.memory_space<hbm>> -> memref<128xi32, #tpu.memory_space<hbm>>
        tpu.wait_dma2 semaphore(%run_scoped3A : memref<!tpu.dma_semaphore, #tpu.memory_space<semaphore_mem>>) src(%dma_wait3A_138 : memref<128xi32, #tpu.memory_space<hbm>>) dst(%arg7 : memref<128xi32, #tpu.memory_space<vmem>>)
        tpu.yield
      }) : () -> ()
      "tpu.region"() ({
        %run_scoped3A = tpu.sem_alloc : memref<!tpu.dma_semaphore, #tpu.memory_space<semaphore_mem>>
        %dma_start3A_135 = tpu.memref_slice %arg5[%multiple_of3A_112] : memref<320000xi32, #tpu.memory_space<hbm>> -> memref<128xi32, #tpu.memory_space<hbm>>
        %dma_start3A_136 = tpu.memref_slice %arg5[%multiple_of3A_112] : memref<320000xi32, #tpu.memory_space<hbm>> -> memref<128xi32, #tpu.memory_space<hbm>>
        tpu.enqueue_dma source(%dma_start3A_136 : memref<128xi32, #tpu.memory_space<hbm>>) target(%arg13 : memref<128xi32, #tpu.memory_space<vmem>>) target_semaphore(%run_scoped3A : memref<!tpu.dma_semaphore, #tpu.memory_space<semaphore_mem>>)
        %dma_wait3A_137 = tpu.memref_slice %arg5[%multiple_of3A_112] : memref<320000xi32, #tpu.memory_space<hbm>> -> memref<128xi32, #tpu.memory_space<hbm>>
        %dma_wait3A_138 = tpu.memref_slice %arg5[%multiple_of3A_112] : memref<320000xi32, #tpu.memory_space<hbm>> -> memref<128xi32, #tpu.memory_space<hbm>>
        tpu.wait_dma2 semaphore(%run_scoped3A : memref<!tpu.dma_semaphore, #tpu.memory_space<semaphore_mem>>) src(%dma_wait3A_138 : memref<128xi32, #tpu.memory_space<hbm>>) dst(%arg13 : memref<128xi32, #tpu.memory_space<vmem>>)
        tpu.yield
      }) : () -> ()
      %dma_start3A_113 = arith.constant 0 : i32
      %dma_start3A_114 = arith.constant 0 : i32
      %dma_start3A_115 = tpu.memref_slice %arg2[%dma_start3A_113, %dma_start3A_114] : memref<10000x16xf32, #tpu.memory_space<hbm>> -> memref<10000x16xf32, #tpu.memory_space<hbm>>
      tpu.enqueue_indirect_dma source(%dma_start3A_115 : memref<10000x16xf32, #tpu.memory_space<hbm>>) target(%arg19 : memref<128x16xf32, #tpu.memory_space<vmem>>) offsets(%arg7 : memref<128xi32, #tpu.memory_space<vmem>>) semaphore(%arg43 : memref<!tpu.dma_semaphore, #tpu.memory_space<semaphore_mem>>)
      %dma_start3A_116 = arith.constant 0 : i32
      %dma_start3A_117 = arith.constant 0 : i32
      %dma_start3A_118 = tpu.memref_slice %arg3[%dma_start3A_116, %dma_start3A_117] : memref<10000x16xf32, #tpu.memory_space<hbm>> -> memref<10000x16xf32, #tpu.memory_space<hbm>>
      tpu.enqueue_indirect_dma source(%dma_start3A_118 : memref<10000x16xf32, #tpu.memory_space<hbm>>) target(%arg25 : memref<128x16xf32, #tpu.memory_space<vmem>>) offsets(%arg13 : memref<128xi32, #tpu.memory_space<vmem>>) semaphore(%arg43 : memref<!tpu.dma_semaphore, #tpu.memory_space<semaphore_mem>>)
      %dma_wait3A_119 = arith.constant 0 : i32
      %dma_wait3A_120 = arith.constant 0 : i32
      %dma_wait3A_121 = tpu.memref_slice %arg2[%dma_wait3A_119, %dma_wait3A_120] : memref<10000x16xf32, #tpu.memory_space<hbm>> -> memref<10000x16xf32, #tpu.memory_space<hbm>>
      tpu.wait_indirect_dma semaphore(%arg43 : memref<!tpu.dma_semaphore, #tpu.memory_space<semaphore_mem>>) src(%dma_wait3A_121 : memref<10000x16xf32, #tpu.memory_space<hbm>>) dst(%arg19 : memref<128x16xf32, #tpu.memory_space<vmem>>)
      %dma_wait3A_122 = arith.constant 0 : i32
      %dma_wait3A_123 = arith.constant 0 : i32
      %dma_wait3A_124 = tpu.memref_slice %arg3[%dma_wait3A_122, %dma_wait3A_123] : memref<10000x16xf32, #tpu.memory_space<hbm>> -> memref<10000x16xf32, #tpu.memory_space<hbm>>
      tpu.wait_indirect_dma semaphore(%arg43 : memref<!tpu.dma_semaphore, #tpu.memory_space<semaphore_mem>>) src(%dma_wait3A_124 : memref<10000x16xf32, #tpu.memory_space<hbm>>) dst(%arg25 : memref<128x16xf32, #tpu.memory_space<vmem>>)
      %broadcast_in_dim3A = arith.constant 0 : i32
      %broadcast_in_dim3A_125 = vector.broadcast %broadcast_in_dim3A : i32 to vector<16xi32>
      %iota3A = tpu.iota {dimensions = array<i32: 0>} : vector<16xi32>
      %mul3A_126 = arith.constant 128 : i32
      %mul3A_127 = vector.broadcast %mul3A_126 : i32 to vector<16xi32>
      %mul3A_128 = arith.muli %iota3A, %mul3A_127 : vector<16xi32>
      %scan3A_129 = arith.constant 0 : i32
      %scan3A_130 = arith.constant 32 : i32
      %scan3A_131 = arith.addi %scan3A_129, %scan3A_130 : i32
      %scan3A_132 = arith.constant 1 : i32
      %scan3A_133 = scf.for %scan3A_135 = %scan3A_129 to %scan3A_131 step %scan3A_132 iter_args(%scan3A_136 = %mul3A_128) -> (vector<16xi32>)  : i32 {
        %mul3A_137 = arith.constant 4 : i32
        %mul3A_138 = arith.muli %scan3A_135, %mul3A_137 : i32
        %add3A_139 = arith.constant 0 : i32
        %add3A_140 = arith.addi %mul3A_138, %add3A_139 : i32
        %get3A = arith.index_cast %add3A_140 : i32 to index
        %get3A_141 = arith.constant 0 : index
        %get3A_142 = tpu.vector_load %arg19[%get3A, %get3A_141] {strides = array<i32>} : memref<128x16xf32, #tpu.memory_space<vmem>>, vector<16xf32>,
        %get3A_143 = arith.index_cast %add3A_140 : i32 to index
        %get3A_144 = arith.constant 0 : index
        %get3A_145 = tpu.vector_load %arg25[%get3A_143, %get3A_144] {strides = array<i32>} : memref<128x16xf32, #tpu.memory_space<vmem>>, vector<16xf32>,
        %add3A_146 = arith.addf %get3A_142, %get3A_145 : vector<16xf32>
        %max3A = arith.constant 0.000000e+00 : f32
        %max3A_147 = vector.broadcast %max3A : f32 to vector<16xf32>
        %max3A_148 = arith.maximumf %add3A_146, %max3A_147 : vector<16xf32>
        tpu.vector_store_idx %arg31[%broadcast_in_dim3A_125, %scan3A_136], %max3A_148 : memref<16x128xf32, #tpu.memory_space<vmem>>[vector<16xi32>, vector<16xi32>], vector<16xf32>,
        %add3A_149 = arith.constant 1 : i32
        %add3A_150 = vector.broadcast %add3A_149 : i32 to vector<16xi32>
        %add3A_151 = arith.addi %scan3A_136, %add3A_150 : vector<16xi32>
        %mul3A_152 = arith.constant 4 : i32
        %mul3A_153 = arith.muli %scan3A_135, %mul3A_152 : i32
        %add3A_154 = arith.constant 1 : i32
        %add3A_155 = arith.addi %mul3A_153, %add3A_154 : i32
        %get3A_156 = arith.index_cast %add3A_155 : i32 to index
        %get3A_157 = arith.constant 0 : index
        %get3A_158 = tpu.vector_load %arg19[%get3A_156, %get3A_157] {strides = array<i32>} : memref<128x16xf32, #tpu.memory_space<vmem>>, vector<16xf32>,
        %get3A_159 = arith.index_cast %add3A_155 : i32 to index
        %get3A_160 = arith.constant 0 : index
        %get3A_161 = tpu.vector_load %arg25[%get3A_159, %get3A_160] {strides = array<i32>} : memref<128x16xf32, #tpu.memory_space<vmem>>, vector<16xf32>,
        %add3A_162 = arith.addf %get3A_158, %get3A_161 : vector<16xf32>
        %max3A_163 = arith.constant 0.000000e+00 : f32
        %max3A_164 = vector.broadcast %max3A_163 : f32 to vector<16xf32>
        %max3A_165 = arith.maximumf %add3A_162, %max3A_164 : vector<16xf32>
        tpu.vector_store_idx %arg31[%broadcast_in_dim3A_125, %add3A_151], %max3A_165 : memref<16x128xf32, #tpu.memory_space<vmem>>[vector<16xi32>, vector<16xi32>], vector<16xf32>,
        %add3A_166 = arith.constant 1 : i32
        %add3A_167 = vector.broadcast %add3A_166 : i32 to vector<16xi32>
        %add3A_168 = arith.addi %add3A_151, %add3A_167 : vector<16xi32>
        %mul3A_169 = arith.constant 4 : i32
        %mul3A_170 = arith.muli %scan3A_135, %mul3A_169 : i32
        %add3A_171 = arith.constant 2 : i32
        %add3A_172 = arith.addi %mul3A_170, %add3A_171 : i32
        %get3A_173 = arith.index_cast %add3A_172 : i32 to index
        %get3A_174 = arith.constant 0 : index
        %get3A_175 = tpu.vector_load %arg19[%get3A_173, %get3A_174] {strides = array<i32>} : memref<128x16xf32, #tpu.memory_space<vmem>>, vector<16xf32>,
        %get3A_176 = arith.index_cast %add3A_172 : i32 to index
        %get3A_177 = arith.constant 0 : index
        %get3A_178 = tpu.vector_load %arg25[%get3A_176, %get3A_177] {strides = array<i32>} : memref<128x16xf32, #tpu.memory_space<vmem>>, vector<16xf32>,
        %add3A_179 = arith.addf %get3A_175, %get3A_178 : vector<16xf32>
        %max3A_180 = arith.constant 0.000000e+00 : f32
        %max3A_181 = vector.broadcast %max3A_180 : f32 to vector<16xf32>
        %max3A_182 = arith.maximumf %add3A_179, %max3A_181 : vector<16xf32>
        tpu.vector_store_idx %arg31[%broadcast_in_dim3A_125, %add3A_168], %max3A_182 : memref<16x128xf32, #tpu.memory_space<vmem>>[vector<16xi32>, vector<16xi32>], vector<16xf32>,
        %add3A_183 = arith.constant 1 : i32
        %add3A_184 = vector.broadcast %add3A_183 : i32 to vector<16xi32>
        %add3A_185 = arith.addi %add3A_168, %add3A_184 : vector<16xi32>
        %mul3A_186 = arith.constant 4 : i32
        %mul3A_187 = arith.muli %scan3A_135, %mul3A_186 : i32
        %add3A_188 = arith.constant 3 : i32
        %add3A_189 = arith.addi %mul3A_187, %add3A_188 : i32
        %get3A_190 = arith.index_cast %add3A_189 : i32 to index
        %get3A_191 = arith.constant 0 : index
        %get3A_192 = tpu.vector_load %arg19[%get3A_190, %get3A_191] {strides = array<i32>} : memref<128x16xf32, #tpu.memory_space<vmem>>, vector<16xf32>,
        %get3A_193 = arith.index_cast %add3A_189 : i32 to index
        %get3A_194 = arith.constant 0 : index
        %get3A_195 = tpu.vector_load %arg25[%get3A_193, %get3A_194] {strides = array<i32>} : memref<128x16xf32, #tpu.memory_space<vmem>>, vector<16xf32>,
        %add3A_196 = arith.addf %get3A_192, %get3A_195 : vector<16xf32>
        %max3A_197 = arith.constant 0.000000e+00 : f32
        %max3A_198 = vector.broadcast %max3A_197 : f32 to vector<16xf32>
        %max3A_199 = arith.maximumf %add3A_196, %max3A_198 : vector<16xf32>
        tpu.vector_store_idx %arg31[%broadcast_in_dim3A_125, %add3A_185], %max3A_199 : memref<16x128xf32, #tpu.memory_space<vmem>>[vector<16xi32>, vector<16xi32>], vector<16xf32>,
        %add3A_200 = arith.constant 1 : i32
        %add3A_201 = vector.broadcast %add3A_200 : i32 to vector<16xi32>
        %add3A_202 = arith.addi %add3A_185, %add3A_201 : vector<16xi32>
        scf.yield %add3A_202 : vector<16xi32>
      }
      %scan3A_134 = arith.constant 32 : i32
      "tpu.region"() ({
        %run_scoped3A = tpu.sem_alloc : memref<!tpu.dma_semaphore, #tpu.memory_space<semaphore_mem>>
        %dma_start3A_135 = arith.constant 0 : i32
        %dma_start3A_136 = tpu.memref_slice %arg6[%dma_start3A_135, %multiple_of3A_112] : memref<16x320000xf32, #tpu.memory_space<hbm>> -> memref<16x128xf32, #tpu.memory_space<hbm>>
        %dma_start3A_137 = arith.constant 0 : i32
        %dma_start3A_138 = tpu.memref_slice %arg6[%dma_start3A_137, %multiple_of3A_112] : memref<16x320000xf32, #tpu.memory_space<hbm>> -> memref<16x128xf32, #tpu.memory_space<hbm>>
        tpu.enqueue_dma source(%arg31 : memref<16x128xf32, #tpu.memory_space<vmem>>) target(%dma_start3A_138 : memref<16x128xf32, #tpu.memory_space<hbm>>) target_semaphore(%run_scoped3A : memref<!tpu.dma_semaphore, #tpu.memory_space<semaphore_mem>>)
        %dma_wait3A_139 = arith.constant 0 : i32
        %dma_wait3A_140 = tpu.memref_slice %arg6[%dma_wait3A_139, %multiple_of3A_112] : memref<16x320000xf32, #tpu.memory_space<hbm>> -> memref<16x128xf32, #tpu.memory_space<hbm>>
        %dma_wait3A_141 = arith.constant 0 : i32
        %dma_wait3A_142 = tpu.memref_slice %arg6[%dma_wait3A_141, %multiple_of3A_112] : memref<16x320000xf32, #tpu.memory_space<hbm>> -> memref<16x128xf32, #tpu.memory_space<hbm>>
        tpu.wait_dma2 semaphore(%run_scoped3A : memref<!tpu.dma_semaphore, #tpu.memory_space<semaphore_mem>>) src(%arg31 : memref<16x128xf32, #tpu.memory_space<vmem>>) dst(%dma_wait3A_142 : memref<16x128xf32, #tpu.memory_space<hbm>>)
        tpu.yield
      }) : () -> ()
    } else {
    }
    return
  }
}

#map = affine_map<(d0, d1) -> (0, 0)>
#map1 = affine_map<(d0, d1) -> (0)>
#map2 = affine_map<(d0, d1) -> (0, 0, 0)>
module attributes {stable_mosaic.version = 14 : i64} {
  func.func @_agg_a_body(%arg0: i32, %arg1: i32, %arg2: memref<10000x64xf32, #tpu.memory_space<hbm>>, %arg3: memref<10000x64xf32, #tpu.memory_space<hbm>>, %arg4: memref<320000xi32, #tpu.memory_space<hbm>>, %arg5: memref<320000xi32, #tpu.memory_space<hbm>>, %arg6: memref<2x10240x64xf32, #tpu.memory_space<hbm>>, %arg7: memref<10240x16xf32, #tpu.memory_space<hbm>>, %arg8: memref<128xi32, #tpu.memory_space<vmem>>, %arg9: memref<128xi32, #tpu.memory_space<vmem>>, %arg10: memref<128xi32, #tpu.memory_space<vmem>>, %arg11: memref<128xi32, #tpu.memory_space<vmem>>, %arg12: memref<128xi32, #tpu.memory_space<vmem>>, %arg13: memref<128xi32, #tpu.memory_space<vmem>>, %arg14: memref<128xi32, #tpu.memory_space<vmem>>, %arg15: memref<128xi32, #tpu.memory_space<vmem>>, %arg16: memref<128xi32, #tpu.memory_space<vmem>>, %arg17: memref<128xi32, #tpu.memory_space<vmem>>, %arg18: memref<128xi32, #tpu.memory_space<vmem>>, %arg19: memref<128xi32, #tpu.memory_space<vmem>>, %arg20: memref<128x64xf32, #tpu.memory_space<vmem>>, %arg21: memref<128x64xf32, #tpu.memory_space<vmem>>, %arg22: memref<128x64xf32, #tpu.memory_space<vmem>>, %arg23: memref<128x64xf32, #tpu.memory_space<vmem>>, %arg24: memref<128x64xf32, #tpu.memory_space<vmem>>, %arg25: memref<128x64xf32, #tpu.memory_space<vmem>>, %arg26: memref<128x16xf32, #tpu.memory_space<vmem>>, %arg27: memref<128x64xf32, #tpu.memory_space<vmem>>, %arg28: memref<640x16xf32, #tpu.memory_space<vmem>>, %arg29: memref<10240x64xf32, #tpu.memory_space<vmem_shared>>, %arg30: memref<10240x16xf32, #tpu.memory_space<vmem_shared>>, %arg31: memref<!tpu.dma_semaphore, #tpu.memory_space<semaphore_mem>>, %arg32: memref<!tpu.dma_semaphore, #tpu.memory_space<semaphore_mem>>, %arg33: memref<!tpu.dma_semaphore, #tpu.memory_space<semaphore_mem>>, %arg34: memref<!tpu.dma_semaphore, #tpu.memory_space<semaphore_mem>>, %arg35: memref<!tpu.dma_semaphore, #tpu.memory_space<semaphore_mem>>, %arg36: memref<!tpu.dma_semaphore, #tpu.memory_space<semaphore_mem>>, %arg37: memref<!tpu.dma_semaphore, #tpu.memory_space<semaphore_mem>>, %arg38: memref<!tpu.dma_semaphore, #tpu.memory_space<semaphore_mem>>, %arg39: memref<!tpu.dma_semaphore, #tpu.memory_space<semaphore_mem>>, %arg40: memref<!tpu.dma_semaphore, #tpu.memory_space<semaphore_mem>>, %arg41: memref<!tpu.dma_semaphore, #tpu.memory_space<semaphore_mem>>, %arg42: memref<!tpu.dma_semaphore, #tpu.memory_space<semaphore_mem>>, %arg43: memref<!tpu.dma_semaphore, #tpu.memory_space<semaphore_mem>>, %arg44: memref<!tpu.dma_semaphore, #tpu.memory_space<semaphore_mem>>, %arg45: memref<!tpu.dma_semaphore, #tpu.memory_space<semaphore_mem>>, %arg46: memref<!tpu.dma_semaphore, #tpu.memory_space<semaphore_mem>>, %arg47: memref<!tpu.dma_semaphore, #tpu.memory_space<semaphore_mem>>, %arg48: memref<!tpu.dma_semaphore, #tpu.memory_space<semaphore_mem>>) attributes {dimension_semantics = [#tpu.dimension_semantics<core_parallel>, #tpu.dimension_semantics<subcore_parallel>], iteration_bounds = array<i64: 2, 16>, scalar_prefetch = 0 : i64, scratch_operands = 41 : i64, tpu.core_type = #tpu.core_type<sc_vector_subcore>, window_params = [{transform_indices = #map}, {transform_indices = #map}, {transform_indices = #map1}, {transform_indices = #map1}, {transform_indices = #map2}, {transform_indices = #map}]} {
    %scan3A = arith.constant 0 : i32
    %scan3A_0 = arith.constant 0 : i32
    %scan3A_1 = arith.constant 512 : i32
    %scan3A_2 = arith.addi %scan3A_0, %scan3A_1 : i32
    %scan3A_3 = arith.constant 1 : i32
    %scan3A_4 = scf.for %scan3A_50 = %scan3A_0 to %scan3A_2 step %scan3A_3 iter_args(%scan3A_51 = %scan3A) -> (i32)  : i32 {
      %jit3A_52 = arith.constant 4 : i32
      %div3A = arith.divsi %scan3A_50, %jit3A_52 : i32
      %sign3A = arith.constant 0 : i32
      %sign3A_53 = arith.cmpi sgt, %scan3A_50, %sign3A : i32
      %sign3A_54 = arith.extui %sign3A_53 : i1 to i32
      %sign3A_55 = arith.constant 0 : i32
      %sign3A_56 = arith.cmpi slt, %scan3A_50, %sign3A_55 : i32
      %sign3A_57 = arith.extui %sign3A_56 : i1 to i32
      %sign3A_58 = arith.subi %sign3A_54, %sign3A_57 : i32
      %sign3A_59 = arith.constant 0 : i32
      %sign3A_60 = arith.cmpi sgt, %jit3A_52, %sign3A_59 : i32
      %sign3A_61 = arith.extui %sign3A_60 : i1 to i32
      %sign3A_62 = arith.constant 0 : i32
      %sign3A_63 = arith.cmpi slt, %jit3A_52, %sign3A_62 : i32
      %sign3A_64 = arith.extui %sign3A_63 : i1 to i32
      %sign3A_65 = arith.subi %sign3A_61, %sign3A_64 : i32
      %ne3A = arith.cmpi ne, %sign3A_58, %sign3A_65 : i32
      %rem3A = arith.remsi %scan3A_50, %jit3A_52 : i32
      %ne3A_66 = arith.constant 0 : i32
      %ne3A_67 = arith.cmpi ne, %rem3A, %ne3A_66 : i32
      %and3A = arith.andi %ne3A, %ne3A_67 : i1
      %sub3A = arith.constant 1 : i32
      %sub3A_68 = arith.subi %div3A, %sub3A : i32
      %select_n3A_69 = arith.select %and3A, %sub3A_68, %div3A : i32
      %jit3A_70 = arith.constant 4 : i32
      %eq3A_71 = arith.constant 0 : i32
      %eq3A_72 = arith.cmpi eq, %jit3A_70, %eq3A_71 : i32
      %jit3A_73 = arith.constant 1 : i32
      %select_n3A_74 = arith.select %eq3A_72, %jit3A_73, %jit3A_70 : i32
      %rem3A_75 = arith.remsi %scan3A_50, %select_n3A_74 : i32
      %ne3A_76 = arith.constant 0 : i32
      %ne3A_77 = arith.cmpi ne, %rem3A_75, %ne3A_76 : i32
      %lt3A = arith.constant 0 : i32
      %lt3A_78 = arith.cmpi slt, %rem3A_75, %lt3A : i32
      %lt3A_79 = arith.constant 0 : i32
      %lt3A_80 = arith.cmpi slt, %select_n3A_74, %lt3A_79 : i32
      %ne3A_81 = arith.xori %lt3A_78, %lt3A_80 : i1
      %and3A_82 = arith.andi %ne3A_81, %ne3A_77 : i1
      %add3A_83 = arith.addi %rem3A_75, %select_n3A_74 : i32
      %select_n3A_84 = arith.select %and3A_82, %add3A_83, %rem3A_75 : i32
      %mul3A_85 = arith.constant 16 : i32
      %mul3A_86 = arith.muli %select_n3A_84, %mul3A_85 : i32
      %broadcast_in_dim3A_87 = arith.constant 0.000000e+00 : f32
      %broadcast_in_dim3A_88 = vector.broadcast %broadcast_in_dim3A_87 : f32 to vector<16xf32>
      %swap3A = arith.index_cast %select_n3A_69 : i32 to index
      %swap3A_89 = arith.index_cast %mul3A_86 : i32 to index
      %swap3A_90 = tpu.vector_load %arg27[%swap3A, %swap3A_89] {strides = array<i32>} : memref<128x64xf32, #tpu.memory_space<vmem>>, vector<16xf32>,
      tpu.vector_store %arg27[%swap3A, %swap3A_89], %broadcast_in_dim3A_88 {strides = array<i32>} : memref<128x64xf32, #tpu.memory_space<vmem>>, vector<16xf32>,
      %scan3A_91 = arith.constant 0 : i32
      scf.yield %scan3A_91 : i32
    }
    %scan3A_5 = arith.constant 512 : i32
    %scan3A_6 = arith.constant 0 : i32
    %scan3A_7 = arith.constant 0 : i32
    %scan3A_8 = arith.constant 640 : i32
    %scan3A_9 = arith.addi %scan3A_7, %scan3A_8 : i32
    %scan3A_10 = arith.constant 1 : i32
    %scan3A_11 = scf.for %scan3A_50 = %scan3A_7 to %scan3A_9 step %scan3A_10 iter_args(%scan3A_51 = %scan3A_6) -> (i32)  : i32 {
      %jit3A_52 = arith.constant 1 : i32
      %div3A = arith.divsi %scan3A_50, %jit3A_52 : i32
      %sign3A = arith.constant 0 : i32
      %sign3A_53 = arith.cmpi sgt, %scan3A_50, %sign3A : i32
      %sign3A_54 = arith.extui %sign3A_53 : i1 to i32
      %sign3A_55 = arith.constant 0 : i32
      %sign3A_56 = arith.cmpi slt, %scan3A_50, %sign3A_55 : i32
      %sign3A_57 = arith.extui %sign3A_56 : i1 to i32
      %sign3A_58 = arith.subi %sign3A_54, %sign3A_57 : i32
      %sign3A_59 = arith.constant 0 : i32
      %sign3A_60 = arith.cmpi sgt, %jit3A_52, %sign3A_59 : i32
      %sign3A_61 = arith.extui %sign3A_60 : i1 to i32
      %sign3A_62 = arith.constant 0 : i32
      %sign3A_63 = arith.cmpi slt, %jit3A_52, %sign3A_62 : i32
      %sign3A_64 = arith.extui %sign3A_63 : i1 to i32
      %sign3A_65 = arith.subi %sign3A_61, %sign3A_64 : i32
      %ne3A = arith.cmpi ne, %sign3A_58, %sign3A_65 : i32
      %rem3A = arith.remsi %scan3A_50, %jit3A_52 : i32
      %ne3A_66 = arith.constant 0 : i32
      %ne3A_67 = arith.cmpi ne, %rem3A, %ne3A_66 : i32
      %and3A = arith.andi %ne3A, %ne3A_67 : i1
      %sub3A = arith.constant 1 : i32
      %sub3A_68 = arith.subi %div3A, %sub3A : i32
      %select_n3A_69 = arith.select %and3A, %sub3A_68, %div3A : i32
      %jit3A_70 = arith.constant 1 : i32
      %eq3A_71 = arith.constant 0 : i32
      %eq3A_72 = arith.cmpi eq, %jit3A_70, %eq3A_71 : i32
      %jit3A_73 = arith.constant 1 : i32
      %select_n3A_74 = arith.select %eq3A_72, %jit3A_73, %jit3A_70 : i32
      %rem3A_75 = arith.remsi %scan3A_50, %select_n3A_74 : i32
      %ne3A_76 = arith.constant 0 : i32
      %ne3A_77 = arith.cmpi ne, %rem3A_75, %ne3A_76 : i32
      %lt3A = arith.constant 0 : i32
      %lt3A_78 = arith.cmpi slt, %rem3A_75, %lt3A : i32
      %lt3A_79 = arith.constant 0 : i32
      %lt3A_80 = arith.cmpi slt, %select_n3A_74, %lt3A_79 : i32
      %ne3A_81 = arith.xori %lt3A_78, %lt3A_80 : i1
      %and3A_82 = arith.andi %ne3A_81, %ne3A_77 : i1
      %add3A_83 = arith.addi %rem3A_75, %select_n3A_74 : i32
      %select_n3A_84 = arith.select %and3A_82, %add3A_83, %rem3A_75 : i32
      %mul3A_85 = arith.constant 16 : i32
      %mul3A_86 = arith.muli %select_n3A_84, %mul3A_85 : i32
      %broadcast_in_dim3A_87 = arith.constant 0.000000e+00 : f32
      %broadcast_in_dim3A_88 = vector.broadcast %broadcast_in_dim3A_87 : f32 to vector<16xf32>
      %swap3A = arith.index_cast %select_n3A_69 : i32 to index
      %swap3A_89 = arith.index_cast %mul3A_86 : i32 to index
      %swap3A_90 = tpu.vector_load %arg28[%swap3A, %swap3A_89] {strides = array<i32>} : memref<640x16xf32, #tpu.memory_space<vmem>>, vector<16xf32>,
      tpu.vector_store %arg28[%swap3A, %swap3A_89], %broadcast_in_dim3A_88 {strides = array<i32>} : memref<640x16xf32, #tpu.memory_space<vmem>>, vector<16xf32>,
      %scan3A_91 = arith.constant 0 : i32
      scf.yield %scan3A_91 : i32
    }
    %scan3A_12 = arith.constant 640 : i32
    %iota3A = tpu.iota {dimensions = array<i32: 0>} : vector<16xi32>
    %eq3A = arith.constant 0 : i32
    %eq3A_13 = vector.broadcast %eq3A : i32 to vector<16xi32>
    %eq3A_14 = arith.cmpi eq, %iota3A, %eq3A_13 : vector<16xi32>
    %jit3A = arith.constant 1.000000e+00 : f32
    %jit3A_15 = arith.constant 0.000000e+00 : f32
    %broadcast_in_dim3A = vector.broadcast %jit3A : f32 to vector<16xf32>
    %broadcast_in_dim3A_16 = vector.broadcast %jit3A_15 : f32 to vector<16xf32>
    %select_n3A = arith.select %eq3A_14, %broadcast_in_dim3A, %broadcast_in_dim3A_16 : vector<16xi1>, vector<16xf32>
    %scan3A_17 = arith.constant 0 : i32
    %scan3A_18 = arith.constant 0 : i32
    %scan3A_19 = arith.constant 128 : i32
    %scan3A_20 = arith.addi %scan3A_18, %scan3A_19 : i32
    %scan3A_21 = arith.constant 1 : i32
    %scan3A_22 = scf.for %scan3A_50 = %scan3A_18 to %scan3A_20 step %scan3A_21 iter_args(%scan3A_51 = %scan3A_17) -> (i32)  : i32 {
      %swap3A = arith.index_cast %scan3A_50 : i32 to index
      %swap3A_52 = arith.constant 0 : index
      %swap3A_53 = tpu.vector_load %arg26[%swap3A, %swap3A_52] {strides = array<i32>} : memref<128x16xf32, #tpu.memory_space<vmem>>, vector<16xf32>,
      tpu.vector_store %arg26[%swap3A, %swap3A_52], %select_n3A {strides = array<i32>} : memref<128x16xf32, #tpu.memory_space<vmem>>, vector<16xf32>,
      %scan3A_54 = arith.constant 0 : i32
      scf.yield %scan3A_54 : i32
    }
    %scan3A_23 = arith.constant 128 : i32
    %mul3A = arith.constant 640 : i32
    %mul3A_24 = arith.muli %arg1, %mul3A : i32
    %add3A = arith.constant 0 : i32
    %add3A_25 = arith.addi %mul3A_24, %add3A : i32
    "tpu.region"() ({
      %run_scoped3A = tpu.sem_alloc : memref<!tpu.dma_semaphore, #tpu.memory_space<semaphore_mem>>
      %dma_start3A = arith.constant 0 : i32
      %dma_start3A_50 = tpu.memref_slice %arg29[%add3A_25, %dma_start3A] : memref<10240x64xf32, #tpu.memory_space<vmem_shared>> -> memref<128x64xf32, #tpu.memory_space<vmem_shared>>
      %dma_start3A_51 = arith.constant 0 : i32
      %dma_start3A_52 = tpu.memref_slice %arg29[%add3A_25, %dma_start3A_51] : memref<10240x64xf32, #tpu.memory_space<vmem_shared>> -> memref<128x64xf32, #tpu.memory_space<vmem_shared>>
      tpu.enqueue_dma source(%arg27 : memref<128x64xf32, #tpu.memory_space<vmem>>) target(%dma_start3A_52 : memref<128x64xf32, #tpu.memory_space<vmem_shared>>) target_semaphore(%run_scoped3A : memref<!tpu.dma_semaphore, #tpu.memory_space<semaphore_mem>>)
      %dma_wait3A = arith.constant 0 : i32
      %dma_wait3A_53 = tpu.memref_slice %arg29[%add3A_25, %dma_wait3A] : memref<10240x64xf32, #tpu.memory_space<vmem_shared>> -> memref<128x64xf32, #tpu.memory_space<vmem_shared>>
      %dma_wait3A_54 = arith.constant 0 : i32
      %dma_wait3A_55 = tpu.memref_slice %arg29[%add3A_25, %dma_wait3A_54] : memref<10240x64xf32, #tpu.memory_space<vmem_shared>> -> memref<128x64xf32, #tpu.memory_space<vmem_shared>>
      tpu.wait_dma2 semaphore(%run_scoped3A : memref<!tpu.dma_semaphore, #tpu.memory_space<semaphore_mem>>) src(%arg27 : memref<128x64xf32, #tpu.memory_space<vmem>>) dst(%dma_wait3A_55 : memref<128x64xf32, #tpu.memory_space<vmem_shared>>)
      tpu.yield
    }) : () -> ()
    %add3A_26 = arith.constant 128 : i32
    %add3A_27 = arith.addi %mul3A_24, %add3A_26 : i32
    "tpu.region"() ({
      %run_scoped3A = tpu.sem_alloc : memref<!tpu.dma_semaphore, #tpu.memory_space<semaphore_mem>>
      %dma_start3A = arith.constant 0 : i32
      %dma_start3A_50 = tpu.memref_slice %arg29[%add3A_27, %dma_start3A] : memref<10240x64xf32, #tpu.memory_space<vmem_shared>> -> memref<128x64xf32, #tpu.memory_space<vmem_shared>>
      %dma_start3A_51 = arith.constant 0 : i32
      %dma_start3A_52 = tpu.memref_slice %arg29[%add3A_27, %dma_start3A_51] : memref<10240x64xf32, #tpu.memory_space<vmem_shared>> -> memref<128x64xf32, #tpu.memory_space<vmem_shared>>
      tpu.enqueue_dma source(%arg27 : memref<128x64xf32, #tpu.memory_space<vmem>>) target(%dma_start3A_52 : memref<128x64xf32, #tpu.memory_space<vmem_shared>>) target_semaphore(%run_scoped3A : memref<!tpu.dma_semaphore, #tpu.memory_space<semaphore_mem>>)
      %dma_wait3A = arith.constant 0 : i32
      %dma_wait3A_53 = tpu.memref_slice %arg29[%add3A_27, %dma_wait3A] : memref<10240x64xf32, #tpu.memory_space<vmem_shared>> -> memref<128x64xf32, #tpu.memory_space<vmem_shared>>
      %dma_wait3A_54 = arith.constant 0 : i32
      %dma_wait3A_55 = tpu.memref_slice %arg29[%add3A_27, %dma_wait3A_54] : memref<10240x64xf32, #tpu.memory_space<vmem_shared>> -> memref<128x64xf32, #tpu.memory_space<vmem_shared>>
      tpu.wait_dma2 semaphore(%run_scoped3A : memref<!tpu.dma_semaphore, #tpu.memory_space<semaphore_mem>>) src(%arg27 : memref<128x64xf32, #tpu.memory_space<vmem>>) dst(%dma_wait3A_55 : memref<128x64xf32, #tpu.memory_space<vmem_shared>>)
      tpu.yield
    }) : () -> ()
    %add3A_28 = arith.constant 256 : i32
    %add3A_29 = arith.addi %mul3A_24, %add3A_28 : i32
    "tpu.region"() ({
      %run_scoped3A = tpu.sem_alloc : memref<!tpu.dma_semaphore, #tpu.memory_space<semaphore_mem>>
      %dma_start3A = arith.constant 0 : i32
      %dma_start3A_50 = tpu.memref_slice %arg29[%add3A_29, %dma_start3A] : memref<10240x64xf32, #tpu.memory_space<vmem_shared>> -> memref<128x64xf32, #tpu.memory_space<vmem_shared>>
      %dma_start3A_51 = arith.constant 0 : i32
      %dma_start3A_52 = tpu.memref_slice %arg29[%add3A_29, %dma_start3A_51] : memref<10240x64xf32, #tpu.memory_space<vmem_shared>> -> memref<128x64xf32, #tpu.memory_space<vmem_shared>>
      tpu.enqueue_dma source(%arg27 : memref<128x64xf32, #tpu.memory_space<vmem>>) target(%dma_start3A_52 : memref<128x64xf32, #tpu.memory_space<vmem_shared>>) target_semaphore(%run_scoped3A : memref<!tpu.dma_semaphore, #tpu.memory_space<semaphore_mem>>)
      %dma_wait3A = arith.constant 0 : i32
      %dma_wait3A_53 = tpu.memref_slice %arg29[%add3A_29, %dma_wait3A] : memref<10240x64xf32, #tpu.memory_space<vmem_shared>> -> memref<128x64xf32, #tpu.memory_space<vmem_shared>>
      %dma_wait3A_54 = arith.constant 0 : i32
      %dma_wait3A_55 = tpu.memref_slice %arg29[%add3A_29, %dma_wait3A_54] : memref<10240x64xf32, #tpu.memory_space<vmem_shared>> -> memref<128x64xf32, #tpu.memory_space<vmem_shared>>
      tpu.wait_dma2 semaphore(%run_scoped3A : memref<!tpu.dma_semaphore, #tpu.memory_space<semaphore_mem>>) src(%arg27 : memref<128x64xf32, #tpu.memory_space<vmem>>) dst(%dma_wait3A_55 : memref<128x64xf32, #tpu.memory_space<vmem_shared>>)
      tpu.yield
    }) : () -> ()
    %add3A_30 = arith.constant 384 : i32
    %add3A_31 = arith.addi %mul3A_24, %add3A_30 : i32
    "tpu.region"() ({
      %run_scoped3A = tpu.sem_alloc : memref<!tpu.dma_semaphore, #tpu.memory_space<semaphore_mem>>
      %dma_start3A = arith.constant 0 : i32
      %dma_start3A_50 = tpu.memref_slice %arg29[%add3A_31, %dma_start3A] : memref<10240x64xf32, #tpu.memory_space<vmem_shared>> -> memref<128x64xf32, #tpu.memory_space<vmem_shared>>
      %dma_start3A_51 = arith.constant 0 : i32
      %dma_start3A_52 = tpu.memref_slice %arg29[%add3A_31, %dma_start3A_51] : memref<10240x64xf32, #tpu.memory_space<vmem_shared>> -> memref<128x64xf32, #tpu.memory_space<vmem_shared>>
      tpu.enqueue_dma source(%arg27 : memref<128x64xf32, #tpu.memory_space<vmem>>) target(%dma_start3A_52 : memref<128x64xf32, #tpu.memory_space<vmem_shared>>) target_semaphore(%run_scoped3A : memref<!tpu.dma_semaphore, #tpu.memory_space<semaphore_mem>>)
      %dma_wait3A = arith.constant 0 : i32
      %dma_wait3A_53 = tpu.memref_slice %arg29[%add3A_31, %dma_wait3A] : memref<10240x64xf32, #tpu.memory_space<vmem_shared>> -> memref<128x64xf32, #tpu.memory_space<vmem_shared>>
      %dma_wait3A_54 = arith.constant 0 : i32
      %dma_wait3A_55 = tpu.memref_slice %arg29[%add3A_31, %dma_wait3A_54] : memref<10240x64xf32, #tpu.memory_space<vmem_shared>> -> memref<128x64xf32, #tpu.memory_space<vmem_shared>>
      tpu.wait_dma2 semaphore(%run_scoped3A : memref<!tpu.dma_semaphore, #tpu.memory_space<semaphore_mem>>) src(%arg27 : memref<128x64xf32, #tpu.memory_space<vmem>>) dst(%dma_wait3A_55 : memref<128x64xf32, #tpu.memory_space<vmem_shared>>)
      tpu.yield
    }) : () -> ()
    %add3A_32 = arith.constant 512 : i32
    %add3A_33 = arith.addi %mul3A_24, %add3A_32 : i32
    "tpu.region"() ({
      %run_scoped3A = tpu.sem_alloc : memref<!tpu.dma_semaphore, #tpu.memory_space<semaphore_mem>>
      %dma_start3A = arith.constant 0 : i32
      %dma_start3A_50 = tpu.memref_slice %arg29[%add3A_33, %dma_start3A] : memref<10240x64xf32, #tpu.memory_space<vmem_shared>> -> memref<128x64xf32, #tpu.memory_space<vmem_shared>>
      %dma_start3A_51 = arith.constant 0 : i32
      %dma_start3A_52 = tpu.memref_slice %arg29[%add3A_33, %dma_start3A_51] : memref<10240x64xf32, #tpu.memory_space<vmem_shared>> -> memref<128x64xf32, #tpu.memory_space<vmem_shared>>
      tpu.enqueue_dma source(%arg27 : memref<128x64xf32, #tpu.memory_space<vmem>>) target(%dma_start3A_52 : memref<128x64xf32, #tpu.memory_space<vmem_shared>>) target_semaphore(%run_scoped3A : memref<!tpu.dma_semaphore, #tpu.memory_space<semaphore_mem>>)
      %dma_wait3A = arith.constant 0 : i32
      %dma_wait3A_53 = tpu.memref_slice %arg29[%add3A_33, %dma_wait3A] : memref<10240x64xf32, #tpu.memory_space<vmem_shared>> -> memref<128x64xf32, #tpu.memory_space<vmem_shared>>
      %dma_wait3A_54 = arith.constant 0 : i32
      %dma_wait3A_55 = tpu.memref_slice %arg29[%add3A_33, %dma_wait3A_54] : memref<10240x64xf32, #tpu.memory_space<vmem_shared>> -> memref<128x64xf32, #tpu.memory_space<vmem_shared>>
      tpu.wait_dma2 semaphore(%run_scoped3A : memref<!tpu.dma_semaphore, #tpu.memory_space<semaphore_mem>>) src(%arg27 : memref<128x64xf32, #tpu.memory_space<vmem>>) dst(%dma_wait3A_55 : memref<128x64xf32, #tpu.memory_space<vmem_shared>>)
      tpu.yield
    }) : () -> ()
    "tpu.region"() ({
      %run_scoped3A = tpu.sem_alloc : memref<!tpu.dma_semaphore, #tpu.memory_space<semaphore_mem>>
      %dma_start3A = arith.constant 0 : i32
      %dma_start3A_50 = tpu.memref_slice %arg30[%mul3A_24, %dma_start3A] : memref<10240x16xf32, #tpu.memory_space<vmem_shared>> -> memref<640x16xf32, #tpu.memory_space<vmem_shared>>
      %dma_start3A_51 = arith.constant 0 : i32
      %dma_start3A_52 = tpu.memref_slice %arg30[%mul3A_24, %dma_start3A_51] : memref<10240x16xf32, #tpu.memory_space<vmem_shared>> -> memref<640x16xf32, #tpu.memory_space<vmem_shared>>
      tpu.enqueue_dma source(%arg28 : memref<640x16xf32, #tpu.memory_space<vmem>>) target(%dma_start3A_52 : memref<640x16xf32, #tpu.memory_space<vmem_shared>>) target_semaphore(%run_scoped3A : memref<!tpu.dma_semaphore, #tpu.memory_space<semaphore_mem>>)
      %dma_wait3A = arith.constant 0 : i32
      %dma_wait3A_53 = tpu.memref_slice %arg30[%mul3A_24, %dma_wait3A] : memref<10240x16xf32, #tpu.memory_space<vmem_shared>> -> memref<640x16xf32, #tpu.memory_space<vmem_shared>>
      %dma_wait3A_54 = arith.constant 0 : i32
      %dma_wait3A_55 = tpu.memref_slice %arg30[%mul3A_24, %dma_wait3A_54] : memref<10240x16xf32, #tpu.memory_space<vmem_shared>> -> memref<640x16xf32, #tpu.memory_space<vmem_shared>>
      tpu.wait_dma2 semaphore(%run_scoped3A : memref<!tpu.dma_semaphore, #tpu.memory_space<semaphore_mem>>) src(%arg28 : memref<640x16xf32, #tpu.memory_space<vmem>>) dst(%dma_wait3A_55 : memref<640x16xf32, #tpu.memory_space<vmem_shared>>)
      tpu.yield
    }) : () -> ()
    %barrier3A = arith.constant 0 : index
    tpu.barrier barrier_id(%barrier3A)
    %mul3A_34 = arith.constant 156 : i32
    %mul3A_35 = arith.muli %arg1, %mul3A_34 : i32
    %eq3A_36 = arith.constant 0 : i32
    %eq3A_37 = arith.cmpi eq, %arg0, %eq3A_36 : i32
    %convert_element_type3A = arith.extui %eq3A_37 : i1 to i32
    %cond3A = arith.constant 0 : i32
    %cond3A_38 = arith.cmpi ne, %convert_element_type3A, %cond3A : i32
    scf.if %cond3A_38 {
      %add3A_50 = arith.constant 0 : i32
      %add3A_51 = arith.addi %mul3A_35, %add3A_50 : i32
      %mul3A_52 = arith.constant 128 : i32
      %mul3A_53 = arith.muli %add3A_51, %mul3A_52 : i32
      %multiple_of3A = tpu.assume_multiple %mul3A_53, 8 : i32
      %dma_start3A = tpu.memref_slice %arg4[%multiple_of3A] : memref<320000xi32, #tpu.memory_space<hbm>> -> memref<128xi32, #tpu.memory_space<hbm>>
      %dma_start3A_54 = tpu.memref_slice %arg4[%multiple_of3A] : memref<320000xi32, #tpu.memory_space<hbm>> -> memref<128xi32, #tpu.memory_space<hbm>>
      tpu.enqueue_dma source(%dma_start3A_54 : memref<128xi32, #tpu.memory_space<hbm>>) target(%arg8 : memref<128xi32, #tpu.memory_space<vmem>>) target_semaphore(%arg31 : memref<!tpu.dma_semaphore, #tpu.memory_space<semaphore_mem>>)
      %dma_start3A_55 = tpu.memref_slice %arg5[%multiple_of3A] : memref<320000xi32, #tpu.memory_space<hbm>> -> memref<128xi32, #tpu.memory_space<hbm>>
      %dma_start3A_56 = tpu.memref_slice %arg5[%multiple_of3A] : memref<320000xi32, #tpu.memory_space<hbm>> -> memref<128xi32, #tpu.memory_space<hbm>>
      tpu.enqueue_dma source(%dma_start3A_56 : memref<128xi32, #tpu.memory_space<hbm>>) target(%arg14 : memref<128xi32, #tpu.memory_space<vmem>>) target_semaphore(%arg31 : memref<!tpu.dma_semaphore, #tpu.memory_space<semaphore_mem>>)
      %add3A_57 = arith.constant 1 : i32
      %add3A_58 = arith.addi %mul3A_35, %add3A_57 : i32
      %mul3A_59 = arith.constant 128 : i32
      %mul3A_60 = arith.muli %add3A_58, %mul3A_59 : i32
      %multiple_of3A_61 = tpu.assume_multiple %mul3A_60, 8 : i32
      %dma_start3A_62 = tpu.memref_slice %arg4[%multiple_of3A_61] : memref<320000xi32, #tpu.memory_space<hbm>> -> memref<128xi32, #tpu.memory_space<hbm>>
      %dma_start3A_63 = tpu.memref_slice %arg4[%multiple_of3A_61] : memref<320000xi32, #tpu.memory_space<hbm>> -> memref<128xi32, #tpu.memory_space<hbm>>
      tpu.enqueue_dma source(%dma_start3A_63 : memref<128xi32, #tpu.memory_space<hbm>>) target(%arg9 : memref<128xi32, #tpu.memory_space<vmem>>) target_semaphore(%arg32 : memref<!tpu.dma_semaphore, #tpu.memory_space<semaphore_mem>>)
      %dma_start3A_64 = tpu.memref_slice %arg5[%multiple_of3A_61] : memref<320000xi32, #tpu.memory_space<hbm>> -> memref<128xi32, #tpu.memory_space<hbm>>
      %dma_start3A_65 = tpu.memref_slice %arg5[%multiple_of3A_61] : memref<320000xi32, #tpu.memory_space<hbm>> -> memref<128xi32, #tpu.memory_space<hbm>>
      tpu.enqueue_dma source(%dma_start3A_65 : memref<128xi32, #tpu.memory_space<hbm>>) target(%arg15 : memref<128xi32, #tpu.memory_space<vmem>>) target_semaphore(%arg32 : memref<!tpu.dma_semaphore, #tpu.memory_space<semaphore_mem>>)
      %add3A_66 = arith.constant 2 : i32
      %add3A_67 = arith.addi %mul3A_35, %add3A_66 : i32
      %mul3A_68 = arith.constant 128 : i32
      %mul3A_69 = arith.muli %add3A_67, %mul3A_68 : i32
      %multiple_of3A_70 = tpu.assume_multiple %mul3A_69, 8 : i32
      %dma_start3A_71 = tpu.memref_slice %arg4[%multiple_of3A_70] : memref<320000xi32, #tpu.memory_space<hbm>> -> memref<128xi32, #tpu.memory_space<hbm>>
      %dma_start3A_72 = tpu.memref_slice %arg4[%multiple_of3A_70] : memref<320000xi32, #tpu.memory_space<hbm>> -> memref<128xi32, #tpu.memory_space<hbm>>
      tpu.enqueue_dma source(%dma_start3A_72 : memref<128xi32, #tpu.memory_space<hbm>>) target(%arg10 : memref<128xi32, #tpu.memory_space<vmem>>) target_semaphore(%arg33 : memref<!tpu.dma_semaphore, #tpu.memory_space<semaphore_mem>>)
      %dma_start3A_73 = tpu.memref_slice %arg5[%multiple_of3A_70] : memref<320000xi32, #tpu.memory_space<hbm>> -> memref<128xi32, #tpu.memory_space<hbm>>
      %dma_start3A_74 = tpu.memref_slice %arg5[%multiple_of3A_70] : memref<320000xi32, #tpu.memory_space<hbm>> -> memref<128xi32, #tpu.memory_space<hbm>>
      tpu.enqueue_dma source(%dma_start3A_74 : memref<128xi32, #tpu.memory_space<hbm>>) target(%arg16 : memref<128xi32, #tpu.memory_space<vmem>>) target_semaphore(%arg33 : memref<!tpu.dma_semaphore, #tpu.memory_space<semaphore_mem>>)
      %add3A_75 = arith.constant 3 : i32
      %add3A_76 = arith.addi %mul3A_35, %add3A_75 : i32
      %mul3A_77 = arith.constant 128 : i32
      %mul3A_78 = arith.muli %add3A_76, %mul3A_77 : i32
      %multiple_of3A_79 = tpu.assume_multiple %mul3A_78, 8 : i32
      %dma_start3A_80 = tpu.memref_slice %arg4[%multiple_of3A_79] : memref<320000xi32, #tpu.memory_space<hbm>> -> memref<128xi32, #tpu.memory_space<hbm>>
      %dma_start3A_81 = tpu.memref_slice %arg4[%multiple_of3A_79] : memref<320000xi32, #tpu.memory_space<hbm>> -> memref<128xi32, #tpu.memory_space<hbm>>
      tpu.enqueue_dma source(%dma_start3A_81 : memref<128xi32, #tpu.memory_space<hbm>>) target(%arg11 : memref<128xi32, #tpu.memory_space<vmem>>) target_semaphore(%arg34 : memref<!tpu.dma_semaphore, #tpu.memory_space<semaphore_mem>>)
      %dma_start3A_82 = tpu.memref_slice %arg5[%multiple_of3A_79] : memref<320000xi32, #tpu.memory_space<hbm>> -> memref<128xi32, #tpu.memory_space<hbm>>
      %dma_start3A_83 = tpu.memref_slice %arg5[%multiple_of3A_79] : memref<320000xi32, #tpu.memory_space<hbm>> -> memref<128xi32, #tpu.memory_space<hbm>>
      tpu.enqueue_dma source(%dma_start3A_83 : memref<128xi32, #tpu.memory_space<hbm>>) target(%arg17 : memref<128xi32, #tpu.memory_space<vmem>>) target_semaphore(%arg34 : memref<!tpu.dma_semaphore, #tpu.memory_space<semaphore_mem>>)
      %dma_wait3A = arith.constant 0 : i32
      %dma_wait3A_84 = tpu.memref_slice %arg4[%dma_wait3A] : memref<320000xi32, #tpu.memory_space<hbm>> -> memref<128xi32, #tpu.memory_space<hbm>>
      %dma_wait3A_85 = arith.constant 0 : i32
      %dma_wait3A_86 = tpu.memref_slice %arg4[%dma_wait3A_85] : memref<320000xi32, #tpu.memory_space<hbm>> -> memref<128xi32, #tpu.memory_space<hbm>>
      tpu.wait_dma2 semaphore(%arg31 : memref<!tpu.dma_semaphore, #tpu.memory_space<semaphore_mem>>) src(%dma_wait3A_86 : memref<128xi32, #tpu.memory_space<hbm>>) dst(%arg8 : memref<128xi32, #tpu.memory_space<vmem>>)
      %dma_wait3A_87 = arith.constant 0 : i32
      %dma_wait3A_88 = tpu.memref_slice %arg5[%dma_wait3A_87] : memref<320000xi32, #tpu.memory_space<hbm>> -> memref<128xi32, #tpu.memory_space<hbm>>
      %dma_wait3A_89 = arith.constant 0 : i32
      %dma_wait3A_90 = tpu.memref_slice %arg5[%dma_wait3A_89] : memref<320000xi32, #tpu.memory_space<hbm>> -> memref<128xi32, #tpu.memory_space<hbm>>
      tpu.wait_dma2 semaphore(%arg31 : memref<!tpu.dma_semaphore, #tpu.memory_space<semaphore_mem>>) src(%dma_wait3A_90 : memref<128xi32, #tpu.memory_space<hbm>>) dst(%arg14 : memref<128xi32, #tpu.memory_space<vmem>>)
      %dma_start3A_91 = arith.constant 0 : i32
      %dma_start3A_92 = arith.constant 0 : i32
      %dma_start3A_93 = tpu.memref_slice %arg2[%dma_start3A_91, %dma_start3A_92] : memref<10000x64xf32, #tpu.memory_space<hbm>> -> memref<10000x64xf32, #tpu.memory_space<hbm>>
      tpu.enqueue_indirect_dma source(%dma_start3A_93 : memref<10000x64xf32, #tpu.memory_space<hbm>>) target(%arg20 : memref<128x64xf32, #tpu.memory_space<vmem>>) offsets(%arg8 : memref<128xi32, #tpu.memory_space<vmem>>) semaphore(%arg37 : memref<!tpu.dma_semaphore, #tpu.memory_space<semaphore_mem>>)
      %dma_wait3A_94 = arith.constant 0 : i32
      %dma_wait3A_95 = tpu.memref_slice %arg4[%dma_wait3A_94] : memref<320000xi32, #tpu.memory_space<hbm>> -> memref<128xi32, #tpu.memory_space<hbm>>
      %dma_wait3A_96 = arith.constant 0 : i32
      %dma_wait3A_97 = tpu.memref_slice %arg4[%dma_wait3A_96] : memref<320000xi32, #tpu.memory_space<hbm>> -> memref<128xi32, #tpu.memory_space<hbm>>
      tpu.wait_dma2 semaphore(%arg32 : memref<!tpu.dma_semaphore, #tpu.memory_space<semaphore_mem>>) src(%dma_wait3A_97 : memref<128xi32, #tpu.memory_space<hbm>>) dst(%arg9 : memref<128xi32, #tpu.memory_space<vmem>>)
      %dma_wait3A_98 = arith.constant 0 : i32
      %dma_wait3A_99 = tpu.memref_slice %arg5[%dma_wait3A_98] : memref<320000xi32, #tpu.memory_space<hbm>> -> memref<128xi32, #tpu.memory_space<hbm>>
      %dma_wait3A_100 = arith.constant 0 : i32
      %dma_wait3A_101 = tpu.memref_slice %arg5[%dma_wait3A_100] : memref<320000xi32, #tpu.memory_space<hbm>> -> memref<128xi32, #tpu.memory_space<hbm>>
      tpu.wait_dma2 semaphore(%arg32 : memref<!tpu.dma_semaphore, #tpu.memory_space<semaphore_mem>>) src(%dma_wait3A_101 : memref<128xi32, #tpu.memory_space<hbm>>) dst(%arg15 : memref<128xi32, #tpu.memory_space<vmem>>)
      %dma_start3A_102 = arith.constant 0 : i32
      %dma_start3A_103 = arith.constant 0 : i32
      %dma_start3A_104 = tpu.memref_slice %arg2[%dma_start3A_102, %dma_start3A_103] : memref<10000x64xf32, #tpu.memory_space<hbm>> -> memref<10000x64xf32, #tpu.memory_space<hbm>>
      tpu.enqueue_indirect_dma source(%dma_start3A_104 : memref<10000x64xf32, #tpu.memory_space<hbm>>) target(%arg21 : memref<128x64xf32, #tpu.memory_space<vmem>>) offsets(%arg9 : memref<128xi32, #tpu.memory_space<vmem>>) semaphore(%arg38 : memref<!tpu.dma_semaphore, #tpu.memory_space<semaphore_mem>>)
      %scan3A_105 = arith.constant 0 : i32
      %scan3A_106 = arith.constant 0 : i32
      %scan3A_107 = arith.constant 26 : i32
      %scan3A_108 = arith.addi %scan3A_106, %scan3A_107 : i32
      %scan3A_109 = arith.constant 1 : i32
      %scan3A_110 = scf.for %scan3A_134 = %scan3A_106 to %scan3A_108 step %scan3A_109 iter_args(%scan3A_135 = %scan3A_105) -> (i32)  : i32 {
        %mul3A_136 = arith.constant 6 : i32
        %mul3A_137 = arith.muli %scan3A_134, %mul3A_136 : i32
        %add3A_138 = arith.constant 0 : i32
        %add3A_139 = arith.addi %mul3A_137, %add3A_138 : i32
        %dma_wait3A_140 = arith.constant 0 : i32
        %dma_wait3A_141 = arith.constant 0 : i32
        %dma_wait3A_142 = tpu.memref_slice %arg2[%dma_wait3A_140, %dma_wait3A_141] : memref<10000x64xf32, #tpu.memory_space<hbm>> -> memref<10000x64xf32, #tpu.memory_space<hbm>>
        tpu.wait_indirect_dma semaphore(%arg37 : memref<!tpu.dma_semaphore, #tpu.memory_space<semaphore_mem>>) src(%dma_wait3A_142 : memref<10000x64xf32, #tpu.memory_space<hbm>>) dst(%arg20 : memref<128x64xf32, #tpu.memory_space<vmem>>)
        %dma_start3A_143 = arith.constant 0 : i32
        %dma_start3A_144 = arith.constant 0 : i32
        %dma_start3A_145 = tpu.memref_slice %arg29[%dma_start3A_143, %dma_start3A_144] : memref<10240x64xf32, #tpu.memory_space<vmem_shared>> -> memref<10240x64xf32, #tpu.memory_space<vmem_shared>>
        tpu.enqueue_indirect_dma source(%arg20 : memref<128x64xf32, #tpu.memory_space<vmem>>) target(%dma_start3A_145 : memref<10240x64xf32, #tpu.memory_space<vmem_shared>>) offsets(%arg14 : memref<128xi32, #tpu.memory_space<vmem>>) semaphore(%arg43 : memref<!tpu.dma_semaphore, #tpu.memory_space<semaphore_mem>>) {add = true}
        %dma_wait3A_146 = arith.constant 0 : i32
        %dma_wait3A_147 = tpu.memref_slice %arg4[%dma_wait3A_146] : memref<320000xi32, #tpu.memory_space<hbm>> -> memref<128xi32, #tpu.memory_space<hbm>>
        %dma_wait3A_148 = arith.constant 0 : i32
        %dma_wait3A_149 = tpu.memref_slice %arg4[%dma_wait3A_148] : memref<320000xi32, #tpu.memory_space<hbm>> -> memref<128xi32, #tpu.memory_space<hbm>>
        tpu.wait_dma2 semaphore(%arg33 : memref<!tpu.dma_semaphore, #tpu.memory_space<semaphore_mem>>) src(%dma_wait3A_149 : memref<128xi32, #tpu.memory_space<hbm>>) dst(%arg10 : memref<128xi32, #tpu.memory_space<vmem>>)
        %dma_wait3A_150 = arith.constant 0 : i32
        %dma_wait3A_151 = tpu.memref_slice %arg5[%dma_wait3A_150] : memref<320000xi32, #tpu.memory_space<hbm>> -> memref<128xi32, #tpu.memory_space<hbm>>
        %dma_wait3A_152 = arith.constant 0 : i32
        %dma_wait3A_153 = tpu.memref_slice %arg5[%dma_wait3A_152] : memref<320000xi32, #tpu.memory_space<hbm>> -> memref<128xi32, #tpu.memory_space<hbm>>
        tpu.wait_dma2 semaphore(%arg33 : memref<!tpu.dma_semaphore, #tpu.memory_space<semaphore_mem>>) src(%dma_wait3A_153 : memref<128xi32, #tpu.memory_space<hbm>>) dst(%arg16 : memref<128xi32, #tpu.memory_space<vmem>>)
        %dma_start3A_154 = arith.constant 0 : i32
        %dma_start3A_155 = arith.constant 0 : i32
        %dma_start3A_156 = tpu.memref_slice %arg2[%dma_start3A_154, %dma_start3A_155] : memref<10000x64xf32, #tpu.memory_space<hbm>> -> memref<10000x64xf32, #tpu.memory_space<hbm>>
        tpu.enqueue_indirect_dma source(%dma_start3A_156 : memref<10000x64xf32, #tpu.memory_space<hbm>>) target(%arg22 : memref<128x64xf32, #tpu.memory_space<vmem>>) offsets(%arg10 : memref<128xi32, #tpu.memory_space<vmem>>) semaphore(%arg39 : memref<!tpu.dma_semaphore, #tpu.memory_space<semaphore_mem>>)
        %gt3A = arith.constant 0 : i32
        %gt3A_157 = arith.cmpi sgt, %scan3A_134, %gt3A : i32
        %convert_element_type3A_158 = arith.extui %gt3A_157 : i1 to i32
        %cond3A_159 = arith.constant 0 : i32
        %cond3A_160 = arith.cmpi ne, %convert_element_type3A_158, %cond3A_159 : i32
        scf.if %cond3A_160 {
          %dma_wait3A_300 = arith.constant 0 : i32
          %dma_wait3A_301 = arith.constant 0 : i32
          %dma_wait3A_302 = tpu.memref_slice %arg29[%dma_wait3A_300, %dma_wait3A_301] : memref<10240x64xf32, #tpu.memory_space<vmem_shared>> -> memref<10240x64xf32, #tpu.memory_space<vmem_shared>>
          tpu.wait_indirect_dma semaphore(%arg47 : memref<!tpu.dma_semaphore, #tpu.memory_space<semaphore_mem>>) src(%arg24 : memref<128x64xf32, #tpu.memory_space<vmem>>) dst(%dma_wait3A_302 : memref<10240x64xf32, #tpu.memory_space<vmem_shared>>)
        } else {
        }
        %add3A_161 = arith.constant 4 : i32
        %add3A_162 = arith.addi %add3A_139, %add3A_161 : i32
        %add3A_163 = arith.addi %mul3A_35, %add3A_162 : i32
        %mul3A_164 = arith.constant 128 : i32
        %mul3A_165 = arith.muli %add3A_163, %mul3A_164 : i32
        %multiple_of3A_166 = tpu.assume_multiple %mul3A_165, 8 : i32
        %dma_start3A_167 = tpu.memref_slice %arg4[%multiple_of3A_166] : memref<320000xi32, #tpu.memory_space<hbm>> -> memref<128xi32, #tpu.memory_space<hbm>>
        %dma_start3A_168 = tpu.memref_slice %arg4[%multiple_of3A_166] : memref<320000xi32, #tpu.memory_space<hbm>> -> memref<128xi32, #tpu.memory_space<hbm>>
        tpu.enqueue_dma source(%dma_start3A_168 : memref<128xi32, #tpu.memory_space<hbm>>) target(%arg12 : memref<128xi32, #tpu.memory_space<vmem>>) target_semaphore(%arg35 : memref<!tpu.dma_semaphore, #tpu.memory_space<semaphore_mem>>)
        %dma_start3A_169 = tpu.memref_slice %arg5[%multiple_of3A_166] : memref<320000xi32, #tpu.memory_space<hbm>> -> memref<128xi32, #tpu.memory_space<hbm>>
        %dma_start3A_170 = tpu.memref_slice %arg5[%multiple_of3A_166] : memref<320000xi32, #tpu.memory_space<hbm>> -> memref<128xi32, #tpu.memory_space<hbm>>
        tpu.enqueue_dma source(%dma_start3A_170 : memref<128xi32, #tpu.memory_space<hbm>>) target(%arg18 : memref<128xi32, #tpu.memory_space<vmem>>) target_semaphore(%arg35 : memref<!tpu.dma_semaphore, #tpu.memory_space<semaphore_mem>>)
        %mul3A_171 = arith.constant 6 : i32
        %mul3A_172 = arith.muli %scan3A_134, %mul3A_171 : i32
        %add3A_173 = arith.constant 1 : i32
        %add3A_174 = arith.addi %mul3A_172, %add3A_173 : i32
        %dma_wait3A_175 = arith.constant 0 : i32
        %dma_wait3A_176 = arith.constant 0 : i32
        %dma_wait3A_177 = tpu.memref_slice %arg2[%dma_wait3A_175, %dma_wait3A_176] : memref<10000x64xf32, #tpu.memory_space<hbm>> -> memref<10000x64xf32, #tpu.memory_space<hbm>>
        tpu.wait_indirect_dma semaphore(%arg38 : memref<!tpu.dma_semaphore, #tpu.memory_space<semaphore_mem>>) src(%dma_wait3A_177 : memref<10000x64xf32, #tpu.memory_space<hbm>>) dst(%arg21 : memref<128x64xf32, #tpu.memory_space<vmem>>)
        %dma_start3A_178 = arith.constant 0 : i32
        %dma_start3A_179 = arith.constant 0 : i32
        %dma_start3A_180 = tpu.memref_slice %arg29[%dma_start3A_178, %dma_start3A_179] : memref<10240x64xf32, #tpu.memory_space<vmem_shared>> -> memref<10240x64xf32, #tpu.memory_space<vmem_shared>>
        tpu.enqueue_indirect_dma source(%arg21 : memref<128x64xf32, #tpu.memory_space<vmem>>) target(%dma_start3A_180 : memref<10240x64xf32, #tpu.memory_space<vmem_shared>>) offsets(%arg15 : memref<128xi32, #tpu.memory_space<vmem>>) semaphore(%arg44 : memref<!tpu.dma_semaphore, #tpu.memory_space<semaphore_mem>>) {add = true}
        %dma_wait3A_181 = arith.constant 0 : i32
        %dma_wait3A_182 = tpu.memref_slice %arg4[%dma_wait3A_181] : memref<320000xi32, #tpu.memory_space<hbm>> -> memref<128xi32, #tpu.memory_space<hbm>>
        %dma_wait3A_183 = arith.constant 0 : i32
        %dma_wait3A_184 = tpu.memref_slice %arg4[%dma_wait3A_183] : memref<320000xi32, #tpu.memory_space<hbm>> -> memref<128xi32, #tpu.memory_space<hbm>>
        tpu.wait_dma2 semaphore(%arg34 : memref<!tpu.dma_semaphore, #tpu.memory_space<semaphore_mem>>) src(%dma_wait3A_184 : memref<128xi32, #tpu.memory_space<hbm>>) dst(%arg11 : memref<128xi32, #tpu.memory_space<vmem>>)
        %dma_wait3A_185 = arith.constant 0 : i32
        %dma_wait3A_186 = tpu.memref_slice %arg5[%dma_wait3A_185] : memref<320000xi32, #tpu.memory_space<hbm>> -> memref<128xi32, #tpu.memory_space<hbm>>
        %dma_wait3A_187 = arith.constant 0 : i32
        %dma_wait3A_188 = tpu.memref_slice %arg5[%dma_wait3A_187] : memref<320000xi32, #tpu.memory_space<hbm>> -> memref<128xi32, #tpu.memory_space<hbm>>
        tpu.wait_dma2 semaphore(%arg34 : memref<!tpu.dma_semaphore, #tpu.memory_space<semaphore_mem>>) src(%dma_wait3A_188 : memref<128xi32, #tpu.memory_space<hbm>>) dst(%arg17 : memref<128xi32, #tpu.memory_space<vmem>>)
        %dma_start3A_189 = arith.constant 0 : i32
        %dma_start3A_190 = arith.constant 0 : i32
        %dma_start3A_191 = tpu.memref_slice %arg2[%dma_start3A_189, %dma_start3A_190] : memref<10000x64xf32, #tpu.memory_space<hbm>> -> memref<10000x64xf32, #tpu.memory_space<hbm>>
        tpu.enqueue_indirect_dma source(%dma_start3A_191 : memref<10000x64xf32, #tpu.memory_space<hbm>>) target(%arg23 : memref<128x64xf32, #tpu.memory_space<vmem>>) offsets(%arg11 : memref<128xi32, #tpu.memory_space<vmem>>) semaphore(%arg40 : memref<!tpu.dma_semaphore, #tpu.memory_space<semaphore_mem>>)
        %gt3A_192 = arith.constant 0 : i32
        %gt3A_193 = arith.cmpi sgt, %scan3A_134, %gt3A_192 : i32
        %convert_element_type3A_194 = arith.extui %gt3A_193 : i1 to i32
        %cond3A_195 = arith.constant 0 : i32
        %cond3A_196 = arith.cmpi ne, %convert_element_type3A_194, %cond3A_195 : i32
        scf.if %cond3A_196 {
          %dma_wait3A_300 = arith.constant 0 : i32
          %dma_wait3A_301 = arith.constant 0 : i32
          %dma_wait3A_302 = tpu.memref_slice %arg29[%dma_wait3A_300, %dma_wait3A_301] : memref<10240x64xf32, #tpu.memory_space<vmem_shared>> -> memref<10240x64xf32, #tpu.memory_space<vmem_shared>>
          tpu.wait_indirect_dma semaphore(%arg48 : memref<!tpu.dma_semaphore, #tpu.memory_space<semaphore_mem>>) src(%arg25 : memref<128x64xf32, #tpu.memory_space<vmem>>) dst(%dma_wait3A_302 : memref<10240x64xf32, #tpu.memory_space<vmem_shared>>)
        } else {
        }
        %add3A_197 = arith.constant 4 : i32
        %add3A_198 = arith.addi %add3A_174, %add3A_197 : i32
        %add3A_199 = arith.addi %mul3A_35, %add3A_198 : i32
        %mul3A_200 = arith.constant 128 : i32
        %mul3A_201 = arith.muli %add3A_199, %mul3A_200 : i32
        %multiple_of3A_202 = tpu.assume_multiple %mul3A_201, 8 : i32
        %dma_start3A_203 = tpu.memref_slice %arg4[%multiple_of3A_202] : memref<320000xi32, #tpu.memory_space<hbm>> -> memref<128xi32, #tpu.memory_space<hbm>>
        %dma_start3A_204 = tpu.memref_slice %arg4[%multiple_of3A_202] : memref<320000xi32, #tpu.memory_space<hbm>> -> memref<128xi32, #tpu.memory_space<hbm>>
        tpu.enqueue_dma source(%dma_start3A_204 : memref<128xi32, #tpu.memory_space<hbm>>) target(%arg13 : memref<128xi32, #tpu.memory_space<vmem>>) target_semaphore(%arg36 : memref<!tpu.dma_semaphore, #tpu.memory_space<semaphore_mem>>)
        %dma_start3A_205 = tpu.memref_slice %arg5[%multiple_of3A_202] : memref<320000xi32, #tpu.memory_space<hbm>> -> memref<128xi32, #tpu.memory_space<hbm>>
        %dma_start3A_206 = tpu.memref_slice %arg5[%multiple_of3A_202] : memref<320000xi32, #tpu.memory_space<hbm>> -> memref<128xi32, #tpu.memory_space<hbm>>
        tpu.enqueue_dma source(%dma_start3A_206 : memref<128xi32, #tpu.memory_space<hbm>>) target(%arg19 : memref<128xi32, #tpu.memory_space<vmem>>) target_semaphore(%arg36 : memref<!tpu.dma_semaphore, #tpu.memory_space<semaphore_mem>>)
        %mul3A_207 = arith.constant 6 : i32
        %mul3A_208 = arith.muli %scan3A_134, %mul3A_207 : i32
        %add3A_209 = arith.constant 2 : i32
        %add3A_210 = arith.addi %mul3A_208, %add3A_209 : i32
        %dma_wait3A_211 = arith.constant 0 : i32
        %dma_wait3A_212 = arith.constant 0 : i32
        %dma_wait3A_213 = tpu.memref_slice %arg2[%dma_wait3A_211, %dma_wait3A_212] : memref<10000x64xf32, #tpu.memory_space<hbm>> -> memref<10000x64xf32, #tpu.memory_space<hbm>>
        tpu.wait_indirect_dma semaphore(%arg39 : memref<!tpu.dma_semaphore, #tpu.memory_space<semaphore_mem>>) src(%dma_wait3A_213 : memref<10000x64xf32, #tpu.memory_space<hbm>>) dst(%arg22 : memref<128x64xf32, #tpu.memory_space<vmem>>)
        %dma_start3A_214 = arith.constant 0 : i32
        %dma_start3A_215 = arith.constant 0 : i32
        %dma_start3A_216 = tpu.memref_slice %arg29[%dma_start3A_214, %dma_start3A_215] : memref<10240x64xf32, #tpu.memory_space<vmem_shared>> -> memref<10240x64xf32, #tpu.memory_space<vmem_shared>>
        tpu.enqueue_indirect_dma source(%arg22 : memref<128x64xf32, #tpu.memory_space<vmem>>) target(%dma_start3A_216 : memref<10240x64xf32, #tpu.memory_space<vmem_shared>>) offsets(%arg16 : memref<128xi32, #tpu.memory_space<vmem>>) semaphore(%arg45 : memref<!tpu.dma_semaphore, #tpu.memory_space<semaphore_mem>>) {add = true}
        %dma_wait3A_217 = arith.constant 0 : i32
        %dma_wait3A_218 = tpu.memref_slice %arg4[%dma_wait3A_217] : memref<320000xi32, #tpu.memory_space<hbm>> -> memref<128xi32, #tpu.memory_space<hbm>>
        %dma_wait3A_219 = arith.constant 0 : i32
        %dma_wait3A_220 = tpu.memref_slice %arg4[%dma_wait3A_219] : memref<320000xi32, #tpu.memory_space<hbm>> -> memref<128xi32, #tpu.memory_space<hbm>>
        tpu.wait_dma2 semaphore(%arg35 : memref<!tpu.dma_semaphore, #tpu.memory_space<semaphore_mem>>) src(%dma_wait3A_220 : memref<128xi32, #tpu.memory_space<hbm>>) dst(%arg12 : memref<128xi32, #tpu.memory_space<vmem>>)
        %dma_wait3A_221 = arith.constant 0 : i32
        %dma_wait3A_222 = tpu.memref_slice %arg5[%dma_wait3A_221] : memref<320000xi32, #tpu.memory_space<hbm>> -> memref<128xi32, #tpu.memory_space<hbm>>
        %dma_wait3A_223 = arith.constant 0 : i32
        %dma_wait3A_224 = tpu.memref_slice %arg5[%dma_wait3A_223] : memref<320000xi32, #tpu.memory_space<hbm>> -> memref<128xi32, #tpu.memory_space<hbm>>
        tpu.wait_dma2 semaphore(%arg35 : memref<!tpu.dma_semaphore, #tpu.memory_space<semaphore_mem>>) src(%dma_wait3A_224 : memref<128xi32, #tpu.memory_space<hbm>>) dst(%arg18 : memref<128xi32, #tpu.memory_space<vmem>>)
        %dma_start3A_225 = arith.constant 0 : i32
        %dma_start3A_226 = arith.constant 0 : i32
        %dma_start3A_227 = tpu.memref_slice %arg2[%dma_start3A_225, %dma_start3A_226] : memref<10000x64xf32, #tpu.memory_space<hbm>> -> memref<10000x64xf32, #tpu.memory_space<hbm>>
        tpu.enqueue_indirect_dma source(%dma_start3A_227 : memref<10000x64xf32, #tpu.memory_space<hbm>>) target(%arg24 : memref<128x64xf32, #tpu.memory_space<vmem>>) offsets(%arg12 : memref<128xi32, #tpu.memory_space<vmem>>) semaphore(%arg41 : memref<!tpu.dma_semaphore, #tpu.memory_space<semaphore_mem>>)
        %lt3A_228 = arith.constant 25 : i32
        %lt3A_229 = arith.cmpi slt, %scan3A_134, %lt3A_228 : i32
        %convert_element_type3A_230 = arith.extui %lt3A_229 : i1 to i32
        %cond3A_231 = arith.constant 0 : i32
        %cond3A_232 = arith.cmpi ne, %convert_element_type3A_230, %cond3A_231 : i32
        scf.if %cond3A_232 {
          %dma_wait3A_300 = arith.constant 0 : i32
          %dma_wait3A_301 = arith.constant 0 : i32
          %dma_wait3A_302 = tpu.memref_slice %arg29[%dma_wait3A_300, %dma_wait3A_301] : memref<10240x64xf32, #tpu.memory_space<vmem_shared>> -> memref<10240x64xf32, #tpu.memory_space<vmem_shared>>
          tpu.wait_indirect_dma semaphore(%arg43 : memref<!tpu.dma_semaphore, #tpu.memory_space<semaphore_mem>>) src(%arg20 : memref<128x64xf32, #tpu.memory_space<vmem>>) dst(%dma_wait3A_302 : memref<10240x64xf32, #tpu.memory_space<vmem_shared>>)
          %add3A_303 = arith.constant 4 : i32
          %add3A_304 = arith.addi %add3A_210, %add3A_303 : i32
          %add3A_305 = arith.addi %mul3A_35, %add3A_304 : i32
          %mul3A_306 = arith.constant 128 : i32
          %mul3A_307 = arith.muli %add3A_305, %mul3A_306 : i32
          %multiple_of3A_308 = tpu.assume_multiple %mul3A_307, 8 : i32
          %dma_start3A_309 = tpu.memref_slice %arg4[%multiple_of3A_308] : memref<320000xi32, #tpu.memory_space<hbm>> -> memref<128xi32, #tpu.memory_space<hbm>>
          %dma_start3A_310 = tpu.memref_slice %arg4[%multiple_of3A_308] : memref<320000xi32, #tpu.memory_space<hbm>> -> memref<128xi32, #tpu.memory_space<hbm>>
          tpu.enqueue_dma source(%dma_start3A_310 : memref<128xi32, #tpu.memory_space<hbm>>) target(%arg8 : memref<128xi32, #tpu.memory_space<vmem>>) target_semaphore(%arg31 : memref<!tpu.dma_semaphore, #tpu.memory_space<semaphore_mem>>)
          %dma_start3A_311 = tpu.memref_slice %arg5[%multiple_of3A_308] : memref<320000xi32, #tpu.memory_space<hbm>> -> memref<128xi32, #tpu.memory_space<hbm>>
          %dma_start3A_312 = tpu.memref_slice %arg5[%multiple_of3A_308] : memref<320000xi32, #tpu.memory_space<hbm>> -> memref<128xi32, #tpu.memory_space<hbm>>
          tpu.enqueue_dma source(%dma_start3A_312 : memref<128xi32, #tpu.memory_space<hbm>>) target(%arg14 : memref<128xi32, #tpu.memory_space<vmem>>) target_semaphore(%arg31 : memref<!tpu.dma_semaphore, #tpu.memory_space<semaphore_mem>>)
        } else {
        }
        %mul3A_233 = arith.constant 6 : i32
        %mul3A_234 = arith.muli %scan3A_134, %mul3A_233 : i32
        %add3A_235 = arith.constant 3 : i32
        %add3A_236 = arith.addi %mul3A_234, %add3A_235 : i32
        %dma_wait3A_237 = arith.constant 0 : i32
        %dma_wait3A_238 = arith.constant 0 : i32
        %dma_wait3A_239 = tpu.memref_slice %arg2[%dma_wait3A_237, %dma_wait3A_238] : memref<10000x64xf32, #tpu.memory_space<hbm>> -> memref<10000x64xf32, #tpu.memory_space<hbm>>
        tpu.wait_indirect_dma semaphore(%arg40 : memref<!tpu.dma_semaphore, #tpu.memory_space<semaphore_mem>>) src(%dma_wait3A_239 : memref<10000x64xf32, #tpu.memory_space<hbm>>) dst(%arg23 : memref<128x64xf32, #tpu.memory_space<vmem>>)
        %dma_start3A_240 = arith.constant 0 : i32
        %dma_start3A_241 = arith.constant 0 : i32
        %dma_start3A_242 = tpu.memref_slice %arg29[%dma_start3A_240, %dma_start3A_241] : memref<10240x64xf32, #tpu.memory_space<vmem_shared>> -> memref<10240x64xf32, #tpu.memory_space<vmem_shared>>
        tpu.enqueue_indirect_dma source(%arg23 : memref<128x64xf32, #tpu.memory_space<vmem>>) target(%dma_start3A_242 : memref<10240x64xf32, #tpu.memory_space<vmem_shared>>) offsets(%arg17 : memref<128xi32, #tpu.memory_space<vmem>>) semaphore(%arg46 : memref<!tpu.dma_semaphore, #tpu.memory_space<semaphore_mem>>) {add = true}
        %dma_wait3A_243 = arith.constant 0 : i32
        %dma_wait3A_244 = tpu.memref_slice %arg4[%dma_wait3A_243] : memref<320000xi32, #tpu.memory_space<hbm>> -> memref<128xi32, #tpu.memory_space<hbm>>
        %dma_wait3A_245 = arith.constant 0 : i32
        %dma_wait3A_246 = tpu.memref_slice %arg4[%dma_wait3A_245] : memref<320000xi32, #tpu.memory_space<hbm>> -> memref<128xi32, #tpu.memory_space<hbm>>
        tpu.wait_dma2 semaphore(%arg36 : memref<!tpu.dma_semaphore, #tpu.memory_space<semaphore_mem>>) src(%dma_wait3A_246 : memref<128xi32, #tpu.memory_space<hbm>>) dst(%arg13 : memref<128xi32, #tpu.memory_space<vmem>>)
        %dma_wait3A_247 = arith.constant 0 : i32
        %dma_wait3A_248 = tpu.memref_slice %arg5[%dma_wait3A_247] : memref<320000xi32, #tpu.memory_space<hbm>> -> memref<128xi32, #tpu.memory_space<hbm>>
        %dma_wait3A_249 = arith.constant 0 : i32
        %dma_wait3A_250 = tpu.memref_slice %arg5[%dma_wait3A_249] : memref<320000xi32, #tpu.memory_space<hbm>> -> memref<128xi32, #tpu.memory_space<hbm>>
        tpu.wait_dma2 semaphore(%arg36 : memref<!tpu.dma_semaphore, #tpu.memory_space<semaphore_mem>>) src(%dma_wait3A_250 : memref<128xi32, #tpu.memory_space<hbm>>) dst(%arg19 : memref<128xi32, #tpu.memory_space<vmem>>)
        %dma_start3A_251 = arith.constant 0 : i32
        %dma_start3A_252 = arith.constant 0 : i32
        %dma_start3A_253 = tpu.memref_slice %arg2[%dma_start3A_251, %dma_start3A_252] : memref<10000x64xf32, #tpu.memory_space<hbm>> -> memref<10000x64xf32, #tpu.memory_space<hbm>>
        tpu.enqueue_indirect_dma source(%dma_start3A_253 : memref<10000x64xf32, #tpu.memory_space<hbm>>) target(%arg25 : memref<128x64xf32, #tpu.memory_space<vmem>>) offsets(%arg13 : memref<128xi32, #tpu.memory_space<vmem>>) semaphore(%arg42 : memref<!tpu.dma_semaphore, #tpu.memory_space<semaphore_mem>>)
        %lt3A_254 = arith.constant 25 : i32
        %lt3A_255 = arith.cmpi slt, %scan3A_134, %lt3A_254 : i32
        %convert_element_type3A_256 = arith.extui %lt3A_255 : i1 to i32
        %cond3A_257 = arith.constant 0 : i32
        %cond3A_258 = arith.cmpi ne, %convert_element_type3A_256, %cond3A_257 : i32
        scf.if %cond3A_258 {
          %dma_wait3A_300 = arith.constant 0 : i32
          %dma_wait3A_301 = arith.constant 0 : i32
          %dma_wait3A_302 = tpu.memref_slice %arg29[%dma_wait3A_300, %dma_wait3A_301] : memref<10240x64xf32, #tpu.memory_space<vmem_shared>> -> memref<10240x64xf32, #tpu.memory_space<vmem_shared>>
          tpu.wait_indirect_dma semaphore(%arg44 : memref<!tpu.dma_semaphore, #tpu.memory_space<semaphore_mem>>) src(%arg21 : memref<128x64xf32, #tpu.memory_space<vmem>>) dst(%dma_wait3A_302 : memref<10240x64xf32, #tpu.memory_space<vmem_shared>>)
          %add3A_303 = arith.constant 4 : i32
          %add3A_304 = arith.addi %add3A_236, %add3A_303 : i32
          %add3A_305 = arith.addi %mul3A_35, %add3A_304 : i32
          %mul3A_306 = arith.constant 128 : i32
          %mul3A_307 = arith.muli %add3A_305, %mul3A_306 : i32
          %multiple_of3A_308 = tpu.assume_multiple %mul3A_307, 8 : i32
          %dma_start3A_309 = tpu.memref_slice %arg4[%multiple_of3A_308] : memref<320000xi32, #tpu.memory_space<hbm>> -> memref<128xi32, #tpu.memory_space<hbm>>
          %dma_start3A_310 = tpu.memref_slice %arg4[%multiple_of3A_308] : memref<320000xi32, #tpu.memory_space<hbm>> -> memref<128xi32, #tpu.memory_space<hbm>>
          tpu.enqueue_dma source(%dma_start3A_310 : memref<128xi32, #tpu.memory_space<hbm>>) target(%arg9 : memref<128xi32, #tpu.memory_space<vmem>>) target_semaphore(%arg32 : memref<!tpu.dma_semaphore, #tpu.memory_space<semaphore_mem>>)
          %dma_start3A_311 = tpu.memref_slice %arg5[%multiple_of3A_308] : memref<320000xi32, #tpu.memory_space<hbm>> -> memref<128xi32, #tpu.memory_space<hbm>>
          %dma_start3A_312 = tpu.memref_slice %arg5[%multiple_of3A_308] : memref<320000xi32, #tpu.memory_space<hbm>> -> memref<128xi32, #tpu.memory_space<hbm>>
          tpu.enqueue_dma source(%dma_start3A_312 : memref<128xi32, #tpu.memory_space<hbm>>) target(%arg15 : memref<128xi32, #tpu.memory_space<vmem>>) target_semaphore(%arg32 : memref<!tpu.dma_semaphore, #tpu.memory_space<semaphore_mem>>)
        } else {
        }
        %mul3A_259 = arith.constant 6 : i32
        %mul3A_260 = arith.muli %scan3A_134, %mul3A_259 : i32
        %add3A_261 = arith.constant 4 : i32
        %add3A_262 = arith.addi %mul3A_260, %add3A_261 : i32
        %dma_wait3A_263 = arith.constant 0 : i32
        %dma_wait3A_264 = arith.constant 0 : i32
        %dma_wait3A_265 = tpu.memref_slice %arg2[%dma_wait3A_263, %dma_wait3A_264] : memref<10000x64xf32, #tpu.memory_space<hbm>> -> memref<10000x64xf32, #tpu.memory_space<hbm>>
        tpu.wait_indirect_dma semaphore(%arg41 : memref<!tpu.dma_semaphore, #tpu.memory_space<semaphore_mem>>) src(%dma_wait3A_265 : memref<10000x64xf32, #tpu.memory_space<hbm>>) dst(%arg24 : memref<128x64xf32, #tpu.memory_space<vmem>>)
        %dma_start3A_266 = arith.constant 0 : i32
        %dma_start3A_267 = arith.constant 0 : i32
        %dma_start3A_268 = tpu.memref_slice %arg29[%dma_start3A_266, %dma_start3A_267] : memref<10240x64xf32, #tpu.memory_space<vmem_shared>> -> memref<10240x64xf32, #tpu.memory_space<vmem_shared>>
        tpu.enqueue_indirect_dma source(%arg24 : memref<128x64xf32, #tpu.memory_space<vmem>>) target(%dma_start3A_268 : memref<10240x64xf32, #tpu.memory_space<vmem_shared>>) offsets(%arg18 : memref<128xi32, #tpu.memory_space<vmem>>) semaphore(%arg47 : memref<!tpu.dma_semaphore, #tpu.memory_space<semaphore_mem>>) {add = true}
        %lt3A_269 = arith.constant 25 : i32
        %lt3A_270 = arith.cmpi slt, %scan3A_134, %lt3A_269 : i32
        %convert_element_type3A_271 = arith.extui %lt3A_270 : i1 to i32
        %cond3A_272 = arith.constant 0 : i32
        %cond3A_273 = arith.cmpi ne, %convert_element_type3A_271, %cond3A_272 : i32
        scf.if %cond3A_273 {
          %dma_wait3A_300 = arith.constant 0 : i32
          %dma_wait3A_301 = tpu.memref_slice %arg4[%dma_wait3A_300] : memref<320000xi32, #tpu.memory_space<hbm>> -> memref<128xi32, #tpu.memory_space<hbm>>
          %dma_wait3A_302 = arith.constant 0 : i32
          %dma_wait3A_303 = tpu.memref_slice %arg4[%dma_wait3A_302] : memref<320000xi32, #tpu.memory_space<hbm>> -> memref<128xi32, #tpu.memory_space<hbm>>
          tpu.wait_dma2 semaphore(%arg31 : memref<!tpu.dma_semaphore, #tpu.memory_space<semaphore_mem>>) src(%dma_wait3A_303 : memref<128xi32, #tpu.memory_space<hbm>>) dst(%arg8 : memref<128xi32, #tpu.memory_space<vmem>>)
          %dma_wait3A_304 = arith.constant 0 : i32
          %dma_wait3A_305 = tpu.memref_slice %arg5[%dma_wait3A_304] : memref<320000xi32, #tpu.memory_space<hbm>> -> memref<128xi32, #tpu.memory_space<hbm>>
          %dma_wait3A_306 = arith.constant 0 : i32
          %dma_wait3A_307 = tpu.memref_slice %arg5[%dma_wait3A_306] : memref<320000xi32, #tpu.memory_space<hbm>> -> memref<128xi32, #tpu.memory_space<hbm>>
          tpu.wait_dma2 semaphore(%arg31 : memref<!tpu.dma_semaphore, #tpu.memory_space<semaphore_mem>>) src(%dma_wait3A_307 : memref<128xi32, #tpu.memory_space<hbm>>) dst(%arg14 : memref<128xi32, #tpu.memory_space<vmem>>)
          %dma_start3A_308 = arith.constant 0 : i32
          %dma_start3A_309 = arith.constant 0 : i32
          %dma_start3A_310 = tpu.memref_slice %arg2[%dma_start3A_308, %dma_start3A_309] : memref<10000x64xf32, #tpu.memory_space<hbm>> -> memref<10000x64xf32, #tpu.memory_space<hbm>>
          tpu.enqueue_indirect_dma source(%dma_start3A_310 : memref<10000x64xf32, #tpu.memory_space<hbm>>) target(%arg20 : memref<128x64xf32, #tpu.memory_space<vmem>>) offsets(%arg8 : memref<128xi32, #tpu.memory_space<vmem>>) semaphore(%arg37 : memref<!tpu.dma_semaphore, #tpu.memory_space<semaphore_mem>>)
        } else {
        }
        %lt3A_274 = arith.constant 25 : i32
        %lt3A_275 = arith.cmpi slt, %scan3A_134, %lt3A_274 : i32
        %convert_element_type3A_276 = arith.extui %lt3A_275 : i1 to i32
        %cond3A_277 = arith.constant 0 : i32
        %cond3A_278 = arith.cmpi ne, %convert_element_type3A_276, %cond3A_277 : i32
        scf.if %cond3A_278 {
          %dma_wait3A_300 = arith.constant 0 : i32
          %dma_wait3A_301 = arith.constant 0 : i32
          %dma_wait3A_302 = tpu.memref_slice %arg29[%dma_wait3A_300, %dma_wait3A_301] : memref<10240x64xf32, #tpu.memory_space<vmem_shared>> -> memref<10240x64xf32, #tpu.memory_space<vmem_shared>>
          tpu.wait_indirect_dma semaphore(%arg45 : memref<!tpu.dma_semaphore, #tpu.memory_space<semaphore_mem>>) src(%arg22 : memref<128x64xf32, #tpu.memory_space<vmem>>) dst(%dma_wait3A_302 : memref<10240x64xf32, #tpu.memory_space<vmem_shared>>)
          %add3A_303 = arith.constant 4 : i32
          %add3A_304 = arith.addi %add3A_262, %add3A_303 : i32
          %add3A_305 = arith.addi %mul3A_35, %add3A_304 : i32
          %mul3A_306 = arith.constant 128 : i32
          %mul3A_307 = arith.muli %add3A_305, %mul3A_306 : i32
          %multiple_of3A_308 = tpu.assume_multiple %mul3A_307, 8 : i32
          %dma_start3A_309 = tpu.memref_slice %arg4[%multiple_of3A_308] : memref<320000xi32, #tpu.memory_space<hbm>> -> memref<128xi32, #tpu.memory_space<hbm>>
          %dma_start3A_310 = tpu.memref_slice %arg4[%multiple_of3A_308] : memref<320000xi32, #tpu.memory_space<hbm>> -> memref<128xi32, #tpu.memory_space<hbm>>
          tpu.enqueue_dma source(%dma_start3A_310 : memref<128xi32, #tpu.memory_space<hbm>>) target(%arg10 : memref<128xi32, #tpu.memory_space<vmem>>) target_semaphore(%arg33 : memref<!tpu.dma_semaphore, #tpu.memory_space<semaphore_mem>>)
          %dma_start3A_311 = tpu.memref_slice %arg5[%multiple_of3A_308] : memref<320000xi32, #tpu.memory_space<hbm>> -> memref<128xi32, #tpu.memory_space<hbm>>
          %dma_start3A_312 = tpu.memref_slice %arg5[%multiple_of3A_308] : memref<320000xi32, #tpu.memory_space<hbm>> -> memref<128xi32, #tpu.memory_space<hbm>>
          tpu.enqueue_dma source(%dma_start3A_312 : memref<128xi32, #tpu.memory_space<hbm>>) target(%arg16 : memref<128xi32, #tpu.memory_space<vmem>>) target_semaphore(%arg33 : memref<!tpu.dma_semaphore, #tpu.memory_space<semaphore_mem>>)
        } else {
        }
        %mul3A_279 = arith.constant 6 : i32
        %mul3A_280 = arith.muli %scan3A_134, %mul3A_279 : i32
        %add3A_281 = arith.constant 5 : i32
        %add3A_282 = arith.addi %mul3A_280, %add3A_281 : i32
        %dma_wait3A_283 = arith.constant 0 : i32
        %dma_wait3A_284 = arith.constant 0 : i32
        %dma_wait3A_285 = tpu.memref_slice %arg2[%dma_wait3A_283, %dma_wait3A_284] : memref<10000x64xf32, #tpu.memory_space<hbm>> -> memref<10000x64xf32, #tpu.memory_space<hbm>>
        tpu.wait_indirect_dma semaphore(%arg42 : memref<!tpu.dma_semaphore, #tpu.memory_space<semaphore_mem>>) src(%dma_wait3A_285 : memref<10000x64xf32, #tpu.memory_space<hbm>>) dst(%arg25 : memref<128x64xf32, #tpu.memory_space<vmem>>)
        %dma_start3A_286 = arith.constant 0 : i32
        %dma_start3A_287 = arith.constant 0 : i32
        %dma_start3A_288 = tpu.memref_slice %arg29[%dma_start3A_286, %dma_start3A_287] : memref<10240x64xf32, #tpu.memory_space<vmem_shared>> -> memref<10240x64xf32, #tpu.memory_space<vmem_shared>>
        tpu.enqueue_indirect_dma source(%arg25 : memref<128x64xf32, #tpu.memory_space<vmem>>) target(%dma_start3A_288 : memref<10240x64xf32, #tpu.memory_space<vmem_shared>>) offsets(%arg19 : memref<128xi32, #tpu.memory_space<vmem>>) semaphore(%arg48 : memref<!tpu.dma_semaphore, #tpu.memory_space<semaphore_mem>>) {add = true}
        %lt3A_289 = arith.constant 25 : i32
        %lt3A_290 = arith.cmpi slt, %scan3A_134, %lt3A_289 : i32
        %convert_element_type3A_291 = arith.extui %lt3A_290 : i1 to i32
        %cond3A_292 = arith.constant 0 : i32
        %cond3A_293 = arith.cmpi ne, %convert_element_type3A_291, %cond3A_292 : i32
        scf.if %cond3A_293 {
          %dma_wait3A_300 = arith.constant 0 : i32
          %dma_wait3A_301 = tpu.memref_slice %arg4[%dma_wait3A_300] : memref<320000xi32, #tpu.memory_space<hbm>> -> memref<128xi32, #tpu.memory_space<hbm>>
          %dma_wait3A_302 = arith.constant 0 : i32
          %dma_wait3A_303 = tpu.memref_slice %arg4[%dma_wait3A_302] : memref<320000xi32, #tpu.memory_space<hbm>> -> memref<128xi32, #tpu.memory_space<hbm>>
          tpu.wait_dma2 semaphore(%arg32 : memref<!tpu.dma_semaphore, #tpu.memory_space<semaphore_mem>>) src(%dma_wait3A_303 : memref<128xi32, #tpu.memory_space<hbm>>) dst(%arg9 : memref<128xi32, #tpu.memory_space<vmem>>)
          %dma_wait3A_304 = arith.constant 0 : i32
          %dma_wait3A_305 = tpu.memref_slice %arg5[%dma_wait3A_304] : memref<320000xi32, #tpu.memory_space<hbm>> -> memref<128xi32, #tpu.memory_space<hbm>>
          %dma_wait3A_306 = arith.constant 0 : i32
          %dma_wait3A_307 = tpu.memref_slice %arg5[%dma_wait3A_306] : memref<320000xi32, #tpu.memory_space<hbm>> -> memref<128xi32, #tpu.memory_space<hbm>>
          tpu.wait_dma2 semaphore(%arg32 : memref<!tpu.dma_semaphore, #tpu.memory_space<semaphore_mem>>) src(%dma_wait3A_307 : memref<128xi32, #tpu.memory_space<hbm>>) dst(%arg15 : memref<128xi32, #tpu.memory_space<vmem>>)
          %dma_start3A_308 = arith.constant 0 : i32
          %dma_start3A_309 = arith.constant 0 : i32
          %dma_start3A_310 = tpu.memref_slice %arg2[%dma_start3A_308, %dma_start3A_309] : memref<10000x64xf32, #tpu.memory_space<hbm>> -> memref<10000x64xf32, #tpu.memory_space<hbm>>
          tpu.enqueue_indirect_dma source(%dma_start3A_310 : memref<10000x64xf32, #tpu.memory_space<hbm>>) target(%arg21 : memref<128x64xf32, #tpu.memory_space<vmem>>) offsets(%arg9 : memref<128xi32, #tpu.memory_space<vmem>>) semaphore(%arg38 : memref<!tpu.dma_semaphore, #tpu.memory_space<semaphore_mem>>)
        } else {
        }
        %lt3A_294 = arith.constant 25 : i32
        %lt3A_295 = arith.cmpi slt, %scan3A_134, %lt3A_294 : i32
        %convert_element_type3A_296 = arith.extui %lt3A_295 : i1 to i32
        %cond3A_297 = arith.constant 0 : i32
        %cond3A_298 = arith.cmpi ne, %convert_element_type3A_296, %cond3A_297 : i32
        scf.if %cond3A_298 {
          %dma_wait3A_300 = arith.constant 0 : i32
          %dma_wait3A_301 = arith.constant 0 : i32
          %dma_wait3A_302 = tpu.memref_slice %arg29[%dma_wait3A_300, %dma_wait3A_301] : memref<10240x64xf32, #tpu.memory_space<vmem_shared>> -> memref<10240x64xf32, #tpu.memory_space<vmem_shared>>
          tpu.wait_indirect_dma semaphore(%arg46 : memref<!tpu.dma_semaphore, #tpu.memory_space<semaphore_mem>>) src(%arg23 : memref<128x64xf32, #tpu.memory_space<vmem>>) dst(%dma_wait3A_302 : memref<10240x64xf32, #tpu.memory_space<vmem_shared>>)
          %add3A_303 = arith.constant 4 : i32
          %add3A_304 = arith.addi %add3A_282, %add3A_303 : i32
          %add3A_305 = arith.addi %mul3A_35, %add3A_304 : i32
          %mul3A_306 = arith.constant 128 : i32
          %mul3A_307 = arith.muli %add3A_305, %mul3A_306 : i32
          %multiple_of3A_308 = tpu.assume_multiple %mul3A_307, 8 : i32
          %dma_start3A_309 = tpu.memref_slice %arg4[%multiple_of3A_308] : memref<320000xi32, #tpu.memory_space<hbm>> -> memref<128xi32, #tpu.memory_space<hbm>>
          %dma_start3A_310 = tpu.memref_slice %arg4[%multiple_of3A_308] : memref<320000xi32, #tpu.memory_space<hbm>> -> memref<128xi32, #tpu.memory_space<hbm>>
          tpu.enqueue_dma source(%dma_start3A_310 : memref<128xi32, #tpu.memory_space<hbm>>) target(%arg11 : memref<128xi32, #tpu.memory_space<vmem>>) target_semaphore(%arg34 : memref<!tpu.dma_semaphore, #tpu.memory_space<semaphore_mem>>)
          %dma_start3A_311 = tpu.memref_slice %arg5[%multiple_of3A_308] : memref<320000xi32, #tpu.memory_space<hbm>> -> memref<128xi32, #tpu.memory_space<hbm>>
          %dma_start3A_312 = tpu.memref_slice %arg5[%multiple_of3A_308] : memref<320000xi32, #tpu.memory_space<hbm>> -> memref<128xi32, #tpu.memory_space<hbm>>
          tpu.enqueue_dma source(%dma_start3A_312 : memref<128xi32, #tpu.memory_space<hbm>>) target(%arg17 : memref<128xi32, #tpu.memory_space<vmem>>) target_semaphore(%arg34 : memref<!tpu.dma_semaphore, #tpu.memory_space<semaphore_mem>>)
        } else {
        }
        %scan3A_299 = arith.constant 0 : i32
        scf.yield %scan3A_299 : i32
      }
      %scan3A_111 = arith.constant 26 : i32
      %dma_wait3A_112 = arith.constant 0 : i32
      %dma_wait3A_113 = arith.constant 0 : i32
      %dma_wait3A_114 = tpu.memref_slice %arg29[%dma_wait3A_112, %dma_wait3A_113] : memref<10240x64xf32, #tpu.memory_space<vmem_shared>> -> memref<10240x64xf32, #tpu.memory_space<vmem_shared>>
      tpu.wait_indirect_dma semaphore(%arg43 : memref<!tpu.dma_semaphore, #tpu.memory_space<semaphore_mem>>) src(%arg20 : memref<128x64xf32, #tpu.memory_space<vmem>>) dst(%dma_wait3A_114 : memref<10240x64xf32, #tpu.memory_space<vmem_shared>>)
      %dma_wait3A_115 = arith.constant 0 : i32
      %dma_wait3A_116 = arith.constant 0 : i32
      %dma_wait3A_117 = tpu.memref_slice %arg29[%dma_wait3A_115, %dma_wait3A_116] : memref<10240x64xf32, #tpu.memory_space<vmem_shared>> -> memref<10240x64xf32, #tpu.memory_space<vmem_shared>>
      tpu.wait_indirect_dma semaphore(%arg44 : memref<!tpu.dma_semaphore, #tpu.memory_space<semaphore_mem>>) src(%arg21 : memref<128x64xf32, #tpu.memory_space<vmem>>) dst(%dma_wait3A_117 : memref<10240x64xf32, #tpu.memory_space<vmem_shared>>)
      %dma_wait3A_118 = arith.constant 0 : i32
      %dma_wait3A_119 = arith.constant 0 : i32
      %dma_wait3A_120 = tpu.memref_slice %arg29[%dma_wait3A_118, %dma_wait3A_119] : memref<10240x64xf32, #tpu.memory_space<vmem_shared>> -> memref<10240x64xf32, #tpu.memory_space<vmem_shared>>
      tpu.wait_indirect_dma semaphore(%arg45 : memref<!tpu.dma_semaphore, #tpu.memory_space<semaphore_mem>>) src(%arg22 : memref<128x64xf32, #tpu.memory_space<vmem>>) dst(%dma_wait3A_120 : memref<10240x64xf32, #tpu.memory_space<vmem_shared>>)
      %dma_wait3A_121 = arith.constant 0 : i32
      %dma_wait3A_122 = arith.constant 0 : i32
      %dma_wait3A_123 = tpu.memref_slice %arg29[%dma_wait3A_121, %dma_wait3A_122] : memref<10240x64xf32, #tpu.memory_space<vmem_shared>> -> memref<10240x64xf32, #tpu.memory_space<vmem_shared>>
      tpu.wait_indirect_dma semaphore(%arg46 : memref<!tpu.dma_semaphore, #tpu.memory_space<semaphore_mem>>) src(%arg23 : memref<128x64xf32, #tpu.memory_space<vmem>>) dst(%dma_wait3A_123 : memref<10240x64xf32, #tpu.memory_space<vmem_shared>>)
      %dma_wait3A_124 = arith.constant 0 : i32
      %dma_wait3A_125 = arith.constant 0 : i32
      %dma_wait3A_126 = tpu.memref_slice %arg29[%dma_wait3A_124, %dma_wait3A_125] : memref<10240x64xf32, #tpu.memory_space<vmem_shared>> -> memref<10240x64xf32, #tpu.memory_space<vmem_shared>>
      tpu.wait_indirect_dma semaphore(%arg47 : memref<!tpu.dma_semaphore, #tpu.memory_space<semaphore_mem>>) src(%arg24 : memref<128x64xf32, #tpu.memory_space<vmem>>) dst(%dma_wait3A_126 : memref<10240x64xf32, #tpu.memory_space<vmem_shared>>)
      %dma_wait3A_127 = arith.constant 0 : i32
      %dma_wait3A_128 = arith.constant 0 : i32
      %dma_wait3A_129 = tpu.memref_slice %arg29[%dma_wait3A_127, %dma_wait3A_128] : memref<10240x64xf32, #tpu.memory_space<vmem_shared>> -> memref<10240x64xf32, #tpu.memory_space<vmem_shared>>
      tpu.wait_indirect_dma semaphore(%arg48 : memref<!tpu.dma_semaphore, #tpu.memory_space<semaphore_mem>>) src(%arg25 : memref<128x64xf32, #tpu.memory_space<vmem>>) dst(%dma_wait3A_129 : memref<10240x64xf32, #tpu.memory_space<vmem_shared>>)
      %lt3A = arith.constant 4 : i32
      %lt3A_130 = arith.cmpi slt, %arg1, %lt3A : i32
      %convert_element_type3A_131 = arith.extui %lt3A_130 : i1 to i32
      %cond3A_132 = arith.constant 0 : i32
      %cond3A_133 = arith.cmpi ne, %convert_element_type3A_131, %cond3A_132 : i32
      scf.if %cond3A_133 {
        %add3A_134 = arith.constant 2496 : i32
        %add3A_135 = arith.addi %add3A_134, %arg1 : i32
        %mul3A_136 = arith.constant 128 : i32
        %mul3A_137 = arith.muli %add3A_135, %mul3A_136 : i32
        %multiple_of3A_138 = tpu.assume_multiple %mul3A_137, 8 : i32
        "tpu.region"() ({
          %run_scoped3A = tpu.sem_alloc : memref<!tpu.dma_semaphore, #tpu.memory_space<semaphore_mem>>
          %dma_start3A_145 = tpu.memref_slice %arg4[%multiple_of3A_138] : memref<320000xi32, #tpu.memory_space<hbm>> -> memref<128xi32, #tpu.memory_space<hbm>>
          %dma_start3A_146 = tpu.memref_slice %arg4[%multiple_of3A_138] : memref<320000xi32, #tpu.memory_space<hbm>> -> memref<128xi32, #tpu.memory_space<hbm>>
          tpu.enqueue_dma source(%dma_start3A_146 : memref<128xi32, #tpu.memory_space<hbm>>) target(%arg8 : memref<128xi32, #tpu.memory_space<vmem>>) target_semaphore(%run_scoped3A : memref<!tpu.dma_semaphore, #tpu.memory_space<semaphore_mem>>)
          %dma_wait3A_147 = tpu.memref_slice %arg4[%multiple_of3A_138] : memref<320000xi32, #tpu.memory_space<hbm>> -> memref<128xi32, #tpu.memory_space<hbm>>
          %dma_wait3A_148 = tpu.memref_slice %arg4[%multiple_of3A_138] : memref<320000xi32, #tpu.memory_space<hbm>> -> memref<128xi32, #tpu.memory_space<hbm>>
          tpu.wait_dma2 semaphore(%run_scoped3A : memref<!tpu.dma_semaphore, #tpu.memory_space<semaphore_mem>>) src(%dma_wait3A_148 : memref<128xi32, #tpu.memory_space<hbm>>) dst(%arg8 : memref<128xi32, #tpu.memory_space<vmem>>)
          tpu.yield
        }) : () -> ()
        "tpu.region"() ({
          %run_scoped3A = tpu.sem_alloc : memref<!tpu.dma_semaphore, #tpu.memory_space<semaphore_mem>>
          %dma_start3A_145 = tpu.memref_slice %arg5[%multiple_of3A_138] : memref<320000xi32, #tpu.memory_space<hbm>> -> memref<128xi32, #tpu.memory_space<hbm>>
          %dma_start3A_146 = tpu.memref_slice %arg5[%multiple_of3A_138] : memref<320000xi32, #tpu.memory_space<hbm>> -> memref<128xi32, #tpu.memory_space<hbm>>
          tpu.enqueue_dma source(%dma_start3A_146 : memref<128xi32, #tpu.memory_space<hbm>>) target(%arg14 : memref<128xi32, #tpu.memory_space<vmem>>) target_semaphore(%run_scoped3A : memref<!tpu.dma_semaphore, #tpu.memory_space<semaphore_mem>>)
          %dma_wait3A_147 = tpu.memref_slice %arg5[%multiple_of3A_138] : memref<320000xi32, #tpu.memory_space<hbm>> -> memref<128xi32, #tpu.memory_space<hbm>>
          %dma_wait3A_148 = tpu.memref_slice %arg5[%multiple_of3A_138] : memref<320000xi32, #tpu.memory_space<hbm>> -> memref<128xi32, #tpu.memory_space<hbm>>
          tpu.wait_dma2 semaphore(%run_scoped3A : memref<!tpu.dma_semaphore, #tpu.memory_space<semaphore_mem>>) src(%dma_wait3A_148 : memref<128xi32, #tpu.memory_space<hbm>>) dst(%arg14 : memref<128xi32, #tpu.memory_space<vmem>>)
          tpu.yield
        }) : () -> ()
        %dma_start3A_139 = arith.constant 0 : i32
        %dma_start3A_140 = arith.constant 0 : i32
        %dma_start3A_141 = tpu.memref_slice %arg2[%dma_start3A_139, %dma_start3A_140] : memref<10000x64xf32, #tpu.memory_space<hbm>> -> memref<10000x64xf32, #tpu.memory_space<hbm>>
        tpu.enqueue_indirect_dma source(%dma_start3A_141 : memref<10000x64xf32, #tpu.memory_space<hbm>>) target(%arg20 : memref<128x64xf32, #tpu.memory_space<vmem>>) offsets(%arg8 : memref<128xi32, #tpu.memory_space<vmem>>) semaphore(%arg37 : memref<!tpu.dma_semaphore, #tpu.memory_space<semaphore_mem>>)
        %dma_wait3A_142 = arith.constant 0 : i32
        %dma_wait3A_143 = arith.constant 0 : i32
        %dma_wait3A_144 = tpu.memref_slice %arg2[%dma_wait3A_142, %dma_wait3A_143] : memref<10000x64xf32, #tpu.memory_space<hbm>> -> memref<10000x64xf32, #tpu.memory_space<hbm>>
        tpu.wait_indirect_dma semaphore(%arg37 : memref<!tpu.dma_semaphore, #tpu.memory_space<semaphore_mem>>) src(%dma_wait3A_144 : memref<10000x64xf32, #tpu.memory_space<hbm>>) dst(%arg20 : memref<128x64xf32, #tpu.memory_space<vmem>>)
        "tpu.region"() ({
          %run_scoped3A = tpu.sem_alloc : memref<!tpu.dma_semaphore, #tpu.memory_space<semaphore_mem>>
          %dma_start3A_145 = arith.constant 0 : i32
          %dma_start3A_146 = arith.constant 0 : i32
          %dma_start3A_147 = tpu.memref_slice %arg29[%dma_start3A_145, %dma_start3A_146] : memref<10240x64xf32, #tpu.memory_space<vmem_shared>> -> memref<10240x64xf32, #tpu.memory_space<vmem_shared>>
          tpu.enqueue_indirect_dma source(%arg20 : memref<128x64xf32, #tpu.memory_space<vmem>>) target(%dma_start3A_147 : memref<10240x64xf32, #tpu.memory_space<vmem_shared>>) offsets(%arg14 : memref<128xi32, #tpu.memory_space<vmem>>) semaphore(%run_scoped3A : memref<!tpu.dma_semaphore, #tpu.memory_space<semaphore_mem>>) {add = true}
          %dma_wait3A_148 = arith.constant 0 : i32
          %dma_wait3A_149 = arith.constant 0 : i32
          %dma_wait3A_150 = tpu.memref_slice %arg29[%dma_wait3A_148, %dma_wait3A_149] : memref<10240x64xf32, #tpu.memory_space<vmem_shared>> -> memref<10240x64xf32, #tpu.memory_space<vmem_shared>>
          tpu.wait_indirect_dma semaphore(%run_scoped3A : memref<!tpu.dma_semaphore, #tpu.memory_space<semaphore_mem>>) src(%arg20 : memref<128x64xf32, #tpu.memory_space<vmem>>) dst(%dma_wait3A_150 : memref<10240x64xf32, #tpu.memory_space<vmem_shared>>)
          tpu.yield
        }) : () -> ()
      } else {
      }
    } else {
    }
    %eq3A_39 = arith.constant 1 : i32
    %eq3A_40 = arith.cmpi eq, %arg0, %eq3A_39 : i32
    %convert_element_type3A_41 = arith.extui %eq3A_40 : i1 to i32
    %cond3A_42 = arith.constant 0 : i32
    %cond3A_43 = arith.cmpi ne, %convert_element_type3A_41, %cond3A_42 : i32
    scf.if %cond3A_43 {
      %add3A_50 = arith.constant 0 : i32
      %add3A_51 = arith.addi %mul3A_35, %add3A_50 : i32
      %mul3A_52 = arith.constant 128 : i32
      %mul3A_53 = arith.muli %add3A_51, %mul3A_52 : i32
      %multiple_of3A = tpu.assume_multiple %mul3A_53, 8 : i32
      %dma_start3A = tpu.memref_slice %arg4[%multiple_of3A] : memref<320000xi32, #tpu.memory_space<hbm>> -> memref<128xi32, #tpu.memory_space<hbm>>
      %dma_start3A_54 = tpu.memref_slice %arg4[%multiple_of3A] : memref<320000xi32, #tpu.memory_space<hbm>> -> memref<128xi32, #tpu.memory_space<hbm>>
      tpu.enqueue_dma source(%dma_start3A_54 : memref<128xi32, #tpu.memory_space<hbm>>) target(%arg8 : memref<128xi32, #tpu.memory_space<vmem>>) target_semaphore(%arg31 : memref<!tpu.dma_semaphore, #tpu.memory_space<semaphore_mem>>)
      %dma_start3A_55 = tpu.memref_slice %arg5[%multiple_of3A] : memref<320000xi32, #tpu.memory_space<hbm>> -> memref<128xi32, #tpu.memory_space<hbm>>
      %dma_start3A_56 = tpu.memref_slice %arg5[%multiple_of3A] : memref<320000xi32, #tpu.memory_space<hbm>> -> memref<128xi32, #tpu.memory_space<hbm>>
      tpu.enqueue_dma source(%dma_start3A_56 : memref<128xi32, #tpu.memory_space<hbm>>) target(%arg14 : memref<128xi32, #tpu.memory_space<vmem>>) target_semaphore(%arg31 : memref<!tpu.dma_semaphore, #tpu.memory_space<semaphore_mem>>)
      %add3A_57 = arith.constant 1 : i32
      %add3A_58 = arith.addi %mul3A_35, %add3A_57 : i32
      %mul3A_59 = arith.constant 128 : i32
      %mul3A_60 = arith.muli %add3A_58, %mul3A_59 : i32
      %multiple_of3A_61 = tpu.assume_multiple %mul3A_60, 8 : i32
      %dma_start3A_62 = tpu.memref_slice %arg4[%multiple_of3A_61] : memref<320000xi32, #tpu.memory_space<hbm>> -> memref<128xi32, #tpu.memory_space<hbm>>
      %dma_start3A_63 = tpu.memref_slice %arg4[%multiple_of3A_61] : memref<320000xi32, #tpu.memory_space<hbm>> -> memref<128xi32, #tpu.memory_space<hbm>>
      tpu.enqueue_dma source(%dma_start3A_63 : memref<128xi32, #tpu.memory_space<hbm>>) target(%arg9 : memref<128xi32, #tpu.memory_space<vmem>>) target_semaphore(%arg32 : memref<!tpu.dma_semaphore, #tpu.memory_space<semaphore_mem>>)
      %dma_start3A_64 = tpu.memref_slice %arg5[%multiple_of3A_61] : memref<320000xi32, #tpu.memory_space<hbm>> -> memref<128xi32, #tpu.memory_space<hbm>>
      %dma_start3A_65 = tpu.memref_slice %arg5[%multiple_of3A_61] : memref<320000xi32, #tpu.memory_space<hbm>> -> memref<128xi32, #tpu.memory_space<hbm>>
      tpu.enqueue_dma source(%dma_start3A_65 : memref<128xi32, #tpu.memory_space<hbm>>) target(%arg15 : memref<128xi32, #tpu.memory_space<vmem>>) target_semaphore(%arg32 : memref<!tpu.dma_semaphore, #tpu.memory_space<semaphore_mem>>)
      %add3A_66 = arith.constant 2 : i32
      %add3A_67 = arith.addi %mul3A_35, %add3A_66 : i32
      %mul3A_68 = arith.constant 128 : i32
      %mul3A_69 = arith.muli %add3A_67, %mul3A_68 : i32
      %multiple_of3A_70 = tpu.assume_multiple %mul3A_69, 8 : i32
      %dma_start3A_71 = tpu.memref_slice %arg4[%multiple_of3A_70] : memref<320000xi32, #tpu.memory_space<hbm>> -> memref<128xi32, #tpu.memory_space<hbm>>
      %dma_start3A_72 = tpu.memref_slice %arg4[%multiple_of3A_70] : memref<320000xi32, #tpu.memory_space<hbm>> -> memref<128xi32, #tpu.memory_space<hbm>>
      tpu.enqueue_dma source(%dma_start3A_72 : memref<128xi32, #tpu.memory_space<hbm>>) target(%arg10 : memref<128xi32, #tpu.memory_space<vmem>>) target_semaphore(%arg33 : memref<!tpu.dma_semaphore, #tpu.memory_space<semaphore_mem>>)
      %dma_start3A_73 = tpu.memref_slice %arg5[%multiple_of3A_70] : memref<320000xi32, #tpu.memory_space<hbm>> -> memref<128xi32, #tpu.memory_space<hbm>>
      %dma_start3A_74 = tpu.memref_slice %arg5[%multiple_of3A_70] : memref<320000xi32, #tpu.memory_space<hbm>> -> memref<128xi32, #tpu.memory_space<hbm>>
      tpu.enqueue_dma source(%dma_start3A_74 : memref<128xi32, #tpu.memory_space<hbm>>) target(%arg16 : memref<128xi32, #tpu.memory_space<vmem>>) target_semaphore(%arg33 : memref<!tpu.dma_semaphore, #tpu.memory_space<semaphore_mem>>)
      %add3A_75 = arith.constant 3 : i32
      %add3A_76 = arith.addi %mul3A_35, %add3A_75 : i32
      %mul3A_77 = arith.constant 128 : i32
      %mul3A_78 = arith.muli %add3A_76, %mul3A_77 : i32
      %multiple_of3A_79 = tpu.assume_multiple %mul3A_78, 8 : i32
      %dma_start3A_80 = tpu.memref_slice %arg4[%multiple_of3A_79] : memref<320000xi32, #tpu.memory_space<hbm>> -> memref<128xi32, #tpu.memory_space<hbm>>
      %dma_start3A_81 = tpu.memref_slice %arg4[%multiple_of3A_79] : memref<320000xi32, #tpu.memory_space<hbm>> -> memref<128xi32, #tpu.memory_space<hbm>>
      tpu.enqueue_dma source(%dma_start3A_81 : memref<128xi32, #tpu.memory_space<hbm>>) target(%arg11 : memref<128xi32, #tpu.memory_space<vmem>>) target_semaphore(%arg34 : memref<!tpu.dma_semaphore, #tpu.memory_space<semaphore_mem>>)
      %dma_start3A_82 = tpu.memref_slice %arg5[%multiple_of3A_79] : memref<320000xi32, #tpu.memory_space<hbm>> -> memref<128xi32, #tpu.memory_space<hbm>>
      %dma_start3A_83 = tpu.memref_slice %arg5[%multiple_of3A_79] : memref<320000xi32, #tpu.memory_space<hbm>> -> memref<128xi32, #tpu.memory_space<hbm>>
      tpu.enqueue_dma source(%dma_start3A_83 : memref<128xi32, #tpu.memory_space<hbm>>) target(%arg17 : memref<128xi32, #tpu.memory_space<vmem>>) target_semaphore(%arg34 : memref<!tpu.dma_semaphore, #tpu.memory_space<semaphore_mem>>)
      %dma_wait3A = arith.constant 0 : i32
      %dma_wait3A_84 = tpu.memref_slice %arg4[%dma_wait3A] : memref<320000xi32, #tpu.memory_space<hbm>> -> memref<128xi32, #tpu.memory_space<hbm>>
      %dma_wait3A_85 = arith.constant 0 : i32
      %dma_wait3A_86 = tpu.memref_slice %arg4[%dma_wait3A_85] : memref<320000xi32, #tpu.memory_space<hbm>> -> memref<128xi32, #tpu.memory_space<hbm>>
      tpu.wait_dma2 semaphore(%arg31 : memref<!tpu.dma_semaphore, #tpu.memory_space<semaphore_mem>>) src(%dma_wait3A_86 : memref<128xi32, #tpu.memory_space<hbm>>) dst(%arg8 : memref<128xi32, #tpu.memory_space<vmem>>)
      %dma_wait3A_87 = arith.constant 0 : i32
      %dma_wait3A_88 = tpu.memref_slice %arg5[%dma_wait3A_87] : memref<320000xi32, #tpu.memory_space<hbm>> -> memref<128xi32, #tpu.memory_space<hbm>>
      %dma_wait3A_89 = arith.constant 0 : i32
      %dma_wait3A_90 = tpu.memref_slice %arg5[%dma_wait3A_89] : memref<320000xi32, #tpu.memory_space<hbm>> -> memref<128xi32, #tpu.memory_space<hbm>>
      tpu.wait_dma2 semaphore(%arg31 : memref<!tpu.dma_semaphore, #tpu.memory_space<semaphore_mem>>) src(%dma_wait3A_90 : memref<128xi32, #tpu.memory_space<hbm>>) dst(%arg14 : memref<128xi32, #tpu.memory_space<vmem>>)
      %dma_start3A_91 = arith.constant 0 : i32
      %dma_start3A_92 = arith.constant 0 : i32
      %dma_start3A_93 = tpu.memref_slice %arg3[%dma_start3A_91, %dma_start3A_92] : memref<10000x64xf32, #tpu.memory_space<hbm>> -> memref<10000x64xf32, #tpu.memory_space<hbm>>
      tpu.enqueue_indirect_dma source(%dma_start3A_93 : memref<10000x64xf32, #tpu.memory_space<hbm>>) target(%arg20 : memref<128x64xf32, #tpu.memory_space<vmem>>) offsets(%arg8 : memref<128xi32, #tpu.memory_space<vmem>>) semaphore(%arg37 : memref<!tpu.dma_semaphore, #tpu.memory_space<semaphore_mem>>)
      %dma_wait3A_94 = arith.constant 0 : i32
      %dma_wait3A_95 = tpu.memref_slice %arg4[%dma_wait3A_94] : memref<320000xi32, #tpu.memory_space<hbm>> -> memref<128xi32, #tpu.memory_space<hbm>>
      %dma_wait3A_96 = arith.constant 0 : i32
      %dma_wait3A_97 = tpu.memref_slice %arg4[%dma_wait3A_96] : memref<320000xi32, #tpu.memory_space<hbm>> -> memref<128xi32, #tpu.memory_space<hbm>>
      tpu.wait_dma2 semaphore(%arg32 : memref<!tpu.dma_semaphore, #tpu.memory_space<semaphore_mem>>) src(%dma_wait3A_97 : memref<128xi32, #tpu.memory_space<hbm>>) dst(%arg9 : memref<128xi32, #tpu.memory_space<vmem>>)
      %dma_wait3A_98 = arith.constant 0 : i32
      %dma_wait3A_99 = tpu.memref_slice %arg5[%dma_wait3A_98] : memref<320000xi32, #tpu.memory_space<hbm>> -> memref<128xi32, #tpu.memory_space<hbm>>
      %dma_wait3A_100 = arith.constant 0 : i32
      %dma_wait3A_101 = tpu.memref_slice %arg5[%dma_wait3A_100] : memref<320000xi32, #tpu.memory_space<hbm>> -> memref<128xi32, #tpu.memory_space<hbm>>
      tpu.wait_dma2 semaphore(%arg32 : memref<!tpu.dma_semaphore, #tpu.memory_space<semaphore_mem>>) src(%dma_wait3A_101 : memref<128xi32, #tpu.memory_space<hbm>>) dst(%arg15 : memref<128xi32, #tpu.memory_space<vmem>>)
      %dma_start3A_102 = arith.constant 0 : i32
      %dma_start3A_103 = arith.constant 0 : i32
      %dma_start3A_104 = tpu.memref_slice %arg3[%dma_start3A_102, %dma_start3A_103] : memref<10000x64xf32, #tpu.memory_space<hbm>> -> memref<10000x64xf32, #tpu.memory_space<hbm>>
      tpu.enqueue_indirect_dma source(%dma_start3A_104 : memref<10000x64xf32, #tpu.memory_space<hbm>>) target(%arg21 : memref<128x64xf32, #tpu.memory_space<vmem>>) offsets(%arg9 : memref<128xi32, #tpu.memory_space<vmem>>) semaphore(%arg38 : memref<!tpu.dma_semaphore, #tpu.memory_space<semaphore_mem>>)
      %scan3A_105 = arith.constant 0 : i32
      %scan3A_106 = arith.constant 0 : i32
      %scan3A_107 = arith.constant 26 : i32
      %scan3A_108 = arith.addi %scan3A_106, %scan3A_107 : i32
      %scan3A_109 = arith.constant 1 : i32
      %scan3A_110 = scf.for %scan3A_152 = %scan3A_106 to %scan3A_108 step %scan3A_109 iter_args(%scan3A_153 = %scan3A_105) -> (i32)  : i32 {
        %mul3A_154 = arith.constant 6 : i32
        %mul3A_155 = arith.muli %scan3A_152, %mul3A_154 : i32
        %add3A_156 = arith.constant 0 : i32
        %add3A_157 = arith.addi %mul3A_155, %add3A_156 : i32
        %dma_wait3A_158 = arith.constant 0 : i32
        %dma_wait3A_159 = arith.constant 0 : i32
        %dma_wait3A_160 = tpu.memref_slice %arg3[%dma_wait3A_158, %dma_wait3A_159] : memref<10000x64xf32, #tpu.memory_space<hbm>> -> memref<10000x64xf32, #tpu.memory_space<hbm>>
        tpu.wait_indirect_dma semaphore(%arg37 : memref<!tpu.dma_semaphore, #tpu.memory_space<semaphore_mem>>) src(%dma_wait3A_160 : memref<10000x64xf32, #tpu.memory_space<hbm>>) dst(%arg20 : memref<128x64xf32, #tpu.memory_space<vmem>>)
        %dma_start3A_161 = arith.constant 0 : i32
        %dma_start3A_162 = arith.constant 0 : i32
        %dma_start3A_163 = tpu.memref_slice %arg29[%dma_start3A_161, %dma_start3A_162] : memref<10240x64xf32, #tpu.memory_space<vmem_shared>> -> memref<10240x64xf32, #tpu.memory_space<vmem_shared>>
        tpu.enqueue_indirect_dma source(%arg20 : memref<128x64xf32, #tpu.memory_space<vmem>>) target(%dma_start3A_163 : memref<10240x64xf32, #tpu.memory_space<vmem_shared>>) offsets(%arg14 : memref<128xi32, #tpu.memory_space<vmem>>) semaphore(%arg43 : memref<!tpu.dma_semaphore, #tpu.memory_space<semaphore_mem>>) {add = true}
        %dma_start3A_164 = arith.constant 0 : i32
        %dma_start3A_165 = arith.constant 0 : i32
        %dma_start3A_166 = tpu.memref_slice %arg30[%dma_start3A_164, %dma_start3A_165] : memref<10240x16xf32, #tpu.memory_space<vmem_shared>> -> memref<10240x16xf32, #tpu.memory_space<vmem_shared>>
        tpu.enqueue_indirect_dma source(%arg26 : memref<128x16xf32, #tpu.memory_space<vmem>>) target(%dma_start3A_166 : memref<10240x16xf32, #tpu.memory_space<vmem_shared>>) offsets(%arg14 : memref<128xi32, #tpu.memory_space<vmem>>) semaphore(%arg43 : memref<!tpu.dma_semaphore, #tpu.memory_space<semaphore_mem>>) {add = true}
        %dma_wait3A_167 = arith.constant 0 : i32
        %dma_wait3A_168 = tpu.memref_slice %arg4[%dma_wait3A_167] : memref<320000xi32, #tpu.memory_space<hbm>> -> memref<128xi32, #tpu.memory_space<hbm>>
        %dma_wait3A_169 = arith.constant 0 : i32
        %dma_wait3A_170 = tpu.memref_slice %arg4[%dma_wait3A_169] : memref<320000xi32, #tpu.memory_space<hbm>> -> memref<128xi32, #tpu.memory_space<hbm>>
        tpu.wait_dma2 semaphore(%arg33 : memref<!tpu.dma_semaphore, #tpu.memory_space<semaphore_mem>>) src(%dma_wait3A_170 : memref<128xi32, #tpu.memory_space<hbm>>) dst(%arg10 : memref<128xi32, #tpu.memory_space<vmem>>)
        %dma_wait3A_171 = arith.constant 0 : i32
        %dma_wait3A_172 = tpu.memref_slice %arg5[%dma_wait3A_171] : memref<320000xi32, #tpu.memory_space<hbm>> -> memref<128xi32, #tpu.memory_space<hbm>>
        %dma_wait3A_173 = arith.constant 0 : i32
        %dma_wait3A_174 = tpu.memref_slice %arg5[%dma_wait3A_173] : memref<320000xi32, #tpu.memory_space<hbm>> -> memref<128xi32, #tpu.memory_space<hbm>>
        tpu.wait_dma2 semaphore(%arg33 : memref<!tpu.dma_semaphore, #tpu.memory_space<semaphore_mem>>) src(%dma_wait3A_174 : memref<128xi32, #tpu.memory_space<hbm>>) dst(%arg16 : memref<128xi32, #tpu.memory_space<vmem>>)
        %dma_start3A_175 = arith.constant 0 : i32
        %dma_start3A_176 = arith.constant 0 : i32
        %dma_start3A_177 = tpu.memref_slice %arg3[%dma_start3A_175, %dma_start3A_176] : memref<10000x64xf32, #tpu.memory_space<hbm>> -> memref<10000x64xf32, #tpu.memory_space<hbm>>
        tpu.enqueue_indirect_dma source(%dma_start3A_177 : memref<10000x64xf32, #tpu.memory_space<hbm>>) target(%arg22 : memref<128x64xf32, #tpu.memory_space<vmem>>) offsets(%arg10 : memref<128xi32, #tpu.memory_space<vmem>>) semaphore(%arg39 : memref<!tpu.dma_semaphore, #tpu.memory_space<semaphore_mem>>)
        %gt3A = arith.constant 0 : i32
        %gt3A_178 = arith.cmpi sgt, %scan3A_152, %gt3A : i32
        %convert_element_type3A_179 = arith.extui %gt3A_178 : i1 to i32
        %cond3A_180 = arith.constant 0 : i32
        %cond3A_181 = arith.cmpi ne, %convert_element_type3A_179, %cond3A_180 : i32
        scf.if %cond3A_181 {
          %dma_wait3A_336 = arith.constant 0 : i32
          %dma_wait3A_337 = arith.constant 0 : i32
          %dma_wait3A_338 = tpu.memref_slice %arg29[%dma_wait3A_336, %dma_wait3A_337] : memref<10240x64xf32, #tpu.memory_space<vmem_shared>> -> memref<10240x64xf32, #tpu.memory_space<vmem_shared>>
          tpu.wait_indirect_dma semaphore(%arg47 : memref<!tpu.dma_semaphore, #tpu.memory_space<semaphore_mem>>) src(%arg24 : memref<128x64xf32, #tpu.memory_space<vmem>>) dst(%dma_wait3A_338 : memref<10240x64xf32, #tpu.memory_space<vmem_shared>>)
          %dma_wait3A_339 = arith.constant 0 : i32
          %dma_wait3A_340 = arith.constant 0 : i32
          %dma_wait3A_341 = tpu.memref_slice %arg30[%dma_wait3A_339, %dma_wait3A_340] : memref<10240x16xf32, #tpu.memory_space<vmem_shared>> -> memref<10240x16xf32, #tpu.memory_space<vmem_shared>>
          tpu.wait_indirect_dma semaphore(%arg47 : memref<!tpu.dma_semaphore, #tpu.memory_space<semaphore_mem>>) src(%arg26 : memref<128x16xf32, #tpu.memory_space<vmem>>) dst(%dma_wait3A_341 : memref<10240x16xf32, #tpu.memory_space<vmem_shared>>)
        } else {
        }
        %add3A_182 = arith.constant 4 : i32
        %add3A_183 = arith.addi %add3A_157, %add3A_182 : i32
        %add3A_184 = arith.addi %mul3A_35, %add3A_183 : i32
        %mul3A_185 = arith.constant 128 : i32
        %mul3A_186 = arith.muli %add3A_184, %mul3A_185 : i32
        %multiple_of3A_187 = tpu.assume_multiple %mul3A_186, 8 : i32
        %dma_start3A_188 = tpu.memref_slice %arg4[%multiple_of3A_187] : memref<320000xi32, #tpu.memory_space<hbm>> -> memref<128xi32, #tpu.memory_space<hbm>>
        %dma_start3A_189 = tpu.memref_slice %arg4[%multiple_of3A_187] : memref<320000xi32, #tpu.memory_space<hbm>> -> memref<128xi32, #tpu.memory_space<hbm>>
        tpu.enqueue_dma source(%dma_start3A_189 : memref<128xi32, #tpu.memory_space<hbm>>) target(%arg12 : memref<128xi32, #tpu.memory_space<vmem>>) target_semaphore(%arg35 : memref<!tpu.dma_semaphore, #tpu.memory_space<semaphore_mem>>)
        %dma_start3A_190 = tpu.memref_slice %arg5[%multiple_of3A_187] : memref<320000xi32, #tpu.memory_space<hbm>> -> memref<128xi32, #tpu.memory_space<hbm>>
        %dma_start3A_191 = tpu.memref_slice %arg5[%multiple_of3A_187] : memref<320000xi32, #tpu.memory_space<hbm>> -> memref<128xi32, #tpu.memory_space<hbm>>
        tpu.enqueue_dma source(%dma_start3A_191 : memref<128xi32, #tpu.memory_space<hbm>>) target(%arg18 : memref<128xi32, #tpu.memory_space<vmem>>) target_semaphore(%arg35 : memref<!tpu.dma_semaphore, #tpu.memory_space<semaphore_mem>>)
        %mul3A_192 = arith.constant 6 : i32
        %mul3A_193 = arith.muli %scan3A_152, %mul3A_192 : i32
        %add3A_194 = arith.constant 1 : i32
        %add3A_195 = arith.addi %mul3A_193, %add3A_194 : i32
        %dma_wait3A_196 = arith.constant 0 : i32
        %dma_wait3A_197 = arith.constant 0 : i32
        %dma_wait3A_198 = tpu.memref_slice %arg3[%dma_wait3A_196, %dma_wait3A_197] : memref<10000x64xf32, #tpu.memory_space<hbm>> -> memref<10000x64xf32, #tpu.memory_space<hbm>>
        tpu.wait_indirect_dma semaphore(%arg38 : memref<!tpu.dma_semaphore, #tpu.memory_space<semaphore_mem>>) src(%dma_wait3A_198 : memref<10000x64xf32, #tpu.memory_space<hbm>>) dst(%arg21 : memref<128x64xf32, #tpu.memory_space<vmem>>)
        %dma_start3A_199 = arith.constant 0 : i32
        %dma_start3A_200 = arith.constant 0 : i32
        %dma_start3A_201 = tpu.memref_slice %arg29[%dma_start3A_199, %dma_start3A_200] : memref<10240x64xf32, #tpu.memory_space<vmem_shared>> -> memref<10240x64xf32, #tpu.memory_space<vmem_shared>>
        tpu.enqueue_indirect_dma source(%arg21 : memref<128x64xf32, #tpu.memory_space<vmem>>) target(%dma_start3A_201 : memref<10240x64xf32, #tpu.memory_space<vmem_shared>>) offsets(%arg15 : memref<128xi32, #tpu.memory_space<vmem>>) semaphore(%arg44 : memref<!tpu.dma_semaphore, #tpu.memory_space<semaphore_mem>>) {add = true}
        %dma_start3A_202 = arith.constant 0 : i32
        %dma_start3A_203 = arith.constant 0 : i32
        %dma_start3A_204 = tpu.memref_slice %arg30[%dma_start3A_202, %dma_start3A_203] : memref<10240x16xf32, #tpu.memory_space<vmem_shared>> -> memref<10240x16xf32, #tpu.memory_space<vmem_shared>>
        tpu.enqueue_indirect_dma source(%arg26 : memref<128x16xf32, #tpu.memory_space<vmem>>) target(%dma_start3A_204 : memref<10240x16xf32, #tpu.memory_space<vmem_shared>>) offsets(%arg15 : memref<128xi32, #tpu.memory_space<vmem>>) semaphore(%arg44 : memref<!tpu.dma_semaphore, #tpu.memory_space<semaphore_mem>>) {add = true}
        %dma_wait3A_205 = arith.constant 0 : i32
        %dma_wait3A_206 = tpu.memref_slice %arg4[%dma_wait3A_205] : memref<320000xi32, #tpu.memory_space<hbm>> -> memref<128xi32, #tpu.memory_space<hbm>>
        %dma_wait3A_207 = arith.constant 0 : i32
        %dma_wait3A_208 = tpu.memref_slice %arg4[%dma_wait3A_207] : memref<320000xi32, #tpu.memory_space<hbm>> -> memref<128xi32, #tpu.memory_space<hbm>>
        tpu.wait_dma2 semaphore(%arg34 : memref<!tpu.dma_semaphore, #tpu.memory_space<semaphore_mem>>) src(%dma_wait3A_208 : memref<128xi32, #tpu.memory_space<hbm>>) dst(%arg11 : memref<128xi32, #tpu.memory_space<vmem>>)
        %dma_wait3A_209 = arith.constant 0 : i32
        %dma_wait3A_210 = tpu.memref_slice %arg5[%dma_wait3A_209] : memref<320000xi32, #tpu.memory_space<hbm>> -> memref<128xi32, #tpu.memory_space<hbm>>
        %dma_wait3A_211 = arith.constant 0 : i32
        %dma_wait3A_212 = tpu.memref_slice %arg5[%dma_wait3A_211] : memref<320000xi32, #tpu.memory_space<hbm>> -> memref<128xi32, #tpu.memory_space<hbm>>
        tpu.wait_dma2 semaphore(%arg34 : memref<!tpu.dma_semaphore, #tpu.memory_space<semaphore_mem>>) src(%dma_wait3A_212 : memref<128xi32, #tpu.memory_space<hbm>>) dst(%arg17 : memref<128xi32, #tpu.memory_space<vmem>>)
        %dma_start3A_213 = arith.constant 0 : i32
        %dma_start3A_214 = arith.constant 0 : i32
        %dma_start3A_215 = tpu.memref_slice %arg3[%dma_start3A_213, %dma_start3A_214] : memref<10000x64xf32, #tpu.memory_space<hbm>> -> memref<10000x64xf32, #tpu.memory_space<hbm>>
        tpu.enqueue_indirect_dma source(%dma_start3A_215 : memref<10000x64xf32, #tpu.memory_space<hbm>>) target(%arg23 : memref<128x64xf32, #tpu.memory_space<vmem>>) offsets(%arg11 : memref<128xi32, #tpu.memory_space<vmem>>) semaphore(%arg40 : memref<!tpu.dma_semaphore, #tpu.memory_space<semaphore_mem>>)
        %gt3A_216 = arith.constant 0 : i32
        %gt3A_217 = arith.cmpi sgt, %scan3A_152, %gt3A_216 : i32
        %convert_element_type3A_218 = arith.extui %gt3A_217 : i1 to i32
        %cond3A_219 = arith.constant 0 : i32
        %cond3A_220 = arith.cmpi ne, %convert_element_type3A_218, %cond3A_219 : i32
        scf.if %cond3A_220 {
          %dma_wait3A_336 = arith.constant 0 : i32
          %dma_wait3A_337 = arith.constant 0 : i32
          %dma_wait3A_338 = tpu.memref_slice %arg29[%dma_wait3A_336, %dma_wait3A_337] : memref<10240x64xf32, #tpu.memory_space<vmem_shared>> -> memref<10240x64xf32, #tpu.memory_space<vmem_shared>>
          tpu.wait_indirect_dma semaphore(%arg48 : memref<!tpu.dma_semaphore, #tpu.memory_space<semaphore_mem>>) src(%arg25 : memref<128x64xf32, #tpu.memory_space<vmem>>) dst(%dma_wait3A_338 : memref<10240x64xf32, #tpu.memory_space<vmem_shared>>)
          %dma_wait3A_339 = arith.constant 0 : i32
          %dma_wait3A_340 = arith.constant 0 : i32
          %dma_wait3A_341 = tpu.memref_slice %arg30[%dma_wait3A_339, %dma_wait3A_340] : memref<10240x16xf32, #tpu.memory_space<vmem_shared>> -> memref<10240x16xf32, #tpu.memory_space<vmem_shared>>
          tpu.wait_indirect_dma semaphore(%arg48 : memref<!tpu.dma_semaphore, #tpu.memory_space<semaphore_mem>>) src(%arg26 : memref<128x16xf32, #tpu.memory_space<vmem>>) dst(%dma_wait3A_341 : memref<10240x16xf32, #tpu.memory_space<vmem_shared>>)
        } else {
        }
        %add3A_221 = arith.constant 4 : i32
        %add3A_222 = arith.addi %add3A_195, %add3A_221 : i32
        %add3A_223 = arith.addi %mul3A_35, %add3A_222 : i32
        %mul3A_224 = arith.constant 128 : i32
        %mul3A_225 = arith.muli %add3A_223, %mul3A_224 : i32
        %multiple_of3A_226 = tpu.assume_multiple %mul3A_225, 8 : i32
        %dma_start3A_227 = tpu.memref_slice %arg4[%multiple_of3A_226] : memref<320000xi32, #tpu.memory_space<hbm>> -> memref<128xi32, #tpu.memory_space<hbm>>
        %dma_start3A_228 = tpu.memref_slice %arg4[%multiple_of3A_226] : memref<320000xi32, #tpu.memory_space<hbm>> -> memref<128xi32, #tpu.memory_space<hbm>>
        tpu.enqueue_dma source(%dma_start3A_228 : memref<128xi32, #tpu.memory_space<hbm>>) target(%arg13 : memref<128xi32, #tpu.memory_space<vmem>>) target_semaphore(%arg36 : memref<!tpu.dma_semaphore, #tpu.memory_space<semaphore_mem>>)
        %dma_start3A_229 = tpu.memref_slice %arg5[%multiple_of3A_226] : memref<320000xi32, #tpu.memory_space<hbm>> -> memref<128xi32, #tpu.memory_space<hbm>>
        %dma_start3A_230 = tpu.memref_slice %arg5[%multiple_of3A_226] : memref<320000xi32, #tpu.memory_space<hbm>> -> memref<128xi32, #tpu.memory_space<hbm>>
        tpu.enqueue_dma source(%dma_start3A_230 : memref<128xi32, #tpu.memory_space<hbm>>) target(%arg19 : memref<128xi32, #tpu.memory_space<vmem>>) target_semaphore(%arg36 : memref<!tpu.dma_semaphore, #tpu.memory_space<semaphore_mem>>)
        %mul3A_231 = arith.constant 6 : i32
        %mul3A_232 = arith.muli %scan3A_152, %mul3A_231 : i32
        %add3A_233 = arith.constant 2 : i32
        %add3A_234 = arith.addi %mul3A_232, %add3A_233 : i32
        %dma_wait3A_235 = arith.constant 0 : i32
        %dma_wait3A_236 = arith.constant 0 : i32
        %dma_wait3A_237 = tpu.memref_slice %arg3[%dma_wait3A_235, %dma_wait3A_236] : memref<10000x64xf32, #tpu.memory_space<hbm>> -> memref<10000x64xf32, #tpu.memory_space<hbm>>
        tpu.wait_indirect_dma semaphore(%arg39 : memref<!tpu.dma_semaphore, #tpu.memory_space<semaphore_mem>>) src(%dma_wait3A_237 : memref<10000x64xf32, #tpu.memory_space<hbm>>) dst(%arg22 : memref<128x64xf32, #tpu.memory_space<vmem>>)
        %dma_start3A_238 = arith.constant 0 : i32
        %dma_start3A_239 = arith.constant 0 : i32
        %dma_start3A_240 = tpu.memref_slice %arg29[%dma_start3A_238, %dma_start3A_239] : memref<10240x64xf32, #tpu.memory_space<vmem_shared>> -> memref<10240x64xf32, #tpu.memory_space<vmem_shared>>
        tpu.enqueue_indirect_dma source(%arg22 : memref<128x64xf32, #tpu.memory_space<vmem>>) target(%dma_start3A_240 : memref<10240x64xf32, #tpu.memory_space<vmem_shared>>) offsets(%arg16 : memref<128xi32, #tpu.memory_space<vmem>>) semaphore(%arg45 : memref<!tpu.dma_semaphore, #tpu.memory_space<semaphore_mem>>) {add = true}
        %dma_start3A_241 = arith.constant 0 : i32
        %dma_start3A_242 = arith.constant 0 : i32
        %dma_start3A_243 = tpu.memref_slice %arg30[%dma_start3A_241, %dma_start3A_242] : memref<10240x16xf32, #tpu.memory_space<vmem_shared>> -> memref<10240x16xf32, #tpu.memory_space<vmem_shared>>
        tpu.enqueue_indirect_dma source(%arg26 : memref<128x16xf32, #tpu.memory_space<vmem>>) target(%dma_start3A_243 : memref<10240x16xf32, #tpu.memory_space<vmem_shared>>) offsets(%arg16 : memref<128xi32, #tpu.memory_space<vmem>>) semaphore(%arg45 : memref<!tpu.dma_semaphore, #tpu.memory_space<semaphore_mem>>) {add = true}
        %dma_wait3A_244 = arith.constant 0 : i32
        %dma_wait3A_245 = tpu.memref_slice %arg4[%dma_wait3A_244] : memref<320000xi32, #tpu.memory_space<hbm>> -> memref<128xi32, #tpu.memory_space<hbm>>
        %dma_wait3A_246 = arith.constant 0 : i32
        %dma_wait3A_247 = tpu.memref_slice %arg4[%dma_wait3A_246] : memref<320000xi32, #tpu.memory_space<hbm>> -> memref<128xi32, #tpu.memory_space<hbm>>
        tpu.wait_dma2 semaphore(%arg35 : memref<!tpu.dma_semaphore, #tpu.memory_space<semaphore_mem>>) src(%dma_wait3A_247 : memref<128xi32, #tpu.memory_space<hbm>>) dst(%arg12 : memref<128xi32, #tpu.memory_space<vmem>>)
        %dma_wait3A_248 = arith.constant 0 : i32
        %dma_wait3A_249 = tpu.memref_slice %arg5[%dma_wait3A_248] : memref<320000xi32, #tpu.memory_space<hbm>> -> memref<128xi32, #tpu.memory_space<hbm>>
        %dma_wait3A_250 = arith.constant 0 : i32
        %dma_wait3A_251 = tpu.memref_slice %arg5[%dma_wait3A_250] : memref<320000xi32, #tpu.memory_space<hbm>> -> memref<128xi32, #tpu.memory_space<hbm>>
        tpu.wait_dma2 semaphore(%arg35 : memref<!tpu.dma_semaphore, #tpu.memory_space<semaphore_mem>>) src(%dma_wait3A_251 : memref<128xi32, #tpu.memory_space<hbm>>) dst(%arg18 : memref<128xi32, #tpu.memory_space<vmem>>)
        %dma_start3A_252 = arith.constant 0 : i32
        %dma_start3A_253 = arith.constant 0 : i32
        %dma_start3A_254 = tpu.memref_slice %arg3[%dma_start3A_252, %dma_start3A_253] : memref<10000x64xf32, #tpu.memory_space<hbm>> -> memref<10000x64xf32, #tpu.memory_space<hbm>>
        tpu.enqueue_indirect_dma source(%dma_start3A_254 : memref<10000x64xf32, #tpu.memory_space<hbm>>) target(%arg24 : memref<128x64xf32, #tpu.memory_space<vmem>>) offsets(%arg12 : memref<128xi32, #tpu.memory_space<vmem>>) semaphore(%arg41 : memref<!tpu.dma_semaphore, #tpu.memory_space<semaphore_mem>>)
        %lt3A_255 = arith.constant 25 : i32
        %lt3A_256 = arith.cmpi slt, %scan3A_152, %lt3A_255 : i32
        %convert_element_type3A_257 = arith.extui %lt3A_256 : i1 to i32
        %cond3A_258 = arith.constant 0 : i32
        %cond3A_259 = arith.cmpi ne, %convert_element_type3A_257, %cond3A_258 : i32
        scf.if %cond3A_259 {
          %dma_wait3A_336 = arith.constant 0 : i32
          %dma_wait3A_337 = arith.constant 0 : i32
          %dma_wait3A_338 = tpu.memref_slice %arg29[%dma_wait3A_336, %dma_wait3A_337] : memref<10240x64xf32, #tpu.memory_space<vmem_shared>> -> memref<10240x64xf32, #tpu.memory_space<vmem_shared>>
          tpu.wait_indirect_dma semaphore(%arg43 : memref<!tpu.dma_semaphore, #tpu.memory_space<semaphore_mem>>) src(%arg20 : memref<128x64xf32, #tpu.memory_space<vmem>>) dst(%dma_wait3A_338 : memref<10240x64xf32, #tpu.memory_space<vmem_shared>>)
          %dma_wait3A_339 = arith.constant 0 : i32
          %dma_wait3A_340 = arith.constant 0 : i32
          %dma_wait3A_341 = tpu.memref_slice %arg30[%dma_wait3A_339, %dma_wait3A_340] : memref<10240x16xf32, #tpu.memory_space<vmem_shared>> -> memref<10240x16xf32, #tpu.memory_space<vmem_shared>>
          tpu.wait_indirect_dma semaphore(%arg43 : memref<!tpu.dma_semaphore, #tpu.memory_space<semaphore_mem>>) src(%arg26 : memref<128x16xf32, #tpu.memory_space<vmem>>) dst(%dma_wait3A_341 : memref<10240x16xf32, #tpu.memory_space<vmem_shared>>)
          %add3A_342 = arith.constant 4 : i32
          %add3A_343 = arith.addi %add3A_234, %add3A_342 : i32
          %add3A_344 = arith.addi %mul3A_35, %add3A_343 : i32
          %mul3A_345 = arith.constant 128 : i32
          %mul3A_346 = arith.muli %add3A_344, %mul3A_345 : i32
          %multiple_of3A_347 = tpu.assume_multiple %mul3A_346, 8 : i32
          %dma_start3A_348 = tpu.memref_slice %arg4[%multiple_of3A_347] : memref<320000xi32, #tpu.memory_space<hbm>> -> memref<128xi32, #tpu.memory_space<hbm>>
          %dma_start3A_349 = tpu.memref_slice %arg4[%multiple_of3A_347] : memref<320000xi32, #tpu.memory_space<hbm>> -> memref<128xi32, #tpu.memory_space<hbm>>
          tpu.enqueue_dma source(%dma_start3A_349 : memref<128xi32, #tpu.memory_space<hbm>>) target(%arg8 : memref<128xi32, #tpu.memory_space<vmem>>) target_semaphore(%arg31 : memref<!tpu.dma_semaphore, #tpu.memory_space<semaphore_mem>>)
          %dma_start3A_350 = tpu.memref_slice %arg5[%multiple_of3A_347] : memref<320000xi32, #tpu.memory_space<hbm>> -> memref<128xi32, #tpu.memory_space<hbm>>
          %dma_start3A_351 = tpu.memref_slice %arg5[%multiple_of3A_347] : memref<320000xi32, #tpu.memory_space<hbm>> -> memref<128xi32, #tpu.memory_space<hbm>>
          tpu.enqueue_dma source(%dma_start3A_351 : memref<128xi32, #tpu.memory_space<hbm>>) target(%arg14 : memref<128xi32, #tpu.memory_space<vmem>>) target_semaphore(%arg31 : memref<!tpu.dma_semaphore, #tpu.memory_space<semaphore_mem>>)
        } else {
        }
        %mul3A_260 = arith.constant 6 : i32
        %mul3A_261 = arith.muli %scan3A_152, %mul3A_260 : i32
        %add3A_262 = arith.constant 3 : i32
        %add3A_263 = arith.addi %mul3A_261, %add3A_262 : i32
        %dma_wait3A_264 = arith.constant 0 : i32
        %dma_wait3A_265 = arith.constant 0 : i32
        %dma_wait3A_266 = tpu.memref_slice %arg3[%dma_wait3A_264, %dma_wait3A_265] : memref<10000x64xf32, #tpu.memory_space<hbm>> -> memref<10000x64xf32, #tpu.memory_space<hbm>>
        tpu.wait_indirect_dma semaphore(%arg40 : memref<!tpu.dma_semaphore, #tpu.memory_space<semaphore_mem>>) src(%dma_wait3A_266 : memref<10000x64xf32, #tpu.memory_space<hbm>>) dst(%arg23 : memref<128x64xf32, #tpu.memory_space<vmem>>)
        %dma_start3A_267 = arith.constant 0 : i32
        %dma_start3A_268 = arith.constant 0 : i32
        %dma_start3A_269 = tpu.memref_slice %arg29[%dma_start3A_267, %dma_start3A_268] : memref<10240x64xf32, #tpu.memory_space<vmem_shared>> -> memref<10240x64xf32, #tpu.memory_space<vmem_shared>>
        tpu.enqueue_indirect_dma source(%arg23 : memref<128x64xf32, #tpu.memory_space<vmem>>) target(%dma_start3A_269 : memref<10240x64xf32, #tpu.memory_space<vmem_shared>>) offsets(%arg17 : memref<128xi32, #tpu.memory_space<vmem>>) semaphore(%arg46 : memref<!tpu.dma_semaphore, #tpu.memory_space<semaphore_mem>>) {add = true}
        %dma_start3A_270 = arith.constant 0 : i32
        %dma_start3A_271 = arith.constant 0 : i32
        %dma_start3A_272 = tpu.memref_slice %arg30[%dma_start3A_270, %dma_start3A_271] : memref<10240x16xf32, #tpu.memory_space<vmem_shared>> -> memref<10240x16xf32, #tpu.memory_space<vmem_shared>>
        tpu.enqueue_indirect_dma source(%arg26 : memref<128x16xf32, #tpu.memory_space<vmem>>) target(%dma_start3A_272 : memref<10240x16xf32, #tpu.memory_space<vmem_shared>>) offsets(%arg17 : memref<128xi32, #tpu.memory_space<vmem>>) semaphore(%arg46 : memref<!tpu.dma_semaphore, #tpu.memory_space<semaphore_mem>>) {add = true}
        %dma_wait3A_273 = arith.constant 0 : i32
        %dma_wait3A_274 = tpu.memref_slice %arg4[%dma_wait3A_273] : memref<320000xi32, #tpu.memory_space<hbm>> -> memref<128xi32, #tpu.memory_space<hbm>>
        %dma_wait3A_275 = arith.constant 0 : i32
        %dma_wait3A_276 = tpu.memref_slice %arg4[%dma_wait3A_275] : memref<320000xi32, #tpu.memory_space<hbm>> -> memref<128xi32, #tpu.memory_space<hbm>>
        tpu.wait_dma2 semaphore(%arg36 : memref<!tpu.dma_semaphore, #tpu.memory_space<semaphore_mem>>) src(%dma_wait3A_276 : memref<128xi32, #tpu.memory_space<hbm>>) dst(%arg13 : memref<128xi32, #tpu.memory_space<vmem>>)
        %dma_wait3A_277 = arith.constant 0 : i32
        %dma_wait3A_278 = tpu.memref_slice %arg5[%dma_wait3A_277] : memref<320000xi32, #tpu.memory_space<hbm>> -> memref<128xi32, #tpu.memory_space<hbm>>
        %dma_wait3A_279 = arith.constant 0 : i32
        %dma_wait3A_280 = tpu.memref_slice %arg5[%dma_wait3A_279] : memref<320000xi32, #tpu.memory_space<hbm>> -> memref<128xi32, #tpu.memory_space<hbm>>
        tpu.wait_dma2 semaphore(%arg36 : memref<!tpu.dma_semaphore, #tpu.memory_space<semaphore_mem>>) src(%dma_wait3A_280 : memref<128xi32, #tpu.memory_space<hbm>>) dst(%arg19 : memref<128xi32, #tpu.memory_space<vmem>>)
        %dma_start3A_281 = arith.constant 0 : i32
        %dma_start3A_282 = arith.constant 0 : i32
        %dma_start3A_283 = tpu.memref_slice %arg3[%dma_start3A_281, %dma_start3A_282] : memref<10000x64xf32, #tpu.memory_space<hbm>> -> memref<10000x64xf32, #tpu.memory_space<hbm>>
        tpu.enqueue_indirect_dma source(%dma_start3A_283 : memref<10000x64xf32, #tpu.memory_space<hbm>>) target(%arg25 : memref<128x64xf32, #tpu.memory_space<vmem>>) offsets(%arg13 : memref<128xi32, #tpu.memory_space<vmem>>) semaphore(%arg42 : memref<!tpu.dma_semaphore, #tpu.memory_space<semaphore_mem>>)
        %lt3A_284 = arith.constant 25 : i32
        %lt3A_285 = arith.cmpi slt, %scan3A_152, %lt3A_284 : i32
        %convert_element_type3A_286 = arith.extui %lt3A_285 : i1 to i32
        %cond3A_287 = arith.constant 0 : i32
        %cond3A_288 = arith.cmpi ne, %convert_element_type3A_286, %cond3A_287 : i32
        scf.if %cond3A_288 {
          %dma_wait3A_336 = arith.constant 0 : i32
          %dma_wait3A_337 = arith.constant 0 : i32
          %dma_wait3A_338 = tpu.memref_slice %arg29[%dma_wait3A_336, %dma_wait3A_337] : memref<10240x64xf32, #tpu.memory_space<vmem_shared>> -> memref<10240x64xf32, #tpu.memory_space<vmem_shared>>
          tpu.wait_indirect_dma semaphore(%arg44 : memref<!tpu.dma_semaphore, #tpu.memory_space<semaphore_mem>>) src(%arg21 : memref<128x64xf32, #tpu.memory_space<vmem>>) dst(%dma_wait3A_338 : memref<10240x64xf32, #tpu.memory_space<vmem_shared>>)
          %dma_wait3A_339 = arith.constant 0 : i32
          %dma_wait3A_340 = arith.constant 0 : i32
          %dma_wait3A_341 = tpu.memref_slice %arg30[%dma_wait3A_339, %dma_wait3A_340] : memref<10240x16xf32, #tpu.memory_space<vmem_shared>> -> memref<10240x16xf32, #tpu.memory_space<vmem_shared>>
          tpu.wait_indirect_dma semaphore(%arg44 : memref<!tpu.dma_semaphore, #tpu.memory_space<semaphore_mem>>) src(%arg26 : memref<128x16xf32, #tpu.memory_space<vmem>>) dst(%dma_wait3A_341 : memref<10240x16xf32, #tpu.memory_space<vmem_shared>>)
          %add3A_342 = arith.constant 4 : i32
          %add3A_343 = arith.addi %add3A_263, %add3A_342 : i32
          %add3A_344 = arith.addi %mul3A_35, %add3A_343 : i32
          %mul3A_345 = arith.constant 128 : i32
          %mul3A_346 = arith.muli %add3A_344, %mul3A_345 : i32
          %multiple_of3A_347 = tpu.assume_multiple %mul3A_346, 8 : i32
          %dma_start3A_348 = tpu.memref_slice %arg4[%multiple_of3A_347] : memref<320000xi32, #tpu.memory_space<hbm>> -> memref<128xi32, #tpu.memory_space<hbm>>
          %dma_start3A_349 = tpu.memref_slice %arg4[%multiple_of3A_347] : memref<320000xi32, #tpu.memory_space<hbm>> -> memref<128xi32, #tpu.memory_space<hbm>>
          tpu.enqueue_dma source(%dma_start3A_349 : memref<128xi32, #tpu.memory_space<hbm>>) target(%arg9 : memref<128xi32, #tpu.memory_space<vmem>>) target_semaphore(%arg32 : memref<!tpu.dma_semaphore, #tpu.memory_space<semaphore_mem>>)
          %dma_start3A_350 = tpu.memref_slice %arg5[%multiple_of3A_347] : memref<320000xi32, #tpu.memory_space<hbm>> -> memref<128xi32, #tpu.memory_space<hbm>>
          %dma_start3A_351 = tpu.memref_slice %arg5[%multiple_of3A_347] : memref<320000xi32, #tpu.memory_space<hbm>> -> memref<128xi32, #tpu.memory_space<hbm>>
          tpu.enqueue_dma source(%dma_start3A_351 : memref<128xi32, #tpu.memory_space<hbm>>) target(%arg15 : memref<128xi32, #tpu.memory_space<vmem>>) target_semaphore(%arg32 : memref<!tpu.dma_semaphore, #tpu.memory_space<semaphore_mem>>)
        } else {
        }
        %mul3A_289 = arith.constant 6 : i32
        %mul3A_290 = arith.muli %scan3A_152, %mul3A_289 : i32
        %add3A_291 = arith.constant 4 : i32
        %add3A_292 = arith.addi %mul3A_290, %add3A_291 : i32
        %dma_wait3A_293 = arith.constant 0 : i32
        %dma_wait3A_294 = arith.constant 0 : i32
        %dma_wait3A_295 = tpu.memref_slice %arg3[%dma_wait3A_293, %dma_wait3A_294] : memref<10000x64xf32, #tpu.memory_space<hbm>> -> memref<10000x64xf32, #tpu.memory_space<hbm>>
        tpu.wait_indirect_dma semaphore(%arg41 : memref<!tpu.dma_semaphore, #tpu.memory_space<semaphore_mem>>) src(%dma_wait3A_295 : memref<10000x64xf32, #tpu.memory_space<hbm>>) dst(%arg24 : memref<128x64xf32, #tpu.memory_space<vmem>>)
        %dma_start3A_296 = arith.constant 0 : i32
        %dma_start3A_297 = arith.constant 0 : i32
        %dma_start3A_298 = tpu.memref_slice %arg29[%dma_start3A_296, %dma_start3A_297] : memref<10240x64xf32, #tpu.memory_space<vmem_shared>> -> memref<10240x64xf32, #tpu.memory_space<vmem_shared>>
        tpu.enqueue_indirect_dma source(%arg24 : memref<128x64xf32, #tpu.memory_space<vmem>>) target(%dma_start3A_298 : memref<10240x64xf32, #tpu.memory_space<vmem_shared>>) offsets(%arg18 : memref<128xi32, #tpu.memory_space<vmem>>) semaphore(%arg47 : memref<!tpu.dma_semaphore, #tpu.memory_space<semaphore_mem>>) {add = true}
        %dma_start3A_299 = arith.constant 0 : i32
        %dma_start3A_300 = arith.constant 0 : i32
        %dma_start3A_301 = tpu.memref_slice %arg30[%dma_start3A_299, %dma_start3A_300] : memref<10240x16xf32, #tpu.memory_space<vmem_shared>> -> memref<10240x16xf32, #tpu.memory_space<vmem_shared>>
        tpu.enqueue_indirect_dma source(%arg26 : memref<128x16xf32, #tpu.memory_space<vmem>>) target(%dma_start3A_301 : memref<10240x16xf32, #tpu.memory_space<vmem_shared>>) offsets(%arg18 : memref<128xi32, #tpu.memory_space<vmem>>) semaphore(%arg47 : memref<!tpu.dma_semaphore, #tpu.memory_space<semaphore_mem>>) {add = true}
        %lt3A_302 = arith.constant 25 : i32
        %lt3A_303 = arith.cmpi slt, %scan3A_152, %lt3A_302 : i32
        %convert_element_type3A_304 = arith.extui %lt3A_303 : i1 to i32
        %cond3A_305 = arith.constant 0 : i32
        %cond3A_306 = arith.cmpi ne, %convert_element_type3A_304, %cond3A_305 : i32
        scf.if %cond3A_306 {
          %dma_wait3A_336 = arith.constant 0 : i32
          %dma_wait3A_337 = tpu.memref_slice %arg4[%dma_wait3A_336] : memref<320000xi32, #tpu.memory_space<hbm>> -> memref<128xi32, #tpu.memory_space<hbm>>
          %dma_wait3A_338 = arith.constant 0 : i32
          %dma_wait3A_339 = tpu.memref_slice %arg4[%dma_wait3A_338] : memref<320000xi32, #tpu.memory_space<hbm>> -> memref<128xi32, #tpu.memory_space<hbm>>
          tpu.wait_dma2 semaphore(%arg31 : memref<!tpu.dma_semaphore, #tpu.memory_space<semaphore_mem>>) src(%dma_wait3A_339 : memref<128xi32, #tpu.memory_space<hbm>>) dst(%arg8 : memref<128xi32, #tpu.memory_space<vmem>>)
          %dma_wait3A_340 = arith.constant 0 : i32
          %dma_wait3A_341 = tpu.memref_slice %arg5[%dma_wait3A_340] : memref<320000xi32, #tpu.memory_space<hbm>> -> memref<128xi32, #tpu.memory_space<hbm>>
          %dma_wait3A_342 = arith.constant 0 : i32
          %dma_wait3A_343 = tpu.memref_slice %arg5[%dma_wait3A_342] : memref<320000xi32, #tpu.memory_space<hbm>> -> memref<128xi32, #tpu.memory_space<hbm>>
          tpu.wait_dma2 semaphore(%arg31 : memref<!tpu.dma_semaphore, #tpu.memory_space<semaphore_mem>>) src(%dma_wait3A_343 : memref<128xi32, #tpu.memory_space<hbm>>) dst(%arg14 : memref<128xi32, #tpu.memory_space<vmem>>)
          %dma_start3A_344 = arith.constant 0 : i32
          %dma_start3A_345 = arith.constant 0 : i32
          %dma_start3A_346 = tpu.memref_slice %arg3[%dma_start3A_344, %dma_start3A_345] : memref<10000x64xf32, #tpu.memory_space<hbm>> -> memref<10000x64xf32, #tpu.memory_space<hbm>>
          tpu.enqueue_indirect_dma source(%dma_start3A_346 : memref<10000x64xf32, #tpu.memory_space<hbm>>) target(%arg20 : memref<128x64xf32, #tpu.memory_space<vmem>>) offsets(%arg8 : memref<128xi32, #tpu.memory_space<vmem>>) semaphore(%arg37 : memref<!tpu.dma_semaphore, #tpu.memory_space<semaphore_mem>>)
        } else {
        }
        %lt3A_307 = arith.constant 25 : i32
        %lt3A_308 = arith.cmpi slt, %scan3A_152, %lt3A_307 : i32
        %convert_element_type3A_309 = arith.extui %lt3A_308 : i1 to i32
        %cond3A_310 = arith.constant 0 : i32
        %cond3A_311 = arith.cmpi ne, %convert_element_type3A_309, %cond3A_310 : i32
        scf.if %cond3A_311 {
          %dma_wait3A_336 = arith.constant 0 : i32
          %dma_wait3A_337 = arith.constant 0 : i32
          %dma_wait3A_338 = tpu.memref_slice %arg29[%dma_wait3A_336, %dma_wait3A_337] : memref<10240x64xf32, #tpu.memory_space<vmem_shared>> -> memref<10240x64xf32, #tpu.memory_space<vmem_shared>>
          tpu.wait_indirect_dma semaphore(%arg45 : memref<!tpu.dma_semaphore, #tpu.memory_space<semaphore_mem>>) src(%arg22 : memref<128x64xf32, #tpu.memory_space<vmem>>) dst(%dma_wait3A_338 : memref<10240x64xf32, #tpu.memory_space<vmem_shared>>)
          %dma_wait3A_339 = arith.constant 0 : i32
          %dma_wait3A_340 = arith.constant 0 : i32
          %dma_wait3A_341 = tpu.memref_slice %arg30[%dma_wait3A_339, %dma_wait3A_340] : memref<10240x16xf32, #tpu.memory_space<vmem_shared>> -> memref<10240x16xf32, #tpu.memory_space<vmem_shared>>
          tpu.wait_indirect_dma semaphore(%arg45 : memref<!tpu.dma_semaphore, #tpu.memory_space<semaphore_mem>>) src(%arg26 : memref<128x16xf32, #tpu.memory_space<vmem>>) dst(%dma_wait3A_341 : memref<10240x16xf32, #tpu.memory_space<vmem_shared>>)
          %add3A_342 = arith.constant 4 : i32
          %add3A_343 = arith.addi %add3A_292, %add3A_342 : i32
          %add3A_344 = arith.addi %mul3A_35, %add3A_343 : i32
          %mul3A_345 = arith.constant 128 : i32
          %mul3A_346 = arith.muli %add3A_344, %mul3A_345 : i32
          %multiple_of3A_347 = tpu.assume_multiple %mul3A_346, 8 : i32
          %dma_start3A_348 = tpu.memref_slice %arg4[%multiple_of3A_347] : memref<320000xi32, #tpu.memory_space<hbm>> -> memref<128xi32, #tpu.memory_space<hbm>>
          %dma_start3A_349 = tpu.memref_slice %arg4[%multiple_of3A_347] : memref<320000xi32, #tpu.memory_space<hbm>> -> memref<128xi32, #tpu.memory_space<hbm>>
          tpu.enqueue_dma source(%dma_start3A_349 : memref<128xi32, #tpu.memory_space<hbm>>) target(%arg10 : memref<128xi32, #tpu.memory_space<vmem>>) target_semaphore(%arg33 : memref<!tpu.dma_semaphore, #tpu.memory_space<semaphore_mem>>)
          %dma_start3A_350 = tpu.memref_slice %arg5[%multiple_of3A_347] : memref<320000xi32, #tpu.memory_space<hbm>> -> memref<128xi32, #tpu.memory_space<hbm>>
          %dma_start3A_351 = tpu.memref_slice %arg5[%multiple_of3A_347] : memref<320000xi32, #tpu.memory_space<hbm>> -> memref<128xi32, #tpu.memory_space<hbm>>
          tpu.enqueue_dma source(%dma_start3A_351 : memref<128xi32, #tpu.memory_space<hbm>>) target(%arg16 : memref<128xi32, #tpu.memory_space<vmem>>) target_semaphore(%arg33 : memref<!tpu.dma_semaphore, #tpu.memory_space<semaphore_mem>>)
        } else {
        }
        %mul3A_312 = arith.constant 6 : i32
        %mul3A_313 = arith.muli %scan3A_152, %mul3A_312 : i32
        %add3A_314 = arith.constant 5 : i32
        %add3A_315 = arith.addi %mul3A_313, %add3A_314 : i32
        %dma_wait3A_316 = arith.constant 0 : i32
        %dma_wait3A_317 = arith.constant 0 : i32
        %dma_wait3A_318 = tpu.memref_slice %arg3[%dma_wait3A_316, %dma_wait3A_317] : memref<10000x64xf32, #tpu.memory_space<hbm>> -> memref<10000x64xf32, #tpu.memory_space<hbm>>
        tpu.wait_indirect_dma semaphore(%arg42 : memref<!tpu.dma_semaphore, #tpu.memory_space<semaphore_mem>>) src(%dma_wait3A_318 : memref<10000x64xf32, #tpu.memory_space<hbm>>) dst(%arg25 : memref<128x64xf32, #tpu.memory_space<vmem>>)
        %dma_start3A_319 = arith.constant 0 : i32
        %dma_start3A_320 = arith.constant 0 : i32
        %dma_start3A_321 = tpu.memref_slice %arg29[%dma_start3A_319, %dma_start3A_320] : memref<10240x64xf32, #tpu.memory_space<vmem_shared>> -> memref<10240x64xf32, #tpu.memory_space<vmem_shared>>
        tpu.enqueue_indirect_dma source(%arg25 : memref<128x64xf32, #tpu.memory_space<vmem>>) target(%dma_start3A_321 : memref<10240x64xf32, #tpu.memory_space<vmem_shared>>) offsets(%arg19 : memref<128xi32, #tpu.memory_space<vmem>>) semaphore(%arg48 : memref<!tpu.dma_semaphore, #tpu.memory_space<semaphore_mem>>) {add = true}
        %dma_start3A_322 = arith.constant 0 : i32
        %dma_start3A_323 = arith.constant 0 : i32
        %dma_start3A_324 = tpu.memref_slice %arg30[%dma_start3A_322, %dma_start3A_323] : memref<10240x16xf32, #tpu.memory_space<vmem_shared>> -> memref<10240x16xf32, #tpu.memory_space<vmem_shared>>
        tpu.enqueue_indirect_dma source(%arg26 : memref<128x16xf32, #tpu.memory_space<vmem>>) target(%dma_start3A_324 : memref<10240x16xf32, #tpu.memory_space<vmem_shared>>) offsets(%arg19 : memref<128xi32, #tpu.memory_space<vmem>>) semaphore(%arg48 : memref<!tpu.dma_semaphore, #tpu.memory_space<semaphore_mem>>) {add = true}
        %lt3A_325 = arith.constant 25 : i32
        %lt3A_326 = arith.cmpi slt, %scan3A_152, %lt3A_325 : i32
        %convert_element_type3A_327 = arith.extui %lt3A_326 : i1 to i32
        %cond3A_328 = arith.constant 0 : i32
        %cond3A_329 = arith.cmpi ne, %convert_element_type3A_327, %cond3A_328 : i32
        scf.if %cond3A_329 {
          %dma_wait3A_336 = arith.constant 0 : i32
          %dma_wait3A_337 = tpu.memref_slice %arg4[%dma_wait3A_336] : memref<320000xi32, #tpu.memory_space<hbm>> -> memref<128xi32, #tpu.memory_space<hbm>>
          %dma_wait3A_338 = arith.constant 0 : i32
          %dma_wait3A_339 = tpu.memref_slice %arg4[%dma_wait3A_338] : memref<320000xi32, #tpu.memory_space<hbm>> -> memref<128xi32, #tpu.memory_space<hbm>>
          tpu.wait_dma2 semaphore(%arg32 : memref<!tpu.dma_semaphore, #tpu.memory_space<semaphore_mem>>) src(%dma_wait3A_339 : memref<128xi32, #tpu.memory_space<hbm>>) dst(%arg9 : memref<128xi32, #tpu.memory_space<vmem>>)
          %dma_wait3A_340 = arith.constant 0 : i32
          %dma_wait3A_341 = tpu.memref_slice %arg5[%dma_wait3A_340] : memref<320000xi32, #tpu.memory_space<hbm>> -> memref<128xi32, #tpu.memory_space<hbm>>
          %dma_wait3A_342 = arith.constant 0 : i32
          %dma_wait3A_343 = tpu.memref_slice %arg5[%dma_wait3A_342] : memref<320000xi32, #tpu.memory_space<hbm>> -> memref<128xi32, #tpu.memory_space<hbm>>
          tpu.wait_dma2 semaphore(%arg32 : memref<!tpu.dma_semaphore, #tpu.memory_space<semaphore_mem>>) src(%dma_wait3A_343 : memref<128xi32, #tpu.memory_space<hbm>>) dst(%arg15 : memref<128xi32, #tpu.memory_space<vmem>>)
          %dma_start3A_344 = arith.constant 0 : i32
          %dma_start3A_345 = arith.constant 0 : i32
          %dma_start3A_346 = tpu.memref_slice %arg3[%dma_start3A_344, %dma_start3A_345] : memref<10000x64xf32, #tpu.memory_space<hbm>> -> memref<10000x64xf32, #tpu.memory_space<hbm>>
          tpu.enqueue_indirect_dma source(%dma_start3A_346 : memref<10000x64xf32, #tpu.memory_space<hbm>>) target(%arg21 : memref<128x64xf32, #tpu.memory_space<vmem>>) offsets(%arg9 : memref<128xi32, #tpu.memory_space<vmem>>) semaphore(%arg38 : memref<!tpu.dma_semaphore, #tpu.memory_space<semaphore_mem>>)
        } else {
        }
        %lt3A_330 = arith.constant 25 : i32
        %lt3A_331 = arith.cmpi slt, %scan3A_152, %lt3A_330 : i32
        %convert_element_type3A_332 = arith.extui %lt3A_331 : i1 to i32
        %cond3A_333 = arith.constant 0 : i32
        %cond3A_334 = arith.cmpi ne, %convert_element_type3A_332, %cond3A_333 : i32
        scf.if %cond3A_334 {
          %dma_wait3A_336 = arith.constant 0 : i32
          %dma_wait3A_337 = arith.constant 0 : i32
          %dma_wait3A_338 = tpu.memref_slice %arg29[%dma_wait3A_336, %dma_wait3A_337] : memref<10240x64xf32, #tpu.memory_space<vmem_shared>> -> memref<10240x64xf32, #tpu.memory_space<vmem_shared>>
          tpu.wait_indirect_dma semaphore(%arg46 : memref<!tpu.dma_semaphore, #tpu.memory_space<semaphore_mem>>) src(%arg23 : memref<128x64xf32, #tpu.memory_space<vmem>>) dst(%dma_wait3A_338 : memref<10240x64xf32, #tpu.memory_space<vmem_shared>>)
          %dma_wait3A_339 = arith.constant 0 : i32
          %dma_wait3A_340 = arith.constant 0 : i32
          %dma_wait3A_341 = tpu.memref_slice %arg30[%dma_wait3A_339, %dma_wait3A_340] : memref<10240x16xf32, #tpu.memory_space<vmem_shared>> -> memref<10240x16xf32, #tpu.memory_space<vmem_shared>>
          tpu.wait_indirect_dma semaphore(%arg46 : memref<!tpu.dma_semaphore, #tpu.memory_space<semaphore_mem>>) src(%arg26 : memref<128x16xf32, #tpu.memory_space<vmem>>) dst(%dma_wait3A_341 : memref<10240x16xf32, #tpu.memory_space<vmem_shared>>)
          %add3A_342 = arith.constant 4 : i32
          %add3A_343 = arith.addi %add3A_315, %add3A_342 : i32
          %add3A_344 = arith.addi %mul3A_35, %add3A_343 : i32
          %mul3A_345 = arith.constant 128 : i32
          %mul3A_346 = arith.muli %add3A_344, %mul3A_345 : i32
          %multiple_of3A_347 = tpu.assume_multiple %mul3A_346, 8 : i32
          %dma_start3A_348 = tpu.memref_slice %arg4[%multiple_of3A_347] : memref<320000xi32, #tpu.memory_space<hbm>> -> memref<128xi32, #tpu.memory_space<hbm>>
          %dma_start3A_349 = tpu.memref_slice %arg4[%multiple_of3A_347] : memref<320000xi32, #tpu.memory_space<hbm>> -> memref<128xi32, #tpu.memory_space<hbm>>
          tpu.enqueue_dma source(%dma_start3A_349 : memref<128xi32, #tpu.memory_space<hbm>>) target(%arg11 : memref<128xi32, #tpu.memory_space<vmem>>) target_semaphore(%arg34 : memref<!tpu.dma_semaphore, #tpu.memory_space<semaphore_mem>>)
          %dma_start3A_350 = tpu.memref_slice %arg5[%multiple_of3A_347] : memref<320000xi32, #tpu.memory_space<hbm>> -> memref<128xi32, #tpu.memory_space<hbm>>
          %dma_start3A_351 = tpu.memref_slice %arg5[%multiple_of3A_347] : memref<320000xi32, #tpu.memory_space<hbm>> -> memref<128xi32, #tpu.memory_space<hbm>>
          tpu.enqueue_dma source(%dma_start3A_351 : memref<128xi32, #tpu.memory_space<hbm>>) target(%arg17 : memref<128xi32, #tpu.memory_space<vmem>>) target_semaphore(%arg34 : memref<!tpu.dma_semaphore, #tpu.memory_space<semaphore_mem>>)
        } else {
        }
        %scan3A_335 = arith.constant 0 : i32
        scf.yield %scan3A_335 : i32
      }
      %scan3A_111 = arith.constant 26 : i32
      %dma_wait3A_112 = arith.constant 0 : i32
      %dma_wait3A_113 = arith.constant 0 : i32
      %dma_wait3A_114 = tpu.memref_slice %arg29[%dma_wait3A_112, %dma_wait3A_113] : memref<10240x64xf32, #tpu.memory_space<vmem_shared>> -> memref<10240x64xf32, #tpu.memory_space<vmem_shared>>
      tpu.wait_indirect_dma semaphore(%arg43 : memref<!tpu.dma_semaphore, #tpu.memory_space<semaphore_mem>>) src(%arg20 : memref<128x64xf32, #tpu.memory_space<vmem>>) dst(%dma_wait3A_114 : memref<10240x64xf32, #tpu.memory_space<vmem_shared>>)
      %dma_wait3A_115 = arith.constant 0 : i32
      %dma_wait3A_116 = arith.constant 0 : i32
      %dma_wait3A_117 = tpu.memref_slice %arg30[%dma_wait3A_115, %dma_wait3A_116] : memref<10240x16xf32, #tpu.memory_space<vmem_shared>> -> memref<10240x16xf32, #tpu.memory_space<vmem_shared>>
      tpu.wait_indirect_dma semaphore(%arg43 : memref<!tpu.dma_semaphore, #tpu.memory_space<semaphore_mem>>) src(%arg26 : memref<128x16xf32, #tpu.memory_space<vmem>>) dst(%dma_wait3A_117 : memref<10240x16xf32, #tpu.memory_space<vmem_shared>>)
      %dma_wait3A_118 = arith.constant 0 : i32
      %dma_wait3A_119 = arith.constant 0 : i32
      %dma_wait3A_120 = tpu.memref_slice %arg29[%dma_wait3A_118, %dma_wait3A_119] : memref<10240x64xf32, #tpu.memory_space<vmem_shared>> -> memref<10240x64xf32, #tpu.memory_space<vmem_shared>>
      tpu.wait_indirect_dma semaphore(%arg44 : memref<!tpu.dma_semaphore, #tpu.memory_space<semaphore_mem>>) src(%arg21 : memref<128x64xf32, #tpu.memory_space<vmem>>) dst(%dma_wait3A_120 : memref<10240x64xf32, #tpu.memory_space<vmem_shared>>)
      %dma_wait3A_121 = arith.constant 0 : i32
      %dma_wait3A_122 = arith.constant 0 : i32
      %dma_wait3A_123 = tpu.memref_slice %arg30[%dma_wait3A_121, %dma_wait3A_122] : memref<10240x16xf32, #tpu.memory_space<vmem_shared>> -> memref<10240x16xf32, #tpu.memory_space<vmem_shared>>
      tpu.wait_indirect_dma semaphore(%arg44 : memref<!tpu.dma_semaphore, #tpu.memory_space<semaphore_mem>>) src(%arg26 : memref<128x16xf32, #tpu.memory_space<vmem>>) dst(%dma_wait3A_123 : memref<10240x16xf32, #tpu.memory_space<vmem_shared>>)
      %dma_wait3A_124 = arith.constant 0 : i32
      %dma_wait3A_125 = arith.constant 0 : i32
      %dma_wait3A_126 = tpu.memref_slice %arg29[%dma_wait3A_124, %dma_wait3A_125] : memref<10240x64xf32, #tpu.memory_space<vmem_shared>> -> memref<10240x64xf32, #tpu.memory_space<vmem_shared>>
      tpu.wait_indirect_dma semaphore(%arg45 : memref<!tpu.dma_semaphore, #tpu.memory_space<semaphore_mem>>) src(%arg22 : memref<128x64xf32, #tpu.memory_space<vmem>>) dst(%dma_wait3A_126 : memref<10240x64xf32, #tpu.memory_space<vmem_shared>>)
      %dma_wait3A_127 = arith.constant 0 : i32
      %dma_wait3A_128 = arith.constant 0 : i32
      %dma_wait3A_129 = tpu.memref_slice %arg30[%dma_wait3A_127, %dma_wait3A_128] : memref<10240x16xf32, #tpu.memory_space<vmem_shared>> -> memref<10240x16xf32, #tpu.memory_space<vmem_shared>>
      tpu.wait_indirect_dma semaphore(%arg45 : memref<!tpu.dma_semaphore, #tpu.memory_space<semaphore_mem>>) src(%arg26 : memref<128x16xf32, #tpu.memory_space<vmem>>) dst(%dma_wait3A_129 : memref<10240x16xf32, #tpu.memory_space<vmem_shared>>)
      %dma_wait3A_130 = arith.constant 0 : i32
      %dma_wait3A_131 = arith.constant 0 : i32
      %dma_wait3A_132 = tpu.memref_slice %arg29[%dma_wait3A_130, %dma_wait3A_131] : memref<10240x64xf32, #tpu.memory_space<vmem_shared>> -> memref<10240x64xf32, #tpu.memory_space<vmem_shared>>
      tpu.wait_indirect_dma semaphore(%arg46 : memref<!tpu.dma_semaphore, #tpu.memory_space<semaphore_mem>>) src(%arg23 : memref<128x64xf32, #tpu.memory_space<vmem>>) dst(%dma_wait3A_132 : memref<10240x64xf32, #tpu.memory_space<vmem_shared>>)
      %dma_wait3A_133 = arith.constant 0 : i32
      %dma_wait3A_134 = arith.constant 0 : i32
      %dma_wait3A_135 = tpu.memref_slice %arg30[%dma_wait3A_133, %dma_wait3A_134] : memref<10240x16xf32, #tpu.memory_space<vmem_shared>> -> memref<10240x16xf32, #tpu.memory_space<vmem_shared>>
      tpu.wait_indirect_dma semaphore(%arg46 : memref<!tpu.dma_semaphore, #tpu.memory_space<semaphore_mem>>) src(%arg26 : memref<128x16xf32, #tpu.memory_space<vmem>>) dst(%dma_wait3A_135 : memref<10240x16xf32, #tpu.memory_space<vmem_shared>>)
      %dma_wait3A_136 = arith.constant 0 : i32
      %dma_wait3A_137 = arith.constant 0 : i32
      %dma_wait3A_138 = tpu.memref_slice %arg29[%dma_wait3A_136, %dma_wait3A_137] : memref<10240x64xf32, #tpu.memory_space<vmem_shared>> -> memref<10240x64xf32, #tpu.memory_space<vmem_shared>>
      tpu.wait_indirect_dma semaphore(%arg47 : memref<!tpu.dma_semaphore, #tpu.memory_space<semaphore_mem>>) src(%arg24 : memref<128x64xf32, #tpu.memory_space<vmem>>) dst(%dma_wait3A_138 : memref<10240x64xf32, #tpu.memory_space<vmem_shared>>)
      %dma_wait3A_139 = arith.constant 0 : i32
      %dma_wait3A_140 = arith.constant 0 : i32
      %dma_wait3A_141 = tpu.memref_slice %arg30[%dma_wait3A_139, %dma_wait3A_140] : memref<10240x16xf32, #tpu.memory_space<vmem_shared>> -> memref<10240x16xf32, #tpu.memory_space<vmem_shared>>
      tpu.wait_indirect_dma semaphore(%arg47 : memref<!tpu.dma_semaphore, #tpu.memory_space<semaphore_mem>>) src(%arg26 : memref<128x16xf32, #tpu.memory_space<vmem>>) dst(%dma_wait3A_141 : memref<10240x16xf32, #tpu.memory_space<vmem_shared>>)
      %dma_wait3A_142 = arith.constant 0 : i32
      %dma_wait3A_143 = arith.constant 0 : i32
      %dma_wait3A_144 = tpu.memref_slice %arg29[%dma_wait3A_142, %dma_wait3A_143] : memref<10240x64xf32, #tpu.memory_space<vmem_shared>> -> memref<10240x64xf32, #tpu.memory_space<vmem_shared>>
      tpu.wait_indirect_dma semaphore(%arg48 : memref<!tpu.dma_semaphore, #tpu.memory_space<semaphore_mem>>) src(%arg25 : memref<128x64xf32, #tpu.memory_space<vmem>>) dst(%dma_wait3A_144 : memref<10240x64xf32, #tpu.memory_space<vmem_shared>>)
      %dma_wait3A_145 = arith.constant 0 : i32
      %dma_wait3A_146 = arith.constant 0 : i32
      %dma_wait3A_147 = tpu.memref_slice %arg30[%dma_wait3A_145, %dma_wait3A_146] : memref<10240x16xf32, #tpu.memory_space<vmem_shared>> -> memref<10240x16xf32, #tpu.memory_space<vmem_shared>>
      tpu.wait_indirect_dma semaphore(%arg48 : memref<!tpu.dma_semaphore, #tpu.memory_space<semaphore_mem>>) src(%arg26 : memref<128x16xf32, #tpu.memory_space<vmem>>) dst(%dma_wait3A_147 : memref<10240x16xf32, #tpu.memory_space<vmem_shared>>)
      %lt3A = arith.constant 4 : i32
      %lt3A_148 = arith.cmpi slt, %arg1, %lt3A : i32
      %convert_element_type3A_149 = arith.extui %lt3A_148 : i1 to i32
      %cond3A_150 = arith.constant 0 : i32
      %cond3A_151 = arith.cmpi ne, %convert_element_type3A_149, %cond3A_150 : i32
      scf.if %cond3A_151 {
        %add3A_152 = arith.constant 2496 : i32
        %add3A_153 = arith.addi %add3A_152, %arg1 : i32
        %mul3A_154 = arith.constant 128 : i32
        %mul3A_155 = arith.muli %add3A_153, %mul3A_154 : i32
        %multiple_of3A_156 = tpu.assume_multiple %mul3A_155, 8 : i32
        "tpu.region"() ({
          %run_scoped3A = tpu.sem_alloc : memref<!tpu.dma_semaphore, #tpu.memory_space<semaphore_mem>>
          %dma_start3A_163 = tpu.memref_slice %arg4[%multiple_of3A_156] : memref<320000xi32, #tpu.memory_space<hbm>> -> memref<128xi32, #tpu.memory_space<hbm>>
          %dma_start3A_164 = tpu.memref_slice %arg4[%multiple_of3A_156] : memref<320000xi32, #tpu.memory_space<hbm>> -> memref<128xi32, #tpu.memory_space<hbm>>
          tpu.enqueue_dma source(%dma_start3A_164 : memref<128xi32, #tpu.memory_space<hbm>>) target(%arg8 : memref<128xi32, #tpu.memory_space<vmem>>) target_semaphore(%run_scoped3A : memref<!tpu.dma_semaphore, #tpu.memory_space<semaphore_mem>>)
          %dma_wait3A_165 = tpu.memref_slice %arg4[%multiple_of3A_156] : memref<320000xi32, #tpu.memory_space<hbm>> -> memref<128xi32, #tpu.memory_space<hbm>>
          %dma_wait3A_166 = tpu.memref_slice %arg4[%multiple_of3A_156] : memref<320000xi32, #tpu.memory_space<hbm>> -> memref<128xi32, #tpu.memory_space<hbm>>
          tpu.wait_dma2 semaphore(%run_scoped3A : memref<!tpu.dma_semaphore, #tpu.memory_space<semaphore_mem>>) src(%dma_wait3A_166 : memref<128xi32, #tpu.memory_space<hbm>>) dst(%arg8 : memref<128xi32, #tpu.memory_space<vmem>>)
          tpu.yield
        }) : () -> ()
        "tpu.region"() ({
          %run_scoped3A = tpu.sem_alloc : memref<!tpu.dma_semaphore, #tpu.memory_space<semaphore_mem>>
          %dma_start3A_163 = tpu.memref_slice %arg5[%multiple_of3A_156] : memref<320000xi32, #tpu.memory_space<hbm>> -> memref<128xi32, #tpu.memory_space<hbm>>
          %dma_start3A_164 = tpu.memref_slice %arg5[%multiple_of3A_156] : memref<320000xi32, #tpu.memory_space<hbm>> -> memref<128xi32, #tpu.memory_space<hbm>>
          tpu.enqueue_dma source(%dma_start3A_164 : memref<128xi32, #tpu.memory_space<hbm>>) target(%arg14 : memref<128xi32, #tpu.memory_space<vmem>>) target_semaphore(%run_scoped3A : memref<!tpu.dma_semaphore, #tpu.memory_space<semaphore_mem>>)
          %dma_wait3A_165 = tpu.memref_slice %arg5[%multiple_of3A_156] : memref<320000xi32, #tpu.memory_space<hbm>> -> memref<128xi32, #tpu.memory_space<hbm>>
          %dma_wait3A_166 = tpu.memref_slice %arg5[%multiple_of3A_156] : memref<320000xi32, #tpu.memory_space<hbm>> -> memref<128xi32, #tpu.memory_space<hbm>>
          tpu.wait_dma2 semaphore(%run_scoped3A : memref<!tpu.dma_semaphore, #tpu.memory_space<semaphore_mem>>) src(%dma_wait3A_166 : memref<128xi32, #tpu.memory_space<hbm>>) dst(%arg14 : memref<128xi32, #tpu.memory_space<vmem>>)
          tpu.yield
        }) : () -> ()
        %dma_start3A_157 = arith.constant 0 : i32
        %dma_start3A_158 = arith.constant 0 : i32
        %dma_start3A_159 = tpu.memref_slice %arg3[%dma_start3A_157, %dma_start3A_158] : memref<10000x64xf32, #tpu.memory_space<hbm>> -> memref<10000x64xf32, #tpu.memory_space<hbm>>
        tpu.enqueue_indirect_dma source(%dma_start3A_159 : memref<10000x64xf32, #tpu.memory_space<hbm>>) target(%arg20 : memref<128x64xf32, #tpu.memory_space<vmem>>) offsets(%arg8 : memref<128xi32, #tpu.memory_space<vmem>>) semaphore(%arg37 : memref<!tpu.dma_semaphore, #tpu.memory_space<semaphore_mem>>)
        %dma_wait3A_160 = arith.constant 0 : i32
        %dma_wait3A_161 = arith.constant 0 : i32
        %dma_wait3A_162 = tpu.memref_slice %arg3[%dma_wait3A_160, %dma_wait3A_161] : memref<10000x64xf32, #tpu.memory_space<hbm>> -> memref<10000x64xf32, #tpu.memory_space<hbm>>
        tpu.wait_indirect_dma semaphore(%arg37 : memref<!tpu.dma_semaphore, #tpu.memory_space<semaphore_mem>>) src(%dma_wait3A_162 : memref<10000x64xf32, #tpu.memory_space<hbm>>) dst(%arg20 : memref<128x64xf32, #tpu.memory_space<vmem>>)
        "tpu.region"() ({
          %run_scoped3A = tpu.sem_alloc : memref<!tpu.dma_semaphore, #tpu.memory_space<semaphore_mem>>
          %dma_start3A_163 = arith.constant 0 : i32
          %dma_start3A_164 = arith.constant 0 : i32
          %dma_start3A_165 = tpu.memref_slice %arg29[%dma_start3A_163, %dma_start3A_164] : memref<10240x64xf32, #tpu.memory_space<vmem_shared>> -> memref<10240x64xf32, #tpu.memory_space<vmem_shared>>
          tpu.enqueue_indirect_dma source(%arg20 : memref<128x64xf32, #tpu.memory_space<vmem>>) target(%dma_start3A_165 : memref<10240x64xf32, #tpu.memory_space<vmem_shared>>) offsets(%arg14 : memref<128xi32, #tpu.memory_space<vmem>>) semaphore(%run_scoped3A : memref<!tpu.dma_semaphore, #tpu.memory_space<semaphore_mem>>) {add = true}
          %dma_wait3A_166 = arith.constant 0 : i32
          %dma_wait3A_167 = arith.constant 0 : i32
          %dma_wait3A_168 = tpu.memref_slice %arg29[%dma_wait3A_166, %dma_wait3A_167] : memref<10240x64xf32, #tpu.memory_space<vmem_shared>> -> memref<10240x64xf32, #tpu.memory_space<vmem_shared>>
          tpu.wait_indirect_dma semaphore(%run_scoped3A : memref<!tpu.dma_semaphore, #tpu.memory_space<semaphore_mem>>) src(%arg20 : memref<128x64xf32, #tpu.memory_space<vmem>>) dst(%dma_wait3A_168 : memref<10240x64xf32, #tpu.memory_space<vmem_shared>>)
          tpu.yield
        }) : () -> ()
        "tpu.region"() ({
          %run_scoped3A = tpu.sem_alloc : memref<!tpu.dma_semaphore, #tpu.memory_space<semaphore_mem>>
          %dma_start3A_163 = arith.constant 0 : i32
          %dma_start3A_164 = arith.constant 0 : i32
          %dma_start3A_165 = tpu.memref_slice %arg30[%dma_start3A_163, %dma_start3A_164] : memref<10240x16xf32, #tpu.memory_space<vmem_shared>> -> memref<10240x16xf32, #tpu.memory_space<vmem_shared>>
          tpu.enqueue_indirect_dma source(%arg26 : memref<128x16xf32, #tpu.memory_space<vmem>>) target(%dma_start3A_165 : memref<10240x16xf32, #tpu.memory_space<vmem_shared>>) offsets(%arg14 : memref<128xi32, #tpu.memory_space<vmem>>) semaphore(%run_scoped3A : memref<!tpu.dma_semaphore, #tpu.memory_space<semaphore_mem>>) {add = true}
          %dma_wait3A_166 = arith.constant 0 : i32
          %dma_wait3A_167 = arith.constant 0 : i32
          %dma_wait3A_168 = tpu.memref_slice %arg30[%dma_wait3A_166, %dma_wait3A_167] : memref<10240x16xf32, #tpu.memory_space<vmem_shared>> -> memref<10240x16xf32, #tpu.memory_space<vmem_shared>>
          tpu.wait_indirect_dma semaphore(%run_scoped3A : memref<!tpu.dma_semaphore, #tpu.memory_space<semaphore_mem>>) src(%arg26 : memref<128x16xf32, #tpu.memory_space<vmem>>) dst(%dma_wait3A_168 : memref<10240x16xf32, #tpu.memory_space<vmem_shared>>)
          tpu.yield
        }) : () -> ()
      } else {
      }
    } else {
    }
    %barrier3A_44 = arith.constant 0 : index
    tpu.barrier barrier_id(%barrier3A_44)
    "tpu.region"() ({
      %run_scoped3A = tpu.sem_alloc : memref<!tpu.dma_semaphore, #tpu.memory_space<semaphore_mem>>
      %dma_start3A = arith.constant 0 : i32
      %dma_start3A_50 = tpu.memref_slice %arg6[%arg0, %mul3A_24, %dma_start3A] : memref<2x10240x64xf32, #tpu.memory_space<hbm>> -> memref<1x640x64xf32, #tpu.memory_space<hbm>>
      %dma_start3A_51 = tpu.memref_squeeze %dma_start3A_50 : memref<1x640x64xf32, #tpu.memory_space<hbm>> -> memref<640x64xf32, #tpu.memory_space<hbm>>
      %dma_start3A_52 = arith.constant 0 : i32
      %dma_start3A_53 = tpu.memref_slice %arg29[%mul3A_24, %dma_start3A_52] : memref<10240x64xf32, #tpu.memory_space<vmem_shared>> -> memref<640x64xf32, #tpu.memory_space<vmem_shared>>
      tpu.enqueue_dma source(%dma_start3A_53 : memref<640x64xf32, #tpu.memory_space<vmem_shared>>) target(%dma_start3A_51 : memref<640x64xf32, #tpu.memory_space<hbm>>) target_semaphore(%run_scoped3A : memref<!tpu.dma_semaphore, #tpu.memory_space<semaphore_mem>>)
      %dma_wait3A = arith.constant 0 : i32
      %dma_wait3A_54 = tpu.memref_slice %arg6[%arg0, %mul3A_24, %dma_wait3A] : memref<2x10240x64xf32, #tpu.memory_space<hbm>> -> memref<1x640x64xf32, #tpu.memory_space<hbm>>
      %dma_wait3A_55 = tpu.memref_squeeze %dma_wait3A_54 : memref<1x640x64xf32, #tpu.memory_space<hbm>> -> memref<640x64xf32, #tpu.memory_space<hbm>>
      %dma_wait3A_56 = arith.constant 0 : i32
      %dma_wait3A_57 = tpu.memref_slice %arg29[%mul3A_24, %dma_wait3A_56] : memref<10240x64xf32, #tpu.memory_space<vmem_shared>> -> memref<640x64xf32, #tpu.memory_space<vmem_shared>>
      tpu.wait_dma2 semaphore(%run_scoped3A : memref<!tpu.dma_semaphore, #tpu.memory_space<semaphore_mem>>) src(%dma_wait3A_57 : memref<640x64xf32, #tpu.memory_space<vmem_shared>>) dst(%dma_wait3A_55 : memref<640x64xf32, #tpu.memory_space<hbm>>)
      tpu.yield
    }) : () -> ()
    %eq3A_45 = arith.constant 1 : i32
    %eq3A_46 = arith.cmpi eq, %arg0, %eq3A_45 : i32
    %convert_element_type3A_47 = arith.extui %eq3A_46 : i1 to i32
    %cond3A_48 = arith.constant 0 : i32
    %cond3A_49 = arith.cmpi ne, %convert_element_type3A_47, %cond3A_48 : i32
    scf.if %cond3A_49 {
      "tpu.region"() ({
        %run_scoped3A = tpu.sem_alloc : memref<!tpu.dma_semaphore, #tpu.memory_space<semaphore_mem>>
        %dma_start3A = arith.constant 0 : i32
        %dma_start3A_50 = tpu.memref_slice %arg7[%mul3A_24, %dma_start3A] : memref<10240x16xf32, #tpu.memory_space<hbm>> -> memref<640x16xf32, #tpu.memory_space<hbm>>
        %dma_start3A_51 = arith.constant 0 : i32
        %dma_start3A_52 = tpu.memref_slice %arg30[%mul3A_24, %dma_start3A_51] : memref<10240x16xf32, #tpu.memory_space<vmem_shared>> -> memref<640x16xf32, #tpu.memory_space<vmem_shared>>
        tpu.enqueue_dma source(%dma_start3A_52 : memref<640x16xf32, #tpu.memory_space<vmem_shared>>) target(%dma_start3A_50 : memref<640x16xf32, #tpu.memory_space<hbm>>) target_semaphore(%run_scoped3A : memref<!tpu.dma_semaphore, #tpu.memory_space<semaphore_mem>>)
        %dma_wait3A = arith.constant 0 : i32
        %dma_wait3A_53 = tpu.memref_slice %arg7[%mul3A_24, %dma_wait3A] : memref<10240x16xf32, #tpu.memory_space<hbm>> -> memref<640x16xf32, #tpu.memory_space<hbm>>
        %dma_wait3A_54 = arith.constant 0 : i32
        %dma_wait3A_55 = tpu.memref_slice %arg30[%mul3A_24, %dma_wait3A_54] : memref<10240x16xf32, #tpu.memory_space<vmem_shared>> -> memref<640x16xf32, #tpu.memory_space<vmem_shared>>
        tpu.wait_dma2 semaphore(%run_scoped3A : memref<!tpu.dma_semaphore, #tpu.memory_space<semaphore_mem>>) src(%dma_wait3A_55 : memref<640x16xf32, #tpu.memory_space<vmem_shared>>) dst(%dma_wait3A_53 : memref<640x16xf32, #tpu.memory_space<hbm>>)
        tpu.yield
      }) : () -> ()
    } else {
    }
    return
  }
}

module attributes {stable_mosaic.version = 14 : i64} {
  func.func @_node_mlp_body(%arg0: i32, %arg1: memref<2x400x64xf32, #tpu.memory_space<vmem>>, %arg2: memref<2x400x16xf32, #tpu.memory_space<vmem>>, %arg3: memref<400x16xf32, #tpu.memory_space<vmem>>, %arg4: memref<400x128xf32, #tpu.memory_space<vmem>>, %arg5: memref<128x128xf32, #tpu.memory_space<vmem>>, %arg6: memref<128x128xf32, #tpu.memory_space<vmem>>, %arg7: memref<16x128xf32, #tpu.memory_space<vmem>>, %arg8: memref<1x128xf32, #tpu.memory_space<vmem>>, %arg9: memref<128x16xf32, #tpu.memory_space<vmem>>, %arg10: memref<128x16xf32, #tpu.memory_space<vmem>>, %arg11: memref<1x16xf32, #tpu.memory_space<vmem>>, %arg12: memref<400x128xf32, #tpu.memory_space<vmem>>, %arg13: memref<400x16xf32, #tpu.memory_space<vmem>>, %arg14: memref<400x16xf32, #tpu.memory_space<vmem>>) attributes {dimension_semantics = [#tpu.dimension_semantics<arbitrary>], iteration_bounds = array<i64: 25>, scalar_prefetch = 0 : i64, scratch_operands = 0 : i64, tpu.core_type = #tpu.core_type<tc>, window_params = [{transform_indices = @transform_0, window_bounds = array<i64: 2, 400, 64>}, {transform_indices = @transform_1, window_bounds = array<i64: 2, 400, 16>}, {transform_indices = @transform_2, window_bounds = array<i64: 400, 16>}, {transform_indices = @transform_3, window_bounds = array<i64: 400, 128>}, {pipeline_mode = #tpu.pipeline_mode<synchronous>, transform_indices = @transform_4, window_bounds = array<i64: 128, 128>}, {pipeline_mode = #tpu.pipeline_mode<synchronous>, transform_indices = @transform_5, window_bounds = array<i64: 128, 128>}, {pipeline_mode = #tpu.pipeline_mode<synchronous>, transform_indices = @transform_6, window_bounds = array<i64: 16, 128>}, {pipeline_mode = #tpu.pipeline_mode<synchronous>, transform_indices = @transform_7, window_bounds = array<i64: 1, 128>}, {pipeline_mode = #tpu.pipeline_mode<synchronous>, transform_indices = @transform_8, window_bounds = array<i64: 128, 16>}, {pipeline_mode = #tpu.pipeline_mode<synchronous>, transform_indices = @transform_9, window_bounds = array<i64: 128, 16>}, {pipeline_mode = #tpu.pipeline_mode<synchronous>, transform_indices = @transform_10, window_bounds = array<i64: 1, 16>}, {transform_indices = @transform_11, window_bounds = array<i64: 400, 128>}, {transform_indices = @transform_12, window_bounds = array<i64: 400, 16>}, {transform_indices = @transform_13, window_bounds = array<i64: 400, 16>}]} {
    %get3A = arith.constant 0 : index
    %get3A_0 = arith.constant 0 : index
    %get3A_1 = arith.constant 0 : index
    %get3A_2 = vector.load %arg1[%get3A, %get3A_0, %get3A_1] : memref<2x400x64xf32, #tpu.memory_space<vmem>>, vector<1x400x64xf32>
    %get3A_3 = vector.shape_cast %get3A_2 : vector<1x400x64xf32> to vector<400x64xf32>
    %get3A_4 = arith.constant 1 : index
    %get3A_5 = arith.constant 0 : index
    %get3A_6 = arith.constant 0 : index
    %get3A_7 = vector.load %arg1[%get3A_4, %get3A_5, %get3A_6] : memref<2x400x64xf32, #tpu.memory_space<vmem>>, vector<1x400x64xf32>
    %get3A_8 = vector.shape_cast %get3A_7 : vector<1x400x64xf32> to vector<400x64xf32>
    %concatenate3A = tpu.concatenate %get3A_3, %get3A_8 in 1 : vector<400x64xf32>, vector<400x64xf32> -> vector<400x128xf32>
    %get3A_9 = arith.constant 0 : index
    %get3A_10 = arith.constant 0 : index
    %get3A_11 = arith.constant 0 : index
    %get3A_12 = vector.load %arg2[%get3A_9, %get3A_10, %get3A_11] : memref<2x400x16xf32, #tpu.memory_space<vmem>>, vector<1x400x16xf32>
    %get3A_13 = vector.shape_cast %get3A_12 : vector<1x400x16xf32> to vector<400x16xf32>
    %get3A_14 = arith.constant 1 : index
    %get3A_15 = arith.constant 0 : index
    %get3A_16 = arith.constant 0 : index
    %get3A_17 = vector.load %arg2[%get3A_14, %get3A_15, %get3A_16] : memref<2x400x16xf32, #tpu.memory_space<vmem>>, vector<1x400x16xf32>
    %get3A_18 = vector.shape_cast %get3A_17 : vector<1x400x16xf32> to vector<400x16xf32>
    %add3A = arith.addf %get3A_13, %get3A_18 : vector<400x16xf32>
    %get3A_19 = arith.constant 0 : index
    %get3A_20 = arith.constant 0 : index
    %get3A_21 = vector.load %arg3[%get3A_19, %get3A_20] : memref<400x16xf32, #tpu.memory_space<vmem>>, vector<400x1xf32>
    %max3A = arith.constant 1.000000e+00 : f32
    %max3A_22 = vector.broadcast %max3A : f32 to vector<400x1xf32>
    %max3A_23 = arith.maximumf %get3A_21, %max3A_22 : vector<400x1xf32>
    %div3A = arith.constant 1.000000e+00 : f32
    %div3A_24 = vector.broadcast %div3A : f32 to vector<400x1xf32>
    %div3A_25 = arith.divf %div3A_24, %max3A_23 : vector<400x1xf32>
    %get3A_26 = arith.constant 0 : index
    %get3A_27 = arith.constant 0 : index
    %get3A_28 = vector.load %arg6[%get3A_26, %get3A_27] : memref<128x128xf32, #tpu.memory_space<vmem>>, vector<128x128xf32>
    %dot_general3A = arith.constant dense<0.000000e+00> : vector<400x128xf32>
    %dot_general3A_29 = tpu.matmul %concatenate3A, %get3A_28, %dot_general3A {dimension_numbers = #tpu.dot_dimension_numbers<[1], [0], [0], [1], [0, 0, 1, 1], [], []>, transpose_lhs_hint = false} : vector<400x128xf32>, vector<128x128xf32>, vector<400x128xf32> -> vector<400x128xf32>
    %get3A_30 = arith.constant 0 : index
    %get3A_31 = arith.constant 0 : index
    %get3A_32 = vector.load %arg7[%get3A_30, %get3A_31] : memref<16x128xf32, #tpu.memory_space<vmem>>, vector<16x128xf32>
    %dot_general3A_33 = arith.constant dense<0.000000e+00> : vector<400x128xf32>
    %dot_general3A_34 = tpu.matmul %add3A, %get3A_32, %dot_general3A_33 {dimension_numbers = #tpu.dot_dimension_numbers<[1], [0], [0], [1], [0, 0, 1, 1], [], []>, transpose_lhs_hint = false} : vector<400x16xf32>, vector<16x128xf32>, vector<400x128xf32> -> vector<400x128xf32>
    %add3A_35 = arith.addf %dot_general3A_29, %dot_general3A_34 : vector<400x128xf32>
    %get3A_36 = arith.constant 0 : index
    %get3A_37 = arith.constant 0 : index
    %get3A_38 = vector.load %arg4[%get3A_36, %get3A_37] : memref<400x128xf32, #tpu.memory_space<vmem>>, vector<400x128xf32>
    %get3A_39 = arith.constant 0 : index
    %get3A_40 = arith.constant 0 : index
    %get3A_41 = vector.load %arg5[%get3A_39, %get3A_40] : memref<128x128xf32, #tpu.memory_space<vmem>>, vector<128x128xf32>
    %dot_general3A_42 = arith.constant dense<0.000000e+00> : vector<400x128xf32>
    %dot_general3A_43 = tpu.matmul %get3A_38, %get3A_41, %dot_general3A_42 {dimension_numbers = #tpu.dot_dimension_numbers<[1], [0], [0], [1], [0, 0, 1, 1], [], []>, transpose_lhs_hint = false} : vector<400x128xf32>, vector<128x128xf32>, vector<400x128xf32> -> vector<400x128xf32>
    %mul3A = vector.broadcast %div3A_25 : vector<400x1xf32> to vector<400x128xf32>
    %mul3A_44 = arith.mulf %add3A_35, %mul3A : vector<400x128xf32>
    %add3A_45 = arith.addf %dot_general3A_43, %mul3A_44 : vector<400x128xf32>
    %get3A_46 = arith.constant 0 : index
    %get3A_47 = arith.constant 0 : index
    %get3A_48 = vector.load %arg8[%get3A_46, %get3A_47] : memref<1x128xf32, #tpu.memory_space<vmem>>, vector<1x128xf32>
    %add3A_49 = vector.broadcast %get3A_48 : vector<1x128xf32> to vector<400x128xf32>
    %add3A_50 = arith.addf %add3A_45, %add3A_49 : vector<400x128xf32>
    %max3A_51 = arith.constant 0.000000e+00 : f32
    %max3A_52 = vector.broadcast %max3A_51 : f32 to vector<400x128xf32>
    %max3A_53 = arith.maximumf %add3A_50, %max3A_52 : vector<400x128xf32>
    %swap3A = arith.constant 0 : index
    %swap3A_54 = arith.constant 0 : index
    %swap3A_55 = vector.load %arg12[%swap3A, %swap3A_54] : memref<400x128xf32, #tpu.memory_space<vmem>>, vector<400x128xf32>
    tpu.vector_store %arg12[%swap3A, %swap3A_54], %max3A_53 {strides = array<i32>} : memref<400x128xf32, #tpu.memory_space<vmem>>, vector<400x128xf32>,
    %get3A_56 = arith.constant 0 : index
    %get3A_57 = arith.constant 0 : index
    %get3A_58 = vector.load %arg9[%get3A_56, %get3A_57] : memref<128x16xf32, #tpu.memory_space<vmem>>, vector<128x16xf32>
    %dot_general3A_59 = arith.constant dense<0.000000e+00> : vector<400x16xf32>
    %dot_general3A_60 = tpu.matmul %max3A_53, %get3A_58, %dot_general3A_59 {dimension_numbers = #tpu.dot_dimension_numbers<[1], [0], [0], [1], [0, 0, 1, 1], [], []>, transpose_lhs_hint = false} : vector<400x128xf32>, vector<128x16xf32>, vector<400x16xf32> -> vector<400x16xf32>
    %get3A_61 = arith.constant 0 : index
    %get3A_62 = arith.constant 0 : index
    %get3A_63 = vector.load %arg11[%get3A_61, %get3A_62] : memref<1x16xf32, #tpu.memory_space<vmem>>, vector<1x16xf32>
    %add3A_64 = vector.broadcast %get3A_63 : vector<1x16xf32> to vector<400x16xf32>
    %add3A_65 = arith.addf %dot_general3A_60, %add3A_64 : vector<400x16xf32>
    %swap3A_66 = arith.constant 0 : index
    %swap3A_67 = arith.constant 0 : index
    %swap3A_68 = vector.load %arg13[%swap3A_66, %swap3A_67] : memref<400x16xf32, #tpu.memory_space<vmem>>, vector<400x16xf32>
    tpu.vector_store %arg13[%swap3A_66, %swap3A_67], %add3A_65 {strides = array<i32>} : memref<400x16xf32, #tpu.memory_space<vmem>>, vector<400x16xf32>,
    %get3A_69 = arith.constant 0 : index
    %get3A_70 = arith.constant 0 : index
    %get3A_71 = vector.load %arg10[%get3A_69, %get3A_70] : memref<128x16xf32, #tpu.memory_space<vmem>>, vector<128x16xf32>
    %dot_general3A_72 = arith.constant dense<0.000000e+00> : vector<400x16xf32>
    %dot_general3A_73 = tpu.matmul %max3A_53, %get3A_71, %dot_general3A_72 {dimension_numbers = #tpu.dot_dimension_numbers<[1], [0], [0], [1], [0, 0, 1, 1], [], []>, transpose_lhs_hint = false} : vector<400x128xf32>, vector<128x16xf32>, vector<400x16xf32> -> vector<400x16xf32>
    %swap3A_74 = arith.constant 0 : index
    %swap3A_75 = arith.constant 0 : index
    %swap3A_76 = vector.load %arg14[%swap3A_74, %swap3A_75] : memref<400x16xf32, #tpu.memory_space<vmem>>, vector<400x16xf32>
    tpu.vector_store %arg14[%swap3A_74, %swap3A_75], %dot_general3A_73 {strides = array<i32>} : memref<400x16xf32, #tpu.memory_space<vmem>>, vector<400x16xf32>,
    return
  }
  func.func @transform_0(%arg0: i32) -> (i32, i32, i32) {
    %c0_i32 = arith.constant 0 : i32
    %c0_i32_0 = arith.constant 0 : i32
    %c0_i32_1 = arith.constant 0 : i32
    return %c0_i32, %arg0, %c0_i32_0 : i32, i32, i32
  }
  func.func @transform_1(%arg0: i32) -> (i32, i32, i32) {
    %c0_i32 = arith.constant 0 : i32
    %c0_i32_0 = arith.constant 0 : i32
    %c0_i32_1 = arith.constant 0 : i32
    return %c0_i32, %arg0, %c0_i32_0 : i32, i32, i32
  }
  func.func @transform_2(%arg0: i32) -> (i32, i32) {
    %c0_i32 = arith.constant 0 : i32
    %c0_i32_0 = arith.constant 0 : i32
    return %arg0, %c0_i32 : i32, i32
  }
  func.func @transform_3(%arg0: i32) -> (i32, i32) {
    %c0_i32 = arith.constant 0 : i32
    %c0_i32_0 = arith.constant 0 : i32
    return %arg0, %c0_i32 : i32, i32
  }
  func.func @transform_4(%arg0: i32) -> (i32, i32) {
    %c0_i32 = arith.constant 0 : i32
    %c0_i32_0 = arith.constant 0 : i32
    %c0_i32_1 = arith.constant 0 : i32
    return %c0_i32, %c0_i32_0 : i32, i32
  }
  func.func @transform_5(%arg0: i32) -> (i32, i32) {
    %c0_i32 = arith.constant 0 : i32
    %c0_i32_0 = arith.constant 0 : i32
    %c0_i32_1 = arith.constant 0 : i32
    return %c0_i32, %c0_i32_0 : i32, i32
  }
  func.func @transform_6(%arg0: i32) -> (i32, i32) {
    %c0_i32 = arith.constant 0 : i32
    %c0_i32_0 = arith.constant 0 : i32
    %c0_i32_1 = arith.constant 0 : i32
    return %c0_i32, %c0_i32_0 : i32, i32
  }
  func.func @transform_7(%arg0: i32) -> (i32, i32) {
    %c0_i32 = arith.constant 0 : i32
    %c0_i32_0 = arith.constant 0 : i32
    %c0_i32_1 = arith.constant 0 : i32
    return %c0_i32, %c0_i32_0 : i32, i32
  }
  func.func @transform_8(%arg0: i32) -> (i32, i32) {
    %c0_i32 = arith.constant 0 : i32
    %c0_i32_0 = arith.constant 0 : i32
    %c0_i32_1 = arith.constant 0 : i32
    return %c0_i32, %c0_i32_0 : i32, i32
  }
  func.func @transform_9(%arg0: i32) -> (i32, i32) {
    %c0_i32 = arith.constant 0 : i32
    %c0_i32_0 = arith.constant 0 : i32
    %c0_i32_1 = arith.constant 0 : i32
    return %c0_i32, %c0_i32_0 : i32, i32
  }
  func.func @transform_10(%arg0: i32) -> (i32, i32) {
    %c0_i32 = arith.constant 0 : i32
    %c0_i32_0 = arith.constant 0 : i32
    %c0_i32_1 = arith.constant 0 : i32
    return %c0_i32, %c0_i32_0 : i32, i32
  }
  func.func @transform_11(%arg0: i32) -> (i32, i32) {
    %c0_i32 = arith.constant 0 : i32
    %c0_i32_0 = arith.constant 0 : i32
    return %arg0, %c0_i32 : i32, i32
  }
  func.func @transform_12(%arg0: i32) -> (i32, i32) {
    %c0_i32 = arith.constant 0 : i32
    %c0_i32_0 = arith.constant 0 : i32
    return %arg0, %c0_i32 : i32, i32
  }
  func.func @transform_13(%arg0: i32) -> (i32, i32) {
    %c0_i32 = arith.constant 0 : i32
    %c0_i32_0 = arith.constant 0 : i32
    return %arg0, %c0_i32 : i32, i32
  }
}

</mosaic_0001>

<sc_bundles>
// kernel: kernel.12.cloned.1.call-start
scs
__scs_entry_jumppad:
0x0: {  	(pc) =	sbr.rel $0x88, $3  }
0x1: {  	(tag) =	ssettag $0x0;
	lr =	simm.s32 $0x1  }
0x2: {  	[smem:$0x3F9A] =	sst lr;
	_ =	strace $0xD0000000  }
0x3: {  	_ = 	snop  }
0x4: {  	_ = 	snop  }
0x5: {  	_ = 	snop  }
0x6: {  	_ = 	snop  }
0x7: {  	_ = 	snop  }
__scs_overlays_trampoline_lowered:
0x8: {  	[smem:$0x3FA9] =	sst s0  }
0x9: {  	[smem:$0x3FAA] =	sst s1  }
0xa: {  	[smem:$0x3FAB] =	sst s2  }
0xb: {  	[smem:$0x3FAC] =	sst s3  }
0xc: {  	[smem:$0x3FAD] =	sst s4  }
0xd: {  	[smem:$0x3FAE] =	sst s5  }
0xe: {  	[smem:$0x3FAF] =	sst s6  }
0xf: {  	[smem:$0x3FB0] =	sst s7  }
0x10: {  	[smem:$0x3FB1] =	sst s8  }
0x11: {  	[smem:$0x3FB2] =	sst s9;
	s0 =	simm.s32 @!p0 $0x0  }
0x12: {  	s1 =	sld [smem:$0x3F98];
	s0 =	simm.s32 @p0 $0x1  }
0x13: {  	[smem:$0x3FB3] =	sst s0;
	s0 =	simm.s32 @!p1 $0x0  }
0x14: {  	s2 =	sld [smem:$0x3F97];
	s0 =	simm.s32 @p1 $0x1  }
0x15: {  	[smem:$0x3FB4] =	sst s0;
	s0 =	simm.s32 @!p2 $0x0  }
0x16: {  	s3 =	sld [smem:$0x3FDB];
	s0 =	simm.s32 @p2 $0x1  }
0x17: {  	s4 =	simm.s32 $0x1BF5;
	[smem:$0x3FB6] =	sst s0  }
0x18: {  	s0 =	sld [smem:$0x3F99];
	_ =	swait.ge [sflag:s4], $0x0  }
0x19: {  	s7 =	sld [smem:$0x3F9A]  }
0x1a: {  	s8 =	sadd.s32 $0xFFFFE003, lr  }
0x1b: {  	s9 =	sadd.s32 $0xFFFFFEF7, lr;
	s5 =	simm.s32 $0xFFFFFFFF;
	p2 =	slt.u32 s8, $0xFFFFF086  }
0x1c: {  	p1 =	slt.u32 s9, $0xF7A;
	s5 =	simm.s32 @!p2 $0x0  }
0x1d: {  	s5 =	simm.s32 @p1 $0x1;
	p0 =	seq.s32 s7, s2  }
0x1e: {  	s7 =	smul.u32 @!p0 $0xF7A, s2;
	p2 =	seq.s32 @!p0 s5, $0x0  }
0x1f: {  	s9 =	smul.u32 $0xF7A, s1;
	s8 =	simm.s32 @!p0 $0x1BF5;
	p2 =	por !p2, p0  }
0x20: {  	[sflag:s8] =	ssyncset.s32 @!p0 $0xFFFFF086;
	s6 =	sadd.s32 @!p0 s3, s7;
	s7 =	simm.s32 @!p0 $0x108  }
0x21: {  	s3 =	sadd.s32 s3, s9;
	s6 =	sadd.s32 @!p0 $0x88, s6;
	s7 =	simm.s32 @p2 $0x1082  }
0x22: {  	[simem:s7], [sflag:s8] =	dma.local @!p0 [hbm:s6], $0xF7A  }
0x23: {  	s9 =	sor.u32 $0xD0000000, s2;
	s6 =	simm.s32 $0x108;
	_ =	swait.ge @!p0 [sflag:s8], $0x0  }
0x24: {  	s3 =	sadd.s32 $0x88, s3;
	s6 =	simm.s32 @!p1 $0x1082;
	[sflag:s4] =	ssyncset.s32 $0xFFFFF086  }
0x25: {  	[simem:s6], [sflag:s4] =	dma.local [hbm:s3], $0xF7A  }
0x26: {  	[smem:$0x3F9A] =	sst s1;
	(tag) =	ssettag s2;
	_ =	strace s9  }
0x27: {  	s1 =	sld [smem:$0x3FAA]  }
0x28: {  	s2 =	sld [smem:$0x3FAB]  }
0x29: {  	s4 =	sld [smem:$0x3FAD]  }
0x2a: {  	p0 =	seq.s32 s5, $0x0;
	s5 =	sld [smem:$0x3FAE]  }
0x2b: {  	s6 =	sld [smem:$0x3FAF]  }
0x2c: {  	s7 =	sld [smem:$0x3FB0]  }
0x2d: {  	s3 =	simm.s32 $0x108;
	s8 =	sld [smem:$0x3FB1]  }
0x2e: {  	s3 =	simm.s32 @!p0 $0x1082;
	s9 =	sld [smem:$0x3FB2]  }
0x2f: {  	lr =	sadd.s32 s0, s3;
	s0 =	sld [smem:$0x3FA9]  }
0x30: {  	s3 =	sld [smem:$0x3FAC]  }
0x31: {  	[smem:$0x3FB5] =	sst s10  }
0x32: {  	s10 =	sld [smem:$0x3FB3];
	_ =	sdelay $0x3  }
0x33: {  	p0 =	seq.s32 s10, $0x1;
	s10 =	sld [smem:$0x3FB5];
	_ =	sdelay $0x3  }
0x34: {  	[smem:$0x3FB5] =	sst s10  }
0x35: {  	s10 =	sld [smem:$0x3FB4];
	_ =	sdelay $0x3  }
0x36: {  	p1 =	seq.s32 s10, $0x1;
	s10 =	sld [smem:$0x3FB5];
	_ =	sdelay $0x3  }
0x37: {  	[smem:$0x3FB5] =	sst s10  }
0x38: {  	s10 =	sld [smem:$0x3FB6]  }
0x39: {  	_ = 	snop;
	(pc) =	sbr.ind lr, $3  }
0x3a: {  	_ = 	snop  }
0x3b: {  	_ = 	snop  }
0x3c: {  	p2 =	seq.s32 s10, $0x1;
	s10 =	sld [smem:$0x3FB5]  }
0x3d: {  	_ =	shalt  }
0x3e: {  	_ =	shalt  }
0x3f: {  	_ =	shalt  }
0x40: {  	_ =	shalt  }
0x41: {  	_ =	shalt  }
0x42: {  	_ =	shalt  }
0x43: {  	_ =	shalt  }
0x44: {  	_ =	shalt  }
0x45: {  	_ =	shalt  }
0x46: {  	_ =	shalt  }
0x47: {  	_ =	shalt  }
0x48: {  	_ =	shalt  }
0x49: {  	_ =	shalt  }
0x4a: {  	_ =	shalt  }
0x4b: {  	_ =	shalt  }
0x4c: {  	_ =	shalt  }
0x4d: {  	_ =	shalt  }
0x4e: {  	_ =	shalt  }
0x4f: {  	_ =	shalt  }
0x50: {  	_ =	shalt  }
0x51: {  	_ =	shalt  }
0x52: {  	_ =	shalt  }
0x53: {  	_ =	shalt  }
0x54: {  	_ =	shalt  }
0x55: {  	_ =	shalt  }
0x56: {  	_ =	shalt  }
0x57: {  	_ =	shalt  }
0x58: {  	_ =	shalt  }
0x59: {  	_ =	shalt  }
0x5a: {  	_ =	shalt  }
0x5b: {  	_ =	shalt  }
0x5c: {  	_ =	shalt  }
0x5d: {  	_ =	shalt  }
0x5e: {  	_ =	shalt  }
0x5f: {  	_ =	shalt  }
0x60: {  	_ =	shalt  }
0x61: {  	_ =	shalt  }
0x62: {  	_ =	shalt  }
0x63: {  	_ =	shalt  }
0x64: {  	_ =	shalt  }
0x65: {  	_ =	shalt  }
0x66: {  	_ =	shalt  }
0x67: {  	_ =	shalt  }
0x68: {  	_ =	shalt  }
0x69: {  	_ =	shalt  }
0x6a: {  	_ =	shalt  }
0x6b: {  	_ =	shalt  }
0x6c: {  	_ =	shalt  }
0x6d: {  	_ =	shalt  }
0x6e: {  	_ =	shalt  }
0x6f: {  	_ =	shalt  }
0x70: {  	_ =	shalt  }
0x71: {  	_ =	shalt  }
0x72: {  	_ =	shalt  }
0x73: {  	_ =	shalt  }
0x74: {  	_ =	shalt  }
0x75: {  	_ =	shalt  }
0x76: {  	_ =	shalt  }
0x77: {  	_ =	shalt  }
0x78: {  	_ =	shalt  }
0x79: {  	_ =	shalt  }
0x7a: {  	_ =	shalt  }
0x7b: {  	_ =	shalt  }
0x7c: {  	_ =	shalt  }
0x7d: {  	_ =	shalt  }
0x7e: {  	_ =	shalt  }
0x7f: {  	_ =	shalt  }
0x80: {  	_ =	shalt  }
0x81: {  	_ =	shalt  }
0x82: {  	_ =	shalt  }
0x83: {  	_ =	shalt  }
0x84: {  	_ =	shalt  }
0x85: {  	_ =	shalt  }
0x86: {  	_ =	shalt  }
0x87: {  	_ =	shalt  }
.Lfunc_end0:
.L_simem_size_0:
called_computation.2_lowered:
.L_overlay_start_0:
0x88: {  	s2 =	sld [smem:$0x3FD9]  }
0x89: {  	s3 =	sld [smem:$0x3FFE];
	_ =	sdelay $0x1  }
0x8a: {  	s1 =	srdreg.scid  }
0x8b: {  	s0 =	sand.u32 $0x1, s1  }
0x8c: {  	s14 =	sshll.u32 s0, $0xA;
	s2 =	sadd.s32 s3, s2  }
0x8d: {  	s2 =	sadd.s32 s2, s14  }
0x8e: {  	[smem:$0x3FC1] =	sst s2  }
0x8f: {  	_ = 	snop  }
0x90: {  	s2 =	sld [smem:$0x3FD0];
	_ =	sdelay $0x2  }
0x91: {  	s15 =	simm.s32 $0xB;
	s4 =	simm.s32 $0x10  }
0x92: {  	[smem:s4], [sflag:s15] =	dma.local [hbm:s2], $0x1  }
0x93: {  	_ =	swait.eq [sflag:s15], $0x1  }
0x94: {  	[sflag:s15] =	ssyncset.done $0x0  }
0x95: {  	[sflag:s15] =	ssyncadd.s32 $0xFFFFFFFF  }
0x96: {  	s16 =	sld [smem:$0x11];
	(tm) =	ssettm $0x1  }
0x97: {  	s17 =	sld [smem:$0x3FFB];
	_ =	sdelay $0x3  }
0x98: {  	_ =	strace s17  }
0x99: {  	s3 =	sld [smem:$0x3FFC];
	_ =	sdelay $0x3  }
0x9a: {  	_ =	strace s3  }
0x9b: {  	s3 =	sld [smem:$0x3FFD];
	_ =	sdelay $0x3  }
0x9c: {  	_ =	strace s3  }
0x9d: {  	_ =	strace $0x8FFFFFFF  }
0x9e: {  	s18 =	sld [smem:$0x3FDB];
	_ =	sdelay $0x1  }
0x9f: {  	s19 =	simm.s32 $_scs_section_size  }
0xa0: {  	s5 =	simm.s32 $_size__tile_overlayer_lowered;
	s6 =	simm.s32 $_tile_overlayer_lowered  }
0xa1: {  	s22 =	simm.s32 $0x1BFF;
	s21 =	sshll.u32 s6, $0x1;
	s3 =	sadd.s32 s19, s18  }
0xa2: {  	s7 =	simm.s32 $0x0;
	s20 =	sshll.u32 s5, $0x1;
	s5 =	sadd.s32 s21, s3  }
0xa3: {  	[timem:s7], [sflag:s22] =	dma.local [hbm:s5], s20  }
0xa4: {  	_ =	swait.ge [sflag:s22], s20  }
0xa5: {  	s4 =	ssub.s32 $0x0, s20;
	[sflag:s22] =	ssyncset.done $0x0  }
0xa6: {  	[sflag:s22] =	ssyncadd.s32 s4;
	_ =	sdelay $0x1  }
0xa7: {  	s23 =	simm.s32 $0x1B8B  }
0xa8: {  	_ =	swait.ge [sflag:s23], $0x1  }
0xa9: {  	[sflag:s23] =	ssyncset.done $0x0  }
0xaa: {  	s25 =	simm.s32 $0x1B8E;
	s24 =	sld [smem:$0x3FFE];
	[sflag:s23] =	ssyncadd.s32 $0xFFFFFFFF  }
0xab: {  	s26 =	simm.s32 $execute0_lowered;
	[smem:$0x3FD2] =	sst s25  }
0xac: {  	s5 =	sshll.u32 s26, $0x1;
	_ =	strace $0x8000004C;
	[dreg:$0x1] =	wrdreg $0xFFFFFFFF  }
0xad: {  	s28 =	simm.s32 $_size_execute0_lowered;
	s3 =	sadd.s32 s3, s5;
	[dreg:$0x0] =	wrdreg $0x0  }
0xae: {  	s5 =	sshll.u32 s28, $0x1;
	[dreg:$0x2] =	wrdreg s3  }
0xaf: {  	[dreg:$0x3] =	wrdreg s5  }
0xb0: {  	[dreg:$0x4] =	wrdreg $0xC0  }
0xb1: {  	_ =	task [dreg:s7], $0x5FFFF  }
0xb2: {  	[dreg:$0x1] =	wrdreg $0xFFFFFFFF  }
0xb3: {  	[dreg:$0x0] =	wrdreg $0x60  }
0xb4: {  	[dreg:$0x2] =	wrdreg s16  }
0xb5: {  	[dreg:$0x3] =	wrdreg s24  }
0xb6: {  	[dreg:$0x4] =	wrdreg $0x9  }
0xb7: {  	_ =	task.clear_ibuf [dreg:s7], $0x5FFFF;
	_ =	strace $0x9000004C  }
0xb8: {  	s29 =	simm.s32 $0x9;
	_ =	strace $0x8000004E  }
0xb9: {  	_ =	swait.ge [sflag:s29], $0x1  }
0xba: {  	[sflag:s29] =	ssyncadd.s32 $0xFFFFFFFF  }
0xbb: {  	_ =	strace $0x9000004E  }
0xbc: {  	_ =	sfence  }
0xbd: {  	s30 =	sld [smem:$0x0];
	_ =	sdelay $0x2  }
0xbe: {  	s31 =	sshll.u32 s1, $0xD;
	s1 =	sshrl.u32 s1, $0x2  }
0xbf: {  	s3 =	sand.u32 $0x4000, s31;
	s1 =	sadd.s32 s1, s30  }
0xc0: {  	s0 =	sor.u32 s3, s0;
	s1 =	sshll.u32 s1, $0x11  }
0xc1: {  	s0 =	sor.u32 s1, s0  }
0xc2: {  	s0 =	sadd.s32 $0x8F2B, s0  }
0xc3: {  	[sflag:s0] =	ssyncadd.remote.s32 $0x1  }
0xc4: {  	_ =	sfence.sel $0xFFFF  }
0xc5: {  	[dreg:$0x0] =	wrdreg $0xFFFFFFFF;
	(pc) =	sbr.abs _section_cstart, $3  }
0xc6: {  	[dreg:$0x1] =	wrdreg $0xFFFFFFFF  }
0xc7: {  	_ =	task.clear_ibuf [dreg:s7], $0x2FFFF;
	_ =	strace $0x9FFFFFFF  }
0xc8: {  	(tm) =	ssettm $0x7FFFFFFF  }
0xc9: {  	_ =	shalt  }
tec
execute0_lowered:
.L_overlay_start_1:
0x0: {  	(tag) =	ssettag $0x1  }
0x1: {  	s3 =	rddreg [dreg:$0x0]  }
0x2: {  	s0 =	rddreg [dreg:$0x1];
	s2 =	srdreg.scid  }
0x3: {  	s23 =	simm.s32 $0x0;
	s1 =	stileid.u32;
	s31 =	simm.s32 $0x8  }
0x4: {  	s30 =	simm.s32 $0x9;
	s2 =	sand.u32 $0x1, s2;
	s4 =	sadd.s32 $0x3800, s0  }
0x5: {  	s6 =	sadd.s32 $0x17200, s0;
	s5 =	sshll.u32 s2, $0x4;
	s2 =	ssub.s32 $0x2, s2  }
0x6: {  	s7 =	sadd.s32 $0x2AE00, s0;
	s8 =	sor.u32 s1, s5;
	s10 =	sshrl.u32 s2, $0x1  }
0x7: {  	s5 =	sadd.s32 $0x21000, s0;
	s9 =	smul.u32 $0x4E0, s8;
	s0 =	ssub.s32 s2, s10  }
0x8: {  	[smem:$0x7FF] =	sst s23;
	s12 =	smul.u32 $0x4E, s8;
	s0 =	smax.u32 s0, $0x1  }
0x9: {  	s28 =	simm.s32 $0xC;
	_ =	strace $0x8000004D;
	[dreg:$0x14] =	wrdreg s0  }
0xa: {  	s29 =	simm.s32 $0x8E00;
	s20 =	sadd.s32 s5, s9;
	[dreg:$0x3] =	wrdreg s12  }
0xb: {  	s21 =	sor.u32 $0x10, s9;
	s9 =	sadd.s32 s6, s9;
	[dreg:$0x4] =	wrdreg s20  }
0xc: {  	s15 =	sshll.u32 s1, $0x4;
	s13 =	sadd.s32 $0x4, s12;
	[dreg:$0x5] =	wrdreg s9  }
0xd: {  	s11 =	smul.u32 $0x2700, s8;
	s14 =	sor.u32 $0x1, s12;
	[dreg:$0xc] =	wrdreg s13  }
0xe: {  	p0 =	sgt.u32 s8, $0x3;
	s16 =	sadd.s32 $0x5, s12;
	[dreg:$0xd] =	wrdreg s14  }
0xf: {  	s8 =	simm.s32 $0x7600;
	s17 =	sadd.s32 $0x2, s12;
	[dreg:$0xe] =	wrdreg s16  }
0x10: {  	s22 =	sshrl.u32 s11, $0x3;
	s18 =	sadd.s32 $0x6, s12;
	[dreg:$0xf] =	wrdreg s17  }
0x11: {  	s0 =	simm.s32 $0x80;
	s24 =	sadd.s32 s5, s21;
	[dreg:$0x10] =	wrdreg s18  }
0x12: {  	s25 =	sadd.s32 $0x20, s22;
	s2 =	sadd.s32 s6, s21;
	[dreg:$0x6] =	wrdreg s24  }
0x13: {  	s10 =	sadd.s32 $0x30, s22;
	s22 =	sadd.s32 $0x3, s12;
	[dreg:$0x7] =	wrdreg s2  }
0x14: {  	s14 =	simm.s32 $0x7;
	s26 =	sadd.s32 s5, s25;
	[dreg:$0x15] =	wrdreg s22  }
0x15: {  	s16 =	simm.s32 $0x4E200;
	s9 =	sadd.s32 s6, s25;
	[dreg:$0x8] =	wrdreg s26  }
0x16: {  	s17 =	simm.s32 $0x5;
	s11 =	sadd.s32 s5, s10;
	[dreg:$0x9] =	wrdreg s9  }
0x17: {  	s18 =	simm.s32 $0xA;
	s2 =	sadd.s32 s6, s10;
	[dreg:$0xa] =	wrdreg s11  }
0x18: {  	s24 =	sadd.s32 $0x7, s12;
	s25 =	sadd.s32 $0x8, s12;
	[dreg:$0xb] =	wrdreg s2  }
0x19: {  	s10 =	simm.s32 $0x6E00;
	s2 =	sor.u32 $0x9C00, s15;
	[dreg:$0x16] =	wrdreg s24  }
0x1a: {  	[dreg:$0x17] =	wrdreg s25;
	s26 =	sadd.s32 $0x9, s12;
	s15 =	simm.s32 $0x6600  }
.Ltmp0:
0x1b: {  	s19 =	sadd.s32 s5, s2;
	[dreg:$0x18] =	wrdreg s26;
	(pc) =	sbr.rel .LBB2_1-.Ltmp0, $4  }
0x1c: {  	s25 =	simm.s32 $0x3;
	s20 =	sadd.s32 s6, s2;
	[dreg:$0x11] =	wrdreg s19  }
0x1d: {  	s9 =	simm.s32 $0x0;
	s21 =	sadd.s32 s7, s2;
	[dreg:$0x12] =	wrdreg s20  }
0x1e: {  	v0 =	vlaneseq.u32;
	s2 =	simm.s32 $0x4;
	s26 =	simm.s32 $0x8600;
	[dreg:$0x13] =	wrdreg s21  }
0x1f: {  	v0 =	vmul.u32 $0x80, v0;
	s19 =	simm.s32 $0x7E00;
	s20 =	simm.s32 $0x6;
	s21 =	simm.s32 $0xB  }
.LBB2_20:
0x20: {  	s9 =	sadd.s32 $0x1, s9;
	s1 =	rddreg [dreg:$0x14]  }
0x21: {  	p1 =	sne.s32 s9, s1  }
.Ltmp1:
0x22: {  	_ = 	snop;
	(pc) =	sbr.rel @!p1 .LBB2_21-.Ltmp1, $1  }
0x23: {  	_ =	sdelay $0x3  }
.LBB2_1:
0x24: {  	[dreg:$0x19] =	wrdreg s9  }
0x25: {  	s1 =	rddreg [dreg:$0x4]  }
0x26: {  	[tilespmem:s23], [sflag:$0x1] =	stream.linear.gather [hbm4b:s1+s23], $0x80, $0x38;
	[tilespmem:$0x9600] =	vst v63  }
0x27: {  	s12 =	rddreg [dreg:$0x5];
	s9 =	simm.s32 $0x300  }
0x28: {  	[tilespmem:s9], [sflag:$0x1] =	stream.linear.gather [hbm4b:s12+s23], $0x80, $0x38;
	[tilespmem:$0x9600] =	vst v63  }
0x29: {  	s13 =	rddreg [dreg:$0x6]  }
0x2a: {  	[tilespmem:s0], [sflag:$0x2] =	stream.linear.gather [hbm4b:s13+s23], $0x80, $0x38;
	[tilespmem:$0x9600] =	vst v63  }
0x2b: {  	s22 =	rddreg [dreg:$0x7];
	s12 =	simm.s32 $0x380  }
0x2c: {  	[tilespmem:s12], [sflag:$0x2] =	stream.linear.gather [hbm4b:s22+s23], $0x80, $0x38;
	[tilespmem:$0x9600] =	vst v63  }
0x2d: {  	s24 =	rddreg [dreg:$0x8];
	s11 =	simm.s32 $0x100  }
0x2e: {  	[tilespmem:s11], [sflag:$0x3] =	stream.linear.gather [hbm4b:s24+s23], $0x80, $0x38;
	[tilespmem:$0x9600] =	vst v63  }
0x2f: {  	s13 =	simm.s32 $0x400;
	s11 =	rddreg [dreg:$0x9]  }
0x30: {  	[tilespmem:s13], [sflag:$0x3] =	stream.linear.gather [hbm4b:s11+s23], $0x80, $0x38;
	[tilespmem:$0x9600] =	vst v63  }
0x31: {  	s22 =	rddreg [dreg:$0xa];
	s24 =	simm.s32 $0x180  }
0x32: {  	[tilespmem:s24], [sflag:$0x4] =	stream.linear.gather [hbm4b:s22+s23], $0x80, $0x38;
	[tilespmem:$0x9600] =	vst v63  }
0x33: {  	s11 =	rddreg [dreg:$0xb];
	s13 =	simm.s32 $0x480;
	s22 =	simm.s32 $0x1  }
0x34: {  	[tilespmem:s13], [sflag:$0x4] =	stream.linear.gather [hbm4b:s11+s23], $0x80, $0x38;
	[tilespmem:$0x9600] =	vst v63  }
0x35: {  	_ =	swait.ge [sflag:s22], $0x80  }
0x36: {  	[sflag:s22] =	ssyncset.done $0x0  }
0x37: {  	[sflag:s22] =	ssyncadd.s32 $0xFFFFFF80  }
0x38: {  	_ =	swait.ge [sflag:s22], $0x80  }
0x39: {  	[sflag:s22] =	ssyncset.done $0x0  }
0x3a: {  	s24 =	simm.s32 $0x600;
	[sflag:s22] =	ssyncadd.s32 $0xFFFFFF80  }
0x3b: {  	[tilespmem:s24], [sflag:$0x7] =	stream.indirect.gather [hbm4b:s3+s0], $0x10, s23, s0, $0xb8;
	[tilespmem:$0x9600] =	vst v63  }
0x3c: {  	s11 =	simm.s32 $0x3600;
	s13 =	simm.s32 $0x2  }
0x3d: {  	[tilespmem:s11], [sflag:$0x7] =	stream.indirect.gather [hbm4b:s4+s0], $0x10, s9, s0, $0xb8;
	[tilespmem:$0x9600] =	vst v63  }
0x3e: {  	_ =	swait.ge [sflag:s13], $0x80  }
0x3f: {  	[sflag:s13] =	ssyncset.done $0x0  }
0x40: {  	[sflag:s13] =	ssyncadd.s32 $0xFFFFFF80  }
0x41: {  	_ =	swait.ge [sflag:s13], $0x80  }
0x42: {  	[sflag:s13] =	ssyncset.done $0x0  }
0x43: {  	s22 =	simm.s32 $0xE00;
	[sflag:s13] =	ssyncadd.s32 $0xFFFFFF80  }
0x44: {  	[tilespmem:s22], [sflag:$0x8] =	stream.indirect.gather [hbm4b:s3+s0], $0x10, s0, s0, $0xb8;
	[tilespmem:$0x9600] =	vst v63  }
0x45: {  	s24 =	simm.s32 $0x3E00  }
0x46: {  	[tilespmem:s24], [sflag:$0x8] =	stream.indirect.gather [hbm4b:s4+s0], $0x10, s12, s0, $0xb8;
	[tilespmem:$0x9600] =	vst v63  }
0x47: {  	s11 =	smov.u32 s3;
	s24 =	simm.s32 $0x0  }
.LBB2_2:
0x48: {  	_ =	swait.ge [sflag:s14], $0x800  }
0x49: {  	[sflag:s14] =	ssyncset.done $0x0  }
0x4a: {  	[sflag:s14] =	ssyncadd.s32 $0xFFFFF800  }
0x4b: {  	_ =	swait.ge [sflag:s14], $0x800  }
0x4c: {  	p1 =	seq.s32 s24, $0x0;
	[sflag:s14] =	ssyncset.done $0x0  }
0x4d: {  	s9 =	simm.s32 @!p1 $0xD;
	[sflag:s14] =	ssyncadd.s32 $0xFFFFF800  }
0x4e: {  	_ =	swait.ge @!p1 [sflag:s9], $0x800  }
0x4f: {  	[sflag:s9] =	ssyncset.done @!p1 $0x0  }
0x50: {  	s13 =	simm.s32 $0x0;
	[sflag:s9] =	ssyncadd.s32 @!p1 $0xFFFFF800  }
0x51: {  	v1 =	vld [tilespmem:s13+$0x600]  }
0x52: {  	v2 =	vld [tilespmem:s13+$0x3600];
	_ =	sdelay $0x4  }
0x53: {  	v1 =	vadd.f32 v2, v1;
	_ =	sdelay $0x1  }
0x54: {  	v1 =	vmax.f32 v1, $0.0e+00  }
0x55: {  	[tilespmem:v0+s15+$0x0] =	vst.idx.msk $0xffff, v1  }
0x56: {  	v2 =	vld [tilespmem:s13+$0x610]  }
0x57: {  	v3 =	vld [tilespmem:s13+$0x3610];
	_ =	sdelay $0x2  }
0x58: {  	v1 =	vor.u32 $0x1, v0;
	_ =	sdelay $0x1  }
0x59: {  	v2 =	vadd.f32 v3, v2;
	_ =	sdelay $0x1  }
0x5a: {  	v2 =	vmax.f32 v2, $0.0e+00  }
0x5b: {  	[tilespmem:v1+s15+$0x0] =	vst.idx.msk $0xffff, v2  }
0x5c: {  	v3 =	vld [tilespmem:s13+$0x620]  }
0x5d: {  	v4 =	vld [tilespmem:s13+$0x3620];
	_ =	sdelay $0x2  }
0x5e: {  	v2 =	vor.u32 $0x2, v0;
	_ =	sdelay $0x1  }
0x5f: {  	v3 =	vadd.f32 v4, v3;
	_ =	sdelay $0x1  }
0x60: {  	v3 =	vmax.f32 v3, $0.0e+00  }
0x61: {  	[tilespmem:v2+s15+$0x0] =	vst.idx.msk $0xffff, v3  }
0x62: {  	v5 =	vld [tilespmem:s13+$0x630]  }
0x63: {  	s12 =	simm.s32 $0x100;
	s9 =	smul.u32 $0x6, s24;
	v4 =	vor.u32 $0x3, v0;
	v6 =	vld [tilespmem:s13+$0x3630];
	v3 =	vmov v0  }
.LBB2_3:
0x64: {  	_ =	sdelay $0x2  }
0x65: {  	p2 =	sne.s32 s12, $0x1F00;
	v3 =	vadd.s32 $0x4, v3;
	s13 =	smov.u32 s12;
	s12 =	sadd.s32 $0x100, s12  }
0x66: {  	v5 =	vadd.f32 v6, v5;
	_ =	sdelay $0x1  }
0x67: {  	v5 =	vmax.f32 v5, $0.0e+00  }
0x68: {  	s13 =	sshra.s32 s13, $0x2;
	[tilespmem:v4+s15+$0x0] =	vst.idx.msk $0xffff, v5  }
0x69: {  	v4 =	vld [tilespmem:s13+$0x600]  }
0x6a: {  	v5 =	vld [tilespmem:s13+$0x3600];
	_ =	sdelay $0x4  }
0x6b: {  	v4 =	vadd.f32 v5, v4;
	_ =	sdelay $0x1  }
0x6c: {  	v4 =	vmax.f32 v4, $0.0e+00  }
0x6d: {  	[tilespmem:v3+s15+$0x0] =	vst.idx.msk $0xffff, v4  }
0x6e: {  	v4 =	vld [tilespmem:s13+$0x610]  }
0x6f: {  	v5 =	vld [tilespmem:s13+$0x3610]  }
0x70: {  	v6 =	vor.u32 $0x1, v3;
	_ =	sdelay $0x3  }
0x71: {  	v4 =	vadd.f32 v5, v4;
	_ =	sdelay $0x1  }
0x72: {  	v4 =	vmax.f32 v4, $0.0e+00  }
0x73: {  	[tilespmem:v6+s15+$0x0] =	vst.idx.msk $0xffff, v4  }
0x74: {  	v4 =	vld [tilespmem:s13+$0x620]  }
0x75: {  	v5 =	vor.u32 $0x2, v3;
	v6 =	vld [tilespmem:s13+$0x3620];
	_ =	sdelay $0x4  }
0x76: {  	v4 =	vadd.f32 v6, v4  }
.Ltmp2:
0x77: {  	(pc) =	sbr.rel @p2 .LBB2_3-.Ltmp2, $4  }
0x78: {  	v4 =	vmax.f32 v4, $0.0e+00  }
0x79: {  	[tilespmem:v5+s15+$0x0] =	vst.idx.msk $0xffff, v4  }
0x7a: {  	v4 =	vor.u32 $0x3, v3;
	v5 =	vld [tilespmem:s13+$0x630]  }
0x7b: {  	v6 =	vld [tilespmem:s13+$0x3630]  }
0x7c: {  	_ =	sdelay $0x3  }
0x7d: {  	s1 =	rddreg [dreg:$0x3];
	v3 =	vadd.f32 v6, v5  }
0x7e: {  	s12 =	sadd.s32 s1, s9  }
0x7f: {  	s12 =	sshll.u32 s12, $0x4;
	v3 =	vmax.f32 v3, $0.0e+00  }
0x80: {  	s12 =	sadd.s32 s7, s12;
	[tilespmem:v4+s15+$0x0] =	vst.idx.msk $0xffff, v3  }
0x81: {  	[hbm4b:s12+s0] =	stream.strided.scatter [tilespmem:s15], [sflag:$0xD], $0x800, s16, s0, $0x38;
	[tilespmem:$0x9600] =	vst v63  }
0x82: {  	_ =	swait.ge [sflag:s25], $0x80  }
0x83: {  	[sflag:s25] =	ssyncset.done $0x0  }
0x84: {  	[sflag:s25] =	ssyncadd.s32 $0xFFFFFF80  }
0x85: {  	_ =	swait.ge [sflag:s25], $0x80  }
0x86: {  	[sflag:s25] =	ssyncset.done $0x0  }
0x87: {  	s13 =	simm.s32 $0x100;
	s22 =	simm.s32 $0x1600;
	[sflag:s25] =	ssyncadd.s32 $0xFFFFFF80  }
0x88: {  	[tilespmem:s22], [sflag:$0x9] =	stream.indirect.gather [hbm4b:s11+s0], $0x10, s13, s0, $0xb8;
	[tilespmem:$0x9600] =	vst v63  }
0x89: {  	s12 =	rddreg [dreg:$0xc];
	s13 =	simm.s32 $0x400;
	s22 =	simm.s32 $0x4600  }
0x8a: {  	[tilespmem:s22], [sflag:$0x9] =	stream.indirect.gather [hbm4b:s4+s0], $0x10, s13, s0, $0xb8;
	[tilespmem:$0x9600] =	vst v63  }
0x8b: {  	s13 =	sadd.s32 s9, s12  }
0x8c: {  	s12 =	sshll.u32 s13, $0x4  }
0x8d: {  	s13 =	sand.u32 $0x1FFFFFE0, s12  }
0x8e: {  	s22 =	simm.s32 $0x200;
	s12 =	sadd.s32 s5, s13  }
0x8f: {  	[tilespmem:s22], [sflag:$0x5] =	stream.linear.gather [hbm4b:s12+s23], $0x80, $0x38;
	[tilespmem:$0x9600] =	vst v63  }
0x90: {  	s1 =	sadd.s32 s6, s13;
	s22 =	simm.s32 $0x500  }
0x91: {  	[tilespmem:s22], [sflag:$0x5] =	stream.linear.gather [hbm4b:s1+s23], $0x80, $0x38;
	[tilespmem:$0x9600] =	vst v63  }
0x92: {  	_ =	swait.ge [sflag:s31], $0x800  }
0x93: {  	[sflag:s31] =	ssyncset.done $0x0  }
0x94: {  	[sflag:s31] =	ssyncadd.s32 $0xFFFFF800  }
0x95: {  	_ =	swait.ge [sflag:s31], $0x800  }
0x96: {  	[sflag:s31] =	ssyncset.done $0x0  }
0x97: {  	s12 =	simm.s32 @!p1 $0xE;
	[sflag:s31] =	ssyncadd.s32 $0xFFFFF800  }
0x98: {  	_ =	swait.ge @!p1 [sflag:s12], $0x800  }
0x99: {  	[sflag:s12] =	ssyncset.done @!p1 $0x0  }
0x9a: {  	s22 =	simm.s32 $0x0;
	[sflag:s12] =	ssyncadd.s32 @!p1 $0xFFFFF800  }
0x9b: {  	v3 =	vld [tilespmem:s22+$0xE00]  }
0x9c: {  	v4 =	vld [tilespmem:s22+$0x3E00];
	_ =	sdelay $0x4  }
0x9d: {  	v3 =	vadd.f32 v4, v3;
	_ =	sdelay $0x1  }
0x9e: {  	v3 =	vmax.f32 v3, $0.0e+00  }
0x9f: {  	[tilespmem:v0+s10+$0x0] =	vst.idx.msk $0xffff, v3  }
0xa0: {  	v3 =	vld [tilespmem:s22+$0xE10]  }
0xa1: {  	v4 =	vld [tilespmem:s22+$0x3E10];
	_ =	sdelay $0x4  }
0xa2: {  	v3 =	vadd.f32 v4, v3;
	_ =	sdelay $0x1  }
0xa3: {  	v3 =	vmax.f32 v3, $0.0e+00  }
0xa4: {  	[tilespmem:v1+s10+$0x0] =	vst.idx.msk $0xffff, v3  }
0xa5: {  	v3 =	vld [tilespmem:s22+$0xE20]  }
0xa6: {  	v4 =	vld [tilespmem:s22+$0x3E20];
	_ =	sdelay $0x4  }
0xa7: {  	v3 =	vadd.f32 v4, v3;
	_ =	sdelay $0x1  }
0xa8: {  	v3 =	vmax.f32 v3, $0.0e+00  }
0xa9: {  	[tilespmem:v2+s10+$0x0] =	vst.idx.msk $0xffff, v3  }
0xaa: {  	v5 =	vld [tilespmem:s22+$0xE30]  }
0xab: {  	s3 =	smov.u32 s11;
	s12 =	simm.s32 $0x100;
	v4 =	vor.u32 $0x3, v0;
	v6 =	vld [tilespmem:s22+$0x3E30];
	v3 =	vmov v0  }
.LBB2_5:
0xac: {  	_ =	sdelay $0x2  }
0xad: {  	p2 =	sne.s32 s12, $0x1F00;
	v3 =	vadd.s32 $0x4, v3;
	s22 =	smov.u32 s12;
	s12 =	sadd.s32 $0x100, s12  }
0xae: {  	v5 =	vadd.f32 v6, v5;
	_ =	sdelay $0x1  }
0xaf: {  	v5 =	vmax.f32 v5, $0.0e+00  }
0xb0: {  	s22 =	sshra.s32 s22, $0x2;
	[tilespmem:v4+s10+$0x0] =	vst.idx.msk $0xffff, v5  }
0xb1: {  	v4 =	vld [tilespmem:s22+$0xE00]  }
0xb2: {  	v5 =	vld [tilespmem:s22+$0x3E00];
	_ =	sdelay $0x4  }
0xb3: {  	v4 =	vadd.f32 v5, v4;
	_ =	sdelay $0x1  }
0xb4: {  	v4 =	vmax.f32 v4, $0.0e+00  }
0xb5: {  	[tilespmem:v3+s10+$0x0] =	vst.idx.msk $0xffff, v4  }
0xb6: {  	v4 =	vld [tilespmem:s22+$0xE10]  }
0xb7: {  	v5 =	vld [tilespmem:s22+$0x3E10]  }
0xb8: {  	v6 =	vor.u32 $0x1, v3;
	_ =	sdelay $0x3  }
0xb9: {  	v4 =	vadd.f32 v5, v4;
	_ =	sdelay $0x1  }
0xba: {  	v4 =	vmax.f32 v4, $0.0e+00  }
0xbb: {  	[tilespmem:v6+s10+$0x0] =	vst.idx.msk $0xffff, v4  }
0xbc: {  	v4 =	vld [tilespmem:s22+$0xE20]  }
0xbd: {  	v5 =	vor.u32 $0x2, v3;
	v6 =	vld [tilespmem:s22+$0x3E20];
	_ =	sdelay $0x4  }
0xbe: {  	v4 =	vadd.f32 v6, v4  }
.Ltmp3:
0xbf: {  	(pc) =	sbr.rel @p2 .LBB2_5-.Ltmp3, $4  }
0xc0: {  	v4 =	vmax.f32 v4, $0.0e+00  }
0xc1: {  	[tilespmem:v5+s10+$0x0] =	vst.idx.msk $0xffff, v4  }
0xc2: {  	v4 =	vor.u32 $0x3, v3;
	v5 =	vld [tilespmem:s22+$0xE30]  }
0xc3: {  	v6 =	vld [tilespmem:s22+$0x3E30]  }
0xc4: {  	_ =	sdelay $0x2  }
0xc5: {  	s1 =	rddreg [dreg:$0xd]  }
0xc6: {  	s12 =	sadd.s32 s9, s1;
	v3 =	vadd.f32 v6, v5  }
0xc7: {  	s12 =	sshll.u32 s12, $0x4  }
0xc8: {  	s12 =	sand.u32 $0x1FFFFFF0, s12;
	v3 =	vmax.f32 v3, $0.0e+00  }
0xc9: {  	s12 =	sadd.s32 s7, s12;
	[tilespmem:v4+s10+$0x0] =	vst.idx.msk $0xffff, v3  }
0xca: {  	[hbm4b:s12+s0] =	stream.strided.scatter [tilespmem:s10], [sflag:$0xE], $0x800, s16, s0, $0x38;
	[tilespmem:$0x9600] =	vst v63  }
0xcb: {  	_ =	swait.ge [sflag:s2], $0x80  }
0xcc: {  	[sflag:s2] =	ssyncset.done $0x0  }
0xcd: {  	[sflag:s2] =	ssyncadd.s32 $0xFFFFFF80  }
0xce: {  	_ =	swait.ge [sflag:s2], $0x80  }
0xcf: {  	[sflag:s2] =	ssyncset.done $0x0  }
0xd0: {  	s22 =	simm.s32 $0x1E00;
	s12 =	simm.s32 $0x180;
	[sflag:s2] =	ssyncadd.s32 $0xFFFFFF80  }
0xd1: {  	[tilespmem:s22], [sflag:$0xA] =	stream.indirect.gather [hbm4b:s3+s0], $0x10, s12, s0, $0xb8;
	[tilespmem:$0x9600] =	vst v63  }
0xd2: {  	s12 =	simm.s32 $0x480;
	s22 =	simm.s32 $0x4E00  }
0xd3: {  	[tilespmem:s22], [sflag:$0xA] =	stream.indirect.gather [hbm4b:s4+s0], $0x10, s12, s0, $0xb8;
	[tilespmem:$0x9600] =	vst v63  }
0xd4: {  	s12 =	rddreg [dreg:$0xe]  }
0xd5: {  	s22 =	sadd.s32 s9, s12  }
0xd6: {  	s12 =	sshll.u32 s22, $0x4  }
0xd7: {  	s12 =	sand.u32 $0x1FFFFFF0, s12  }
0xd8: {  	s1 =	simm.s32 $0x280;
	s22 =	sadd.s32 s5, s12  }
0xd9: {  	[tilespmem:s1], [sflag:$0x6] =	stream.linear.gather [hbm4b:s22+s23], $0x80, $0x38;
	[tilespmem:$0x9600] =	vst v63  }
0xda: {  	s22 =	sadd.s32 s6, s12;
	s1 =	simm.s32 $0x580  }
0xdb: {  	[tilespmem:s1], [sflag:$0x6] =	stream.linear.gather [hbm4b:s22+s23], $0x80, $0x38;
	[tilespmem:$0x9600] =	vst v63  }
0xdc: {  	_ =	swait.ge [sflag:s30], $0x800  }
0xdd: {  	[sflag:s30] =	ssyncset.done $0x0  }
0xde: {  	[sflag:s30] =	ssyncadd.s32 $0xFFFFF800  }
0xdf: {  	_ =	swait.ge [sflag:s30], $0x800  }
0xe0: {  	[sflag:s30] =	ssyncset.done $0x0  }
0xe1: {  	s22 =	simm.s32 @!p1 $0xF;
	[sflag:s30] =	ssyncadd.s32 $0xFFFFF800  }
0xe2: {  	_ =	swait.ge @!p1 [sflag:s22], $0x800  }
0xe3: {  	[sflag:s22] =	ssyncset.done @!p1 $0x0  }
0xe4: {  	s1 =	simm.s32 $0x0;
	[sflag:s22] =	ssyncadd.s32 @!p1 $0xFFFFF800  }
0xe5: {  	v3 =	vld [tilespmem:s1+$0x1600]  }
0xe6: {  	v4 =	vld [tilespmem:s1+$0x4600];
	_ =	sdelay $0x4  }
0xe7: {  	v3 =	vadd.f32 v4, v3;
	_ =	sdelay $0x1  }
0xe8: {  	v3 =	vmax.f32 v3, $0.0e+00  }
0xe9: {  	[tilespmem:v0+s8+$0x0] =	vst.idx.msk $0xffff, v3  }
0xea: {  	v3 =	vld [tilespmem:s1+$0x1610]  }
0xeb: {  	v4 =	vld [tilespmem:s1+$0x4610];
	_ =	sdelay $0x4  }
0xec: {  	v3 =	vadd.f32 v4, v3;
	_ =	sdelay $0x1  }
0xed: {  	v3 =	vmax.f32 v3, $0.0e+00  }
0xee: {  	[tilespmem:v1+s8+$0x0] =	vst.idx.msk $0xffff, v3  }
0xef: {  	v3 =	vld [tilespmem:s1+$0x1620]  }
0xf0: {  	v4 =	vld [tilespmem:s1+$0x4620];
	_ =	sdelay $0x4  }
0xf1: {  	v3 =	vadd.f32 v4, v3;
	_ =	sdelay $0x1  }
0xf2: {  	v3 =	vmax.f32 v3, $0.0e+00  }
0xf3: {  	[tilespmem:v2+s8+$0x0] =	vst.idx.msk $0xffff, v3  }
0xf4: {  	v5 =	vld [tilespmem:s1+$0x1630]  }
0xf5: {  	s22 =	simm.s32 $0x100;
	v4 =	vor.u32 $0x3, v0;
	v6 =	vld [tilespmem:s1+$0x4630];
	v3 =	vmov v0  }
.LBB2_7:
0xf6: {  	_ =	sdelay $0x2  }
0xf7: {  	p2 =	sne.s32 s22, $0x1F00;
	v3 =	vadd.s32 $0x4, v3;
	s23 =	smov.u32 s22;
	s22 =	sadd.s32 $0x100, s22  }
0xf8: {  	v5 =	vadd.f32 v6, v5;
	_ =	sdelay $0x1  }
0xf9: {  	v5 =	vmax.f32 v5, $0.0e+00  }
0xfa: {  	s23 =	sshra.s32 s23, $0x2;
	[tilespmem:v4+s8+$0x0] =	vst.idx.msk $0xffff, v5  }
0xfb: {  	v4 =	vld [tilespmem:s23+$0x1600]  }
0xfc: {  	v5 =	vld [tilespmem:s23+$0x4600];
	_ =	sdelay $0x4  }
0xfd: {  	v4 =	vadd.f32 v5, v4;
	_ =	sdelay $0x1  }
0xfe: {  	v4 =	vmax.f32 v4, $0.0e+00  }
0xff: {  	[tilespmem:v3+s8+$0x0] =	vst.idx.msk $0xffff, v4  }
0x100: {  	v4 =	vld [tilespmem:s23+$0x1610]  }
0x101: {  	v5 =	vld [tilespmem:s23+$0x4610]  }
0x102: {  	v6 =	vor.u32 $0x1, v3;
	_ =	sdelay $0x3  }
0x103: {  	v4 =	vadd.f32 v5, v4;
	_ =	sdelay $0x1  }
0x104: {  	v4 =	vmax.f32 v4, $0.0e+00  }
0x105: {  	[tilespmem:v6+s8+$0x0] =	vst.idx.msk $0xffff, v4  }
0x106: {  	v4 =	vld [tilespmem:s23+$0x1620]  }
0x107: {  	v5 =	vor.u32 $0x2, v3;
	v6 =	vld [tilespmem:s23+$0x4620];
	_ =	sdelay $0x4  }
0x108: {  	v4 =	vadd.f32 v6, v4  }
.Ltmp4:
0x109: {  	(pc) =	sbr.rel @p2 .LBB2_7-.Ltmp4, $4  }
0x10a: {  	v4 =	vmax.f32 v4, $0.0e+00  }
0x10b: {  	[tilespmem:v5+s8+$0x0] =	vst.idx.msk $0xffff, v4  }
0x10c: {  	v4 =	vor.u32 $0x3, v3;
	v5 =	vld [tilespmem:s23+$0x1630]  }
0x10d: {  	v6 =	vld [tilespmem:s23+$0x4630]  }
0x10e: {  	_ =	sdelay $0x2  }
0x10f: {  	s1 =	rddreg [dreg:$0xf]  }
0x110: {  	s22 =	sadd.s32 s9, s1;
	v3 =	vadd.f32 v6, v5  }
0x111: {  	s22 =	sshll.u32 s22, $0x4  }
0x112: {  	s22 =	sand.u32 $0x1FFFFFE0, s22;
	v3 =	vmax.f32 v3, $0.0e+00  }
0x113: {  	s22 =	sadd.s32 s7, s22;
	[tilespmem:v4+s8+$0x0] =	vst.idx.msk $0xffff, v3  }
0x114: {  	[hbm4b:s22+s0] =	stream.strided.scatter [tilespmem:s8], [sflag:$0xF], $0x800, s16, s0, $0x38;
	[tilespmem:$0x9600] =	vst v63  }
0x115: {  	_ =	swait.ge [sflag:s17], $0x80  }
0x116: {  	[sflag:s17] =	ssyncset.done $0x0  }
0x117: {  	[sflag:s17] =	ssyncadd.s32 $0xFFFFFF80  }
0x118: {  	_ =	swait.ge [sflag:s17], $0x80  }
0x119: {  	s23 =	simm.s32 $0x2600;
	[sflag:s17] =	ssyncset.done $0x0  }
0x11a: {  	p2 =	seq.s32 s24, $0xC;
	s22 =	simm.s32 $0x200;
	[sflag:s17] =	ssyncadd.s32 $0xFFFFFF80  }
0x11b: {  	[tilespmem:s23], [sflag:$0xB] =	stream.indirect.gather [hbm4b:s3+s0], $0x10, s22, s0, $0xb8;
	[tilespmem:$0x9600] =	vst v63  }
0x11c: {  	s1 =	rddreg [dreg:$0x10];
	s22 =	simm.s32 $0x500;
	s23 =	simm.s32 $0x5600  }
0x11d: {  	[tilespmem:s23], [sflag:$0xB] =	stream.indirect.gather [hbm4b:s4+s0], $0x10, s22, s0, $0xb8;
	[tilespmem:$0x9600] =	vst v63  }
0x11e: {  	s22 =	sadd.s32 @!p2 s9, s1  }
0x11f: {  	s22 =	sshll.u32 @!p2 s22, $0x4  }
0x120: {  	s22 =	sand.u32 @!p2 $0x1FFFFFE0, s22  }
0x121: {  	s1 =	simm.s32 @!p2 $0x0;
	s23 =	sadd.s32 @!p2 s5, s22  }
0x122: {  	[tilespmem:s1], [sflag:$0x1] =	stream.linear.gather @!p2 [hbm4b:s23+s1], $0x80, $0x38;
	[tilespmem:$0x9600] =	vst v63  }
0x123: {  	s22 =	sadd.s32 @!p2 s6, s22;
	s23 =	simm.s32 @!p2 $0x300  }
0x124: {  	[tilespmem:s23], [sflag:$0x1] =	stream.linear.gather @!p2 [hbm4b:s22+s1], $0x80, $0x38;
	[tilespmem:$0x9600] =	vst v63  }
0x125: {  	_ =	swait.ge [sflag:s18], $0x800  }
0x126: {  	[sflag:s18] =	ssyncset.done $0x0  }
0x127: {  	[sflag:s18] =	ssyncadd.s32 $0xFFFFF800  }
0x128: {  	_ =	swait.ge [sflag:s18], $0x800  }
0x129: {  	[sflag:s18] =	ssyncset.done $0x0  }
0x12a: {  	s1 =	simm.s32 @!p1 $0x10;
	[sflag:s18] =	ssyncadd.s32 $0xFFFFF800  }
0x12b: {  	_ =	swait.ge @!p1 [sflag:s1], $0x800  }
0x12c: {  	[sflag:s1] =	ssyncset.done @!p1 $0x0  }
0x12d: {  	s23 =	simm.s32 $0x0;
	[sflag:s1] =	ssyncadd.s32 @!p1 $0xFFFFF800  }
0x12e: {  	v3 =	vld [tilespmem:s23+$0x1E00]  }
0x12f: {  	v4 =	vld [tilespmem:s23+$0x4E00];
	_ =	sdelay $0x4  }
0x130: {  	v3 =	vadd.f32 v4, v3;
	_ =	sdelay $0x1  }
0x131: {  	v3 =	vmax.f32 v3, $0.0e+00  }
0x132: {  	[tilespmem:v0+s19+$0x0] =	vst.idx.msk $0xffff, v3  }
0x133: {  	v3 =	vld [tilespmem:s23+$0x1E10]  }
0x134: {  	v4 =	vld [tilespmem:s23+$0x4E10];
	_ =	sdelay $0x4  }
0x135: {  	v3 =	vadd.f32 v4, v3;
	_ =	sdelay $0x1  }
0x136: {  	v3 =	vmax.f32 v3, $0.0e+00  }
0x137: {  	[tilespmem:v1+s19+$0x0] =	vst.idx.msk $0xffff, v3  }
0x138: {  	v3 =	vld [tilespmem:s23+$0x1E20]  }
0x139: {  	v4 =	vld [tilespmem:s23+$0x4E20];
	_ =	sdelay $0x4  }
0x13a: {  	v3 =	vadd.f32 v4, v3;
	_ =	sdelay $0x1  }
0x13b: {  	v3 =	vmax.f32 v3, $0.0e+00  }
0x13c: {  	[tilespmem:v2+s19+$0x0] =	vst.idx.msk $0xffff, v3  }
0x13d: {  	v5 =	vld [tilespmem:s23+$0x1E30]  }
0x13e: {  	s22 =	simm.s32 $0x100;
	v4 =	vor.u32 $0x3, v0;
	v6 =	vld [tilespmem:s23+$0x4E30];
	v3 =	vmov v0  }
.LBB2_9:
0x13f: {  	_ =	sdelay $0x2  }
0x140: {  	p3 =	sne.s32 s22, $0x1F00;
	v3 =	vadd.s32 $0x4, v3;
	s1 =	smov.u32 s22;
	s22 =	sadd.s32 $0x100, s22  }
0x141: {  	v5 =	vadd.f32 v6, v5;
	_ =	sdelay $0x1  }
0x142: {  	v5 =	vmax.f32 v5, $0.0e+00  }
0x143: {  	s1 =	sshra.s32 s1, $0x2;
	[tilespmem:v4+s19+$0x0] =	vst.idx.msk $0xffff, v5  }
0x144: {  	v4 =	vld [tilespmem:s1+$0x1E00]  }
0x145: {  	v5 =	vld [tilespmem:s1+$0x4E00];
	_ =	sdelay $0x4  }
0x146: {  	v4 =	vadd.f32 v5, v4;
	_ =	sdelay $0x1  }
0x147: {  	v4 =	vmax.f32 v4, $0.0e+00  }
0x148: {  	[tilespmem:v3+s19+$0x0] =	vst.idx.msk $0xffff, v4  }
0x149: {  	v4 =	vld [tilespmem:s1+$0x1E10]  }
0x14a: {  	v5 =	vld [tilespmem:s1+$0x4E10]  }
0x14b: {  	v6 =	vor.u32 $0x1, v3;
	_ =	sdelay $0x3  }
0x14c: {  	v4 =	vadd.f32 v5, v4;
	_ =	sdelay $0x1  }
0x14d: {  	v4 =	vmax.f32 v4, $0.0e+00  }
0x14e: {  	[tilespmem:v6+s19+$0x0] =	vst.idx.msk $0xffff, v4  }
0x14f: {  	v4 =	vld [tilespmem:s1+$0x1E20]  }
0x150: {  	v5 =	vor.u32 $0x2, v3;
	v6 =	vld [tilespmem:s1+$0x4E20];
	_ =	sdelay $0x4  }
0x151: {  	v4 =	vadd.f32 v6, v4  }
.Ltmp5:
0x152: {  	(pc) =	sbr.rel @p3 .LBB2_9-.Ltmp5, $4  }
0x153: {  	v4 =	vmax.f32 v4, $0.0e+00  }
0x154: {  	[tilespmem:v5+s19+$0x0] =	vst.idx.msk $0xffff, v4  }
0x155: {  	v4 =	vor.u32 $0x3, v3;
	v5 =	vld [tilespmem:s1+$0x1E30]  }
0x156: {  	v6 =	vld [tilespmem:s1+$0x4E30]  }
0x157: {  	_ =	sdelay $0x2  }
0x158: {  	s1 =	rddreg [dreg:$0x15]  }
0x159: {  	s1 =	sadd.s32 s9, s1;
	v3 =	vadd.f32 v6, v5  }
0x15a: {  	s1 =	sshll.u32 s1, $0x4  }
0x15b: {  	s1 =	sand.u32 $0x1FFFFFF0, s1;
	v3 =	vmax.f32 v3, $0.0e+00  }
0x15c: {  	s1 =	sadd.s32 s7, s1;
	[tilespmem:v4+s19+$0x0] =	vst.idx.msk $0xffff, v3  }
0x15d: {  	[hbm4b:s1+s0] =	stream.strided.scatter [tilespmem:s19], [sflag:$0x10], $0x800, s16, s0, $0x38;
	[tilespmem:$0x9600] =	vst v63  }
0x15e: {  	_ =	swait.ge [sflag:s20], $0x80  }
0x15f: {  	[sflag:s20] =	ssyncset.done $0x0  }
0x160: {  	[sflag:s20] =	ssyncadd.s32 $0xFFFFFF80  }
0x161: {  	_ =	swait.ge [sflag:s20], $0x80  }
0x162: {  	s23 =	simm.s32 $0x280;
	[sflag:s20] =	ssyncset.done $0x0;
	s1 =	rddreg [dreg:$0x16]  }
0x163: {  	s22 =	simm.s32 $0x2E00;
	[sflag:s20] =	ssyncadd.s32 $0xFFFFFF80;
	s1 =	sadd.s32 @!p2 s9, s1  }
0x164: {  	[tilespmem:s22], [sflag:$0xC] =	stream.indirect.gather [hbm4b:s3+s0], $0x10, s23, s0, $0xb8;
	[tilespmem:$0x9600] =	vst v63  }
0x165: {  	s1 =	sshll.u32 @!p2 s1, $0x4  }
0x166: {  	s3 =	simm.s32 $0x580;
	s22 =	simm.s32 $0x5E00;
	s1 =	sand.u32 @!p2 $0x1FFFFFF0, s1  }
0x167: {  	[tilespmem:s22], [sflag:$0xC] =	stream.indirect.gather [hbm4b:s4+s0], $0x10, s3, s0, $0xb8;
	[tilespmem:$0x9600] =	vst v63  }
0x168: {  	s23 =	simm.s32 @!p2 $0x0;
	s22 =	sadd.s32 @!p2 s5, s1;
	s3 =	simm.s32 @!p2 $0x80  }
0x169: {  	[tilespmem:s3], [sflag:$0x2] =	stream.linear.gather @!p2 [hbm4b:s22+s23], $0x80, $0x38;
	[tilespmem:$0x9600] =	vst v63  }
0x16a: {  	s1 =	sadd.s32 @!p2 s6, s1;
	s3 =	simm.s32 @!p2 $0x380  }
0x16b: {  	[tilespmem:s3], [sflag:$0x2] =	stream.linear.gather @!p2 [hbm4b:s1+s23], $0x80, $0x38;
	[tilespmem:$0x9600] =	vst v63  }
0x16c: {  	_ =	swait.ge [sflag:s21], $0x800  }
0x16d: {  	[sflag:s21] =	ssyncset.done $0x0  }
0x16e: {  	[sflag:s21] =	ssyncadd.s32 $0xFFFFF800  }
0x16f: {  	_ =	swait.ge [sflag:s21], $0x800  }
0x170: {  	[sflag:s21] =	ssyncset.done $0x0  }
0x171: {  	s1 =	simm.s32 @!p1 $0x11;
	[sflag:s21] =	ssyncadd.s32 $0xFFFFF800  }
0x172: {  	_ =	swait.ge @!p1 [sflag:s1], $0x800  }
0x173: {  	[sflag:s1] =	ssyncset.done @!p1 $0x0  }
0x174: {  	s23 =	simm.s32 $0x0;
	[sflag:s1] =	ssyncadd.s32 @!p1 $0xFFFFF800  }
0x175: {  	v3 =	vld [tilespmem:s23+$0x2600]  }
0x176: {  	v4 =	vld [tilespmem:s23+$0x5600];
	_ =	sdelay $0x4  }
0x177: {  	v3 =	vadd.f32 v4, v3;
	_ =	sdelay $0x1  }
0x178: {  	v3 =	vmax.f32 v3, $0.0e+00  }
0x179: {  	[tilespmem:v0+s26+$0x0] =	vst.idx.msk $0xffff, v3  }
0x17a: {  	v3 =	vld [tilespmem:s23+$0x2610]  }
0x17b: {  	v4 =	vld [tilespmem:s23+$0x5610];
	_ =	sdelay $0x4  }
0x17c: {  	v3 =	vadd.f32 v4, v3;
	_ =	sdelay $0x1  }
0x17d: {  	v3 =	vmax.f32 v3, $0.0e+00  }
0x17e: {  	[tilespmem:v1+s26+$0x0] =	vst.idx.msk $0xffff, v3  }
0x17f: {  	v3 =	vld [tilespmem:s23+$0x2620]  }
0x180: {  	v4 =	vld [tilespmem:s23+$0x5620];
	_ =	sdelay $0x4  }
0x181: {  	v3 =	vadd.f32 v4, v3;
	_ =	sdelay $0x1  }
0x182: {  	v3 =	vmax.f32 v3, $0.0e+00  }
0x183: {  	[tilespmem:v2+s26+$0x0] =	vst.idx.msk $0xffff, v3  }
0x184: {  	v5 =	vld [tilespmem:s23+$0x2630]  }
0x185: {  	s22 =	simm.s32 $0x100;
	v4 =	vor.u32 $0x3, v0;
	v6 =	vld [tilespmem:s23+$0x5630];
	v3 =	vmov v0  }
.LBB2_11:
0x186: {  	_ =	sdelay $0x2  }
0x187: {  	p3 =	sne.s32 s22, $0x1F00;
	v3 =	vadd.s32 $0x4, v3;
	s1 =	smov.u32 s22;
	s22 =	sadd.s32 $0x100, s22  }
0x188: {  	v5 =	vadd.f32 v6, v5;
	_ =	sdelay $0x1  }
0x189: {  	v5 =	vmax.f32 v5, $0.0e+00  }
0x18a: {  	s1 =	sshra.s32 s1, $0x2;
	[tilespmem:v4+s26+$0x0] =	vst.idx.msk $0xffff, v5  }
0x18b: {  	v4 =	vld [tilespmem:s1+$0x2600]  }
0x18c: {  	v5 =	vld [tilespmem:s1+$0x5600];
	_ =	sdelay $0x4  }
0x18d: {  	v4 =	vadd.f32 v5, v4;
	_ =	sdelay $0x1  }
0x18e: {  	v4 =	vmax.f32 v4, $0.0e+00  }
0x18f: {  	[tilespmem:v3+s26+$0x0] =	vst.idx.msk $0xffff, v4  }
0x190: {  	v4 =	vld [tilespmem:s1+$0x2610]  }
0x191: {  	v5 =	vld [tilespmem:s1+$0x5610]  }
0x192: {  	v6 =	vor.u32 $0x1, v3;
	_ =	sdelay $0x3  }
0x193: {  	v4 =	vadd.f32 v5, v4;
	_ =	sdelay $0x1  }
0x194: {  	v4 =	vmax.f32 v4, $0.0e+00  }
0x195: {  	[tilespmem:v6+s26+$0x0] =	vst.idx.msk $0xffff, v4  }
0x196: {  	v4 =	vld [tilespmem:s1+$0x2620]  }
0x197: {  	v5 =	vor.u32 $0x2, v3;
	v6 =	vld [tilespmem:s1+$0x5620];
	_ =	sdelay $0x4  }
0x198: {  	v4 =	vadd.f32 v6, v4  }
.Ltmp6:
0x199: {  	(pc) =	sbr.rel @p3 .LBB2_11-.Ltmp6, $4  }
0x19a: {  	v4 =	vmax.f32 v4, $0.0e+00  }
0x19b: {  	[tilespmem:v5+s26+$0x0] =	vst.idx.msk $0xffff, v4  }
0x19c: {  	v4 =	vor.u32 $0x3, v3;
	v5 =	vld [tilespmem:s1+$0x2630]  }
0x19d: {  	v6 =	vld [tilespmem:s1+$0x5630]  }
0x19e: {  	_ =	sdelay $0x3  }
0x19f: {  	v3 =	vadd.f32 v6, v5;
	_ =	sdelay $0x1  }
0x1a0: {  	v3 =	vmax.f32 v3, $0.0e+00  }
0x1a1: {  	s1 =	sadd.s32 s7, s13;
	[tilespmem:v4+s26+$0x0] =	vst.idx.msk $0xffff, v3  }
0x1a2: {  	[hbm4b:s1+s0] =	stream.strided.scatter [tilespmem:s26], [sflag:$0x11], $0x800, s16, s0, $0x38;
	[tilespmem:$0x9600] =	vst v63  }
0x1a3: {  	s1 =	simm.s32 @!p2 $0x1  }
0x1a4: {  	_ =	swait.ge @!p2 [sflag:s1], $0x80  }
0x1a5: {  	[sflag:s1] =	ssyncset.done @!p2 $0x0  }
0x1a6: {  	[sflag:s1] =	ssyncadd.s32 @!p2 $0xFFFFFF80  }
0x1a7: {  	_ =	swait.ge @!p2 [sflag:s1], $0x80  }
0x1a8: {  	s3 =	simm.s32 @!p2 $0x0;
	[sflag:s1] =	ssyncset.done @!p2 $0x0  }
0x1a9: {  	s13 =	simm.s32 @!p2 $0x600;
	[sflag:s1] =	ssyncadd.s32 @!p2 $0xFFFFFF80;
	s1 =	simm.s32 @!p2 $0x80  }
0x1aa: {  	[tilespmem:s13], [sflag:$0x7] =	stream.indirect.gather @!p2 [hbm4b:s11+s1], $0x10, s3, s1, $0xb8;
	[tilespmem:$0x9600] =	vst v63  }
0x1ab: {  	s22 =	simm.s32 @!p2 $0x3600;
	s13 =	simm.s32 @!p2 $0x300  }
0x1ac: {  	[tilespmem:s22], [sflag:$0x7] =	stream.indirect.gather @!p2 [hbm4b:s4+s1], $0x10, s13, s1, $0xb8;
	[tilespmem:$0x9600] =	vst v63  }
0x1ad: {  	s1 =	rddreg [dreg:$0x17]  }
0x1ae: {  	s1 =	sadd.s32 @!p2 s9, s1  }
0x1af: {  	s1 =	sshll.u32 @!p2 s1, $0x4  }
0x1b0: {  	s1 =	sand.u32 @!p2 $0x1FFFFFE0, s1  }
0x1b1: {  	s22 =	simm.s32 @!p2 $0x100;
	s13 =	sadd.s32 @!p2 s5, s1  }
0x1b2: {  	[tilespmem:s22], [sflag:$0x3] =	stream.linear.gather @!p2 [hbm4b:s13+s3], $0x80, $0x38;
	[tilespmem:$0x9600] =	vst v63  }
0x1b3: {  	s1 =	sadd.s32 @!p2 s6, s1;
	s13 =	simm.s32 @!p2 $0x400  }
0x1b4: {  	[tilespmem:s13], [sflag:$0x3] =	stream.linear.gather @!p2 [hbm4b:s1+s3], $0x80, $0x38;
	[tilespmem:$0x9600] =	vst v63  }
0x1b5: {  	_ =	swait.ge [sflag:s28], $0x800  }
0x1b6: {  	[sflag:s28] =	ssyncset.done $0x0  }
0x1b7: {  	[sflag:s28] =	ssyncadd.s32 $0xFFFFF800  }
0x1b8: {  	_ =	swait.ge [sflag:s28], $0x800  }
0x1b9: {  	[sflag:s28] =	ssyncset.done $0x0  }
0x1ba: {  	s1 =	simm.s32 @!p1 $0x12;
	[sflag:s28] =	ssyncadd.s32 $0xFFFFF800  }
0x1bb: {  	_ =	swait.ge @!p1 [sflag:s1], $0x800  }
0x1bc: {  	[sflag:s1] =	ssyncset.done @!p1 $0x0  }
0x1bd: {  	s23 =	simm.s32 $0x0;
	[sflag:s1] =	ssyncadd.s32 @!p1 $0xFFFFF800  }
0x1be: {  	v3 =	vld [tilespmem:s23+$0x2E00]  }
0x1bf: {  	v4 =	vld [tilespmem:s23+$0x5E00];
	_ =	sdelay $0x4  }
0x1c0: {  	v3 =	vadd.f32 v4, v3;
	_ =	sdelay $0x1  }
0x1c1: {  	v3 =	vmax.f32 v3, $0.0e+00  }
0x1c2: {  	[tilespmem:v0+s29+$0x0] =	vst.idx.msk $0xffff, v3  }
0x1c3: {  	v3 =	vld [tilespmem:s23+$0x2E10]  }
0x1c4: {  	v4 =	vld [tilespmem:s23+$0x5E10];
	_ =	sdelay $0x4  }
0x1c5: {  	v3 =	vadd.f32 v4, v3;
	_ =	sdelay $0x1  }
0x1c6: {  	v3 =	vmax.f32 v3, $0.0e+00  }
0x1c7: {  	[tilespmem:v1+s29+$0x0] =	vst.idx.msk $0xffff, v3  }
0x1c8: {  	v3 =	vld [tilespmem:s23+$0x2E20]  }
0x1c9: {  	v4 =	vld [tilespmem:s23+$0x5E20];
	_ =	sdelay $0x4  }
0x1ca: {  	v3 =	vadd.f32 v4, v3;
	_ =	sdelay $0x1  }
0x1cb: {  	v3 =	vmax.f32 v3, $0.0e+00  }
0x1cc: {  	[tilespmem:v2+s29+$0x0] =	vst.idx.msk $0xffff, v3  }
0x1cd: {  	v5 =	vld [tilespmem:s23+$0x2E30]  }
0x1ce: {  	s13 =	simm.s32 $0x100;
	v4 =	vor.u32 $0x3, v0;
	v6 =	vld [tilespmem:s23+$0x5E30];
	s23 =	simm.s32 $0x0;
	v3 =	vmov v0  }
.LBB2_13:
0x1cf: {  	_ =	sdelay $0x2  }
0x1d0: {  	p1 =	sne.s32 s13, $0x1F00;
	v3 =	vadd.s32 $0x4, v3;
	s1 =	smov.u32 s13;
	s13 =	sadd.s32 $0x100, s13  }
0x1d1: {  	v5 =	vadd.f32 v6, v5;
	_ =	sdelay $0x1  }
0x1d2: {  	v5 =	vmax.f32 v5, $0.0e+00  }
0x1d3: {  	s1 =	sshra.s32 s1, $0x2;
	[tilespmem:v4+s29+$0x0] =	vst.idx.msk $0xffff, v5  }
0x1d4: {  	v4 =	vld [tilespmem:s1+$0x2E00]  }
0x1d5: {  	v5 =	vld [tilespmem:s1+$0x5E00];
	_ =	sdelay $0x4  }
0x1d6: {  	v4 =	vadd.f32 v5, v4;
	_ =	sdelay $0x1  }
0x1d7: {  	v4 =	vmax.f32 v4, $0.0e+00  }
0x1d8: {  	[tilespmem:v3+s29+$0x0] =	vst.idx.msk $0xffff, v4  }
0x1d9: {  	v4 =	vld [tilespmem:s1+$0x2E10]  }
0x1da: {  	v5 =	vld [tilespmem:s1+$0x5E10]  }
0x1db: {  	v6 =	vor.u32 $0x1, v3;
	_ =	sdelay $0x3  }
0x1dc: {  	v4 =	vadd.f32 v5, v4;
	_ =	sdelay $0x1  }
0x1dd: {  	v4 =	vmax.f32 v4, $0.0e+00  }
0x1de: {  	[tilespmem:v6+s29+$0x0] =	vst.idx.msk $0xffff, v4  }
0x1df: {  	v4 =	vld [tilespmem:s1+$0x2E20]  }
0x1e0: {  	v5 =	vor.u32 $0x2, v3;
	v6 =	vld [tilespmem:s1+$0x5E20];
	_ =	sdelay $0x4  }
0x1e1: {  	v4 =	vadd.f32 v6, v4  }
.Ltmp7:
0x1e2: {  	(pc) =	sbr.rel @p1 .LBB2_13-.Ltmp7, $4  }
0x1e3: {  	v4 =	vmax.f32 v4, $0.0e+00  }
0x1e4: {  	[tilespmem:v5+s29+$0x0] =	vst.idx.msk $0xffff, v4  }
0x1e5: {  	v4 =	vor.u32 $0x3, v3;
	v5 =	vld [tilespmem:s1+$0x2E30]  }
0x1e6: {  	v6 =	vld [tilespmem:s1+$0x5E30]  }
0x1e7: {  	_ =	sdelay $0x3  }
.Ltmp8:
0x1e8: {  	v3 =	vadd.f32 v6, v5;
	(pc) =	sbr.rel @p2 .LBB2_16-.Ltmp8, $4  }
0x1e9: {  	_ = 	snop  }
0x1ea: {  	v3 =	vmax.f32 v3, $0.0e+00  }
0x1eb: {  	s1 =	sadd.s32 s7, s12;
	[tilespmem:v4+s29+$0x0] =	vst.idx.msk $0xffff, v3  }
0x1ec: {  	[hbm4b:s1+s0] =	stream.strided.scatter [tilespmem:s29], [sflag:$0x12], $0x800, s16, s0, $0x38;
	[tilespmem:$0x9600] =	vst v63  }
0x1ed: {  	s1 =	simm.s32 $0x2  }
0x1ee: {  	_ =	swait.ge [sflag:s1], $0x80  }
0x1ef: {  	[sflag:s1] =	ssyncset.done $0x0  }
0x1f0: {  	[sflag:s1] =	ssyncadd.s32 $0xFFFFFF80  }
0x1f1: {  	_ =	swait.ge [sflag:s1], $0x80  }
0x1f2: {  	[sflag:s1] =	ssyncset.done $0x0  }
0x1f3: {  	s13 =	simm.s32 $0xE00;
	[sflag:s1] =	ssyncadd.s32 $0xFFFFFF80  }
0x1f4: {  	[tilespmem:s13], [sflag:$0x8] =	stream.indirect.gather [hbm4b:s11+s0], $0x10, s0, s0, $0xb8;
	[tilespmem:$0x9600] =	vst v63  }
0x1f5: {  	s22 =	simm.s32 $0x380;
	s3 =	simm.s32 $0x3E00  }
0x1f6: {  	[tilespmem:s3], [sflag:$0x8] =	stream.indirect.gather [hbm4b:s4+s0], $0x10, s22, s0, $0xb8;
	[tilespmem:$0x9600] =	vst v63  }
0x1f7: {  	s3 =	rddreg [dreg:$0x18]  }
0x1f8: {  	s1 =	sadd.s32 s9, s3  }
0x1f9: {  	s1 =	sshll.u32 s1, $0x4  }
.Ltmp9:
0x1fa: {  	s1 =	sand.u32 $0x1FFFFFF0, s1;
	(pc) =	sbr.rel .LBB2_2-.Ltmp9, $4  }
0x1fb: {  	s13 =	simm.s32 $0x180;
	s12 =	sadd.s32 s5, s1  }
0x1fc: {  	[tilespmem:s13], [sflag:$0x4] =	stream.linear.gather [hbm4b:s12+s23], $0x80, $0x38;
	[tilespmem:$0x9600] =	vst v63  }
0x1fd: {  	s24 =	sadd.s32 $0x1, s24;
	s22 =	simm.s32 $0x480;
	s1 =	sadd.s32 s6, s1  }
0x1fe: {  	[tilespmem:s22], [sflag:$0x4] =	stream.linear.gather [hbm4b:s1+s23], $0x80, $0x38;
	[tilespmem:$0x9600] =	vst v63  }
.LBB2_16:
0x1ff: {  	s1 =	simm.s32 $0xD  }
0x200: {  	_ =	swait.ge [sflag:s1], $0x800  }
0x201: {  	[sflag:s1] =	ssyncset.done $0x0  }
0x202: {  	s9 =	simm.s32 $0xE;
	[sflag:s1] =	ssyncadd.s32 $0xFFFFF800  }
0x203: {  	_ =	swait.ge [sflag:s9], $0x800  }
0x204: {  	[sflag:s9] =	ssyncset.done $0x0  }
0x205: {  	s12 =	simm.s32 $0xF;
	[sflag:s9] =	ssyncadd.s32 $0xFFFFF800  }
0x206: {  	_ =	swait.ge [sflag:s12], $0x800  }
0x207: {  	[sflag:s12] =	ssyncset.done $0x0  }
0x208: {  	s13 =	simm.s32 $0x10;
	[sflag:s12] =	ssyncadd.s32 $0xFFFFF800  }
0x209: {  	_ =	swait.ge [sflag:s13], $0x800  }
0x20a: {  	[sflag:s13] =	ssyncset.done $0x0  }
0x20b: {  	s22 =	simm.s32 $0x11;
	[sflag:s13] =	ssyncadd.s32 $0xFFFFF800  }
0x20c: {  	_ =	swait.ge [sflag:s22], $0x800  }
.Ltmp10:
0x20d: {  	[sflag:s22] =	ssyncset.done $0x0;
	(pc) =	sbr.rel @p0 .LBB2_20-.Ltmp10, $4  }
0x20e: {  	s24 =	simm.s32 $0x12;
	[sflag:s22] =	ssyncadd.s32 $0xFFFFF800  }
0x20f: {  	_ =	swait.ge [sflag:s24], $0x800  }
0x210: {  	[sflag:s24] =	ssyncset.done $0x0  }
0x211: {  	s3 =	smov.u32 s11;
	s9 =	rddreg [dreg:$0x19];
	[sflag:s24] =	ssyncadd.s32 $0xFFFFF800  }
0x212: {  	s1 =	simm.s32 $0x0;
	s9 =	rddreg [dreg:$0x11];
	s12 =	simm.s32 $0x13  }
0x213: {  	[tilespmem:s1], [sflag:$0x13] =	stream.linear.gather [hbm4b:s9+s1], $0x80, $0x38;
	[tilespmem:$0x9600] =	vst v63  }
0x214: {  	_ =	swait.ge [sflag:s12], $0x80  }
0x215: {  	[sflag:s12] =	ssyncset.done $0x0  }
0x216: {  	s11 =	simm.s32 $0x300;
	s24 =	rddreg [dreg:$0x12];
	[sflag:s12] =	ssyncadd.s32 $0xFFFFFF80  }
0x217: {  	[tilespmem:s11], [sflag:$0x13] =	stream.linear.gather [hbm4b:s24+s1], $0x80, $0x38;
	[tilespmem:$0x9600] =	vst v63  }
0x218: {  	_ =	swait.ge [sflag:s12], $0x80  }
0x219: {  	[sflag:s12] =	ssyncset.done $0x0  }
0x21a: {  	s13 =	simm.s32 $0x600;
	[sflag:s12] =	ssyncadd.s32 $0xFFFFFF80  }
0x21b: {  	[tilespmem:s13], [sflag:$0x7] =	stream.indirect.gather [hbm4b:s3+s0], $0x10, s1, s0, $0xb8;
	[tilespmem:$0x9600] =	vst v63  }
0x21c: {  	s22 =	simm.s32 $0x3600  }
0x21d: {  	[tilespmem:s22], [sflag:$0x7] =	stream.indirect.gather [hbm4b:s4+s0], $0x10, s11, s0, $0xb8;
	[tilespmem:$0x9600] =	vst v63  }
0x21e: {  	_ =	swait.ge [sflag:s14], $0x800  }
0x21f: {  	[sflag:s14] =	ssyncset.done $0x0  }
0x220: {  	[sflag:s14] =	ssyncadd.s32 $0xFFFFF800  }
0x221: {  	_ =	swait.ge [sflag:s14], $0x800  }
0x222: {  	[sflag:s14] =	ssyncset.done $0x0  }
0x223: {  	s24 =	simm.s32 $0x0;
	[sflag:s14] =	ssyncadd.s32 $0xFFFFF800  }
0x224: {  	v3 =	vld [tilespmem:s24+$0x600]  }
0x225: {  	v4 =	vld [tilespmem:s24+$0x3600];
	_ =	sdelay $0x4  }
0x226: {  	v3 =	vadd.f32 v4, v3;
	_ =	sdelay $0x1  }
0x227: {  	v3 =	vmax.f32 v3, $0.0e+00  }
0x228: {  	[tilespmem:v0+s15+$0x0] =	vst.idx.msk $0xffff, v3  }
0x229: {  	v3 =	vld [tilespmem:s24+$0x610]  }
0x22a: {  	v4 =	vld [tilespmem:s24+$0x3610];
	_ =	sdelay $0x4  }
0x22b: {  	v3 =	vadd.f32 v4, v3;
	_ =	sdelay $0x1  }
0x22c: {  	v3 =	vmax.f32 v3, $0.0e+00  }
0x22d: {  	[tilespmem:v1+s15+$0x0] =	vst.idx.msk $0xffff, v3  }
0x22e: {  	v1 =	vld [tilespmem:s24+$0x620]  }
0x22f: {  	v3 =	vld [tilespmem:s24+$0x3620];
	_ =	sdelay $0x4  }
0x230: {  	v1 =	vadd.f32 v3, v1;
	_ =	sdelay $0x1  }
0x231: {  	v1 =	vmax.f32 v1, $0.0e+00  }
0x232: {  	[tilespmem:v2+s15+$0x0] =	vst.idx.msk $0xffff, v1  }
0x233: {  	v3 =	vld [tilespmem:s24+$0x630]  }
0x234: {  	s9 =	simm.s32 $0x100;
	v2 =	vor.u32 $0x3, v0;
	v4 =	vld [tilespmem:s24+$0x3630];
	v1 =	vmov v0  }
.LBB2_18:
0x235: {  	_ =	sdelay $0x2  }
0x236: {  	p1 =	sne.s32 s9, $0x1F00;
	v1 =	vadd.s32 $0x4, v1;
	s1 =	smov.u32 s9;
	s9 =	sadd.s32 $0x100, s9  }
0x237: {  	v3 =	vadd.f32 v4, v3;
	_ =	sdelay $0x1  }
0x238: {  	v3 =	vmax.f32 v3, $0.0e+00  }
0x239: {  	s1 =	sshra.s32 s1, $0x2;
	[tilespmem:v2+s15+$0x0] =	vst.idx.msk $0xffff, v3  }
0x23a: {  	v2 =	vld [tilespmem:s1+$0x600]  }
0x23b: {  	v3 =	vld [tilespmem:s1+$0x3600];
	_ =	sdelay $0x4  }
0x23c: {  	v2 =	vadd.f32 v3, v2;
	_ =	sdelay $0x1  }
0x23d: {  	v2 =	vmax.f32 v2, $0.0e+00  }
0x23e: {  	[tilespmem:v1+s15+$0x0] =	vst.idx.msk $0xffff, v2  }
0x23f: {  	v2 =	vld [tilespmem:s1+$0x610]  }
0x240: {  	v3 =	vld [tilespmem:s1+$0x3610]  }
0x241: {  	v4 =	vor.u32 $0x1, v1;
	_ =	sdelay $0x3  }
0x242: {  	v2 =	vadd.f32 v3, v2;
	_ =	sdelay $0x1  }
0x243: {  	v2 =	vmax.f32 v2, $0.0e+00  }
0x244: {  	[tilespmem:v4+s15+$0x0] =	vst.idx.msk $0xffff, v2  }
0x245: {  	v2 =	vld [tilespmem:s1+$0x620]  }
0x246: {  	v3 =	vor.u32 $0x2, v1;
	v4 =	vld [tilespmem:s1+$0x3620];
	_ =	sdelay $0x4  }
0x247: {  	v2 =	vadd.f32 v4, v2  }
.Ltmp11:
0x248: {  	(pc) =	sbr.rel @p1 .LBB2_18-.Ltmp11, $4  }
0x249: {  	v2 =	vmax.f32 v2, $0.0e+00  }
0x24a: {  	[tilespmem:v3+s15+$0x0] =	vst.idx.msk $0xffff, v2  }
0x24b: {  	v2 =	vor.u32 $0x3, v1;
	v3 =	vld [tilespmem:s1+$0x630]  }
0x24c: {  	v4 =	vld [tilespmem:s1+$0x3630]  }
0x24d: {  	_ =	sdelay $0x3  }
0x24e: {  	v1 =	vadd.f32 v4, v3;
	_ =	sdelay $0x1  }
0x24f: {  	v1 =	vmax.f32 v1, $0.0e+00  }
.Ltmp12:
0x250: {  	s1 =	rddreg [dreg:$0x13];
	s24 =	simm.s32 $0x13;
	[tilespmem:v2+s15+$0x0] =	vst.idx.msk $0xffff, v1;
	(pc) =	sbr.rel .LBB2_20-.Ltmp12, $4  }
0x251: {  	[hbm4b:s1+s0] =	stream.strided.scatter [tilespmem:s15], [sflag:$0x13], $0x800, s16, s0, $0x38;
	[tilespmem:$0x9600] =	vst v63  }
0x252: {  	_ =	swait.ge [sflag:s24], $0x800  }
0x253: {  	[sflag:s24] =	ssyncset.done $0x0  }
0x254: {  	s9 =	rddreg [dreg:$0x19];
	[sflag:s24] =	ssyncadd.s32 $0xFFFFF800  }
.LBB2_21:
0x255: {  	_ =	sfence.sel $0x180000  }
0x256: {  	[bflag:$0x0] =	sbarrier.arrive $0xFFFF  }
0x257: {  	_ =	strace $0x9000004D  }
0x258: {  	s0 =	stileid.u32;
	[bflag:$0x2] =	sbarrier.arrive $0xFFFF  }
0x259: {  	p0 =	sne.s32 s0, $0x0;
	s0 =	rddreg [dreg:$0x2]  }
0x25a: {  	s0 =	sadd.s32 @!p0 $0x100000, s0  }
0x25b: {  	[sflag:s0] =	ssyncadd.tile.s32 @!p0 $0x1;
	_ =	shalt  }
.Lfunc_end2:
_tile_overlayer_lowered:
.L_overlay_start_2:
0x25c: {  	(tag) =	ssettag $0x2  }
0x25d: {  	s0 =	rddreg [dreg:$0x0];
	s2 =	stileid.u32  }
0x25e: {  	s1 =	rddreg [dreg:$0x1];
	p0 =	sne.s32 s2, $0x0  }
0x25f: {  	s3 =	rddreg [dreg:$0x2];
	[bflag:$0x3] =	sbarrier.arrive $0xFFFF;
	s2 =	simm.s32 @!p0 $0x1C13  }
0x260: {  	[timem:s3], [sflag:s2] =	dma.local @!p0 [hbm:s0], s1  }
0x261: {  	s0 =	simm.s32 @!p0 $0x13  }
0x262: {  	_ =	swait.ge @!p0 [sflag:s0], s1  }
0x263: {  	s1 =	ssub.s32 @!p0 $0x0, s1;
	[sflag:s0] =	ssyncset.done @!p0 $0x0  }
0x264: {  	[sflag:s0] =	ssyncadd.s32 @!p0 s1  }
0x265: {  	[bflag:$0x3] =	sbarrier.arrive $0xFFFF  }
0x266: {  	_ =	shalt  }

// kernel: kernel.6.cloned.1.call-start
scs
__scs_entry_jumppad:
0x0: {  	(pc) =	sbr.rel $0x88, $3  }
0x1: {  	(tag) =	ssettag $0x0;
	lr =	simm.s32 $0x1  }
0x2: {  	[smem:$0x3F9A] =	sst lr;
	_ =	strace $0xD0000000  }
0x3: {  	_ = 	snop  }
0x4: {  	_ = 	snop  }
0x5: {  	_ = 	snop  }
0x6: {  	_ = 	snop  }
0x7: {  	_ = 	snop  }
__scs_overlays_trampoline_lowered:
0x8: {  	[smem:$0x3FA9] =	sst s0  }
0x9: {  	[smem:$0x3FAA] =	sst s1  }
0xa: {  	[smem:$0x3FAB] =	sst s2  }
0xb: {  	[smem:$0x3FAC] =	sst s3  }
0xc: {  	[smem:$0x3FAD] =	sst s4  }
0xd: {  	[smem:$0x3FAE] =	sst s5  }
0xe: {  	[smem:$0x3FAF] =	sst s6  }
0xf: {  	[smem:$0x3FB0] =	sst s7  }
0x10: {  	[smem:$0x3FB1] =	sst s8  }
0x11: {  	[smem:$0x3FB2] =	sst s9;
	s0 =	simm.s32 @!p0 $0x0  }
0x12: {  	s1 =	sld [smem:$0x3F98];
	s0 =	simm.s32 @p0 $0x1  }
0x13: {  	[smem:$0x3FB3] =	sst s0;
	s0 =	simm.s32 @!p1 $0x0  }
0x14: {  	s2 =	sld [smem:$0x3F97];
	s0 =	simm.s32 @p1 $0x1  }
0x15: {  	[smem:$0x3FB4] =	sst s0;
	s0 =	simm.s32 @!p2 $0x0  }
0x16: {  	s3 =	sld [smem:$0x3FDB];
	s0 =	simm.s32 @p2 $0x1  }
0x17: {  	s4 =	simm.s32 $0x1BF5;
	[smem:$0x3FB6] =	sst s0  }
0x18: {  	s0 =	sld [smem:$0x3F99];
	_ =	swait.ge [sflag:s4], $0x0  }
0x19: {  	s7 =	sld [smem:$0x3F9A]  }
0x1a: {  	s8 =	sadd.s32 $0xFFFFE003, lr  }
0x1b: {  	s9 =	sadd.s32 $0xFFFFFEF7, lr;
	s5 =	simm.s32 $0xFFFFFFFF;
	p2 =	slt.u32 s8, $0xFFFFF086  }
0x1c: {  	p1 =	slt.u32 s9, $0xF7A;
	s5 =	simm.s32 @!p2 $0x0  }
0x1d: {  	s5 =	simm.s32 @p1 $0x1;
	p0 =	seq.s32 s7, s2  }
0x1e: {  	s7 =	smul.u32 @!p0 $0xF7A, s2;
	p2 =	seq.s32 @!p0 s5, $0x0  }
0x1f: {  	s9 =	smul.u32 $0xF7A, s1;
	s8 =	simm.s32 @!p0 $0x1BF5;
	p2 =	por !p2, p0  }
0x20: {  	[sflag:s8] =	ssyncset.s32 @!p0 $0xFFFFF086;
	s6 =	sadd.s32 @!p0 s3, s7;
	s7 =	simm.s32 @!p0 $0x108  }
0x21: {  	s3 =	sadd.s32 s3, s9;
	s6 =	sadd.s32 @!p0 $0x88, s6;
	s7 =	simm.s32 @p2 $0x1082  }
0x22: {  	[simem:s7], [sflag:s8] =	dma.local @!p0 [hbm:s6], $0xF7A  }
0x23: {  	s9 =	sor.u32 $0xD0000000, s2;
	s6 =	simm.s32 $0x108;
	_ =	swait.ge @!p0 [sflag:s8], $0x0  }
0x24: {  	s3 =	sadd.s32 $0x88, s3;
	s6 =	simm.s32 @!p1 $0x1082;
	[sflag:s4] =	ssyncset.s32 $0xFFFFF086  }
0x25: {  	[simem:s6], [sflag:s4] =	dma.local [hbm:s3], $0xF7A  }
0x26: {  	[smem:$0x3F9A] =	sst s1;
	(tag) =	ssettag s2;
	_ =	strace s9  }
0x27: {  	s1 =	sld [smem:$0x3FAA]  }
0x28: {  	s2 =	sld [smem:$0x3FAB]  }
0x29: {  	s4 =	sld [smem:$0x3FAD]  }
0x2a: {  	p0 =	seq.s32 s5, $0x0;
	s5 =	sld [smem:$0x3FAE]  }
0x2b: {  	s6 =	sld [smem:$0x3FAF]  }
0x2c: {  	s7 =	sld [smem:$0x3FB0]  }
0x2d: {  	s3 =	simm.s32 $0x108;
	s8 =	sld [smem:$0x3FB1]  }
0x2e: {  	s3 =	simm.s32 @!p0 $0x1082;
	s9 =	sld [smem:$0x3FB2]  }
0x2f: {  	lr =	sadd.s32 s0, s3;
	s0 =	sld [smem:$0x3FA9]  }
0x30: {  	s3 =	sld [smem:$0x3FAC]  }
0x31: {  	[smem:$0x3FB5] =	sst s10  }
0x32: {  	s10 =	sld [smem:$0x3FB3];
	_ =	sdelay $0x3  }
0x33: {  	p0 =	seq.s32 s10, $0x1;
	s10 =	sld [smem:$0x3FB5];
	_ =	sdelay $0x3  }
0x34: {  	[smem:$0x3FB5] =	sst s10  }
0x35: {  	s10 =	sld [smem:$0x3FB4];
	_ =	sdelay $0x3  }
0x36: {  	p1 =	seq.s32 s10, $0x1;
	s10 =	sld [smem:$0x3FB5];
	_ =	sdelay $0x3  }
0x37: {  	[smem:$0x3FB5] =	sst s10  }
0x38: {  	s10 =	sld [smem:$0x3FB6]  }
0x39: {  	_ = 	snop;
	(pc) =	sbr.ind lr, $3  }
0x3a: {  	_ = 	snop  }
0x3b: {  	_ = 	snop  }
0x3c: {  	p2 =	seq.s32 s10, $0x1;
	s10 =	sld [smem:$0x3FB5]  }
0x3d: {  	_ =	shalt  }
0x3e: {  	_ =	shalt  }
0x3f: {  	_ =	shalt  }
0x40: {  	_ =	shalt  }
0x41: {  	_ =	shalt  }
0x42: {  	_ =	shalt  }
0x43: {  	_ =	shalt  }
0x44: {  	_ =	shalt  }
0x45: {  	_ =	shalt  }
0x46: {  	_ =	shalt  }
0x47: {  	_ =	shalt  }
0x48: {  	_ =	shalt  }
0x49: {  	_ =	shalt  }
0x4a: {  	_ =	shalt  }
0x4b: {  	_ =	shalt  }
0x4c: {  	_ =	shalt  }
0x4d: {  	_ =	shalt  }
0x4e: {  	_ =	shalt  }
0x4f: {  	_ =	shalt  }
0x50: {  	_ =	shalt  }
0x51: {  	_ =	shalt  }
0x52: {  	_ =	shalt  }
0x53: {  	_ =	shalt  }
0x54: {  	_ =	shalt  }
0x55: {  	_ =	shalt  }
0x56: {  	_ =	shalt  }
0x57: {  	_ =	shalt  }
0x58: {  	_ =	shalt  }
0x59: {  	_ =	shalt  }
0x5a: {  	_ =	shalt  }
0x5b: {  	_ =	shalt  }
0x5c: {  	_ =	shalt  }
0x5d: {  	_ =	shalt  }
0x5e: {  	_ =	shalt  }
0x5f: {  	_ =	shalt  }
0x60: {  	_ =	shalt  }
0x61: {  	_ =	shalt  }
0x62: {  	_ =	shalt  }
0x63: {  	_ =	shalt  }
0x64: {  	_ =	shalt  }
0x65: {  	_ =	shalt  }
0x66: {  	_ =	shalt  }
0x67: {  	_ =	shalt  }
0x68: {  	_ =	shalt  }
0x69: {  	_ =	shalt  }
0x6a: {  	_ =	shalt  }
0x6b: {  	_ =	shalt  }
0x6c: {  	_ =	shalt  }
0x6d: {  	_ =	shalt  }
0x6e: {  	_ =	shalt  }
0x6f: {  	_ =	shalt  }
0x70: {  	_ =	shalt  }
0x71: {  	_ =	shalt  }
0x72: {  	_ =	shalt  }
0x73: {  	_ =	shalt  }
0x74: {  	_ =	shalt  }
0x75: {  	_ =	shalt  }
0x76: {  	_ =	shalt  }
0x77: {  	_ =	shalt  }
0x78: {  	_ =	shalt  }
0x79: {  	_ =	shalt  }
0x7a: {  	_ =	shalt  }
0x7b: {  	_ =	shalt  }
0x7c: {  	_ =	shalt  }
0x7d: {  	_ =	shalt  }
0x7e: {  	_ =	shalt  }
0x7f: {  	_ =	shalt  }
0x80: {  	_ =	shalt  }
0x81: {  	_ =	shalt  }
0x82: {  	_ =	shalt  }
0x83: {  	_ =	shalt  }
0x84: {  	_ =	shalt  }
0x85: {  	_ =	shalt  }
0x86: {  	_ =	shalt  }
0x87: {  	_ =	shalt  }
.Lfunc_end0:
.L_simem_size_0:
called_computation_lowered:
.L_overlay_start_0:
0x88: {  	s2 =	sld [smem:$0x3FD9]  }
0x89: {  	s3 =	sld [smem:$0x3FFE];
	_ =	sdelay $0x1  }
0x8a: {  	s1 =	srdreg.scid  }
0x8b: {  	s0 =	sand.u32 $0x1, s1  }
0x8c: {  	s14 =	sshll.u32 s0, $0xA;
	s2 =	sadd.s32 s3, s2  }
0x8d: {  	s2 =	sadd.s32 s2, s14  }
0x8e: {  	[smem:$0x3FC1] =	sst s2  }
0x8f: {  	_ = 	snop  }
0x90: {  	s2 =	sld [smem:$0x3FD0];
	_ =	sdelay $0x2  }
0x91: {  	s15 =	simm.s32 $0xB;
	s4 =	simm.s32 $0x10  }
0x92: {  	[smem:s4], [sflag:s15] =	dma.local [hbm:s2], $0x1  }
0x93: {  	_ =	swait.eq [sflag:s15], $0x1  }
0x94: {  	[sflag:s15] =	ssyncset.done $0x0  }
0x95: {  	[sflag:s15] =	ssyncadd.s32 $0xFFFFFFFF  }
0x96: {  	s16 =	sld [smem:$0x10];
	(tm) =	ssettm $0x1  }
0x97: {  	s17 =	sld [smem:$0x3FFB];
	_ =	sdelay $0x3  }
0x98: {  	_ =	strace s17  }
0x99: {  	s3 =	sld [smem:$0x3FFC];
	_ =	sdelay $0x3  }
0x9a: {  	_ =	strace s3  }
0x9b: {  	s3 =	sld [smem:$0x3FFD];
	_ =	sdelay $0x3  }
0x9c: {  	_ =	strace s3  }
0x9d: {  	_ =	strace $0x8FFFFFFF  }
0x9e: {  	s18 =	sld [smem:$0x3FDB];
	_ =	sdelay $0x1  }
0x9f: {  	s19 =	simm.s32 $_scs_section_size  }
0xa0: {  	s5 =	simm.s32 $_size__tile_overlayer_lowered;
	s6 =	simm.s32 $_tile_overlayer_lowered  }
0xa1: {  	s22 =	simm.s32 $0x1BFF;
	s21 =	sshll.u32 s6, $0x1;
	s3 =	sadd.s32 s19, s18  }
0xa2: {  	s7 =	simm.s32 $0x0;
	s20 =	sshll.u32 s5, $0x1;
	s5 =	sadd.s32 s21, s3  }
0xa3: {  	[timem:s7], [sflag:s22] =	dma.local [hbm:s5], s20  }
0xa4: {  	_ =	swait.ge [sflag:s22], s20  }
0xa5: {  	s4 =	ssub.s32 $0x0, s20;
	[sflag:s22] =	ssyncset.done $0x0  }
0xa6: {  	[sflag:s22] =	ssyncadd.s32 s4;
	_ =	sdelay $0x1  }
0xa7: {  	s23 =	simm.s32 $0x1B8B  }
0xa8: {  	_ =	swait.ge [sflag:s23], $0x1  }
0xa9: {  	[sflag:s23] =	ssyncset.done $0x0  }
0xaa: {  	s25 =	simm.s32 $0x1B8E;
	s24 =	sld [smem:$0x3FFE];
	[sflag:s23] =	ssyncadd.s32 $0xFFFFFFFF  }
0xab: {  	s26 =	simm.s32 $execute0_lowered;
	[smem:$0x3FD2] =	sst s25  }
0xac: {  	s5 =	sshll.u32 s26, $0x1;
	_ =	strace $0x80000046;
	[dreg:$0x1] =	wrdreg $0xFFFFFFFF  }
0xad: {  	s28 =	simm.s32 $_size_execute0_lowered;
	s3 =	sadd.s32 s3, s5;
	[dreg:$0x0] =	wrdreg $0x0  }
0xae: {  	s5 =	sshll.u32 s28, $0x1;
	[dreg:$0x2] =	wrdreg s3  }
0xaf: {  	[dreg:$0x3] =	wrdreg s5  }
0xb0: {  	[dreg:$0x4] =	wrdreg $0xC0  }
0xb1: {  	_ =	task [dreg:s7], $0x5FFFF  }
0xb2: {  	[dreg:$0x1] =	wrdreg $0xFFFFFFFF  }
0xb3: {  	[dreg:$0x0] =	wrdreg $0x60  }
0xb4: {  	[dreg:$0x2] =	wrdreg s16  }
0xb5: {  	[dreg:$0x3] =	wrdreg s24  }
0xb6: {  	[dreg:$0x4] =	wrdreg $0x116000  }
0xb7: {  	[dreg:$0x5] =	wrdreg $0x1B6000  }
0xb8: {  	[dreg:$0x6] =	wrdreg $0x9  }
0xb9: {  	_ =	task.clear_ibuf [dreg:s7], $0x7FFFF;
	_ =	strace $0x90000046  }
0xba: {  	s29 =	simm.s32 $0x9;
	_ =	strace $0x80000048  }
0xbb: {  	_ =	swait.ge [sflag:s29], $0x1  }
0xbc: {  	[sflag:s29] =	ssyncadd.s32 $0xFFFFFFFF  }
0xbd: {  	_ =	strace $0x90000048  }
0xbe: {  	_ =	sfence  }
0xbf: {  	s30 =	sld [smem:$0x0];
	_ =	sdelay $0x2  }
0xc0: {  	s31 =	sshll.u32 s1, $0xD;
	s1 =	sshrl.u32 s1, $0x2  }
0xc1: {  	s3 =	sand.u32 $0x4000, s31;
	s1 =	sadd.s32 s1, s30  }
0xc2: {  	s0 =	sor.u32 s3, s0;
	s1 =	sshll.u32 s1, $0x11  }
0xc3: {  	s0 =	sor.u32 s1, s0  }
0xc4: {  	s0 =	sadd.s32 $0x8F2B, s0  }
0xc5: {  	[sflag:s0] =	ssyncadd.remote.s32 $0x1  }
0xc6: {  	_ =	sfence.sel $0xFFFF  }
0xc7: {  	[dreg:$0x0] =	wrdreg $0xFFFFFFFF;
	(pc) =	sbr.abs _section_cstart, $3  }
0xc8: {  	[dreg:$0x1] =	wrdreg $0xFFFFFFFF  }
0xc9: {  	_ =	task.clear_ibuf [dreg:s7], $0x2FFFF;
	_ =	strace $0x9FFFFFFF  }
0xca: {  	(tm) =	ssettm $0x7FFFFFFF  }
0xcb: {  	_ =	shalt  }
tec
execute0_lowered:
.L_overlay_start_1:
0x0: {  	(tag) =	ssettag $0x1  }
0x1: {  	s29 =	rddreg [dreg:$0x0]  }
0x2: {  	s0 =	rddreg [dreg:$0x1]  }
0x3: {  	s3 =	rddreg [dreg:$0x2]  }
0x4: {  	s1 =	rddreg [dreg:$0x3]  }
0x5: {  	s2 =	srdreg.scid;
	s18 =	stileid.u32;
	s5 =	simm.s32 $0x0  }
0x6: {  	s31 =	simm.s32 $0x80;
	s30 =	simm.s32 $0x400;
	s7 =	smul.u32 $0xA000, s18  }
0x7: {  	s2 =	sand.u32 $0x1, s2;
	[smem:$0x7FF] =	sst s5;
	s12 =	smul.u32 $0x2800, s18  }
0x8: {  	s6 =	sadd.s32 $0x3800, s0;
	s11 =	sadd.s32 $0x21000, s0;
	s9 =	smul.u32 $0x28000, s18  }
0x9: {  	s13 =	sadd.s32 $0x17200, s0;
	s16 =	smul.u32 $0x9C0, s18;
	p2 =	sgt.u32 s18, $0x3  }
0xa: {  	s8 =	smul.u32 $0xA0000, s2;
	_ =	strace $0x80000047;
	s14 =	ssub.s32 $0x2, s2  }
0xb: {  	p0 =	sne.s32 s2, $0x0;
	p1 =	seq.s32 s2, $0x0;
	s10 =	sshrl.u32 s12, $0x3  }
0xc: {  	s15 =	sshrl.u32 s14, $0x1;
	s9 =	sshrl.u32 s9, $0x2;
	s19 =	sadd.s32 s7, s3  }
0xd: {  	s4 =	sadd.s32 s11, s16;
	s26 =	sor.u32 $0x10, s16;
	s17 =	sor.u32 $0x20, s16  }
0xe: {  	s8 =	sadd.s32 s7, s8;
	s14 =	ssub.s32 s14, s15;
	[dreg:$0x5] =	wrdreg s19  }
0xf: {  	s15 =	sadd.s32 s9, s3;
	s20 =	sadd.s32 s11, s26;
	[dreg:$0x16] =	wrdreg s4  }
0x10: {  	s7 =	sadd.s32 s13, s26;
	s28 =	sadd.s32 s11, s17;
	[dreg:$0x7] =	wrdreg s20  }
0x11: {  	s9 =	sadd.s32 s13, s17;
	s17 =	simm.s32 $0x3;
	[dreg:$0x8] =	wrdreg s7  }
0x12: {  	s8 =	sshrl.u32 s8, $0x3;
	s25 =	sadd.s32 $0x2000, s15;
	[dreg:$0x9] =	wrdreg s28  }
0x13: {  	[dreg:$0xa] =	wrdreg s9;
	s20 =	sshll.u32 s18, $0x4;
	s23 =	sadd.s32 $0x4000, s15  }
0x14: {  	s24 =	sadd.s32 $0x6000, s15;
	s28 =	smax.u32 s14, $0x1;
	s18 =	simm.s32 $0x13  }
0x15: {  	s14 =	simm.s32 $0x2;
	s9 =	simm.s32 $0x0;
	[dreg:$0x6] =	wrdreg s25  }
0x16: {  	s8 =	sadd.s32 s8, s0;
	s0 =	sadd.s32 s10, s0;
	[dreg:$0xf] =	wrdreg s23  }
0x17: {  	s10 =	sadd.s32 s13, s16;
	s16 =	sor.u32 $0x30, s16;
	[dreg:$0x10] =	wrdreg s24  }
0x18: {  	s22 =	sor.u32 $0x9C00, s20;
	s25 =	sadd.s32 $0x8000, s15;
	[dreg:$0x15] =	wrdreg s28  }
0x19: {  	s24 =	sadd.s32 s12, s1;
	s1 =	simm.s32 $0x480;
	[dreg:$0x11] =	wrdreg s25  }
0x1a: {  	s23 =	simm.s32 $0x4;
	s21 =	sadd.s32 s11, s16;
	[dreg:$0x12] =	wrdreg s24  }
0x1b: {  	s20 =	simm.s32 $0x6;
	s7 =	sadd.s32 s13, s16;
	[dreg:$0xb] =	wrdreg s21  }
.Ltmp0:
0x1c: {  	s11 =	sadd.s32 s11, s22;
	[dreg:$0xc] =	wrdreg s7;
	(pc) =	sbr.rel .LBB2_1-.Ltmp0, $4  }
0x1d: {  	s26 =	sadd.s32 $0x2AE00, s8;
	s0 =	sadd.s32 $0x52E00, s0;
	[dreg:$0xd] =	wrdreg s11  }
0x1e: {  	s25 =	simm.s32 $0x180;
	s7 =	sadd.s32 s13, s22;
	[dreg:$0x13] =	wrdreg s26  }
0x1f: {  	v0 =	vimm.f32 $0.0e+00;
	vm0 =	vcmask $0x300;
	[dreg:$0x14] =	wrdreg s0;
	s11 =	simm.s32 $0x300;
	s26 =	simm.s32 $0x5  }
0x20: {  	v1 =	vsel vm0, $0x3F800000, v0;
	s13 =	simm.s32 $0x10;
	[dreg:$0xe] =	wrdreg s7;
	s7 =	simm.s32 $0x380  }
.LBB2_15:
0x21: {  	s0 =	simm.s32 $0xD  }
0x22: {  	_ =	swait.ge [sflag:s0], $0x2000  }
0x23: {  	[sflag:s0] =	ssyncset.done $0x0  }
0x24: {  	[sflag:s0] =	ssyncadd.s32 $0xFFFFE000  }
0x25: {  	_ =	swait.ge [sflag:s0], $0x800  }
0x26: {  	[sflag:s0] =	ssyncset.done $0x0  }
0x27: {  	s22 =	simm.s32 $0xE;
	[sflag:s0] =	ssyncadd.s32 $0xFFFFF800  }
0x28: {  	_ =	swait.ge [sflag:s22], $0x2000  }
0x29: {  	[sflag:s22] =	ssyncset.done $0x0  }
0x2a: {  	[sflag:s22] =	ssyncadd.s32 $0xFFFFE000  }
0x2b: {  	_ =	swait.ge [sflag:s22], $0x800  }
0x2c: {  	[sflag:s22] =	ssyncset.done $0x0  }
0x2d: {  	s24 =	simm.s32 $0xF;
	[sflag:s22] =	ssyncadd.s32 $0xFFFFF800  }
0x2e: {  	_ =	swait.ge [sflag:s24], $0x2000  }
0x2f: {  	[sflag:s24] =	ssyncset.done $0x0  }
0x30: {  	[sflag:s24] =	ssyncadd.s32 $0xFFFFE000  }
0x31: {  	_ =	swait.ge [sflag:s24], $0x800  }
0x32: {  	[sflag:s24] =	ssyncset.done $0x0  }
0x33: {  	[sflag:s24] =	ssyncadd.s32 $0xFFFFF800  }
0x34: {  	_ =	swait.ge [sflag:s13], $0x2000  }
0x35: {  	[sflag:s13] =	ssyncset.done $0x0  }
0x36: {  	[sflag:s13] =	ssyncadd.s32 $0xFFFFE000  }
0x37: {  	_ =	swait.ge [sflag:s13], $0x800  }
0x38: {  	[sflag:s13] =	ssyncset.done $0x0  }
0x39: {  	s25 =	simm.s32 $0x11;
	[sflag:s13] =	ssyncadd.s32 $0xFFFFF800  }
0x3a: {  	_ =	swait.ge [sflag:s25], $0x2000  }
0x3b: {  	[sflag:s25] =	ssyncset.done $0x0  }
0x3c: {  	[sflag:s25] =	ssyncadd.s32 $0xFFFFE000  }
0x3d: {  	_ =	swait.ge [sflag:s25], $0x800  }
0x3e: {  	[sflag:s25] =	ssyncset.done $0x0  }
0x3f: {  	s28 =	simm.s32 $0x12;
	[sflag:s25] =	ssyncadd.s32 $0xFFFFF800  }
0x40: {  	_ =	swait.ge [sflag:s28], $0x2000  }
0x41: {  	[sflag:s28] =	ssyncset.done $0x0  }
0x42: {  	[sflag:s28] =	ssyncadd.s32 $0xFFFFE000  }
0x43: {  	_ =	swait.ge [sflag:s28], $0x800  }
0x44: {  	[sflag:s28] =	ssyncset.done $0x0  }
0x45: {  	s0 =	simm.s32 @!p2 $0x0;
	s2 =	rddreg [dreg:$0xd];
	[sflag:s28] =	ssyncadd.s32 $0xFFFFF800  }
0x46: {  	[tilespmem:s0], [sflag:$0x13] =	stream.linear.gather @!p2 [hbm4b:s2+s0], $0x80, $0x38;
	[tilespmem:$0x1DE00] =	vst v63  }
0x47: {  	s2 =	simm.s32 @!p2 $0x13  }
0x48: {  	_ =	swait.ge @!p2 [sflag:s2], $0x80  }
0x49: {  	[sflag:s2] =	ssyncset.done @!p2 $0x0  }
0x4a: {  	s8 =	simm.s32 @!p2 $0x300;
	s15 =	rddreg [dreg:$0xe];
	[sflag:s2] =	ssyncadd.s32 @!p2 $0xFFFFFF80  }
0x4b: {  	[tilespmem:s8], [sflag:$0x13] =	stream.linear.gather @!p2 [hbm4b:s15+s0], $0x80, $0x38;
	[tilespmem:$0x1DE00] =	vst v63  }
0x4c: {  	_ =	swait.ge @!p2 [sflag:s2], $0x80  }
0x4d: {  	[sflag:s2] =	ssyncset.done @!p2 $0x0  }
0x4e: {  	s18 =	simm.s32 @!p2 $0x600;
	s15 =	simm.s32 @!p2 $0x80;
	[sflag:s2] =	ssyncadd.s32 @!p2 $0xFFFFFF80  }
0x4f: {  	[tilespmem:s18], [sflag:$0x7] =	stream.indirect.gather @!p2 [hbm4b:s6+s15], $0x40, s0, s15, $0xb8;
	[tilespmem:$0x1DE00] =	vst v63  }
0x50: {  	s0 =	simm.s32 @!p2 $0x7  }
0x51: {  	_ =	swait.ge @!p2 [sflag:s0], $0x2000  }
0x52: {  	[sflag:s0] =	ssyncset.done @!p2 $0x0  }
0x53: {  	[sflag:s0] =	ssyncadd.s32 @!p2 $0xFFFFE000  }
0x54: {  	[spmem:s3] =	stream.indirect.scatter.add.f32 @!p2 [tilespmem:s18], [sflag:$0x13], $0x40, s8, s15, $0xb8;
	[tilespmem:$0x1DE00] =	vst v63  }
0x55: {  	_ =	swait.ge @!p2 [sflag:s2], $0x2000  }
0x56: {  	[sflag:s2] =	ssyncset.done @!p2 $0x0  }
0x57: {  	[sflag:s2] =	ssyncadd.s32 @!p2 $0xFFFFE000  }
0x58: {  	s0 =	simm.s32 @!p2 $0xC600;
	s4 =	rddreg [dreg:$0x3]  }
0x59: {  	[spmem:s4] =	stream.indirect.scatter.add.f32 @!p2 [tilespmem:s0], [sflag:$0x13], $0x10, s8, s15, $0xb8;
	[tilespmem:$0x1DE00] =	vst v63  }
0x5a: {  	_ =	swait.ge @!p2 [sflag:s2], $0x800  }
0x5b: {  	s19 =	rddreg [dreg:$0x5]  }
0x5c: {  	s24 =	rddreg [dreg:$0x12]  }
0x5d: {  	[sflag:s2] =	ssyncset.done @!p2 $0x0;
	s4 =	rddreg [dreg:$0x16]  }
0x5e: {  	s9 =	rddreg [dreg:$0x17];
	[sflag:s2] =	ssyncadd.s32 @!p2 $0xFFFFF800  }
0x5f: {  	s1 =	simm.s32 $0x480;
	s25 =	simm.s32 $0x180;
	s29 =	rddreg [dreg:$0x0]  }
.LBB2_16:
0x60: {  	s0 =	stileid.u32  }
0x61: {  	[bflag:$0x0] =	sbarrier.arrive $0xFFFF;
	s2 =	sshrl.u32 s19, $0x3;
	s0 =	sshll.u32 s0, $0x6  }
0x62: {  	s18 =	simm.s32 $0x13;
	s8 =	rddreg [dreg:$0x13];
	s0 =	sor.u32 $0x1C13, s0  }
0x63: {  	[hbm:s8], [sflag:s0] =	dma.local [spmem:s2], $0x1400  }
0x64: {  	_ =	swait.ge [sflag:s18], $0x1400  }
0x65: {  	[sflag:s18] =	ssyncset.done $0x0  }
0x66: {  	s2 =	sshrl.u32 @!p1 s24, $0x3;
	s8 =	rddreg [dreg:$0x14];
	[sflag:s18] =	ssyncadd.s32 $0xFFFFEC00  }
0x67: {  	[hbm:s8], [sflag:s0] =	dma.local @!p1 [spmem:s2], $0x500  }
0x68: {  	s0 =	simm.s32 @!p1 $0x13  }
0x69: {  	_ =	swait.ge @!p1 [sflag:s0], $0x500  }
0x6a: {  	s9 =	sadd.s32 $0x1, s9;
	s28 =	rddreg [dreg:$0x15]  }
0x6b: {  	p3 =	sne.s32 s9, s28  }
.Ltmp1:
0x6c: {  	_ = 	snop;
	(pc) =	sbr.rel @!p3 .LBB2_17-.Ltmp1, $3  }
0x6d: {  	_ =	sdelay $0x1  }
0x6e: {  	[sflag:s0] =	ssyncset.done @!p1 $0x0  }
0x6f: {  	[sflag:s0] =	ssyncadd.s32 @!p1 $0xFFFFFB00  }
.LBB2_1:
0x70: {  	s0 =	sand.u32 $0x7F00, s5  }
0x71: {  	s2 =	sand.u32 $0x30, s5;
	s8 =	sshrl.u32 s0, $0x2  }
0x72: {  	s0 =	simm.s32 $0x40;
	s8 =	sor.u32 s2, s8;
	s2 =	simm.s32 $0x0  }
.LBB2_2:
0x73: {  	p3 =	sne.s32 s0, $0x7FC0  }
0x74: {  	[tilespmem:s8+$0xCE00] =	vst v0;
	s2 =	sadd.s32 $0x10, s2;
	s8 =	smov.u32 s0;
	s0 =	sadd.s32 $0x40, s0  }
.Ltmp2:
0x75: {  	(pc) =	sbr.rel @p3 .LBB2_2-.Ltmp2, $4  }
0x76: {  	_ = 	snop  }
0x77: {  	s8 =	sand.u32 $0x7F00, s8  }
0x78: {  	s15 =	sand.u32 $0x30, s2;
	s8 =	sshrl.u32 s8, $0x2  }
0x79: {  	s8 =	sor.u32 s15, s8  }
0x7a: {  	[tilespmem:s8+$0xCE00] =	vst v0;
	s0 =	simm.s32 $0x40;
	s2 =	simm.s32 $0x0  }
.LBB2_4:
0x7b: {  	p3 =	sne.s32 s0, $0x9FC0;
	[tilespmem:s2+$0xEE00] =	vst v0;
	s2 =	smov.u32 s0;
	s0 =	sadd.s32 $0x40, s0  }
.Ltmp3:
0x7c: {  	(pc) =	sbr.rel @p3 .LBB2_4-.Ltmp3, $2  }
0x7d: {  	_ =	sdelay $0x2  }
0x7e: {  	s2 =	sshra.s32 s2, $0x2  }
0x7f: {  	[tilespmem:s2+$0xEE00] =	vst v0;
	s0 =	simm.s32 $0x40;
	s2 =	simm.s32 $0x0  }
.LBB2_6:
0x80: {  	p3 =	sne.s32 s0, $0x1FC0;
	[tilespmem:s2+$0xC600] =	vst v1;
	s2 =	smov.u32 s0;
	s0 =	sadd.s32 $0x40, s0  }
.Ltmp4:
0x81: {  	(pc) =	sbr.rel @p3 .LBB2_6-.Ltmp4, $2  }
0x82: {  	_ =	sdelay $0x2  }
0x83: {  	s2 =	sshra.s32 s2, $0x2  }
0x84: {  	[tilespmem:s2+$0xC600] =	vst v1;
	s21 =	simm.s32 $0xCE00  }
0x85: {  	[spmem:s19] =	stream.linear.scatter [tilespmem:s21], [sflag:$0x13], $0x2000, $0x38;
	[tilespmem:$0x1DE00] =	vst v63  }
0x86: {  	_ =	swait.ge [sflag:s18], $0x2000  }
0x87: {  	[sflag:s18] =	ssyncset.done $0x0  }
0x88: {  	s0 =	rddreg [dreg:$0x6];
	[sflag:s18] =	ssyncadd.s32 $0xFFFFE000  }
0x89: {  	[spmem:s0] =	stream.linear.scatter [tilespmem:s21], [sflag:$0x13], $0x2000, $0x38;
	[tilespmem:$0x1DE00] =	vst v63  }
0x8a: {  	_ =	swait.ge [sflag:s18], $0x2000  }
0x8b: {  	[sflag:s18] =	ssyncset.done $0x0  }
0x8c: {  	s22 =	rddreg [dreg:$0xf];
	[sflag:s18] =	ssyncadd.s32 $0xFFFFE000  }
0x8d: {  	[spmem:s22] =	stream.linear.scatter [tilespmem:s21], [sflag:$0x13], $0x2000, $0x38;
	[tilespmem:$0x1DE00] =	vst v63  }
0x8e: {  	_ =	swait.ge [sflag:s18], $0x2000  }
0x8f: {  	[sflag:s18] =	ssyncset.done $0x0  }
0x90: {  	s28 =	rddreg [dreg:$0x10];
	[sflag:s18] =	ssyncadd.s32 $0xFFFFE000  }
0x91: {  	[spmem:s28] =	stream.linear.scatter [tilespmem:s21], [sflag:$0x13], $0x2000, $0x38;
	[tilespmem:$0x1DE00] =	vst v63  }
0x92: {  	_ =	swait.ge [sflag:s18], $0x2000  }
0x93: {  	[sflag:s18] =	ssyncset.done $0x0  }
0x94: {  	s8 =	rddreg [dreg:$0x11];
	[sflag:s18] =	ssyncadd.s32 $0xFFFFE000  }
0x95: {  	[spmem:s8] =	stream.linear.scatter [tilespmem:s21], [sflag:$0x13], $0x2000, $0x38;
	[tilespmem:$0x1DE00] =	vst v63  }
0x96: {  	_ =	swait.ge [sflag:s18], $0x2000  }
0x97: {  	[sflag:s18] =	ssyncset.done $0x0  }
0x98: {  	s12 =	simm.s32 $0xEE00;
	[sflag:s18] =	ssyncadd.s32 $0xFFFFE000  }
0x99: {  	[spmem:s24] =	stream.linear.scatter [tilespmem:s12], [sflag:$0x13], $0x2800, $0x38;
	[tilespmem:$0x1DE00] =	vst v63  }
0x9a: {  	_ =	swait.ge [sflag:s18], $0x2800  }
0x9b: {  	[sflag:s18] =	ssyncset.done $0x0  }
0x9c: {  	[sflag:s18] =	ssyncadd.s32 $0xFFFFD800  }
0x9d: {  	[bflag:$0x0] =	sbarrier.arrive $0xFFFF  }
0x9e: {  	[tilespmem:s5], [sflag:$0x1] =	stream.linear.gather [hbm4b:s4+s5], $0x80, $0x38;
	[tilespmem:$0x1DE00] =	vst v63  }
0x9f: {  	_ = 	snop  }
0xa0: {  	[tilespmem:s11], [sflag:$0x1] =	stream.linear.gather [hbm4b:s10+s5], $0x80, $0x38;
	[tilespmem:$0x1DE00] =	vst v63  }
0xa1: {  	s15 =	rddreg [dreg:$0x7]  }
0xa2: {  	[tilespmem:s31], [sflag:$0x2] =	stream.linear.gather [hbm4b:s15+s5], $0x80, $0x38;
	[tilespmem:$0x1DE00] =	vst v63  }
0xa3: {  	s16 =	rddreg [dreg:$0x8]  }
0xa4: {  	[tilespmem:s7], [sflag:$0x2] =	stream.linear.gather [hbm4b:s16+s5], $0x80, $0x38;
	[tilespmem:$0x1DE00] =	vst v63  }
0xa5: {  	s19 =	simm.s32 $0x100;
	s18 =	rddreg [dreg:$0x9]  }
0xa6: {  	[tilespmem:s19], [sflag:$0x3] =	stream.linear.gather [hbm4b:s18+s5], $0x80, $0x38;
	[tilespmem:$0x1DE00] =	vst v63  }
0xa7: {  	s21 =	rddreg [dreg:$0xa]  }
0xa8: {  	[tilespmem:s30], [sflag:$0x3] =	stream.linear.gather [hbm4b:s21+s5], $0x80, $0x38;
	[tilespmem:$0x1DE00] =	vst v63  }
0xa9: {  	s22 =	rddreg [dreg:$0xb]  }
0xaa: {  	[tilespmem:s25], [sflag:$0x4] =	stream.linear.gather [hbm4b:s22+s5], $0x80, $0x38;
	[tilespmem:$0x1DE00] =	vst v63  }
0xab: {  	s28 =	simm.s32 $0x1;
	s24 =	rddreg [dreg:$0xc]  }
0xac: {  	[tilespmem:s1], [sflag:$0x4] =	stream.linear.gather [hbm4b:s24+s5], $0x80, $0x38;
	[tilespmem:$0x1DE00] =	vst v63  }
0xad: {  	_ =	swait.ge [sflag:s28], $0x80  }
.Ltmp5:
0xae: {  	[sflag:s28] =	ssyncset.done $0x0;
	(pc) =	sbr.rel @p0 .LBB2_12-.Ltmp5, $4  }
0xaf: {  	[sflag:s28] =	ssyncadd.s32 $0xFFFFFF80  }
0xb0: {  	_ =	swait.ge [sflag:s28], $0x80  }
0xb1: {  	[sflag:s28] =	ssyncset.done $0x0  }
0xb2: {  	[sflag:s28] =	ssyncadd.s32 $0xFFFFFF80  }
0xb3: {  	s0 =	simm.s32 $0x0;
	s1 =	simm.s32 $0x600  }
0xb4: {  	[tilespmem:s1], [sflag:$0x7] =	stream.indirect.gather [hbm4b:s29+s31], $0x40, s0, s31, $0xb8;
	[tilespmem:$0x1DE00] =	vst v63  }
0xb5: {  	_ =	swait.ge [sflag:s14], $0x80  }
0xb6: {  	[sflag:s14] =	ssyncset.done $0x0  }
0xb7: {  	[sflag:s14] =	ssyncadd.s32 $0xFFFFFF80  }
0xb8: {  	_ =	swait.ge [sflag:s14], $0x80  }
0xb9: {  	[sflag:s14] =	ssyncset.done $0x0  }
0xba: {  	s18 =	simm.s32 $0x2600;
	s16 =	simm.s32 $0x480;
	[sflag:s14] =	ssyncadd.s32 $0xFFFFFF80  }
0xbb: {  	[tilespmem:s18], [sflag:$0x8] =	stream.indirect.gather [hbm4b:s29+s31], $0x40, s31, s31, $0xb8;
	[tilespmem:$0x1DE00] =	vst v63  }
.LBB2_9:
0xbc: {  	s1 =	simm.s32 $0x7  }
0xbd: {  	_ =	swait.ge [sflag:s1], $0x2000  }
0xbe: {  	[sflag:s1] =	ssyncset.done $0x0  }
0xbf: {  	s22 =	simm.s32 $0x600;
	[sflag:s1] =	ssyncadd.s32 $0xFFFFE000  }
0xc0: {  	[spmem:s3] =	stream.indirect.scatter.add.f32 [tilespmem:s22], [sflag:$0xD], $0x40, s11, s31, $0xb8;
	[tilespmem:$0x1DE00] =	vst v63  }
0xc1: {  	_ =	swait.ge [sflag:s17], $0x80  }
0xc2: {  	[sflag:s17] =	ssyncset.done $0x0  }
0xc3: {  	[sflag:s17] =	ssyncadd.s32 $0xFFFFFF80  }
0xc4: {  	_ =	swait.ge [sflag:s17], $0x80  }
0xc5: {  	s2 =	simm.s32 $0x100;
	p3 =	seq.s32 s0, $0x0;
	[sflag:s17] =	ssyncset.done $0x0  }
0xc6: {  	s8 =	simm.s32 @!p3 $0x11;
	s1 =	simm.s32 $0x4600;
	[sflag:s17] =	ssyncadd.s32 $0xFFFFFF80  }
0xc7: {  	[tilespmem:s1], [sflag:$0x9] =	stream.indirect.gather [hbm4b:s29+s31], $0x40, s2, s31, $0xb8;
	[tilespmem:$0x1DE00] =	vst v63  }
0xc8: {  	_ =	swait.ge @!p3 [sflag:s8], $0x2000  }
0xc9: {  	s19 =	simm.s32 $0x200;
	s2 =	sadd.s32 s0, s4;
	[sflag:s8] =	ssyncset.done @!p3 $0x0  }
0xca: {  	s24 =	sadd.s32 $0x40, s2;
	[sflag:s8] =	ssyncadd.s32 @!p3 $0xFFFFE000;
	s8 =	sadd.s32 s0, s10  }
0xcb: {  	[tilespmem:s19], [sflag:$0x5] =	stream.linear.gather [hbm4b:s24+s5], $0x80, $0x38;
	[tilespmem:$0x1DE00] =	vst v63  }
0xcc: {  	s21 =	simm.s32 $0x500;
	s28 =	simm.s32 $0x8;
	s15 =	sadd.s32 $0x40, s8  }
0xcd: {  	[tilespmem:s21], [sflag:$0x5] =	stream.linear.gather [hbm4b:s15+s5], $0x80, $0x38;
	[tilespmem:$0x1DE00] =	vst v63  }
0xce: {  	_ =	swait.ge [sflag:s28], $0x2000  }
0xcf: {  	[sflag:s28] =	ssyncset.done $0x0  }
0xd0: {  	[sflag:s28] =	ssyncadd.s32 $0xFFFFE000  }
0xd1: {  	[spmem:s3] =	stream.indirect.scatter.add.f32 [tilespmem:s18], [sflag:$0xE], $0x40, s7, s31, $0xb8;
	[tilespmem:$0x1DE00] =	vst v63  }
0xd2: {  	_ =	swait.ge [sflag:s23], $0x80  }
0xd3: {  	[sflag:s23] =	ssyncset.done $0x0  }
0xd4: {  	[sflag:s23] =	ssyncadd.s32 $0xFFFFFF80  }
0xd5: {  	_ =	swait.ge [sflag:s23], $0x80  }
0xd6: {  	[sflag:s23] =	ssyncset.done $0x0  }
0xd7: {  	s22 =	simm.s32 $0x6600;
	s15 =	simm.s32 @!p3 $0x12;
	[sflag:s23] =	ssyncadd.s32 $0xFFFFFF80  }
0xd8: {  	[tilespmem:s22], [sflag:$0xA] =	stream.indirect.gather [hbm4b:s29+s31], $0x40, s25, s31, $0xb8;
	[tilespmem:$0x1DE00] =	vst v63  }
0xd9: {  	_ =	swait.ge @!p3 [sflag:s15], $0x2000  }
0xda: {  	[sflag:s15] =	ssyncset.done @!p3 $0x0  }
0xdb: {  	s12 =	sadd.s32 $0x50, s2;
	s28 =	simm.s32 $0x280;
	[sflag:s15] =	ssyncadd.s32 @!p3 $0xFFFFE000  }
0xdc: {  	[tilespmem:s28], [sflag:$0x6] =	stream.linear.gather [hbm4b:s12+s5], $0x80, $0x38;
	[tilespmem:$0x1DE00] =	vst v63  }
0xdd: {  	s21 =	simm.s32 $0x9;
	s18 =	sadd.s32 $0x50, s8;
	s12 =	simm.s32 $0x580  }
0xde: {  	[tilespmem:s12], [sflag:$0x6] =	stream.linear.gather [hbm4b:s18+s5], $0x80, $0x38;
	[tilespmem:$0x1DE00] =	vst v63  }
0xdf: {  	_ =	swait.ge [sflag:s21], $0x2000  }
0xe0: {  	[sflag:s21] =	ssyncset.done $0x0  }
0xe1: {  	[sflag:s21] =	ssyncadd.s32 $0xFFFFE000  }
0xe2: {  	[spmem:s3] =	stream.indirect.scatter.add.f32 [tilespmem:s1], [sflag:$0xF], $0x40, s30, s31, $0xb8;
	[tilespmem:$0x1DE00] =	vst v63  }
0xe3: {  	_ =	swait.ge [sflag:s26], $0x80  }
0xe4: {  	[sflag:s26] =	ssyncset.done $0x0  }
0xe5: {  	[sflag:s26] =	ssyncadd.s32 $0xFFFFFF80  }
0xe6: {  	_ =	swait.ge [sflag:s26], $0x80  }
0xe7: {  	p3 =	seq.s32 s0, $0x960;
	[sflag:s26] =	ssyncset.done $0x0  }
0xe8: {  	s24 =	simm.s32 $0x8600;
	s15 =	simm.s32 @!p3 $0xD;
	[sflag:s26] =	ssyncadd.s32 $0xFFFFFF80  }
0xe9: {  	[tilespmem:s24], [sflag:$0xB] =	stream.indirect.gather [hbm4b:s29+s31], $0x40, s19, s31, $0xb8;
	[tilespmem:$0x1DE00] =	vst v63  }
0xea: {  	_ =	swait.ge @!p3 [sflag:s15], $0x2000  }
0xeb: {  	s18 =	sadd.s32 @!p3 s0, s4;
	[sflag:s15] =	ssyncset.done @!p3 $0x0  }
0xec: {  	s19 =	simm.s32 @!p3 $0x0;
	[sflag:s15] =	ssyncadd.s32 @!p3 $0xFFFFE000;
	s15 =	sadd.s32 @!p3 $0x60, s18  }
0xed: {  	[tilespmem:s19], [sflag:$0x1] =	stream.linear.gather @!p3 [hbm4b:s15+s19], $0x80, $0x38;
	[tilespmem:$0x1DE00] =	vst v63  }
0xee: {  	s15 =	sadd.s32 @!p3 s0, s10  }
0xef: {  	s25 =	simm.s32 @!p3 $0x300;
	s24 =	sadd.s32 @!p3 $0x60, s15  }
0xf0: {  	[tilespmem:s25], [sflag:$0x1] =	stream.linear.gather @!p3 [hbm4b:s24+s19], $0x80, $0x38;
	[tilespmem:$0x1DE00] =	vst v63  }
0xf1: {  	s25 =	simm.s32 $0xA  }
0xf2: {  	_ =	swait.ge [sflag:s25], $0x2000  }
0xf3: {  	[sflag:s25] =	ssyncset.done $0x0  }
0xf4: {  	[sflag:s25] =	ssyncadd.s32 $0xFFFFE000  }
0xf5: {  	[spmem:s3] =	stream.indirect.scatter.add.f32 [tilespmem:s22], [sflag:$0x10], $0x40, s16, s31, $0xb8;
	[tilespmem:$0x1DE00] =	vst v63  }
0xf6: {  	_ =	swait.ge [sflag:s20], $0x80  }
0xf7: {  	[sflag:s20] =	ssyncset.done $0x0  }
0xf8: {  	[sflag:s20] =	ssyncadd.s32 $0xFFFFFF80  }
0xf9: {  	_ =	swait.ge [sflag:s20], $0x80  }
0xfa: {  	[sflag:s20] =	ssyncset.done $0x0  }
0xfb: {  	s24 =	simm.s32 @p3 $0xB;
	s22 =	simm.s32 $0xA600;
	[sflag:s20] =	ssyncadd.s32 $0xFFFFFF80  }
0xfc: {  	[tilespmem:s22], [sflag:$0xC] =	stream.indirect.gather [hbm4b:s29+s31], $0x40, s28, s31, $0xb8;
	[tilespmem:$0x1DE00] =	vst v63  }
0xfd: {  	_ =	swait.ge @p3 [sflag:s24], $0x2000  }
0xfe: {  	s25 =	simm.s32 @p3 $0x500;
	[sflag:s24] =	ssyncset.done @p3 $0x0  }
0xff: {  	s29 =	simm.s32 @p3 $0x8600;
	[sflag:s24] =	ssyncadd.s32 @p3 $0xFFFFE000;
	s24 =	simm.s32 @p3 $0x80  }
0x100: {  	[spmem:s3] =	stream.indirect.scatter.add.f32 @p3 [tilespmem:s29], [sflag:$0x11], $0x40, s25, s24, $0xb8;
	[tilespmem:$0x1DE00] =	vst v63  }
0x101: {  	s24 =	simm.s32 @!p3 $0xE  }
0x102: {  	_ =	swait.ge @!p3 [sflag:s24], $0x2000  }
0x103: {  	[sflag:s24] =	ssyncset.done @!p3 $0x0  }
0x104: {  	s25 =	simm.s32 @!p3 $0x80;
	[sflag:s24] =	ssyncadd.s32 @!p3 $0xFFFFE000;
	s24 =	sadd.s32 @!p3 $0x70, s18  }
0x105: {  	[tilespmem:s25], [sflag:$0x2] =	stream.linear.gather @!p3 [hbm4b:s24+s19], $0x80, $0x38;
	[tilespmem:$0x1DE00] =	vst v63  }
0x106: {  	s29 =	simm.s32 @!p3 $0x380;
	s24 =	sadd.s32 @!p3 $0x70, s15  }
0x107: {  	[tilespmem:s29], [sflag:$0x2] =	stream.linear.gather @!p3 [hbm4b:s24+s19], $0x80, $0x38;
	[tilespmem:$0x1DE00] =	vst v63  }
0x108: {  	s24 =	simm.s32 @!p3 $0xB  }
0x109: {  	_ =	swait.ge @!p3 [sflag:s24], $0x2000  }
0x10a: {  	[sflag:s24] =	ssyncset.done @!p3 $0x0  }
0x10b: {  	s29 =	simm.s32 @!p3 $0x8600;
	[sflag:s24] =	ssyncadd.s32 @!p3 $0xFFFFE000;
	s24 =	simm.s32 @!p3 $0x500  }
0x10c: {  	[spmem:s3] =	stream.indirect.scatter.add.f32 @!p3 [tilespmem:s29], [sflag:$0x11], $0x40, s24, s25, $0xb8;
	[tilespmem:$0x1DE00] =	vst v63  }
0x10d: {  	s24 =	simm.s32 @!p3 $0x1  }
0x10e: {  	s29 =	rddreg [dreg:$0x0];
	_ =	swait.ge @!p3 [sflag:s24], $0x80  }
0x10f: {  	[sflag:s24] =	ssyncset.done @!p3 $0x0  }
0x110: {  	[sflag:s24] =	ssyncadd.s32 @!p3 $0xFFFFFF80  }
0x111: {  	_ =	swait.ge @!p3 [sflag:s24], $0x80  }
0x112: {  	[sflag:s24] =	ssyncset.done @!p3 $0x0  }
0x113: {  	[sflag:s24] =	ssyncadd.s32 @!p3 $0xFFFFFF80;
	s24 =	simm.s32 @!p3 $0x600  }
0x114: {  	[tilespmem:s24], [sflag:$0x7] =	stream.indirect.gather @!p3 [hbm4b:s29+s25], $0x40, s19, s25, $0xb8;
	[tilespmem:$0x1DE00] =	vst v63  }
0x115: {  	s24 =	simm.s32 @!p3 $0xF  }
0x116: {  	_ =	swait.ge @!p3 [sflag:s24], $0x2000  }
0x117: {  	[sflag:s24] =	ssyncset.done @!p3 $0x0  }
0x118: {  	s18 =	sadd.s32 @!p3 $0x80, s18;
	[sflag:s24] =	ssyncadd.s32 @!p3 $0xFFFFE000;
	s24 =	simm.s32 @!p3 $0x100  }
0x119: {  	[tilespmem:s24], [sflag:$0x3] =	stream.linear.gather @!p3 [hbm4b:s18+s19], $0x80, $0x38;
	[tilespmem:$0x1DE00] =	vst v63  }
0x11a: {  	s15 =	sadd.s32 @!p3 $0x80, s15;
	s18 =	simm.s32 @!p3 $0x400  }
0x11b: {  	[tilespmem:s18], [sflag:$0x3] =	stream.linear.gather @!p3 [hbm4b:s15+s19], $0x80, $0x38;
	[tilespmem:$0x1DE00] =	vst v63  }
.Ltmp6:
0x11c: {  	s28 =	simm.s32 $0xC;
	(pc) =	sbr.rel @p3 .LBB2_11-.Ltmp6, $4  }
0x11d: {  	_ =	swait.ge [sflag:s28], $0x2000  }
0x11e: {  	[sflag:s28] =	ssyncset.done $0x0  }
0x11f: {  	s21 =	simm.s32 $0x2600;
	s1 =	simm.s32 $0x180;
	[sflag:s28] =	ssyncadd.s32 $0xFFFFE000  }
0x120: {  	[spmem:s3] =	stream.indirect.scatter.add.f32 [tilespmem:s22], [sflag:$0x12], $0x40, s12, s31, $0xb8;
	[tilespmem:$0x1DE00] =	vst v63  }
0x121: {  	_ =	swait.ge [sflag:s14], $0x80  }
0x122: {  	[sflag:s14] =	ssyncset.done $0x0  }
0x123: {  	[sflag:s14] =	ssyncadd.s32 $0xFFFFFF80  }
0x124: {  	_ =	swait.ge [sflag:s14], $0x80  }
0x125: {  	[sflag:s14] =	ssyncset.done $0x0  }
0x126: {  	[sflag:s14] =	ssyncadd.s32 $0xFFFFFF80  }
0x127: {  	[tilespmem:s21], [sflag:$0x8] =	stream.indirect.gather [hbm4b:s29+s31], $0x40, s31, s31, $0xb8;
	[tilespmem:$0x1DE00] =	vst v63  }
0x128: {  	_ =	swait.ge [sflag:s13], $0x2000  }
.Ltmp7:
0x129: {  	[sflag:s13] =	ssyncset.done $0x0;
	(pc) =	sbr.rel .LBB2_9-.Ltmp7, $4  }
0x12a: {  	s2 =	sadd.s32 $0x90, s2;
	s28 =	sadd.s32 $0x90, s8;
	[sflag:s13] =	ssyncadd.s32 $0xFFFFE000  }
0x12b: {  	[tilespmem:s1], [sflag:$0x4] =	stream.linear.gather [hbm4b:s2+s5], $0x80, $0x38;
	[tilespmem:$0x1DE00] =	vst v63  }
0x12c: {  	s0 =	sadd.s32 $0x60, s0;
	s25 =	simm.s32 $0x180;
	s18 =	simm.s32 $0x2600  }
0x12d: {  	[tilespmem:s16], [sflag:$0x4] =	stream.linear.gather [hbm4b:s28+s5], $0x80, $0x38;
	[tilespmem:$0x1DE00] =	vst v63  }
.LBB2_12:
0x12e: {  	[dreg:$0x17] =	wrdreg s9;
	s0 =	simm.s32 $0x0;
	s1 =	simm.s32 $0x600  }
0x12f: {  	[tilespmem:s1], [sflag:$0x7] =	stream.indirect.gather [hbm4b:s6+s31], $0x40, s0, s31, $0xb8;
	[tilespmem:$0x1DE00] =	vst v63  }
0x130: {  	_ =	swait.ge [sflag:s14], $0x80  }
0x131: {  	[sflag:s14] =	ssyncset.done $0x0  }
0x132: {  	[sflag:s14] =	ssyncadd.s32 $0xFFFFFF80  }
0x133: {  	_ =	swait.ge [sflag:s14], $0x80  }
0x134: {  	[sflag:s14] =	ssyncset.done $0x0  }
0x135: {  	s7 =	simm.s32 $0x2600;
	s16 =	simm.s32 $0x480;
	[sflag:s14] =	ssyncadd.s32 $0xFFFFFF80  }
0x136: {  	[tilespmem:s7], [sflag:$0x8] =	stream.indirect.gather [hbm4b:s6+s31], $0x40, s31, s31, $0xb8;
	[tilespmem:$0x1DE00] =	vst v63  }
.LBB2_13:
0x137: {  	s1 =	simm.s32 $0x7  }
0x138: {  	_ =	swait.ge [sflag:s1], $0x2000  }
0x139: {  	[sflag:s1] =	ssyncset.done $0x0  }
0x13a: {  	s2 =	simm.s32 $0x300;
	s24 =	simm.s32 $0x600;
	[sflag:s1] =	ssyncadd.s32 $0xFFFFE000  }
0x13b: {  	[spmem:s3] =	stream.indirect.scatter.add.f32 [tilespmem:s24], [sflag:$0xD], $0x40, s2, s31, $0xb8;
	[tilespmem:$0x1DE00] =	vst v63  }
0x13c: {  	s4 =	simm.s32 $0xC600;
	s9 =	rddreg [dreg:$0x3]  }
0x13d: {  	[spmem:s9] =	stream.indirect.scatter.add.f32 [tilespmem:s4], [sflag:$0xD], $0x10, s2, s31, $0xb8;
	[tilespmem:$0x1DE00] =	vst v63  }
0x13e: {  	_ =	swait.ge [sflag:s17], $0x80  }
0x13f: {  	[sflag:s17] =	ssyncset.done $0x0  }
0x140: {  	[sflag:s17] =	ssyncadd.s32 $0xFFFFFF80  }
0x141: {  	_ =	swait.ge [sflag:s17], $0x80  }
0x142: {  	s28 =	simm.s32 $0x100;
	p3 =	seq.s32 s0, $0x0;
	[sflag:s17] =	ssyncset.done $0x0  }
0x143: {  	s8 =	simm.s32 @!p3 $0x11;
	s1 =	simm.s32 $0x4600;
	[sflag:s17] =	ssyncadd.s32 $0xFFFFFF80  }
0x144: {  	[tilespmem:s1], [sflag:$0x9] =	stream.indirect.gather [hbm4b:s6+s31], $0x40, s28, s31, $0xb8;
	[tilespmem:$0x1DE00] =	vst v63  }
0x145: {  	_ =	swait.ge @!p3 [sflag:s8], $0x2000  }
0x146: {  	[sflag:s8] =	ssyncset.done @!p3 $0x0  }
0x147: {  	[sflag:s8] =	ssyncadd.s32 @!p3 $0xFFFFE000  }
0x148: {  	_ =	swait.ge @!p3 [sflag:s8], $0x800  }
0x149: {  	s24 =	rddreg [dreg:$0x16]  }
0x14a: {  	s18 =	simm.s32 $0x200;
	[sflag:s8] =	ssyncset.done @!p3 $0x0;
	s2 =	sadd.s32 s0, s24  }
0x14b: {  	[sflag:s8] =	ssyncadd.s32 @!p3 $0xFFFFF800;
	s8 =	sadd.s32 s0, s10;
	s29 =	sadd.s32 $0x40, s2  }
0x14c: {  	[tilespmem:s18], [sflag:$0x5] =	stream.linear.gather [hbm4b:s29+s5], $0x80, $0x38;
	[tilespmem:$0x1DE00] =	vst v63  }
0x14d: {  	s19 =	simm.s32 $0x500;
	s12 =	simm.s32 $0x8;
	s15 =	sadd.s32 $0x40, s8  }
0x14e: {  	[tilespmem:s19], [sflag:$0x5] =	stream.linear.gather [hbm4b:s15+s5], $0x80, $0x38;
	[tilespmem:$0x1DE00] =	vst v63  }
0x14f: {  	_ =	swait.ge [sflag:s12], $0x2000  }
0x150: {  	[sflag:s12] =	ssyncset.done $0x0  }
0x151: {  	s19 =	simm.s32 $0x380;
	[sflag:s12] =	ssyncadd.s32 $0xFFFFE000  }
0x152: {  	[spmem:s3] =	stream.indirect.scatter.add.f32 [tilespmem:s7], [sflag:$0xE], $0x40, s19, s31, $0xb8;
	[tilespmem:$0x1DE00] =	vst v63  }
0x153: {  	_ = 	snop  }
0x154: {  	[spmem:s9] =	stream.indirect.scatter.add.f32 [tilespmem:s4], [sflag:$0xE], $0x10, s19, s31, $0xb8;
	[tilespmem:$0x1DE00] =	vst v63  }
0x155: {  	_ =	swait.ge [sflag:s23], $0x80  }
0x156: {  	[sflag:s23] =	ssyncset.done $0x0  }
0x157: {  	[sflag:s23] =	ssyncadd.s32 $0xFFFFFF80  }
0x158: {  	_ =	swait.ge [sflag:s23], $0x80  }
0x159: {  	[sflag:s23] =	ssyncset.done $0x0  }
0x15a: {  	s22 =	simm.s32 $0x6600;
	s15 =	simm.s32 @!p3 $0x12;
	[sflag:s23] =	ssyncadd.s32 $0xFFFFFF80  }
0x15b: {  	[tilespmem:s22], [sflag:$0xA] =	stream.indirect.gather [hbm4b:s6+s31], $0x40, s25, s31, $0xb8;
	[tilespmem:$0x1DE00] =	vst v63  }
0x15c: {  	_ =	swait.ge @!p3 [sflag:s15], $0x2000  }
0x15d: {  	[sflag:s15] =	ssyncset.done @!p3 $0x0  }
0x15e: {  	[sflag:s15] =	ssyncadd.s32 @!p3 $0xFFFFE000  }
0x15f: {  	_ =	swait.ge @!p3 [sflag:s15], $0x800  }
0x160: {  	[sflag:s15] =	ssyncset.done @!p3 $0x0  }
0x161: {  	s28 =	simm.s32 $0x280;
	s21 =	sadd.s32 $0x50, s2;
	[sflag:s15] =	ssyncadd.s32 @!p3 $0xFFFFF800  }
0x162: {  	[tilespmem:s28], [sflag:$0x6] =	stream.linear.gather [hbm4b:s21+s5], $0x80, $0x38;
	[tilespmem:$0x1DE00] =	vst v63  }
0x163: {  	s29 =	simm.s32 $0x9;
	s12 =	simm.s32 $0x580;
	s25 =	sadd.s32 $0x50, s8  }
0x164: {  	[tilespmem:s12], [sflag:$0x6] =	stream.linear.gather [hbm4b:s25+s5], $0x80, $0x38;
	[tilespmem:$0x1DE00] =	vst v63  }
0x165: {  	_ =	swait.ge [sflag:s29], $0x2000  }
0x166: {  	[sflag:s29] =	ssyncset.done $0x0  }
0x167: {  	s19 =	simm.s32 $0x400;
	[sflag:s29] =	ssyncadd.s32 $0xFFFFE000  }
0x168: {  	[spmem:s3] =	stream.indirect.scatter.add.f32 [tilespmem:s1], [sflag:$0xF], $0x40, s19, s31, $0xb8;
	[tilespmem:$0x1DE00] =	vst v63  }
0x169: {  	_ = 	snop  }
0x16a: {  	[spmem:s9] =	stream.indirect.scatter.add.f32 [tilespmem:s4], [sflag:$0xF], $0x10, s19, s31, $0xb8;
	[tilespmem:$0x1DE00] =	vst v63  }
0x16b: {  	_ =	swait.ge [sflag:s26], $0x80  }
0x16c: {  	[sflag:s26] =	ssyncset.done $0x0  }
0x16d: {  	[sflag:s26] =	ssyncadd.s32 $0xFFFFFF80  }
0x16e: {  	_ =	swait.ge [sflag:s26], $0x80  }
0x16f: {  	p3 =	seq.s32 s0, $0x960;
	[sflag:s26] =	ssyncset.done $0x0  }
0x170: {  	s21 =	simm.s32 $0x8600;
	s15 =	simm.s32 @!p3 $0xD;
	[sflag:s26] =	ssyncadd.s32 $0xFFFFFF80  }
0x171: {  	[tilespmem:s21], [sflag:$0xB] =	stream.indirect.gather [hbm4b:s6+s31], $0x40, s18, s31, $0xb8;
	[tilespmem:$0x1DE00] =	vst v63  }
0x172: {  	_ =	swait.ge @!p3 [sflag:s15], $0x2000  }
0x173: {  	[sflag:s15] =	ssyncset.done @!p3 $0x0  }
0x174: {  	[sflag:s15] =	ssyncadd.s32 @!p3 $0xFFFFE000  }
0x175: {  	_ =	swait.ge @!p3 [sflag:s15], $0x800  }
0x176: {  	s18 =	sadd.s32 @!p3 s0, s24;
	[sflag:s15] =	ssyncset.done @!p3 $0x0  }
0x177: {  	s19 =	sadd.s32 @!p3 $0x60, s18;
	[sflag:s15] =	ssyncadd.s32 @!p3 $0xFFFFF800;
	s15 =	simm.s32 @!p3 $0x0  }
0x178: {  	[tilespmem:s15], [sflag:$0x1] =	stream.linear.gather @!p3 [hbm4b:s19+s15], $0x80, $0x38;
	[tilespmem:$0x1DE00] =	vst v63  }
0x179: {  	s19 =	sadd.s32 @!p3 s0, s10  }
0x17a: {  	s25 =	simm.s32 @!p3 $0x300;
	s24 =	sadd.s32 @!p3 $0x60, s19  }
0x17b: {  	[tilespmem:s25], [sflag:$0x1] =	stream.linear.gather @!p3 [hbm4b:s24+s15], $0x80, $0x38;
	[tilespmem:$0x1DE00] =	vst v63  }
0x17c: {  	s25 =	simm.s32 $0xA  }
0x17d: {  	_ =	swait.ge [sflag:s25], $0x2000  }
0x17e: {  	[sflag:s25] =	ssyncset.done $0x0  }
0x17f: {  	[sflag:s25] =	ssyncadd.s32 $0xFFFFE000  }
0x180: {  	[spmem:s3] =	stream.indirect.scatter.add.f32 [tilespmem:s22], [sflag:$0x10], $0x40, s16, s31, $0xb8;
	[tilespmem:$0x1DE00] =	vst v63  }
0x181: {  	_ = 	snop  }
0x182: {  	[spmem:s9] =	stream.indirect.scatter.add.f32 [tilespmem:s4], [sflag:$0x10], $0x10, s16, s31, $0xb8;
	[tilespmem:$0x1DE00] =	vst v63  }
0x183: {  	_ =	swait.ge [sflag:s20], $0x80  }
0x184: {  	[sflag:s20] =	ssyncset.done $0x0  }
0x185: {  	[sflag:s20] =	ssyncadd.s32 $0xFFFFFF80  }
0x186: {  	_ =	swait.ge [sflag:s20], $0x80  }
0x187: {  	[sflag:s20] =	ssyncset.done $0x0  }
0x188: {  	s24 =	simm.s32 @p3 $0xB;
	s22 =	simm.s32 $0xA600;
	[sflag:s20] =	ssyncadd.s32 $0xFFFFFF80  }
0x189: {  	[tilespmem:s22], [sflag:$0xC] =	stream.indirect.gather [hbm4b:s6+s31], $0x40, s28, s31, $0xb8;
	[tilespmem:$0x1DE00] =	vst v63  }
0x18a: {  	_ =	swait.ge @p3 [sflag:s24], $0x2000  }
0x18b: {  	s29 =	simm.s32 @p3 $0x8600;
	[sflag:s24] =	ssyncset.done @p3 $0x0  }
0x18c: {  	s25 =	simm.s32 @p3 $0x500;
	[sflag:s24] =	ssyncadd.s32 @p3 $0xFFFFE000;
	s24 =	simm.s32 @p3 $0x80  }
0x18d: {  	[spmem:s3] =	stream.indirect.scatter.add.f32 @p3 [tilespmem:s29], [sflag:$0x11], $0x40, s25, s24, $0xb8;
	[tilespmem:$0x1DE00] =	vst v63  }
0x18e: {  	s29 =	simm.s32 @p3 $0xC600  }
0x18f: {  	[spmem:s9] =	stream.indirect.scatter.add.f32 @p3 [tilespmem:s29], [sflag:$0x11], $0x10, s25, s24, $0xb8;
	[tilespmem:$0x1DE00] =	vst v63  }
0x190: {  	s24 =	simm.s32 @!p3 $0xE  }
0x191: {  	_ =	swait.ge @!p3 [sflag:s24], $0x2000  }
0x192: {  	[sflag:s24] =	ssyncset.done @!p3 $0x0  }
0x193: {  	[sflag:s24] =	ssyncadd.s32 @!p3 $0xFFFFE000  }
0x194: {  	_ =	swait.ge @!p3 [sflag:s24], $0x800  }
0x195: {  	[sflag:s24] =	ssyncset.done @!p3 $0x0  }
0x196: {  	s25 =	simm.s32 @!p3 $0x80;
	[sflag:s24] =	ssyncadd.s32 @!p3 $0xFFFFF800;
	s24 =	sadd.s32 @!p3 $0x70, s18  }
0x197: {  	[tilespmem:s25], [sflag:$0x2] =	stream.linear.gather @!p3 [hbm4b:s24+s15], $0x80, $0x38;
	[tilespmem:$0x1DE00] =	vst v63  }
0x198: {  	s29 =	simm.s32 @!p3 $0x380;
	s24 =	sadd.s32 @!p3 $0x70, s19  }
0x199: {  	[tilespmem:s29], [sflag:$0x2] =	stream.linear.gather @!p3 [hbm4b:s24+s15], $0x80, $0x38;
	[tilespmem:$0x1DE00] =	vst v63  }
0x19a: {  	s24 =	simm.s32 @!p3 $0xB  }
0x19b: {  	_ =	swait.ge @!p3 [sflag:s24], $0x2000  }
0x19c: {  	[sflag:s24] =	ssyncset.done @!p3 $0x0  }
0x19d: {  	s29 =	simm.s32 @!p3 $0x8600;
	[sflag:s24] =	ssyncadd.s32 @!p3 $0xFFFFE000;
	s24 =	simm.s32 @!p3 $0x500  }
0x19e: {  	[spmem:s3] =	stream.indirect.scatter.add.f32 @!p3 [tilespmem:s29], [sflag:$0x11], $0x40, s24, s25, $0xb8;
	[tilespmem:$0x1DE00] =	vst v63  }
0x19f: {  	s29 =	simm.s32 @!p3 $0xC600  }
0x1a0: {  	[spmem:s9] =	stream.indirect.scatter.add.f32 @!p3 [tilespmem:s29], [sflag:$0x11], $0x10, s24, s25, $0xb8;
	[tilespmem:$0x1DE00] =	vst v63  }
0x1a1: {  	s24 =	simm.s32 @!p3 $0x1  }
0x1a2: {  	_ =	swait.ge @!p3 [sflag:s24], $0x80  }
0x1a3: {  	[sflag:s24] =	ssyncset.done @!p3 $0x0  }
0x1a4: {  	[sflag:s24] =	ssyncadd.s32 @!p3 $0xFFFFFF80  }
0x1a5: {  	_ =	swait.ge @!p3 [sflag:s24], $0x80  }
0x1a6: {  	[sflag:s24] =	ssyncset.done @!p3 $0x0  }
0x1a7: {  	[sflag:s24] =	ssyncadd.s32 @!p3 $0xFFFFFF80;
	s24 =	simm.s32 @!p3 $0x600  }
0x1a8: {  	[tilespmem:s24], [sflag:$0x7] =	stream.indirect.gather @!p3 [hbm4b:s6+s25], $0x40, s15, s25, $0xb8;
	[tilespmem:$0x1DE00] =	vst v63  }
0x1a9: {  	s24 =	simm.s32 @!p3 $0xF  }
0x1aa: {  	_ =	swait.ge @!p3 [sflag:s24], $0x2000  }
0x1ab: {  	[sflag:s24] =	ssyncset.done @!p3 $0x0  }
0x1ac: {  	[sflag:s24] =	ssyncadd.s32 @!p3 $0xFFFFE000  }
0x1ad: {  	_ =	swait.ge @!p3 [sflag:s24], $0x800  }
0x1ae: {  	[sflag:s24] =	ssyncset.done @!p3 $0x0  }
0x1af: {  	s18 =	sadd.s32 @!p3 $0x80, s18;
	[sflag:s24] =	ssyncadd.s32 @!p3 $0xFFFFF800;
	s24 =	simm.s32 @!p3 $0x100  }
0x1b0: {  	[tilespmem:s24], [sflag:$0x3] =	stream.linear.gather @!p3 [hbm4b:s18+s15], $0x80, $0x38;
	[tilespmem:$0x1DE00] =	vst v63  }
0x1b1: {  	s29 =	simm.s32 $0xC;
	s18 =	sadd.s32 @!p3 $0x80, s19;
	s19 =	simm.s32 @!p3 $0x400  }
0x1b2: {  	[tilespmem:s19], [sflag:$0x3] =	stream.linear.gather @!p3 [hbm4b:s18+s15], $0x80, $0x38;
	[tilespmem:$0x1DE00] =	vst v63  }
0x1b3: {  	_ =	swait.ge [sflag:s29], $0x2000  }
.Ltmp8:
0x1b4: {  	s11 =	simm.s32 $0x300;
	[sflag:s29] =	ssyncset.done $0x0;
	(pc) =	sbr.rel @p3 .LBB2_15-.Ltmp8, $4  }
0x1b5: {  	s30 =	simm.s32 $0x400;
	s7 =	simm.s32 $0x380;
	[sflag:s29] =	ssyncadd.s32 $0xFFFFE000  }
0x1b6: {  	[spmem:s3] =	stream.indirect.scatter.add.f32 [tilespmem:s22], [sflag:$0x12], $0x40, s12, s31, $0xb8;
	[tilespmem:$0x1DE00] =	vst v63  }
0x1b7: {  	s1 =	simm.s32 $0x180;
	s21 =	simm.s32 $0x2600;
	s16 =	simm.s32 $0x480  }
0x1b8: {  	[spmem:s9] =	stream.indirect.scatter.add.f32 [tilespmem:s4], [sflag:$0x12], $0x10, s12, s31, $0xb8;
	[tilespmem:$0x1DE00] =	vst v63  }
0x1b9: {  	_ =	swait.ge [sflag:s14], $0x80  }
0x1ba: {  	[sflag:s14] =	ssyncset.done $0x0  }
0x1bb: {  	[sflag:s14] =	ssyncadd.s32 $0xFFFFFF80  }
0x1bc: {  	_ =	swait.ge [sflag:s14], $0x80  }
0x1bd: {  	[sflag:s14] =	ssyncset.done $0x0  }
0x1be: {  	[sflag:s14] =	ssyncadd.s32 $0xFFFFFF80  }
0x1bf: {  	[tilespmem:s21], [sflag:$0x8] =	stream.indirect.gather [hbm4b:s6+s31], $0x40, s31, s31, $0xb8;
	[tilespmem:$0x1DE00] =	vst v63  }
0x1c0: {  	_ =	swait.ge [sflag:s13], $0x2000  }
0x1c1: {  	[sflag:s13] =	ssyncset.done $0x0  }
0x1c2: {  	[sflag:s13] =	ssyncadd.s32 $0xFFFFE000  }
0x1c3: {  	_ =	swait.ge [sflag:s13], $0x800  }
0x1c4: {  	[sflag:s13] =	ssyncset.done $0x0  }
.Ltmp9:
0x1c5: {  	s2 =	sadd.s32 $0x90, s2;
	[sflag:s13] =	ssyncadd.s32 $0xFFFFF800;
	(pc) =	sbr.rel .LBB2_13-.Ltmp9, $4  }
0x1c6: {  	[tilespmem:s1], [sflag:$0x4] =	stream.linear.gather [hbm4b:s2+s5], $0x80, $0x38;
	[tilespmem:$0x1DE00] =	vst v63  }
0x1c7: {  	s30 =	sadd.s32 $0x90, s8;
	s0 =	sadd.s32 $0x60, s0  }
0x1c8: {  	[tilespmem:s16], [sflag:$0x4] =	stream.linear.gather [hbm4b:s30+s5], $0x80, $0x38;
	[tilespmem:$0x1DE00] =	vst v63  }
0x1c9: {  	s25 =	simm.s32 $0x180;
	s7 =	simm.s32 $0x2600;
	s16 =	simm.s32 $0x480  }
.LBB2_11:
0x1ca: {  	s0 =	simm.s32 $0xD  }
0x1cb: {  	_ =	swait.ge [sflag:s0], $0x2000  }
0x1cc: {  	[sflag:s0] =	ssyncset.done $0x0  }
0x1cd: {  	s22 =	simm.s32 $0xE;
	[sflag:s0] =	ssyncadd.s32 $0xFFFFE000  }
0x1ce: {  	_ =	swait.ge [sflag:s22], $0x2000  }
0x1cf: {  	[sflag:s22] =	ssyncset.done $0x0  }
0x1d0: {  	s24 =	simm.s32 $0xF;
	[sflag:s22] =	ssyncadd.s32 $0xFFFFE000  }
0x1d1: {  	_ =	swait.ge [sflag:s24], $0x2000  }
0x1d2: {  	[sflag:s24] =	ssyncset.done $0x0  }
0x1d3: {  	[sflag:s24] =	ssyncadd.s32 $0xFFFFE000  }
0x1d4: {  	_ =	swait.ge [sflag:s13], $0x2000  }
0x1d5: {  	[sflag:s13] =	ssyncset.done $0x0  }
0x1d6: {  	s25 =	simm.s32 $0x11;
	[sflag:s13] =	ssyncadd.s32 $0xFFFFE000  }
0x1d7: {  	_ =	swait.ge [sflag:s25], $0x2000  }
0x1d8: {  	[sflag:s25] =	ssyncset.done $0x0  }
0x1d9: {  	s28 =	simm.s32 $0x12;
	[sflag:s25] =	ssyncadd.s32 $0xFFFFE000  }
0x1da: {  	_ =	swait.ge [sflag:s28], $0x2000  }
0x1db: {  	[sflag:s28] =	ssyncset.done $0x0  }
0x1dc: {  	s0 =	simm.s32 @!p2 $0x0;
	s2 =	rddreg [dreg:$0xd];
	[sflag:s28] =	ssyncadd.s32 $0xFFFFE000  }
0x1dd: {  	[tilespmem:s0], [sflag:$0x13] =	stream.linear.gather @!p2 [hbm4b:s2+s0], $0x80, $0x38;
	[tilespmem:$0x1DE00] =	vst v63  }
0x1de: {  	s2 =	simm.s32 @!p2 $0x13  }
0x1df: {  	_ =	swait.ge @!p2 [sflag:s2], $0x80  }
0x1e0: {  	[sflag:s2] =	ssyncset.done @!p2 $0x0  }
0x1e1: {  	s8 =	simm.s32 @!p2 $0x300;
	s15 =	rddreg [dreg:$0xe];
	[sflag:s2] =	ssyncadd.s32 @!p2 $0xFFFFFF80  }
0x1e2: {  	[tilespmem:s8], [sflag:$0x13] =	stream.linear.gather @!p2 [hbm4b:s15+s0], $0x80, $0x38;
	[tilespmem:$0x1DE00] =	vst v63  }
0x1e3: {  	_ =	swait.ge @!p2 [sflag:s2], $0x80  }
0x1e4: {  	[sflag:s2] =	ssyncset.done @!p2 $0x0  }
0x1e5: {  	s18 =	simm.s32 @!p2 $0x600;
	s15 =	simm.s32 @!p2 $0x80;
	[sflag:s2] =	ssyncadd.s32 @!p2 $0xFFFFFF80  }
0x1e6: {  	[tilespmem:s18], [sflag:$0x7] =	stream.indirect.gather @!p2 [hbm4b:s29+s15], $0x40, s0, s15, $0xb8;
	[tilespmem:$0x1DE00] =	vst v63  }
0x1e7: {  	s0 =	simm.s32 @!p2 $0x7  }
0x1e8: {  	_ =	swait.ge @!p2 [sflag:s0], $0x2000  }
0x1e9: {  	[sflag:s0] =	ssyncset.done @!p2 $0x0  }
.Ltmp10:
0x1ea: {  	[sflag:s0] =	ssyncadd.s32 @!p2 $0xFFFFE000;
	(pc) =	sbr.rel .LBB2_16-.Ltmp10, $4  }
0x1eb: {  	[spmem:s3] =	stream.indirect.scatter.add.f32 @!p2 [tilespmem:s18], [sflag:$0x13], $0x40, s8, s15, $0xb8;
	[tilespmem:$0x1DE00] =	vst v63  }
0x1ec: {  	_ =	swait.ge @!p2 [sflag:s2], $0x2000  }
0x1ed: {  	s1 =	simm.s32 $0x480;
	[sflag:s2] =	ssyncset.done @!p2 $0x0;
	s19 =	rddreg [dreg:$0x5]  }
0x1ee: {  	s25 =	simm.s32 $0x180;
	s24 =	rddreg [dreg:$0x12];
	[sflag:s2] =	ssyncadd.s32 @!p2 $0xFFFFE000  }
.LBB2_17:
0x1ef: {  	_ =	sfence.sel $0x180000  }
0x1f0: {  	[bflag:$0x0] =	sbarrier.arrive $0xFFFF  }
0x1f1: {  	_ =	strace $0x90000047  }
0x1f2: {  	s0 =	stileid.u32;
	[bflag:$0x2] =	sbarrier.arrive $0xFFFF  }
0x1f3: {  	p0 =	sne.s32 s0, $0x0;
	s0 =	rddreg [dreg:$0x4]  }
0x1f4: {  	s0 =	sadd.s32 @!p0 $0x100000, s0  }
0x1f5: {  	[sflag:s0] =	ssyncadd.tile.s32 @!p0 $0x1;
	_ =	shalt  }
.Lfunc_end2:
_tile_overlayer_lowered:
.L_overlay_start_2:
0x1f6: {  	(tag) =	ssettag $0x2  }
0x1f7: {  	s0 =	rddreg [dreg:$0x0];
	s2 =	stileid.u32  }
0x1f8: {  	s1 =	rddreg [dreg:$0x1];
	p0 =	sne.s32 s2, $0x0  }
0x1f9: {  	s3 =	rddreg [dreg:$0x2];
	[bflag:$0x3] =	sbarrier.arrive $0xFFFF;
	s2 =	simm.s32 @!p0 $0x1C13  }
0x1fa: {  	[timem:s3], [sflag:s2] =	dma.local @!p0 [hbm:s0], s1  }
0x1fb: {  	s0 =	simm.s32 @!p0 $0x13  }
0x1fc: {  	_ =	swait.ge @!p0 [sflag:s0], s1  }
0x1fd: {  	s1 =	ssub.s32 @!p0 $0x0, s1;
	[sflag:s0] =	ssyncset.done @!p0 $0x0  }
0x1fe: {  	[sflag:s0] =	ssyncadd.s32 @!p0 s1  }
0x1ff: {  	[bflag:$0x3] =	sbarrier.arrive $0xFFFF  }
0x200: {  	_ =	shalt  }

// kernel: kernel.9.cloned.1.call-start
scs
__scs_entry_jumppad:
0x0: {  	(pc) =	sbr.rel $0x88, $3  }
0x1: {  	(tag) =	ssettag $0x0;
	lr =	simm.s32 $0x1  }
0x2: {  	[smem:$0x3F9A] =	sst lr;
	_ =	strace $0xD0000000  }
0x3: {  	_ = 	snop  }
0x4: {  	_ = 	snop  }
0x5: {  	_ = 	snop  }
0x6: {  	_ = 	snop  }
0x7: {  	_ = 	snop  }
__scs_overlays_trampoline_lowered:
0x8: {  	[smem:$0x3FA9] =	sst s0  }
0x9: {  	[smem:$0x3FAA] =	sst s1  }
0xa: {  	[smem:$0x3FAB] =	sst s2  }
0xb: {  	[smem:$0x3FAC] =	sst s3  }
0xc: {  	[smem:$0x3FAD] =	sst s4  }
0xd: {  	[smem:$0x3FAE] =	sst s5  }
0xe: {  	[smem:$0x3FAF] =	sst s6  }
0xf: {  	[smem:$0x3FB0] =	sst s7  }
0x10: {  	[smem:$0x3FB1] =	sst s8  }
0x11: {  	[smem:$0x3FB2] =	sst s9;
	s0 =	simm.s32 @!p0 $0x0  }
0x12: {  	s1 =	sld [smem:$0x3F98];
	s0 =	simm.s32 @p0 $0x1  }
0x13: {  	[smem:$0x3FB3] =	sst s0;
	s0 =	simm.s32 @!p1 $0x0  }
0x14: {  	s2 =	sld [smem:$0x3F97];
	s0 =	simm.s32 @p1 $0x1  }
0x15: {  	[smem:$0x3FB4] =	sst s0;
	s0 =	simm.s32 @!p2 $0x0  }
0x16: {  	s3 =	sld [smem:$0x3FDB];
	s0 =	simm.s32 @p2 $0x1  }
0x17: {  	s4 =	simm.s32 $0x1BF5;
	[smem:$0x3FB6] =	sst s0  }
0x18: {  	s0 =	sld [smem:$0x3F99];
	_ =	swait.ge [sflag:s4], $0x0  }
0x19: {  	s7 =	sld [smem:$0x3F9A]  }
0x1a: {  	s8 =	sadd.s32 $0xFFFFE003, lr  }
0x1b: {  	s9 =	sadd.s32 $0xFFFFFEF7, lr;
	s5 =	simm.s32 $0xFFFFFFFF;
	p2 =	slt.u32 s8, $0xFFFFF086  }
0x1c: {  	p1 =	slt.u32 s9, $0xF7A;
	s5 =	simm.s32 @!p2 $0x0  }
0x1d: {  	s5 =	simm.s32 @p1 $0x1;
	p0 =	seq.s32 s7, s2  }
0x1e: {  	s7 =	smul.u32 @!p0 $0xF7A, s2;
	p2 =	seq.s32 @!p0 s5, $0x0  }
0x1f: {  	s9 =	smul.u32 $0xF7A, s1;
	s8 =	simm.s32 @!p0 $0x1BF5;
	p2 =	por !p2, p0  }
0x20: {  	[sflag:s8] =	ssyncset.s32 @!p0 $0xFFFFF086;
	s6 =	sadd.s32 @!p0 s3, s7;
	s7 =	simm.s32 @!p0 $0x108  }
0x21: {  	s3 =	sadd.s32 s3, s9;
	s6 =	sadd.s32 @!p0 $0x88, s6;
	s7 =	simm.s32 @p2 $0x1082  }
0x22: {  	[simem:s7], [sflag:s8] =	dma.local @!p0 [hbm:s6], $0xF7A  }
0x23: {  	s9 =	sor.u32 $0xD0000000, s2;
	s6 =	simm.s32 $0x108;
	_ =	swait.ge @!p0 [sflag:s8], $0x0  }
0x24: {  	s3 =	sadd.s32 $0x88, s3;
	s6 =	simm.s32 @!p1 $0x1082;
	[sflag:s4] =	ssyncset.s32 $0xFFFFF086  }
0x25: {  	[simem:s6], [sflag:s4] =	dma.local [hbm:s3], $0xF7A  }
0x26: {  	[smem:$0x3F9A] =	sst s1;
	(tag) =	ssettag s2;
	_ =	strace s9  }
0x27: {  	s1 =	sld [smem:$0x3FAA]  }
0x28: {  	s2 =	sld [smem:$0x3FAB]  }
0x29: {  	s4 =	sld [smem:$0x3FAD]  }
0x2a: {  	p0 =	seq.s32 s5, $0x0;
	s5 =	sld [smem:$0x3FAE]  }
0x2b: {  	s6 =	sld [smem:$0x3FAF]  }
0x2c: {  	s7 =	sld [smem:$0x3FB0]  }
0x2d: {  	s3 =	simm.s32 $0x108;
	s8 =	sld [smem:$0x3FB1]  }
0x2e: {  	s3 =	simm.s32 @!p0 $0x1082;
	s9 =	sld [smem:$0x3FB2]  }
0x2f: {  	lr =	sadd.s32 s0, s3;
	s0 =	sld [smem:$0x3FA9]  }
0x30: {  	s3 =	sld [smem:$0x3FAC]  }
0x31: {  	[smem:$0x3FB5] =	sst s10  }
0x32: {  	s10 =	sld [smem:$0x3FB3];
	_ =	sdelay $0x3  }
0x33: {  	p0 =	seq.s32 s10, $0x1;
	s10 =	sld [smem:$0x3FB5];
	_ =	sdelay $0x3  }
0x34: {  	[smem:$0x3FB5] =	sst s10  }
0x35: {  	s10 =	sld [smem:$0x3FB4];
	_ =	sdelay $0x3  }
0x36: {  	p1 =	seq.s32 s10, $0x1;
	s10 =	sld [smem:$0x3FB5];
	_ =	sdelay $0x3  }
0x37: {  	[smem:$0x3FB5] =	sst s10  }
0x38: {  	s10 =	sld [smem:$0x3FB6]  }
0x39: {  	_ = 	snop;
	(pc) =	sbr.ind lr, $3  }
0x3a: {  	_ = 	snop  }
0x3b: {  	_ = 	snop  }
0x3c: {  	p2 =	seq.s32 s10, $0x1;
	s10 =	sld [smem:$0x3FB5]  }
0x3d: {  	_ =	shalt  }
0x3e: {  	_ =	shalt  }
0x3f: {  	_ =	shalt  }
0x40: {  	_ =	shalt  }
0x41: {  	_ =	shalt  }
0x42: {  	_ =	shalt  }
0x43: {  	_ =	shalt  }
0x44: {  	_ =	shalt  }
0x45: {  	_ =	shalt  }
0x46: {  	_ =	shalt  }
0x47: {  	_ =	shalt  }
0x48: {  	_ =	shalt  }
0x49: {  	_ =	shalt  }
0x4a: {  	_ =	shalt  }
0x4b: {  	_ =	shalt  }
0x4c: {  	_ =	shalt  }
0x4d: {  	_ =	shalt  }
0x4e: {  	_ =	shalt  }
0x4f: {  	_ =	shalt  }
0x50: {  	_ =	shalt  }
0x51: {  	_ =	shalt  }
0x52: {  	_ =	shalt  }
0x53: {  	_ =	shalt  }
0x54: {  	_ =	shalt  }
0x55: {  	_ =	shalt  }
0x56: {  	_ =	shalt  }
0x57: {  	_ =	shalt  }
0x58: {  	_ =	shalt  }
0x59: {  	_ =	shalt  }
0x5a: {  	_ =	shalt  }
0x5b: {  	_ =	shalt  }
0x5c: {  	_ =	shalt  }
0x5d: {  	_ =	shalt  }
0x5e: {  	_ =	shalt  }
0x5f: {  	_ =	shalt  }
0x60: {  	_ =	shalt  }
0x61: {  	_ =	shalt  }
0x62: {  	_ =	shalt  }
0x63: {  	_ =	shalt  }
0x64: {  	_ =	shalt  }
0x65: {  	_ =	shalt  }
0x66: {  	_ =	shalt  }
0x67: {  	_ =	shalt  }
0x68: {  	_ =	shalt  }
0x69: {  	_ =	shalt  }
0x6a: {  	_ =	shalt  }
0x6b: {  	_ =	shalt  }
0x6c: {  	_ =	shalt  }
0x6d: {  	_ =	shalt  }
0x6e: {  	_ =	shalt  }
0x6f: {  	_ =	shalt  }
0x70: {  	_ =	shalt  }
0x71: {  	_ =	shalt  }
0x72: {  	_ =	shalt  }
0x73: {  	_ =	shalt  }
0x74: {  	_ =	shalt  }
0x75: {  	_ =	shalt  }
0x76: {  	_ =	shalt  }
0x77: {  	_ =	shalt  }
0x78: {  	_ =	shalt  }
0x79: {  	_ =	shalt  }
0x7a: {  	_ =	shalt  }
0x7b: {  	_ =	shalt  }
0x7c: {  	_ =	shalt  }
0x7d: {  	_ =	shalt  }
0x7e: {  	_ =	shalt  }
0x7f: {  	_ =	shalt  }
0x80: {  	_ =	shalt  }
0x81: {  	_ =	shalt  }
0x82: {  	_ =	shalt  }
0x83: {  	_ =	shalt  }
0x84: {  	_ =	shalt  }
0x85: {  	_ =	shalt  }
0x86: {  	_ =	shalt  }
0x87: {  	_ =	shalt  }
.Lfunc_end0:
.L_simem_size_0:
called_computation.1_lowered:
.L_overlay_start_0:
0x88: {  	s2 =	sld [smem:$0x3FD9]  }
0x89: {  	s3 =	sld [smem:$0x3FFE];
	_ =	sdelay $0x1  }
0x8a: {  	s1 =	srdreg.scid  }
0x8b: {  	s0 =	sand.u32 $0x1, s1  }
0x8c: {  	s15 =	sshll.u32 s0, $0xA;
	s2 =	sadd.s32 s3, s2  }
0x8d: {  	s2 =	sadd.s32 s2, s15  }
0x8e: {  	[smem:$0x3FC1] =	sst s2  }
0x8f: {  	_ = 	snop  }
0x90: {  	s2 =	sld [smem:$0x3FD0];
	_ =	sdelay $0x2  }
0x91: {  	s16 =	simm.s32 $0xB;
	s4 =	simm.s32 $0x10  }
0x92: {  	[smem:s4], [sflag:s16] =	dma.local [hbm:s2], $0x1  }
0x93: {  	_ =	swait.eq [sflag:s16], $0x1  }
0x94: {  	[sflag:s16] =	ssyncset.done $0x0  }
0x95: {  	[sflag:s16] =	ssyncadd.s32 $0xFFFFFFFF  }
0x96: {  	s17 =	sld [smem:$0x11];
	(tm) =	ssettm $0x1  }
0x97: {  	s18 =	sld [smem:$0x3FFB];
	_ =	sdelay $0x3  }
0x98: {  	_ =	strace s18  }
0x99: {  	s2 =	sld [smem:$0x3FFC];
	_ =	sdelay $0x3  }
0x9a: {  	_ =	strace s2  }
0x9b: {  	s2 =	sld [smem:$0x3FFD];
	_ =	sdelay $0x3  }
0x9c: {  	_ =	strace s2  }
0x9d: {  	_ =	strace $0x8FFFFFFF  }
0x9e: {  	s19 =	sld [smem:$0x3FDB];
	_ =	sdelay $0x1  }
0x9f: {  	s20 =	simm.s32 $_scs_section_size  }
0xa0: {  	s5 =	simm.s32 $_size__tile_overlayer_lowered;
	s6 =	simm.s32 $_tile_overlayer_lowered  }
0xa1: {  	s7 =	simm.s32 $0x1BFF;
	s21 =	sshll.u32 s6, $0x1;
	s4 =	sadd.s32 s20, s19  }
0xa2: {  	s22 =	simm.s32 $0x0;
	s5 =	sshll.u32 s5, $0x1;
	s6 =	sadd.s32 s21, s4  }
0xa3: {  	[timem:s22], [sflag:s7] =	dma.local [hbm:s6], s5  }
0xa4: {  	_ =	swait.ge [sflag:s7], s5  }
0xa5: {  	s5 =	ssub.s32 $0x0, s5;
	[sflag:s7] =	ssyncset.done $0x0  }
0xa6: {  	[sflag:s7] =	ssyncadd.s32 s5;
	_ =	sdelay $0x1  }
0xa7: {  	s23 =	simm.s32 $0x1B8B  }
0xa8: {  	_ =	swait.ge [sflag:s23], $0x1  }
0xa9: {  	[sflag:s23] =	ssyncset.done $0x0  }
0xaa: {  	[sflag:s23] =	ssyncadd.s32 $0xFFFFFFFF  }
0xab: {  	s5 =	sld [smem:$0x0]  }
0xac: {  	s6 =	sand.u32 $0xFFFFFFFE, s1  }
0xad: {  	p0 =	sne.s32 s1, s6  }
0xae: {  	s6 =	sshll.u32 @p0 s6, $0xE  }
0xaf: {  	s6 =	sadd.s32 @p0 $0x11B8D, s6;
	s7 =	sshll.u32 @p0 s5, $0x11  }
0xb0: {  	s6 =	sor.u32 @p0 s7, s6  }
0xb1: {  	[sflag:s6] =	ssyncadd.remote.s32 @p0 $0x1;
	_ =	sdelay $0x1  }
0xb2: {  	s6 =	simm.s32 @p0 $0x1B8D  }
0xb3: {  	_ =	swait.eq @p0 [sflag:s6], $0x1  }
0xb4: {  	[sflag:s6] =	ssyncadd.s32 @p0 $0xFFFFFFFF  }
0xb5: {  	s7 =	sshll.u32 @!p0 s1, $0xE  }
0xb6: {  	s7 =	sor.u32 @!p0 $0x4000, s7;
	s6 =	simm.s32 @!p0 $0x1B8D  }
0xb7: {  	s5 =	sshll.u32 @!p0 s5, $0x11;
	s7 =	sadd.s32 @!p0 $0x11B8D, s7;
	_ =	swait.eq @!p0 [sflag:s6], $0x1  }
0xb8: {  	s5 =	sor.u32 @!p0 s5, s7;
	[sflag:s6] =	ssyncadd.s32 @!p0 $0xFFFFFFFF  }
0xb9: {  	s25 =	simm.s32 $0x1B8E;
	s24 =	sld [smem:$0x3FFE];
	[sflag:s5] =	ssyncadd.remote.s32 @!p0 $0x1  }
0xba: {  	s26 =	simm.s32 $execute0_lowered;
	[smem:$0x3FD2] =	sst s25  }
0xbb: {  	s6 =	sshll.u32 s26, $0x1;
	_ =	strace $0x80000049;
	[dreg:$0x1] =	wrdreg $0xFFFFFFFF  }
0xbc: {  	s28 =	simm.s32 $_size_execute0_lowered;
	s4 =	sadd.s32 s4, s6;
	[dreg:$0x0] =	wrdreg $0x0  }
0xbd: {  	s6 =	sshll.u32 s28, $0x1;
	[dreg:$0x2] =	wrdreg s4  }
0xbe: {  	[dreg:$0x3] =	wrdreg s6  }
0xbf: {  	[dreg:$0x4] =	wrdreg $0xC0  }
0xc0: {  	_ =	task [dreg:s22], $0x5FFFF  }
0xc1: {  	[dreg:$0x1] =	wrdreg $0xFFFFFFFF  }
0xc2: {  	[dreg:$0x0] =	wrdreg $0x60  }
0xc3: {  	[dreg:$0x2] =	wrdreg s17  }
0xc4: {  	[dreg:$0x3] =	wrdreg s24  }
0xc5: {  	[dreg:$0x4] =	wrdreg $0x41800  }
0xc6: {  	[dreg:$0x5] =	wrdreg $0xA  }
0xc7: {  	_ =	task.clear_ibuf [dreg:s22], $0x6FFFF;
	_ =	strace $0x90000049  }
0xc8: {  	s29 =	simm.s32 $0xA;
	_ =	strace $0x8000004B  }
0xc9: {  	_ =	swait.ge [sflag:s29], $0x1  }
0xca: {  	[sflag:s29] =	ssyncadd.s32 $0xFFFFFFFF  }
0xcb: {  	_ =	strace $0x9000004B  }
0xcc: {  	_ =	sfence  }
0xcd: {  	s30 =	sld [smem:$0x0];
	_ =	sdelay $0x2  }
0xce: {  	s31 =	sshll.u32 s1, $0xD;
	s1 =	sshrl.u32 s1, $0x2  }
0xcf: {  	s4 =	sand.u32 $0x4000, s31;
	s1 =	sadd.s32 s1, s30  }
0xd0: {  	s0 =	sor.u32 s4, s0;
	s1 =	sshll.u32 s1, $0x11  }
0xd1: {  	s0 =	sor.u32 s1, s0  }
0xd2: {  	s0 =	sadd.s32 $0x8F2B, s0  }
0xd3: {  	[sflag:s0] =	ssyncadd.remote.s32 $0x1  }
0xd4: {  	_ =	sfence.sel $0xFFFF  }
0xd5: {  	[dreg:$0x0] =	wrdreg $0xFFFFFFFF;
	(pc) =	sbr.abs _section_cstart, $3  }
0xd6: {  	[dreg:$0x1] =	wrdreg $0xFFFFFFFF  }
0xd7: {  	_ =	task.clear_ibuf [dreg:s22], $0x2FFFF;
	_ =	strace $0x9FFFFFFF  }
0xd8: {  	(tm) =	ssettm $0x7FFFFFFF  }
0xd9: {  	_ =	shalt  }
tec
execute0_lowered:
.L_overlay_start_1:
0x0: {  	(tag) =	ssettag $0x1  }
0x1: {  	s0 =	rddreg [dreg:$0x0]  }
0x2: {  	s1 =	rddreg [dreg:$0x1]  }
0x3: {  	s2 =	rddreg [dreg:$0x2]  }
0x4: {  	s4 =	srdreg.scid;
	s12 =	stileid.u32  }
0x5: {  	s3 =	simm.s32 $0x0;
	s28 =	simm.s32 $0x2;
	s29 =	simm.s32 $0x3  }
0x6: {  	s30 =	simm.s32 $0x4;
	s31 =	simm.s32 $0x5;
	s13 =	smul.u32 $0x2800, s12  }
0x7: {  	s5 =	sand.u32 $0x1, s4;
	[smem:$0x7FF] =	sst s3;
	s21 =	smul.u32 $0x4E, s12  }
0x8: {  	s15 =	sadd.s32 $0x17200, s1;
	s20 =	sshll.u32 s12, $0x7;
	s6 =	smul.u32 $0x28000, s5  }
0x9: {  	s7 =	sshll.u32 s5, $0x4;
	_ =	strace $0x8000004A;
	s9 =	ssub.s32 $0x2, s5  }
0xa: {  	s22 =	sor.u32 $0x4E000, s20;
	s5 =	smul.u32 $0x4E0, s5;
	s14 =	sor.u32 s12, s7  }
0xb: {  	s20 =	simm.s32 $0x7;
	s16 =	sshrl.u32 s9, $0x1;
	s8 =	smul.u32 $0x4E0, s14  }
0xc: {  	s4 =	sadd.s32 s13, s2;
	s24 =	sshrl.u32 s22, $0x3;
	s10 =	smul.u32 $0x2700, s14  }
0xd: {  	s6 =	sadd.s32 s13, s6;
	s11 =	smul.u32 $0x4E00, s14;
	s5 =	sadd.s32 s21, s5  }
0xe: {  	s21 =	simm.s32 $0x180;
	p0 =	sgt.u32 s14, $0x3;
	s6 =	sshrl.u32 s6, $0x3  }
0xf: {  	s25 =	sshll.u32 s5, $0x8;
	s5 =	sshll.u32 s5, $0x4;
	s1 =	sadd.s32 s6, s1  }
0x10: {  	s6 =	ssub.s32 s9, s16;
	s17 =	sor.u32 $0x80, s10;
	s8 =	sadd.s32 s15, s8  }
0x11: {  	s18 =	sadd.s32 s0, s11;
	s10 =	sshll.u32 s22, $0x1;
	[dreg:$0x4] =	wrdreg s8  }
0x12: {  	s26 =	sadd.s32 s5, s15;
	s22 =	simm.s32 $0x80;
	[dreg:$0x5] =	wrdreg s18  }
0x13: {  	s19 =	sshrl.u32 s17, $0x3;
	s9 =	sshll.u32 s17, $0x1;
	s10 =	sadd.s32 s0, s10  }
0x14: {  	s11 =	sadd.s32 $0x57E00, s1;
	s12 =	smax.u32 s6, $0x1;
	s7 =	sadd.s32 $0x40, s26  }
0x15: {  	s6 =	sadd.s32 $0x30, s26;
	s5 =	sadd.s32 $0x20, s26;
	s26 =	simm.s32 $0x1180  }
.Ltmp0:
0x16: {  	s1 =	simm.s32 $0x0;
	s8 =	sadd.s32 s15, s19;
	(pc) =	sbr.rel .LBB2_1-.Ltmp0, $4  }
0x17: {  	s23 =	sadd.s32 s0, s9;
	s9 =	sadd.s32 s15, s24;
	s0 =	sadd.s32 s25, s0  }
0x18: {  	s24 =	simm.s32 $0x1;
	s25 =	simm.s32 $0x100;
	[dreg:$0x6] =	wrdreg s8  }
0x19: {  	[dreg:$0x7] =	wrdreg s23;
	s13 =	sadd.s32 $0x400, s0;
	s15 =	sadd.s32 $0x300, s0  }
0x1a: {  	v0 =	vimm.f32 $0.0e+00;
	s17 =	sadd.s32 $0x200, s0;
	s23 =	simm.s32 $0x980;
	s0 =	simm.s32 $0x6  }
.LBB2_6:
0x1b: {  	_ =	swait.ge [sflag:s29], $0x80  }
0x1c: {  	[sflag:s29] =	ssyncset.done $0x0  }
0x1d: {  	[sflag:s29] =	ssyncadd.s32 $0xFFFFFF80  }
0x1e: {  	_ =	swait.ge [sflag:s29], $0x800  }
0x1f: {  	[sflag:s29] =	ssyncset.done $0x0  }
0x20: {  	[sflag:s29] =	ssyncadd.s32 $0xFFFFF800  }
0x21: {  	[spmem:s2] =	stream.indirect.scatter.add.f32 [tilespmem:s26], [sflag:$0x6], $0x10, s25, s22, $0xb8;
	[tilespmem:$0x6980] =	vst v63  }
0x22: {  	_ =	swait.ge [sflag:s30], $0x800  }
0x23: {  	[sflag:s30] =	ssyncset.done $0x0  }
0x24: {  	[sflag:s30] =	ssyncadd.s32 $0xFFFFF800  }
0x25: {  	_ =	swait.ge [sflag:s31], $0x800  }
0x26: {  	[sflag:s31] =	ssyncset.done $0x0  }
0x27: {  	[sflag:s31] =	ssyncadd.s32 $0xFFFFF800  }
0x28: {  	_ =	swait.ge [sflag:s0], $0x800  }
0x29: {  	[sflag:s0] =	ssyncset.done $0x0  }
0x2a: {  	s8 =	simm.s32 @!p0 $0x0;
	s14 =	simm.s32 @!p0 $0x7;
	[sflag:s0] =	ssyncadd.s32 $0xFFFFF800  }
0x2b: {  	[tilespmem:s8], [sflag:$0x7] =	stream.linear.gather @!p0 [hbm4b:s9+s8], $0x80, $0x38;
	[tilespmem:$0x6980] =	vst v63  }
0x2c: {  	_ =	swait.ge @!p0 [sflag:s14], $0x80  }
0x2d: {  	[sflag:s14] =	ssyncset.done @!p0 $0x0  }
0x2e: {  	s16 =	simm.s32 @!p0 $0x180;
	[sflag:s14] =	ssyncadd.s32 @!p0 $0xFFFFFF80  }
0x2f: {  	[tilespmem:s16], [sflag:$0x7] =	stream.linear.gather @!p0 [hbm4b:s10+s8], $0x800, $0x38;
	[tilespmem:$0x6980] =	vst v63  }
0x30: {  	_ =	swait.ge @!p0 [sflag:s14], $0x800  }
0x31: {  	[sflag:s14] =	ssyncset.done @!p0 $0x0  }
0x32: {  	s18 =	simm.s32 @!p0 $0x80;
	[sflag:s14] =	ssyncadd.s32 @!p0 $0xFFFFF800  }
0x33: {  	[spmem:s2] =	stream.indirect.scatter.add.f32 @!p0 [tilespmem:s16], [sflag:$0x7], $0x10, s8, s18, $0xb8;
	[tilespmem:$0x6980] =	vst v63  }
0x34: {  	s19 =	sshrl.u32 s4, $0x3;
	_ =	swait.ge @!p0 [sflag:s14], $0x800  }
0x35: {  	s1 =	sadd.s32 $0x1, s1;
	s18 =	stileid.u32;
	[sflag:s14] =	ssyncset.done @!p0 $0x0  }
0x36: {  	p1 =	sne.s32 s1, s12;
	s8 =	sshll.u32 s18, $0x6;
	[sflag:s14] =	ssyncadd.s32 @!p0 $0xFFFFF800  }
.Ltmp1:
0x37: {  	s8 =	sor.u32 $0x1C07, s8;
	[bflag:$0x0] =	sbarrier.arrive $0xFFFF;
	(pc) =	sbr.rel @!p1 .LBB2_7-.Ltmp1, $4  }
0x38: {  	[hbm:s11], [sflag:s8] =	dma.local [spmem:s19], $0x500  }
0x39: {  	_ =	swait.ge [sflag:s20], $0x500  }
0x3a: {  	[sflag:s20] =	ssyncset.done $0x0  }
0x3b: {  	[sflag:s20] =	ssyncadd.s32 $0xFFFFFB00  }
.LBB2_1:
0x3c: {  	s14 =	simm.s32 $0x40;
	s16 =	simm.s32 $0x0  }
.LBB2_2:
0x3d: {  	p1 =	sne.s32 s14, $0x9FC0;
	[tilespmem:s16+$0x1980] =	vst v0;
	s16 =	smov.u32 s14;
	s14 =	sadd.s32 $0x40, s14  }
.Ltmp2:
0x3e: {  	(pc) =	sbr.rel @p1 .LBB2_2-.Ltmp2, $2  }
0x3f: {  	_ =	sdelay $0x2  }
0x40: {  	s16 =	sshra.s32 s16, $0x2  }
0x41: {  	[tilespmem:s16+$0x1980] =	vst v0;
	s8 =	simm.s32 $0x1980  }
0x42: {  	[spmem:s4] =	stream.linear.scatter [tilespmem:s8], [sflag:$0x7], $0x2800, $0x38;
	[tilespmem:$0x6980] =	vst v63  }
0x43: {  	_ =	swait.ge [sflag:s20], $0x2800  }
0x44: {  	[sflag:s20] =	ssyncset.done $0x0  }
0x45: {  	[sflag:s20] =	ssyncadd.s32 $0xFFFFD800  }
0x46: {  	[bflag:$0x0] =	sbarrier.arrive $0xFFFF  }
0x47: {  	s19 =	simm.s32 $0x0;
	s18 =	rddreg [dreg:$0x4]  }
0x48: {  	[tilespmem:s19], [sflag:$0x1] =	stream.linear.gather [hbm4b:s18+s19], $0x80, $0x38;
	[tilespmem:$0x6980] =	vst v63  }
0x49: {  	s14 =	rddreg [dreg:$0x5]  }
0x4a: {  	[tilespmem:s21], [sflag:$0x1] =	stream.linear.gather [hbm4b:s14+s19], $0x800, $0x38;
	[tilespmem:$0x6980] =	vst v63  }
0x4b: {  	s16 =	rddreg [dreg:$0x6]  }
0x4c: {  	[tilespmem:s22], [sflag:$0x2] =	stream.linear.gather [hbm4b:s16+s19], $0x80, $0x38;
	[tilespmem:$0x6980] =	vst v63  }
0x4d: {  	s18 =	rddreg [dreg:$0x7]  }
0x4e: {  	[tilespmem:s23], [sflag:$0x2] =	stream.linear.gather [hbm4b:s18+s19], $0x800, $0x38;
	[tilespmem:$0x6980] =	vst v63  }
0x4f: {  	s14 =	smov.u32 s7;
	s16 =	smov.u32 s6;
	s18 =	smov.u32 s5  }
.LBB2_4:
0x50: {  	_ =	swait.ge [sflag:s24], $0x80  }
0x51: {  	[sflag:s24] =	ssyncset.done $0x0  }
0x52: {  	[sflag:s24] =	ssyncadd.s32 $0xFFFFFF80  }
0x53: {  	_ =	swait.ge [sflag:s24], $0x800  }
0x54: {  	p1 =	seq.s32 s19, $0x0;
	[sflag:s24] =	ssyncset.done $0x0  }
0x55: {  	s8 =	simm.s32 @!p1 $0x6;
	[sflag:s24] =	ssyncadd.s32 $0xFFFFF800  }
0x56: {  	[spmem:s2] =	stream.indirect.scatter.add.f32 [tilespmem:s21], [sflag:$0x4], $0x10, s3, s22, $0xb8;
	[tilespmem:$0x6980] =	vst v63  }
0x57: {  	_ =	swait.ge @!p1 [sflag:s8], $0x800  }
0x58: {  	[sflag:s8] =	ssyncset.done @!p1 $0x0  }
0x59: {  	[sflag:s8] =	ssyncadd.s32 @!p1 $0xFFFFF800  }
0x5a: {  	[tilespmem:s25], [sflag:$0x3] =	stream.linear.gather [hbm4b:s18+s3], $0x80, $0x38;
	[tilespmem:$0x6980] =	vst v63  }
0x5b: {  	s8 =	sadd.s32 s19, s17  }
0x5c: {  	[tilespmem:s26], [sflag:$0x3] =	stream.linear.gather [hbm4b:s8+s3], $0x800, $0x38;
	[tilespmem:$0x6980] =	vst v63  }
0x5d: {  	_ =	swait.ge [sflag:s28], $0x80  }
0x5e: {  	p1 =	seq.s32 s19, $0x4B00;
	[sflag:s28] =	ssyncset.done $0x0  }
.Ltmp3:
0x5f: {  	[sflag:s28] =	ssyncadd.s32 $0xFFFFFF80;
	(pc) =	sbr.rel @p1 .LBB2_6-.Ltmp3, $4  }
0x60: {  	_ =	swait.ge [sflag:s28], $0x800  }
0x61: {  	[sflag:s28] =	ssyncset.done $0x0  }
0x62: {  	[sflag:s28] =	ssyncadd.s32 $0xFFFFF800  }
0x63: {  	[spmem:s2] =	stream.indirect.scatter.add.f32 [tilespmem:s23], [sflag:$0x5], $0x10, s22, s22, $0xb8;
	[tilespmem:$0x6980] =	vst v63  }
0x64: {  	_ =	swait.ge [sflag:s30], $0x800  }
0x65: {  	[sflag:s30] =	ssyncset.done $0x0  }
0x66: {  	[sflag:s30] =	ssyncadd.s32 $0xFFFFF800  }
0x67: {  	[tilespmem:s3], [sflag:$0x1] =	stream.linear.gather [hbm4b:s16+s3], $0x80, $0x38;
	[tilespmem:$0x6980] =	vst v63  }
0x68: {  	s8 =	sadd.s32 s19, s15  }
0x69: {  	[tilespmem:s21], [sflag:$0x1] =	stream.linear.gather [hbm4b:s8+s3], $0x800, $0x38;
	[tilespmem:$0x6980] =	vst v63  }
0x6a: {  	_ =	swait.ge [sflag:s29], $0x80  }
0x6b: {  	[sflag:s29] =	ssyncset.done $0x0  }
0x6c: {  	[sflag:s29] =	ssyncadd.s32 $0xFFFFFF80  }
0x6d: {  	_ =	swait.ge [sflag:s29], $0x800  }
0x6e: {  	[sflag:s29] =	ssyncset.done $0x0  }
0x6f: {  	[sflag:s29] =	ssyncadd.s32 $0xFFFFF800  }
0x70: {  	[spmem:s2] =	stream.indirect.scatter.add.f32 [tilespmem:s26], [sflag:$0x6], $0x10, s25, s22, $0xb8;
	[tilespmem:$0x6980] =	vst v63  }
0x71: {  	_ =	swait.ge [sflag:s31], $0x800  }
.Ltmp4:
0x72: {  	[sflag:s31] =	ssyncset.done $0x0;
	(pc) =	sbr.rel .LBB2_4-.Ltmp4, $4  }
0x73: {  	s18 =	sadd.s32 $0x30, s18;
	s16 =	sadd.s32 $0x30, s16;
	[sflag:s31] =	ssyncadd.s32 $0xFFFFF800  }
0x74: {  	[tilespmem:s22], [sflag:$0x2] =	stream.linear.gather [hbm4b:s14+s3], $0x80, $0x38;
	[tilespmem:$0x6980] =	vst v63  }
0x75: {  	s8 =	sadd.s32 s19, s13;
	s19 =	sadd.s32 $0x300, s19;
	s14 =	sadd.s32 $0x30, s14  }
0x76: {  	[tilespmem:s23], [sflag:$0x2] =	stream.linear.gather [hbm4b:s8+s3], $0x800, $0x38;
	[tilespmem:$0x6980] =	vst v63  }
.LBB2_7:
0x77: {  	_ =	sfence.sel $0x180000  }
0x78: {  	[bflag:$0x0] =	sbarrier.arrive $0xFFFF  }
0x79: {  	_ =	strace $0x9000004A  }
0x7a: {  	s0 =	stileid.u32;
	[bflag:$0x2] =	sbarrier.arrive $0xFFFF  }
0x7b: {  	p0 =	sne.s32 s0, $0x0;
	s0 =	rddreg [dreg:$0x3]  }
0x7c: {  	s0 =	sadd.s32 @!p0 $0x100000, s0  }
0x7d: {  	[sflag:s0] =	ssyncadd.tile.s32 @!p0 $0x1;
	_ =	shalt  }
.Lfunc_end2:
_tile_overlayer_lowered:
.L_overlay_start_2:
0x7e: {  	(tag) =	ssettag $0x2  }
0x7f: {  	s0 =	rddreg [dreg:$0x0];
	s2 =	stileid.u32  }
0x80: {  	s1 =	rddreg [dreg:$0x1];
	p0 =	sne.s32 s2, $0x0  }
0x81: {  	s3 =	rddreg [dreg:$0x2];
	[bflag:$0x3] =	sbarrier.arrive $0xFFFF;
	s2 =	simm.s32 @!p0 $0x1C07  }
0x82: {  	[timem:s3], [sflag:s2] =	dma.local @!p0 [hbm:s0], s1  }
0x83: {  	s0 =	simm.s32 @!p0 $0x7  }
0x84: {  	_ =	swait.ge @!p0 [sflag:s0], s1  }
0x85: {  	s1 =	ssub.s32 @!p0 $0x0, s1;
	[sflag:s0] =	ssyncset.done @!p0 $0x0  }
0x86: {  	[sflag:s0] =	ssyncadd.s32 @!p0 s1  }
0x87: {  	[bflag:$0x3] =	sbarrier.arrive $0xFFFF  }
0x88: {  	_ =	shalt  }

</sc_bundles>
